<compile_context>
chip_gen: v7x
topology: tpu7x:2x2x1
jax: 0.10.2.dev20260603
libtpu: 0.0.44.dev20260713+nightly
codegen_flags: <defaults>
</compile_context>

<pallas_src>
import functools
import jax
import jax.numpy as jnp
from jax import lax
from jax.experimental import pallas as pl
from jax.experimental.pallas import tpu as pltpu
from jax.experimental.pallas import tpu_sc as plsc

_OUT = 7
_BINS = _OUT * _OUT
_TPB = 16
_NTAP = _BINS * _TPB
_CHUNK_BINS = 7
_CHUNK_ROWS = _CHUNK_BINS * _TPB
_C = 256
_W32 = _C // 2
_NPAD = 1024
_NROI = 1000
_RPT = 32
_NCHUNKS = _RPT * (_BINS // _CHUNK_BINS)
_LVL_OFF = (0, 2 * 128 * 128, 2 * 128 * 128 + 2 * 64 * 64,
            2 * 128 * 128 + 2 * 64 * 64 + 2 * 32 * 32)
_T1 = float((56.0 * (2.0 - 1e-6)) ** 2)
_T2 = float((56.0 * (4.0 - 1e-6)) ** 2)
_T3 = float((56.0 * (8.0 - 1e-6)) ** 2)

_GATHER_DNUMS = lax.GatherDimensionNumbers(
    offset_dims=(), collapsed_slice_dims=(0,), start_index_map=(0,))


def _dg(v, idx):
    return lax.gather(v, idx[:, None], dimension_numbers=_GATHER_DNUMS,
                      slice_sizes=(1,), mode=lax.GatherScatterMode.PROMISE_IN_BOUNDS)


def _splat_i32(x):
    return jnp.full((16,), x, jnp.int32)


def _sc_body(bidx_h, x1_h, y1_h, x2_h, y2_h, table_h, out_h,
             bidx_v, x1_v, y1_v, x2_v, y2_v,
             idx_b, w_b, g_ring, o_buf, gsem, out_sem):
    wid = lax.axis_index("s") * 2 + lax.axis_index("c")
    tbase = wid * _RPT

    pltpu.sync_copy(bidx_h.at[pl.ds(tbase, _RPT)], bidx_v)
    pltpu.sync_copy(x1_h.at[pl.ds(tbase, _RPT)], x1_v)
    pltpu.sync_copy(y1_h.at[pl.ds(tbase, _RPT)], y1_v)
    pltpu.sync_copy(x2_h.at[pl.ds(tbase, _RPT)], x2_v)
    pltpu.sync_copy(y2_h.at[pl.ds(tbase, _RPT)], y2_v)

    iota = lax.iota(jnp.int32, 16)
    fiota = iota.astype(jnp.float32)
    dy_l = lax.shift_right_logical(iota, 3) & 1
    dx_l = lax.shift_right_logical(iota, 2) & 1
    cy_l = lax.shift_right_logical(iota, 1) & 1
    cx_l = iota & 1
    cy_f = cy_l.astype(jnp.float32)
    cx_f = cx_l.astype(jnp.float32)
    sample_off = (fiota + 0.5) * 0.5
    one = jnp.full((16,), 1, jnp.int32)
    zero = jnp.full((16,), 0, jnp.int32)

    for grp in range(_RPT // 16):
        sl = pl.ds(grp * 16, 16)
        bi = bidx_v[sl].astype(jnp.int32)
        x1 = x1_v[sl]
        y1 = y1_v[sl]
        x2 = x2_v[sl]
        y2 = y2_v[sl]
        a2 = (x2 - x1 + 1.0) * (y2 - y1 + 1.0)
        lvl = (jnp.where(a2 >= _T1, one, zero) + jnp.where(a2 >= _T2, one, zero)
               + jnp.where(a2 >= _T3, one, zero))
        hsz = lax.shift_right_logical(jnp.full((16,), 128, jnp.int32), lvl)
        hw = lax.shift_right_logical(jnp.full((16,), 128 * 128, jnp.int32), 2 * lvl)
        off = jnp.where(lvl == 0, jnp.full((16,), _LVL_OFF[0], jnp.int32),
              jnp.where(lvl == 1, jnp.full((16,), _LVL_OFF[1], jnp.int32),
              jnp.where(lvl == 2, jnp.full((16,), _LVL_OFF[2], jnp.int32),
                        jnp.full((16,), _LVL_OFF[3], jnp.int32))))
        scale = jnp.where(lvl == 0, jnp.full((16,), 0.25, jnp.float32),
                jnp.where(lvl == 1, jnp.full((16,), 0.125, jnp.float32),
                jnp.where(lvl == 2, jnp.full((16,), 0.0625, jnp.float32),
                          jnp.full((16,), 0.03125, jnp.float32))))
        x1s_g = x1 * scale
        y1s_g = y1 * scale
        bw_g = jnp.maximum(x2 * scale - x1s_g, 1.0) / 7.0
        bh_g = jnp.maximum(y2 * scale - y1s_g, 1.0) / 7.0
        base_g = off + bi * hw
        hm1_g = hsz - 1
        hf_g = hsz.astype(jnp.float32)

        def roi_body(r, _, base_g=base_g, hm1_g=hm1_g, hf_g=hf_g, hsz_g=hsz,
                     x1s_g=x1s_g, y1s_g=y1s_g, bw_g=bw_g, bh_g=bh_g, grp=grp):
            rr = _splat_i32(r)
            base_v = _dg(base_g, rr)
            w_v = _dg(hsz_g, rr)
            hm1_v = _dg(hm1_g, rr)
            hf_v = _dg(hf_g, rr)
            x1s_v = _dg(x1s_g, rr)
            y1s_v = _dg(y1s_g, rr)
            bw_v = _dg(bw_g, rr)
            bh_v = _dg(bh_g, rr)
            tap0 = (grp * 16 + r) * _NTAP

            def axis_taps(start, binsz):
                s = start + sample_off * binsz
                m = jnp.where((s >= -1.0) & (s <= hf_v), 1.0, 0.0)
                sc = jnp.minimum(jnp.maximum(s, 0.0), hf_v - 1.0)
                i0 = sc.astype(jnp.int32)
                l = (sc - i0.astype(jnp.float32)) * m
                h = m - l
                return i0, h, l

            x0, hx, lx = axis_taps(x1s_v, bw_v)
            y0, hy, ly = axis_taps(y1s_v, bh_v)

            def bin_body(g, _c):
                oy = g // 7
                ox = g - 7 * oy
                iy = _splat_i32(2 * oy) + dy_l
                ix = _splat_i32(2 * ox) + dx_l
                y0s = _dg(y0, iy)
                hys = _dg(hy, iy)
                lys = _dg(ly, iy)
                x0s = _dg(x0, ix)
                hxs = _dg(hx, ix)
                lxs = _dg(lx, ix)
                wy = hys + cy_f * (lys - hys)
                wx = hxs + cx_f * (lxs - hxs)
                ytap = jnp.minimum(y0s + cy_l, hm1_v)
                xtap = jnp.minimum(x0s + cx_l, hm1_v)
                idx_b[pl.ds(tap0 + g * _TPB, 16)] = base_v + ytap * w_v + xtap
                w_b[pl.ds(tap0 + g * _TPB, 16)] = wy * wx * 0.25
                return _c

            lax.fori_loop(0, _BINS, bin_body, 0)
            return _

        lax.fori_loop(0, 16, roi_body, 0)

    def issue(chunk, slot):
        return pltpu.async_copy(
            table_h.at[idx_b.at[pl.ds(chunk * _CHUNK_ROWS, _CHUNK_ROWS)]],
            g_ring.at[pl.ds(slot * _CHUNK_ROWS, _CHUNK_ROWS)], gsem)

    issue(0, 0)
    issue(1, 1)

    def chunk_body(t, _):
        @pl.when(t + 2 < _NCHUNKS)
        def _issue_next():
            issue(t + 2, lax.rem(t + 2, 3))

        pltpu.make_async_copy(
            table_h.at[idx_b.at[pl.ds(0, _CHUNK_ROWS)]],
            g_ring.at[pl.ds(0, _CHUNK_ROWS)], gsem).wait()

        rowbase = lax.rem(t, 3) * _CHUNK_ROWS
        roi = t // 7
        ck = t - 7 * roi
        obase = (roi & 1) * (_BINS * _C)

        @pl.when((ck == 0) & (roi >= 2) & (tbase + roi - 2 < _NROI))
        def _drain_out():
            pltpu.make_async_copy(
                o_buf.at[pl.ds(0, _BINS * _C)],
                out_h.at[tbase], out_sem).wait()

        def cbin_body(bl, _c, roi=roi, ck=ck, rowbase=rowbase, obase=obase):
            g = ck * _CHUNK_BINS + bl
            wv = w_b[pl.ds((roi * _BINS + g) * _TPB, 16)]
            acc = [jnp.zeros((16,), jnp.float32) for _ in range(2 * (_W32 // 16))]
            for tp in range(_TPB):
                wt = _dg(wv, _splat_i32(tp))
                row = rowbase + bl * _TPB + tp
                for cg in range(_W32 // 16):
                    w32 = g_ring[row, pl.ds(cg * 16, 16)]
                    flo = lax.bitcast_convert_type(
                        lax.shift_left(w32, 16), jnp.float32)
                    fhi = lax.bitcast_convert_type(w32, jnp.float32)
                    acc[2 * cg] = acc[2 * cg] + wt * flo
                    acc[2 * cg + 1] = acc[2 * cg + 1] + wt * fhi
            for cg in range(_W32 // 16):
                o_buf[pl.ds(obase + g * _C + cg * 16, 16)] = acc[2 * cg]
                o_buf[pl.ds(obase + g * _C + 128 + cg * 16, 16)] = acc[2 * cg + 1]
            return _c

        lax.fori_loop(0, _CHUNK_BINS, cbin_body, 0)

        gro = tbase + roi

        @pl.when((ck == 6) & (gro < _NROI))
        def _flush():
            pltpu.async_copy(o_buf.at[pl.ds(obase, _BINS * _C)],
                             out_h.at[gro], out_sem)
        return _

    lax.fori_loop(0, _NCHUNKS, chunk_body, 0)
    n_out = jnp.minimum(jnp.maximum(_NROI - tbase, 0), _RPT)
    n_pending = jnp.maximum(n_out - (_RPT - 2), 0)

    def drain_body(i, _):
        pltpu.make_async_copy(o_buf.at[pl.ds(0, _BINS * _C)],
                              out_h.at[tbase], out_sem).wait()
        return _

    lax.fori_loop(0, n_pending, drain_body, 0)


@jax.jit
def _run(bidx, x1, y1, x2, y2, table):
    mesh = plsc.VectorSubcoreMesh(core_axis_name="c", subcore_axis_name="s")
    f = functools.partial(
        pl.kernel,
        out_type=jax.ShapeDtypeStruct((_NROI, _BINS * _C), jnp.float32),
        mesh=mesh,
        scratch_types=[
            pltpu.VMEM((_RPT,), jnp.float32),
            pltpu.VMEM((_RPT,), jnp.float32),
            pltpu.VMEM((_RPT,), jnp.float32),
            pltpu.VMEM((_RPT,), jnp.float32),
            pltpu.VMEM((_RPT,), jnp.float32),
            pltpu.VMEM((_RPT * _NTAP,), jnp.int32),
            pltpu.VMEM((_RPT * _NTAP,), jnp.float32),
            pltpu.VMEM((3 * _CHUNK_ROWS, _W32), jnp.int32),
            pltpu.VMEM((2 * _BINS * _C,), jnp.float32),
            pltpu.SemaphoreType.DMA,
            pltpu.SemaphoreType.DMA,
        ],
    )(_sc_body)
    return f(bidx, x1, y1, x2, y2, table)


def kernel(feat0, feat1, feat2, feat3, rois):
    feats = [feat0, feat1, feat2, feat3]
    c = feat0.shape[1]
    nrows = _LVL_OFF[3] + 2 * 16 * 16
    table = jnp.zeros((nrows, c // 2), jnp.int32)
    for f, off in zip(feats, _LVL_OFF):
        t = jnp.transpose(f.astype(jnp.bfloat16), (0, 2, 3, 1)).reshape(-1, c)
        lo = lax.bitcast_convert_type(t[:, :c // 2], jnp.uint16).astype(jnp.uint32)
        hi = lax.bitcast_convert_type(t[:, c // 2:], jnp.uint16).astype(jnp.uint32)
        table = lax.dynamic_update_slice(
            table, lax.bitcast_convert_type(lo | (hi << 16), jnp.int32), (off, 0))
    n = rois.shape[0]
    pad = jnp.broadcast_to(
        jnp.array([0.0, 0.0, 0.0, 10.0, 10.0], jnp.float32), (_NPAD - n, 5))
    rp = jnp.concatenate([rois, pad], axis=0)
    out = _run(rp[:, 0], rp[:, 1], rp[:, 2], rp[:, 3], rp[:, 4], table)
    return out.reshape(n, _OUT, _OUT, c).transpose(0, 3, 1, 2)

# --- scband reference (transcript-rebuilt; emitter-appended) ---
"""Pipeline reference for scband-single-ro-iextractor-48172353192092 (READ-ONLY COPY).

The authoritative reference and input builder live on the scoring server;
editing this copy changes nothing except your own understanding.
"""

import jax, jax.numpy as jnp
import numpy as np

OUTPUT_SIZE = 7
SAMPLING_RATIO = 2
SCALES = (0.25, 0.125, 0.0625, 0.03125)
FINEST_SCALE = 56.0
CHUNK = 100


def setup_inputs(seed: int = 0) -> dict:
    key = jax.random.key(seed)
    ks = jax.random.split(key, 8)
    B, C = 2, 256
    sizes = [128, 64, 32, 16]
    inp = {}
    for i, s in enumerate(sizes):
        inp[f"feat{i}"] = jax.random.normal(ks[i], (B, C, s, s), dtype=jnp.float32)
    N = 1000
    bidx = jax.random.randint(ks[4], (N,), 0, B).astype(jnp.float32)
    cx = jax.random.uniform(ks[5], (N,), minval=32.0, maxval=480.0)
    cy = jax.random.uniform(ks[6], (N,), minval=32.0, maxval=480.0)
    wh = jax.random.uniform(ks[7], (N, 2), minval=8.0, maxval=448.0)
    x1 = jnp.clip(cx - wh[:, 0] * 0.5, 0.0, 511.0)
    x2 = jnp.clip(cx + wh[:, 0] * 0.5, 0.0, 511.0)
    y1 = jnp.clip(cy - wh[:, 1] * 0.5, 0.0, 511.0)
    y2 = jnp.clip(cy + wh[:, 1] * 0.5, 0.0, 511.0)
    inp["rois"] = jnp.stack([bidx, x1, y1, x2, y2], axis=-1)
    return inp


def _roi_align(feat, rois, output_size, spatial_scale, sampling_ratio):
    # torchvision-legacy (aligned=False) ROIAlign with bilinear sampling
    B, C, H, W = feat.shape
    Hf, Wf = float(H), float(W)
    sr = sampling_ratio
    P = output_size * sr
    b = rois[:, 0].astype(jnp.int32)
    x1 = rois[:, 1] * spatial_scale
    y1 = rois[:, 2] * spatial_scale
    x2 = rois[:, 3] * spatial_scale
    y2 = rois[:, 4] * spatial_scale
    roi_w = jnp.maximum(x2 - x1, 1.0)
    roi_h = jnp.maximum(y2 - y1, 1.0)
    bin_w = roi_w / output_size
    bin_h = roi_h / output_size
    off = (jnp.arange(P, dtype=jnp.float32) + 0.5) / sr
    ys = y1[:, None] + off[None, :] * bin_h[:, None]  # [N, P]
    xs = x1[:, None] + off[None, :] * bin_w[:, None]  # [N, P]

    def one(bi, ysr, xsr):
        vy = (ysr >= -1.0) & (ysr <= Hf)
        vx = (xsr >= -1.0) & (xsr <= Wf)
        y = jnp.clip(ysr, 0.0, Hf - 1.0)
        x = jnp.clip(xsr, 0.0, Wf - 1.0)
        y0 = jnp.minimum(jnp.floor(y).astype(jnp.int32), H - 1)
        x0 = jnp.minimum(jnp.floor(x).astype(jnp.int32), W - 1)
        y1i = jnp.minimum(y0 + 1, H - 1)
        x1i = jnp.minimum(x0 + 1, W - 1)
        ly = y - y0.astype(jnp.float32)
        lx = x - x0.astype(jnp.float32)
        hy = 1.0 - ly
        hx = 1.0 - lx
        fm = feat[bi]  # [C, H, W]
        v00 = fm[:, y0][:, :, x0]
        v01 = fm[:, y0][:, :, x1i]
        v10 = fm[:, y1i][:, :, x0]
        v11 = fm[:, y1i][:, :, x1i]
        w00 = hy[:, None] * hx[None, :]
        w01 = hy[:, None] * lx[None, :]
        w10 = ly[:, None] * hx[None, :]
        w11 = ly[:, None] * lx[None, :]
        val = v00 * w00 + v01 * w01 + v10 * w10 + v11 * w11
        mask = (vy[:, None] & vx[None, :]).astype(feat.dtype)
        val = val * mask[None, :, :]
        return val.reshape(C, output_size, sr, output_size, sr).mean(axis=(2, 4))

    N = rois.shape[0]
    nb = N // CHUNK
    bs_c = b.reshape(nb, CHUNK)
    ys_c = ys.reshape(nb, CHUNK, P)
    xs_c = xs.reshape(nb, CHUNK, P)

    def chunk_fn(args):
        bb, yy, xx = args
        return jax.vmap(one)(bb, yy, xx)

    out = jax.lax.map(chunk_fn, (bs_c, ys_c, xs_c))
    return out.reshape(N, C, output_size, output_size)


def _forward(feat0, feat1, feat2, feat3, rois):
    feats = [feat0, feat1, feat2, feat3]
    num_levels = len(feats)
    area = jnp.sqrt((rois[:, 3] - rois[:, 1] + 1.0) * (rois[:, 4] - rois[:, 2] + 1.0))
    target_lvls = jnp.floor(jnp.log2(area / FINEST_SCALE + 1e-6))
    target_lvls = jnp.clip(target_lvls, 0, num_levels - 1).astype(jnp.int32)
    N = rois.shape[0]
    C = feat0.shape[1]
    roi_feats = jnp.zeros((N, C, OUTPUT_SIZE, OUTPUT_SIZE), dtype=feat0.dtype)
    for i in range(num_levels):
        lvl_feats = _roi_align(feats[i], rois, OUTPUT_SIZE, SCALES[i], SAMPLING_RATIO)
        mask = (target_lvls == i)[:, None, None, None]
        roi_feats = jnp.where(mask, lvl_feats, roi_feats)
    return roi_feats


def reference(feat0, feat1, feat2, feat3, rois):
    return _forward(feat0, feat1, feat2, feat3, rois)

if __name__ == "__main__":
    import jax
    _d = setup_inputs()
    print(jax.jit(kernel)(*tuple(_d.values())))

</pallas_src>

<mosaic_0001>
#map = affine_map<(d0, d1) -> (0)>
#map1 = affine_map<(d0, d1) -> (0, 0)>
module attributes {stable_mosaic.version = 14 : i64} {
  func.func @_sc_body(%arg0: i32, %arg1: i32, %arg2: memref<1024xf32, #tpu.memory_space<hbm>>, %arg3: memref<1024xf32, #tpu.memory_space<hbm>>, %arg4: memref<1024xf32, #tpu.memory_space<hbm>>, %arg5: memref<1024xf32, #tpu.memory_space<hbm>>, %arg6: memref<1024xf32, #tpu.memory_space<hbm>>, %arg7: memref<43520x128xi32, #tpu.memory_space<hbm>>, %arg8: memref<1000x12544xf32, #tpu.memory_space<hbm>>, %arg9: memref<32xf32, #tpu.memory_space<vmem>>, %arg10: memref<32xf32, #tpu.memory_space<vmem>>, %arg11: memref<32xf32, #tpu.memory_space<vmem>>, %arg12: memref<32xf32, #tpu.memory_space<vmem>>, %arg13: memref<32xf32, #tpu.memory_space<vmem>>, %arg14: memref<25088xi32, #tpu.memory_space<vmem>>, %arg15: memref<25088xf32, #tpu.memory_space<vmem>>, %arg16: memref<336x128xi32, #tpu.memory_space<vmem>>, %arg17: memref<25088xf32, #tpu.memory_space<vmem>>, %arg18: memref<!tpu.dma_semaphore, #tpu.memory_space<semaphore_mem>>, %arg19: memref<!tpu.dma_semaphore, #tpu.memory_space<semaphore_mem>>) attributes {dimension_semantics = [#tpu.dimension_semantics<core_parallel>, #tpu.dimension_semantics<subcore_parallel>], iteration_bounds = array<i64: 2, 16>, scalar_prefetch = 0 : i64, scratch_operands = 11 : i64, tpu.core_type = #tpu.core_type<sc_vector_subcore>, window_params = [{transform_indices = #map}, {transform_indices = #map}, {transform_indices = #map}, {transform_indices = #map}, {transform_indices = #map}, {transform_indices = #map1}, {transform_indices = #map1}]} {
    %mul3A = arith.constant 2 : i32
    %mul3A_0 = arith.muli %arg1, %mul3A : i32
    %add3A = arith.addi %mul3A_0, %arg0 : i32
    %mul3A_1 = arith.constant 32 : i32
    %mul3A_2 = arith.muli %add3A, %mul3A_1 : i32
    "tpu.region"() ({
      %run_scoped3A = tpu.sem_alloc : memref<!tpu.dma_semaphore, #tpu.memory_space<semaphore_mem>>
      %dma_start3A_300 = tpu.memref_slice %arg2[%mul3A_2] : memref<1024xf32, #tpu.memory_space<hbm>> -> memref<32xf32, #tpu.memory_space<hbm>>
      %dma_start3A_301 = tpu.memref_slice %arg2[%mul3A_2] : memref<1024xf32, #tpu.memory_space<hbm>> -> memref<32xf32, #tpu.memory_space<hbm>>
      tpu.enqueue_dma source(%dma_start3A_301 : memref<32xf32, #tpu.memory_space<hbm>>) target(%arg9 : memref<32xf32, #tpu.memory_space<vmem>>) target_semaphore(%run_scoped3A : memref<!tpu.dma_semaphore, #tpu.memory_space<semaphore_mem>>)
      %dma_wait3A = tpu.memref_slice %arg2[%mul3A_2] : memref<1024xf32, #tpu.memory_space<hbm>> -> memref<32xf32, #tpu.memory_space<hbm>>
      %dma_wait3A_302 = tpu.memref_slice %arg2[%mul3A_2] : memref<1024xf32, #tpu.memory_space<hbm>> -> memref<32xf32, #tpu.memory_space<hbm>>
      tpu.wait_dma2 semaphore(%run_scoped3A : memref<!tpu.dma_semaphore, #tpu.memory_space<semaphore_mem>>) src(%dma_wait3A_302 : memref<32xf32, #tpu.memory_space<hbm>>) dst(%arg9 : memref<32xf32, #tpu.memory_space<vmem>>)
      tpu.yield
    }) : () -> ()
    "tpu.region"() ({
      %run_scoped3A = tpu.sem_alloc : memref<!tpu.dma_semaphore, #tpu.memory_space<semaphore_mem>>
      %dma_start3A_300 = tpu.memref_slice %arg3[%mul3A_2] : memref<1024xf32, #tpu.memory_space<hbm>> -> memref<32xf32, #tpu.memory_space<hbm>>
      %dma_start3A_301 = tpu.memref_slice %arg3[%mul3A_2] : memref<1024xf32, #tpu.memory_space<hbm>> -> memref<32xf32, #tpu.memory_space<hbm>>
      tpu.enqueue_dma source(%dma_start3A_301 : memref<32xf32, #tpu.memory_space<hbm>>) target(%arg10 : memref<32xf32, #tpu.memory_space<vmem>>) target_semaphore(%run_scoped3A : memref<!tpu.dma_semaphore, #tpu.memory_space<semaphore_mem>>)
      %dma_wait3A = tpu.memref_slice %arg3[%mul3A_2] : memref<1024xf32, #tpu.memory_space<hbm>> -> memref<32xf32, #tpu.memory_space<hbm>>
      %dma_wait3A_302 = tpu.memref_slice %arg3[%mul3A_2] : memref<1024xf32, #tpu.memory_space<hbm>> -> memref<32xf32, #tpu.memory_space<hbm>>
      tpu.wait_dma2 semaphore(%run_scoped3A : memref<!tpu.dma_semaphore, #tpu.memory_space<semaphore_mem>>) src(%dma_wait3A_302 : memref<32xf32, #tpu.memory_space<hbm>>) dst(%arg10 : memref<32xf32, #tpu.memory_space<vmem>>)
      tpu.yield
    }) : () -> ()
    "tpu.region"() ({
      %run_scoped3A = tpu.sem_alloc : memref<!tpu.dma_semaphore, #tpu.memory_space<semaphore_mem>>
      %dma_start3A_300 = tpu.memref_slice %arg4[%mul3A_2] : memref<1024xf32, #tpu.memory_space<hbm>> -> memref<32xf32, #tpu.memory_space<hbm>>
      %dma_start3A_301 = tpu.memref_slice %arg4[%mul3A_2] : memref<1024xf32, #tpu.memory_space<hbm>> -> memref<32xf32, #tpu.memory_space<hbm>>
      tpu.enqueue_dma source(%dma_start3A_301 : memref<32xf32, #tpu.memory_space<hbm>>) target(%arg11 : memref<32xf32, #tpu.memory_space<vmem>>) target_semaphore(%run_scoped3A : memref<!tpu.dma_semaphore, #tpu.memory_space<semaphore_mem>>)
      %dma_wait3A = tpu.memref_slice %arg4[%mul3A_2] : memref<1024xf32, #tpu.memory_space<hbm>> -> memref<32xf32, #tpu.memory_space<hbm>>
      %dma_wait3A_302 = tpu.memref_slice %arg4[%mul3A_2] : memref<1024xf32, #tpu.memory_space<hbm>> -> memref<32xf32, #tpu.memory_space<hbm>>
      tpu.wait_dma2 semaphore(%run_scoped3A : memref<!tpu.dma_semaphore, #tpu.memory_space<semaphore_mem>>) src(%dma_wait3A_302 : memref<32xf32, #tpu.memory_space<hbm>>) dst(%arg11 : memref<32xf32, #tpu.memory_space<vmem>>)
      tpu.yield
    }) : () -> ()
    "tpu.region"() ({
      %run_scoped3A = tpu.sem_alloc : memref<!tpu.dma_semaphore, #tpu.memory_space<semaphore_mem>>
      %dma_start3A_300 = tpu.memref_slice %arg5[%mul3A_2] : memref<1024xf32, #tpu.memory_space<hbm>> -> memref<32xf32, #tpu.memory_space<hbm>>
      %dma_start3A_301 = tpu.memref_slice %arg5[%mul3A_2] : memref<1024xf32, #tpu.memory_space<hbm>> -> memref<32xf32, #tpu.memory_space<hbm>>
      tpu.enqueue_dma source(%dma_start3A_301 : memref<32xf32, #tpu.memory_space<hbm>>) target(%arg12 : memref<32xf32, #tpu.memory_space<vmem>>) target_semaphore(%run_scoped3A : memref<!tpu.dma_semaphore, #tpu.memory_space<semaphore_mem>>)
      %dma_wait3A = tpu.memref_slice %arg5[%mul3A_2] : memref<1024xf32, #tpu.memory_space<hbm>> -> memref<32xf32, #tpu.memory_space<hbm>>
      %dma_wait3A_302 = tpu.memref_slice %arg5[%mul3A_2] : memref<1024xf32, #tpu.memory_space<hbm>> -> memref<32xf32, #tpu.memory_space<hbm>>
      tpu.wait_dma2 semaphore(%run_scoped3A : memref<!tpu.dma_semaphore, #tpu.memory_space<semaphore_mem>>) src(%dma_wait3A_302 : memref<32xf32, #tpu.memory_space<hbm>>) dst(%arg12 : memref<32xf32, #tpu.memory_space<vmem>>)
      tpu.yield
    }) : () -> ()
    "tpu.region"() ({
      %run_scoped3A = tpu.sem_alloc : memref<!tpu.dma_semaphore, #tpu.memory_space<semaphore_mem>>
      %dma_start3A_300 = tpu.memref_slice %arg6[%mul3A_2] : memref<1024xf32, #tpu.memory_space<hbm>> -> memref<32xf32, #tpu.memory_space<hbm>>
      %dma_start3A_301 = tpu.memref_slice %arg6[%mul3A_2] : memref<1024xf32, #tpu.memory_space<hbm>> -> memref<32xf32, #tpu.memory_space<hbm>>
      tpu.enqueue_dma source(%dma_start3A_301 : memref<32xf32, #tpu.memory_space<hbm>>) target(%arg13 : memref<32xf32, #tpu.memory_space<vmem>>) target_semaphore(%run_scoped3A : memref<!tpu.dma_semaphore, #tpu.memory_space<semaphore_mem>>)
      %dma_wait3A = tpu.memref_slice %arg6[%mul3A_2] : memref<1024xf32, #tpu.memory_space<hbm>> -> memref<32xf32, #tpu.memory_space<hbm>>
      %dma_wait3A_302 = tpu.memref_slice %arg6[%mul3A_2] : memref<1024xf32, #tpu.memory_space<hbm>> -> memref<32xf32, #tpu.memory_space<hbm>>
      tpu.wait_dma2 semaphore(%run_scoped3A : memref<!tpu.dma_semaphore, #tpu.memory_space<semaphore_mem>>) src(%dma_wait3A_302 : memref<32xf32, #tpu.memory_space<hbm>>) dst(%arg13 : memref<32xf32, #tpu.memory_space<vmem>>)
      tpu.yield
    }) : () -> ()
    %iota3A = tpu.iota {dimensions = array<i32: 0>} : vector<16xi32>
    %convert_element_type3A = arith.sitofp %iota3A : vector<16xi32> to vector<16xf32>
    %shift_right_logical3A = arith.constant 3 : i32
    %shift_right_logical3A_3 = vector.broadcast %shift_right_logical3A : i32 to vector<16xi32>
    %shift_right_logical3A_4 = arith.shrui %iota3A, %shift_right_logical3A_3 : vector<16xi32>
    %and3A = arith.constant 1 : i32
    %and3A_5 = vector.broadcast %and3A : i32 to vector<16xi32>
    %and3A_6 = arith.andi %shift_right_logical3A_4, %and3A_5 : vector<16xi32>
    %shift_right_logical3A_7 = arith.constant 2 : i32
    %shift_right_logical3A_8 = vector.broadcast %shift_right_logical3A_7 : i32 to vector<16xi32>
    %shift_right_logical3A_9 = arith.shrui %iota3A, %shift_right_logical3A_8 : vector<16xi32>
    %and3A_10 = arith.constant 1 : i32
    %and3A_11 = vector.broadcast %and3A_10 : i32 to vector<16xi32>
    %and3A_12 = arith.andi %shift_right_logical3A_9, %and3A_11 : vector<16xi32>
    %shift_right_logical3A_13 = arith.constant 1 : i32
    %shift_right_logical3A_14 = vector.broadcast %shift_right_logical3A_13 : i32 to vector<16xi32>
    %shift_right_logical3A_15 = arith.shrui %iota3A, %shift_right_logical3A_14 : vector<16xi32>
    %and3A_16 = arith.constant 1 : i32
    %and3A_17 = vector.broadcast %and3A_16 : i32 to vector<16xi32>
    %and3A_18 = arith.andi %shift_right_logical3A_15, %and3A_17 : vector<16xi32>
    %and3A_19 = arith.constant 1 : i32
    %and3A_20 = vector.broadcast %and3A_19 : i32 to vector<16xi32>
    %and3A_21 = arith.andi %iota3A, %and3A_20 : vector<16xi32>
    %convert_element_type3A_22 = arith.sitofp %and3A_18 : vector<16xi32> to vector<16xf32>
    %convert_element_type3A_23 = arith.sitofp %and3A_21 : vector<16xi32> to vector<16xf32>
    %add3A_24 = arith.constant 5.000000e-01 : f32
    %add3A_25 = vector.broadcast %add3A_24 : f32 to vector<16xf32>
    %add3A_26 = arith.addf %convert_element_type3A, %add3A_25 : vector<16xf32>
    %mul3A_27 = arith.constant 5.000000e-01 : f32
    %mul3A_28 = vector.broadcast %mul3A_27 : f32 to vector<16xf32>
    %mul3A_29 = arith.mulf %add3A_26, %mul3A_28 : vector<16xf32>
    %broadcast_in_dim3A = arith.constant 1 : i32
    %broadcast_in_dim3A_30 = vector.broadcast %broadcast_in_dim3A : i32 to vector<16xi32>
    %broadcast_in_dim3A_31 = arith.constant 0 : i32
    %broadcast_in_dim3A_32 = vector.broadcast %broadcast_in_dim3A_31 : i32 to vector<16xi32>
    %get3A = arith.constant 0 : index
    %get3A_33 = tpu.vector_load %arg9[%get3A] {strides = array<i32>} : memref<32xf32, #tpu.memory_space<vmem>>, vector<16xf32>,
    %get3A_34 = vector.shape_cast %get3A_33 : vector<16xf32> to vector<16xf32>
    %convert_element_type3A_35 = arith.fptosi %get3A_34 : vector<16xf32> to vector<16xi32>
    %get3A_36 = arith.constant 0 : index
    %get3A_37 = tpu.vector_load %arg10[%get3A_36] {strides = array<i32>} : memref<32xf32, #tpu.memory_space<vmem>>, vector<16xf32>,
    %get3A_38 = vector.shape_cast %get3A_37 : vector<16xf32> to vector<16xf32>
    %get3A_39 = arith.constant 0 : index
    %get3A_40 = tpu.vector_load %arg11[%get3A_39] {strides = array<i32>} : memref<32xf32, #tpu.memory_space<vmem>>, vector<16xf32>,
    %get3A_41 = vector.shape_cast %get3A_40 : vector<16xf32> to vector<16xf32>
    %get3A_42 = arith.constant 0 : index
    %get3A_43 = tpu.vector_load %arg12[%get3A_42] {strides = array<i32>} : memref<32xf32, #tpu.memory_space<vmem>>, vector<16xf32>,
    %get3A_44 = vector.shape_cast %get3A_43 : vector<16xf32> to vector<16xf32>
    %get3A_45 = arith.constant 0 : index
    %get3A_46 = tpu.vector_load %arg13[%get3A_45] {strides = array<i32>} : memref<32xf32, #tpu.memory_space<vmem>>, vector<16xf32>,
    %get3A_47 = vector.shape_cast %get3A_46 : vector<16xf32> to vector<16xf32>
    %sub3A = arith.subf %get3A_44, %get3A_38 : vector<16xf32>
    %add3A_48 = arith.constant 1.000000e+00 : f32
    %add3A_49 = vector.broadcast %add3A_48 : f32 to vector<16xf32>
    %add3A_50 = arith.addf %sub3A, %add3A_49 : vector<16xf32>
    %sub3A_51 = arith.subf %get3A_47, %get3A_41 : vector<16xf32>
    %add3A_52 = arith.constant 1.000000e+00 : f32
    %add3A_53 = vector.broadcast %add3A_52 : f32 to vector<16xf32>
    %add3A_54 = arith.addf %sub3A_51, %add3A_53 : vector<16xf32>
    %mul3A_55 = arith.mulf %add3A_50, %add3A_54 : vector<16xf32>
    %ge3A = arith.constant 12543.9873 : f32
    %ge3A_56 = vector.broadcast %ge3A : f32 to vector<16xf32>
    %ge3A_57 = arith.cmpf oge, %mul3A_55, %ge3A_56 : vector<16xf32>
    %select_n3A = arith.select %ge3A_57, %broadcast_in_dim3A_30, %broadcast_in_dim3A_32 : vector<16xi1>, vector<16xi32>
    %ge3A_58 = arith.constant 50175.9766 : f32
    %ge3A_59 = vector.broadcast %ge3A_58 : f32 to vector<16xf32>
    %ge3A_60 = arith.cmpf oge, %mul3A_55, %ge3A_59 : vector<16xf32>
    %select_n3A_61 = arith.select %ge3A_60, %broadcast_in_dim3A_30, %broadcast_in_dim3A_32 : vector<16xi1>, vector<16xi32>
    %add3A_62 = arith.addi %select_n3A, %select_n3A_61 : vector<16xi32>
    %ge3A_63 = arith.constant 200703.953 : f32
    %ge3A_64 = vector.broadcast %ge3A_63 : f32 to vector<16xf32>
    %ge3A_65 = arith.cmpf oge, %mul3A_55, %ge3A_64 : vector<16xf32>
    %select_n3A_66 = arith.select %ge3A_65, %broadcast_in_dim3A_30, %broadcast_in_dim3A_32 : vector<16xi1>, vector<16xi32>
    %add3A_67 = arith.addi %add3A_62, %select_n3A_66 : vector<16xi32>
    %broadcast_in_dim3A_68 = arith.constant 128 : i32
    %broadcast_in_dim3A_69 = vector.broadcast %broadcast_in_dim3A_68 : i32 to vector<16xi32>
    %shift_right_logical3A_70 = arith.shrui %broadcast_in_dim3A_69, %add3A_67 : vector<16xi32>
    %broadcast_in_dim3A_71 = arith.constant 16384 : i32
    %broadcast_in_dim3A_72 = vector.broadcast %broadcast_in_dim3A_71 : i32 to vector<16xi32>
    %mul3A_73 = arith.constant 2 : i32
    %mul3A_74 = vector.broadcast %mul3A_73 : i32 to vector<16xi32>
    %mul3A_75 = arith.muli %mul3A_74, %add3A_67 : vector<16xi32>
    %shift_right_logical3A_76 = arith.shrui %broadcast_in_dim3A_72, %mul3A_75 : vector<16xi32>
    %eq3A = arith.constant 0 : i32
    %eq3A_77 = vector.broadcast %eq3A : i32 to vector<16xi32>
    %eq3A_78 = arith.cmpi eq, %add3A_67, %eq3A_77 : vector<16xi32>
    %broadcast_in_dim3A_79 = arith.constant 0 : i32
    %broadcast_in_dim3A_80 = vector.broadcast %broadcast_in_dim3A_79 : i32 to vector<16xi32>
    %eq3A_81 = arith.constant 1 : i32
    %eq3A_82 = vector.broadcast %eq3A_81 : i32 to vector<16xi32>
    %eq3A_83 = arith.cmpi eq, %add3A_67, %eq3A_82 : vector<16xi32>
    %broadcast_in_dim3A_84 = arith.constant 32768 : i32
    %broadcast_in_dim3A_85 = vector.broadcast %broadcast_in_dim3A_84 : i32 to vector<16xi32>
    %eq3A_86 = arith.constant 2 : i32
    %eq3A_87 = vector.broadcast %eq3A_86 : i32 to vector<16xi32>
    %eq3A_88 = arith.cmpi eq, %add3A_67, %eq3A_87 : vector<16xi32>
    %broadcast_in_dim3A_89 = arith.constant 40960 : i32
    %broadcast_in_dim3A_90 = vector.broadcast %broadcast_in_dim3A_89 : i32 to vector<16xi32>
    %broadcast_in_dim3A_91 = arith.constant 43008 : i32
    %broadcast_in_dim3A_92 = vector.broadcast %broadcast_in_dim3A_91 : i32 to vector<16xi32>
    %select_n3A_93 = arith.select %eq3A_88, %broadcast_in_dim3A_90, %broadcast_in_dim3A_92 : vector<16xi1>, vector<16xi32>
    %select_n3A_94 = arith.select %eq3A_83, %broadcast_in_dim3A_85, %select_n3A_93 : vector<16xi1>, vector<16xi32>
    %select_n3A_95 = arith.select %eq3A_78, %broadcast_in_dim3A_80, %select_n3A_94 : vector<16xi1>, vector<16xi32>
    %eq3A_96 = arith.constant 0 : i32
    %eq3A_97 = vector.broadcast %eq3A_96 : i32 to vector<16xi32>
    %eq3A_98 = arith.cmpi eq, %add3A_67, %eq3A_97 : vector<16xi32>
    %broadcast_in_dim3A_99 = arith.constant 2.500000e-01 : f32
    %broadcast_in_dim3A_100 = vector.broadcast %broadcast_in_dim3A_99 : f32 to vector<16xf32>
    %eq3A_101 = arith.constant 1 : i32
    %eq3A_102 = vector.broadcast %eq3A_101 : i32 to vector<16xi32>
    %eq3A_103 = arith.cmpi eq, %add3A_67, %eq3A_102 : vector<16xi32>
    %broadcast_in_dim3A_104 = arith.constant 1.250000e-01 : f32
    %broadcast_in_dim3A_105 = vector.broadcast %broadcast_in_dim3A_104 : f32 to vector<16xf32>
    %eq3A_106 = arith.constant 2 : i32
    %eq3A_107 = vector.broadcast %eq3A_106 : i32 to vector<16xi32>
    %eq3A_108 = arith.cmpi eq, %add3A_67, %eq3A_107 : vector<16xi32>
    %broadcast_in_dim3A_109 = arith.constant 6.250000e-02 : f32
    %broadcast_in_dim3A_110 = vector.broadcast %broadcast_in_dim3A_109 : f32 to vector<16xf32>
    %broadcast_in_dim3A_111 = arith.constant 3.125000e-02 : f32
    %broadcast_in_dim3A_112 = vector.broadcast %broadcast_in_dim3A_111 : f32 to vector<16xf32>
    %select_n3A_113 = arith.select %eq3A_108, %broadcast_in_dim3A_110, %broadcast_in_dim3A_112 : vector<16xi1>, vector<16xf32>
    %select_n3A_114 = arith.select %eq3A_103, %broadcast_in_dim3A_105, %select_n3A_113 : vector<16xi1>, vector<16xf32>
    %select_n3A_115 = arith.select %eq3A_98, %broadcast_in_dim3A_100, %select_n3A_114 : vector<16xi1>, vector<16xf32>
    %mul3A_116 = arith.mulf %get3A_38, %select_n3A_115 : vector<16xf32>
    %mul3A_117 = arith.mulf %get3A_41, %select_n3A_115 : vector<16xf32>
    %mul3A_118 = arith.mulf %get3A_44, %select_n3A_115 : vector<16xf32>
    %sub3A_119 = arith.subf %mul3A_118, %mul3A_116 : vector<16xf32>
    %max3A = arith.constant 1.000000e+00 : f32
    %max3A_120 = vector.broadcast %max3A : f32 to vector<16xf32>
    %max3A_121 = arith.maximumf %sub3A_119, %max3A_120 : vector<16xf32>
    %div3A = arith.constant 7.000000e+00 : f32
    %div3A_122 = vector.broadcast %div3A : f32 to vector<16xf32>
    %div3A_123 = arith.divf %max3A_121, %div3A_122 : vector<16xf32>
    %mul3A_124 = arith.mulf %get3A_47, %select_n3A_115 : vector<16xf32>
    %sub3A_125 = arith.subf %mul3A_124, %mul3A_117 : vector<16xf32>
    %max3A_126 = arith.constant 1.000000e+00 : f32
    %max3A_127 = vector.broadcast %max3A_126 : f32 to vector<16xf32>
    %max3A_128 = arith.maximumf %sub3A_125, %max3A_127 : vector<16xf32>
    %div3A_129 = arith.constant 7.000000e+00 : f32
    %div3A_130 = vector.broadcast %div3A_129 : f32 to vector<16xf32>
    %div3A_131 = arith.divf %max3A_128, %div3A_130 : vector<16xf32>
    %mul3A_132 = arith.muli %convert_element_type3A_35, %shift_right_logical3A_76 : vector<16xi32>
    %add3A_133 = arith.addi %select_n3A_95, %mul3A_132 : vector<16xi32>
    %sub3A_134 = arith.constant 1 : i32
    %sub3A_135 = vector.broadcast %sub3A_134 : i32 to vector<16xi32>
    %sub3A_136 = arith.subi %shift_right_logical3A_70, %sub3A_135 : vector<16xi32>
    %convert_element_type3A_137 = arith.sitofp %shift_right_logical3A_70 : vector<16xi32> to vector<16xf32>
    %scan3A = arith.constant 0 : i32
    %scan3A_138 = arith.constant 0 : i32
    %scan3A_139 = arith.constant 16 : i32
    %scan3A_140 = arith.addi %scan3A_138, %scan3A_139 : i32
    %scan3A_141 = arith.constant 1 : i32
    scf.for %scan3A_300 = %scan3A_138 to %scan3A_140 step %scan3A_141  : i32 {
      %broadcast_in_dim3A_301 = vector.broadcast %scan3A_300 : i32 to vector<16xi32>
      %broadcast_in_dim3A_302 = vector.shape_cast %broadcast_in_dim3A_301 : vector<16xi32> to vector<16x1xi32>
      %gather3A = vector.shape_cast %broadcast_in_dim3A_302 : vector<16x1xi32> to vector<16xi32>
      %gather3A_303 = tpu.dynamic_gather %add3A_133[%gather3A] in [0] : vector<16xi32>, vector<16xi32> -> vector<16xi32>
      %broadcast_in_dim3A_304 = vector.shape_cast %broadcast_in_dim3A_301 : vector<16xi32> to vector<16x1xi32>
      %gather3A_305 = vector.shape_cast %broadcast_in_dim3A_304 : vector<16x1xi32> to vector<16xi32>
      %gather3A_306 = tpu.dynamic_gather %shift_right_logical3A_70[%gather3A_305] in [0] : vector<16xi32>, vector<16xi32> -> vector<16xi32>
      %broadcast_in_dim3A_307 = vector.shape_cast %broadcast_in_dim3A_301 : vector<16xi32> to vector<16x1xi32>
      %gather3A_308 = vector.shape_cast %broadcast_in_dim3A_307 : vector<16x1xi32> to vector<16xi32>
      %gather3A_309 = tpu.dynamic_gather %sub3A_136[%gather3A_308] in [0] : vector<16xi32>, vector<16xi32> -> vector<16xi32>
      %broadcast_in_dim3A_310 = vector.shape_cast %broadcast_in_dim3A_301 : vector<16xi32> to vector<16x1xi32>
      %gather3A_311 = vector.shape_cast %broadcast_in_dim3A_310 : vector<16x1xi32> to vector<16xi32>
      %gather3A_312 = tpu.dynamic_gather %convert_element_type3A_137[%gather3A_311] in [0] : vector<16xf32>, vector<16xi32> -> vector<16xf32>
      %broadcast_in_dim3A_313 = vector.shape_cast %broadcast_in_dim3A_301 : vector<16xi32> to vector<16x1xi32>
      %gather3A_314 = vector.shape_cast %broadcast_in_dim3A_313 : vector<16x1xi32> to vector<16xi32>
      %gather3A_315 = tpu.dynamic_gather %mul3A_116[%gather3A_314] in [0] : vector<16xf32>, vector<16xi32> -> vector<16xf32>
      %broadcast_in_dim3A_316 = vector.shape_cast %broadcast_in_dim3A_301 : vector<16xi32> to vector<16x1xi32>
      %gather3A_317 = vector.shape_cast %broadcast_in_dim3A_316 : vector<16x1xi32> to vector<16xi32>
      %gather3A_318 = tpu.dynamic_gather %mul3A_117[%gather3A_317] in [0] : vector<16xf32>, vector<16xi32> -> vector<16xf32>
      %broadcast_in_dim3A_319 = vector.shape_cast %broadcast_in_dim3A_301 : vector<16xi32> to vector<16x1xi32>
      %gather3A_320 = vector.shape_cast %broadcast_in_dim3A_319 : vector<16x1xi32> to vector<16xi32>
      %gather3A_321 = tpu.dynamic_gather %div3A_123[%gather3A_320] in [0] : vector<16xf32>, vector<16xi32> -> vector<16xf32>
      %broadcast_in_dim3A_322 = vector.shape_cast %broadcast_in_dim3A_301 : vector<16xi32> to vector<16x1xi32>
      %gather3A_323 = vector.shape_cast %broadcast_in_dim3A_322 : vector<16x1xi32> to vector<16xi32>
      %gather3A_324 = tpu.dynamic_gather %div3A_131[%gather3A_323] in [0] : vector<16xf32>, vector<16xi32> -> vector<16xf32>
      %add3A_325 = arith.constant 0 : i32
      %add3A_326 = arith.addi %add3A_325, %scan3A_300 : i32
      %mul3A_327 = arith.constant 784 : i32
      %mul3A_328 = arith.muli %add3A_326, %mul3A_327 : i32
      %mul3A_329 = arith.mulf %mul3A_29, %gather3A_321 : vector<16xf32>
      %add3A_330 = arith.addf %gather3A_315, %mul3A_329 : vector<16xf32>
      %ge3A_331 = arith.constant -1.000000e+00 : f32
      %ge3A_332 = vector.broadcast %ge3A_331 : f32 to vector<16xf32>
      %ge3A_333 = arith.cmpf oge, %add3A_330, %ge3A_332 : vector<16xf32>
      %le3A = arith.cmpf ole, %add3A_330, %gather3A_312 : vector<16xf32>
      %and3A_334 = arith.andi %ge3A_333, %le3A : vector<16xi1>
      %jit3A = arith.constant 1.000000e+00 : f32
      %jit3A_335 = arith.constant 0.000000e+00 : f32
      %broadcast_in_dim3A_336 = vector.broadcast %jit3A : f32 to vector<16xf32>
      %broadcast_in_dim3A_337 = vector.broadcast %jit3A_335 : f32 to vector<16xf32>
      %select_n3A_338 = arith.select %and3A_334, %broadcast_in_dim3A_336, %broadcast_in_dim3A_337 : vector<16xi1>, vector<16xf32>
      %max3A_339 = arith.constant 0.000000e+00 : f32
      %max3A_340 = vector.broadcast %max3A_339 : f32 to vector<16xf32>
      %max3A_341 = arith.maximumf %add3A_330, %max3A_340 : vector<16xf32>
      %sub3A_342 = arith.constant 1.000000e+00 : f32
      %sub3A_343 = vector.broadcast %sub3A_342 : f32 to vector<16xf32>
      %sub3A_344 = arith.subf %gather3A_312, %sub3A_343 : vector<16xf32>
      %min3A_345 = arith.minimumf %max3A_341, %sub3A_344 : vector<16xf32>
      %convert_element_type3A_346 = arith.fptosi %min3A_345 : vector<16xf32> to vector<16xi32>
      %convert_element_type3A_347 = arith.sitofp %convert_element_type3A_346 : vector<16xi32> to vector<16xf32>
      %sub3A_348 = arith.subf %min3A_345, %convert_element_type3A_347 : vector<16xf32>
      %mul3A_349 = arith.mulf %sub3A_348, %select_n3A_338 : vector<16xf32>
      %sub3A_350 = arith.subf %select_n3A_338, %mul3A_349 : vector<16xf32>
      %mul3A_351 = arith.mulf %mul3A_29, %gather3A_324 : vector<16xf32>
      %add3A_352 = arith.addf %gather3A_318, %mul3A_351 : vector<16xf32>
      %ge3A_353 = arith.constant -1.000000e+00 : f32
      %ge3A_354 = vector.broadcast %ge3A_353 : f32 to vector<16xf32>
      %ge3A_355 = arith.cmpf oge, %add3A_352, %ge3A_354 : vector<16xf32>
      %le3A_356 = arith.cmpf ole, %add3A_352, %gather3A_312 : vector<16xf32>
      %and3A_357 = arith.andi %ge3A_355, %le3A_356 : vector<16xi1>
      %jit3A_358 = arith.constant 1.000000e+00 : f32
      %jit3A_359 = arith.constant 0.000000e+00 : f32
      %broadcast_in_dim3A_360 = vector.broadcast %jit3A_358 : f32 to vector<16xf32>
      %broadcast_in_dim3A_361 = vector.broadcast %jit3A_359 : f32 to vector<16xf32>
      %select_n3A_362 = arith.select %and3A_357, %broadcast_in_dim3A_360, %broadcast_in_dim3A_361 : vector<16xi1>, vector<16xf32>
      %max3A_363 = arith.constant 0.000000e+00 : f32
      %max3A_364 = vector.broadcast %max3A_363 : f32 to vector<16xf32>
      %max3A_365 = arith.maximumf %add3A_352, %max3A_364 : vector<16xf32>
      %sub3A_366 = arith.constant 1.000000e+00 : f32
      %sub3A_367 = vector.broadcast %sub3A_366 : f32 to vector<16xf32>
      %sub3A_368 = arith.subf %gather3A_312, %sub3A_367 : vector<16xf32>
      %min3A_369 = arith.minimumf %max3A_365, %sub3A_368 : vector<16xf32>
      %convert_element_type3A_370 = arith.fptosi %min3A_369 : vector<16xf32> to vector<16xi32>
      %convert_element_type3A_371 = arith.sitofp %convert_element_type3A_370 : vector<16xi32> to vector<16xf32>
      %sub3A_372 = arith.subf %min3A_369, %convert_element_type3A_371 : vector<16xf32>
      %mul3A_373 = arith.mulf %sub3A_372, %select_n3A_362 : vector<16xf32>
      %sub3A_374 = arith.subf %select_n3A_362, %mul3A_373 : vector<16xf32>
      %scan3A_375 = arith.constant 0 : i32
      %scan3A_376 = arith.constant 0 : i32
      %scan3A_377 = arith.constant 49 : i32
      %scan3A_378 = arith.addi %scan3A_376, %scan3A_377 : i32
      %scan3A_379 = arith.constant 1 : i32
      scf.for %scan3A_381 = %scan3A_376 to %scan3A_378 step %scan3A_379  : i32 {
        %jit3A_382 = arith.constant 7 : i32
        %div3A_383 = arith.divsi %scan3A_381, %jit3A_382 : i32
        %sign3A = arith.constant 0 : i32
        %sign3A_384 = arith.cmpi sgt, %scan3A_381, %sign3A : i32
        %sign3A_385 = arith.extui %sign3A_384 : i1 to i32
        %sign3A_386 = arith.constant 0 : i32
        %sign3A_387 = arith.cmpi slt, %scan3A_381, %sign3A_386 : i32
        %sign3A_388 = arith.extui %sign3A_387 : i1 to i32
        %sign3A_389 = arith.subi %sign3A_385, %sign3A_388 : i32
        %sign3A_390 = arith.constant 0 : i32
        %sign3A_391 = arith.cmpi sgt, %jit3A_382, %sign3A_390 : i32
        %sign3A_392 = arith.extui %sign3A_391 : i1 to i32
        %sign3A_393 = arith.constant 0 : i32
        %sign3A_394 = arith.cmpi slt, %jit3A_382, %sign3A_393 : i32
        %sign3A_395 = arith.extui %sign3A_394 : i1 to i32
        %sign3A_396 = arith.subi %sign3A_392, %sign3A_395 : i32
        %ne3A = arith.cmpi ne, %sign3A_389, %sign3A_396 : i32
        %rem3A = arith.remsi %scan3A_381, %jit3A_382 : i32
        %ne3A_397 = arith.constant 0 : i32
        %ne3A_398 = arith.cmpi ne, %rem3A, %ne3A_397 : i32
        %and3A_399 = arith.andi %ne3A, %ne3A_398 : i1
        %sub3A_400 = arith.constant 1 : i32
        %sub3A_401 = arith.subi %div3A_383, %sub3A_400 : i32
        %select_n3A_402 = arith.select %and3A_399, %sub3A_401, %div3A_383 : i32
        %mul3A_403 = arith.constant 7 : i32
        %mul3A_404 = arith.muli %mul3A_403, %select_n3A_402 : i32
        %sub3A_405 = arith.subi %scan3A_381, %mul3A_404 : i32
        %mul3A_406 = arith.constant 2 : i32
        %mul3A_407 = arith.muli %mul3A_406, %select_n3A_402 : i32
        %broadcast_in_dim3A_408 = vector.broadcast %mul3A_407 : i32 to vector<16xi32>
        %add3A_409 = arith.addi %broadcast_in_dim3A_408, %and3A_6 : vector<16xi32>
        %mul3A_410 = arith.constant 2 : i32
        %mul3A_411 = arith.muli %mul3A_410, %sub3A_405 : i32
        %broadcast_in_dim3A_412 = vector.broadcast %mul3A_411 : i32 to vector<16xi32>
        %add3A_413 = arith.addi %broadcast_in_dim3A_412, %and3A_12 : vector<16xi32>
        %broadcast_in_dim3A_414 = vector.shape_cast %add3A_409 : vector<16xi32> to vector<16x1xi32>
        %gather3A_415 = vector.shape_cast %broadcast_in_dim3A_414 : vector<16x1xi32> to vector<16xi32>
        %gather3A_416 = tpu.dynamic_gather %convert_element_type3A_370[%gather3A_415] in [0] : vector<16xi32>, vector<16xi32> -> vector<16xi32>
        %broadcast_in_dim3A_417 = vector.shape_cast %add3A_409 : vector<16xi32> to vector<16x1xi32>
        %gather3A_418 = vector.shape_cast %broadcast_in_dim3A_417 : vector<16x1xi32> to vector<16xi32>
        %gather3A_419 = tpu.dynamic_gather %sub3A_374[%gather3A_418] in [0] : vector<16xf32>, vector<16xi32> -> vector<16xf32>
        %broadcast_in_dim3A_420 = vector.shape_cast %add3A_409 : vector<16xi32> to vector<16x1xi32>
        %gather3A_421 = vector.shape_cast %broadcast_in_dim3A_420 : vector<16x1xi32> to vector<16xi32>
        %gather3A_422 = tpu.dynamic_gather %mul3A_373[%gather3A_421] in [0] : vector<16xf32>, vector<16xi32> -> vector<16xf32>
        %broadcast_in_dim3A_423 = vector.shape_cast %add3A_413 : vector<16xi32> to vector<16x1xi32>
        %gather3A_424 = vector.shape_cast %broadcast_in_dim3A_423 : vector<16x1xi32> to vector<16xi32>
        %gather3A_425 = tpu.dynamic_gather %convert_element_type3A_346[%gather3A_424] in [0] : vector<16xi32>, vector<16xi32> -> vector<16xi32>
        %broadcast_in_dim3A_426 = vector.shape_cast %add3A_413 : vector<16xi32> to vector<16x1xi32>
        %gather3A_427 = vector.shape_cast %broadcast_in_dim3A_426 : vector<16x1xi32> to vector<16xi32>
        %gather3A_428 = tpu.dynamic_gather %sub3A_350[%gather3A_427] in [0] : vector<16xf32>, vector<16xi32> -> vector<16xf32>
        %broadcast_in_dim3A_429 = vector.shape_cast %add3A_413 : vector<16xi32> to vector<16x1xi32>
        %gather3A_430 = vector.shape_cast %broadcast_in_dim3A_429 : vector<16x1xi32> to vector<16xi32>
        %gather3A_431 = tpu.dynamic_gather %mul3A_349[%gather3A_430] in [0] : vector<16xf32>, vector<16xi32> -> vector<16xf32>
        %sub3A_432 = arith.subf %gather3A_422, %gather3A_419 : vector<16xf32>
        %mul3A_433 = arith.mulf %convert_element_type3A_22, %sub3A_432 : vector<16xf32>
        %add3A_434 = arith.addf %gather3A_419, %mul3A_433 : vector<16xf32>
        %sub3A_435 = arith.subf %gather3A_431, %gather3A_428 : vector<16xf32>
        %mul3A_436 = arith.mulf %convert_element_type3A_23, %sub3A_435 : vector<16xf32>
        %add3A_437 = arith.addf %gather3A_428, %mul3A_436 : vector<16xf32>
        %add3A_438 = arith.addi %gather3A_416, %and3A_18 : vector<16xi32>
        %min3A_439 = arith.minsi %add3A_438, %gather3A_309 : vector<16xi32>
        %add3A_440 = arith.addi %gather3A_425, %and3A_21 : vector<16xi32>
        %min3A_441 = arith.minsi %add3A_440, %gather3A_309 : vector<16xi32>
        %mul3A_442 = arith.muli %min3A_439, %gather3A_306 : vector<16xi32>
        %add3A_443 = arith.addi %gather3A_303, %mul3A_442 : vector<16xi32>
        %add3A_444 = arith.addi %add3A_443, %min3A_441 : vector<16xi32>
        %mul3A_445 = arith.constant 16 : i32
        %mul3A_446 = arith.muli %scan3A_381, %mul3A_445 : i32
        %add3A_447 = arith.addi %mul3A_328, %mul3A_446 : i32
        %swap3A = arith.index_cast %add3A_447 : i32 to index
        %swap3A_448 = tpu.vector_load %arg14[%swap3A] {strides = array<i32>} : memref<25088xi32, #tpu.memory_space<vmem>>, vector<16xi32>,
        %swap3A_449 = vector.shape_cast %swap3A_448 : vector<16xi32> to vector<16xi32>
        %swap3A_450 = vector.shape_cast %add3A_444 : vector<16xi32> to vector<16xi32>
        tpu.vector_store %arg14[%swap3A], %swap3A_450 {strides = array<i32>} : memref<25088xi32, #tpu.memory_space<vmem>>, vector<16xi32>,
        %mul3A_451 = arith.mulf %add3A_434, %add3A_437 : vector<16xf32>
        %mul3A_452 = arith.constant 2.500000e-01 : f32
        %mul3A_453 = vector.broadcast %mul3A_452 : f32 to vector<16xf32>
        %mul3A_454 = arith.mulf %mul3A_451, %mul3A_453 : vector<16xf32>
        %mul3A_455 = arith.constant 16 : i32
        %mul3A_456 = arith.muli %scan3A_381, %mul3A_455 : i32
        %add3A_457 = arith.addi %mul3A_328, %mul3A_456 : i32
        %swap3A_458 = arith.index_cast %add3A_457 : i32 to index
        %swap3A_459 = tpu.vector_load %arg15[%swap3A_458] {strides = array<i32>} : memref<25088xf32, #tpu.memory_space<vmem>>, vector<16xf32>,
        %swap3A_460 = vector.shape_cast %swap3A_459 : vector<16xf32> to vector<16xf32>
        %swap3A_461 = vector.shape_cast %mul3A_454 : vector<16xf32> to vector<16xf32>
        tpu.vector_store %arg15[%swap3A_458], %swap3A_461 {strides = array<i32>} : memref<25088xf32, #tpu.memory_space<vmem>>, vector<16xf32>,
      }
      %scan3A_380 = arith.constant 49 : i32
    }
    %scan3A_142 = arith.constant 16 : i32
    %get3A_143 = arith.constant 16 : index
    %get3A_144 = tpu.vector_load %arg9[%get3A_143] {strides = array<i32>} : memref<32xf32, #tpu.memory_space<vmem>>, vector<16xf32>,
    %get3A_145 = vector.shape_cast %get3A_144 : vector<16xf32> to vector<16xf32>
    %convert_element_type3A_146 = arith.fptosi %get3A_145 : vector<16xf32> to vector<16xi32>
    %get3A_147 = arith.constant 16 : index
    %get3A_148 = tpu.vector_load %arg10[%get3A_147] {strides = array<i32>} : memref<32xf32, #tpu.memory_space<vmem>>, vector<16xf32>,
    %get3A_149 = vector.shape_cast %get3A_148 : vector<16xf32> to vector<16xf32>
    %get3A_150 = arith.constant 16 : index
    %get3A_151 = tpu.vector_load %arg11[%get3A_150] {strides = array<i32>} : memref<32xf32, #tpu.memory_space<vmem>>, vector<16xf32>,
    %get3A_152 = vector.shape_cast %get3A_151 : vector<16xf32> to vector<16xf32>
    %get3A_153 = arith.constant 16 : index
    %get3A_154 = tpu.vector_load %arg12[%get3A_153] {strides = array<i32>} : memref<32xf32, #tpu.memory_space<vmem>>, vector<16xf32>,
    %get3A_155 = vector.shape_cast %get3A_154 : vector<16xf32> to vector<16xf32>
    %get3A_156 = arith.constant 16 : index
    %get3A_157 = tpu.vector_load %arg13[%get3A_156] {strides = array<i32>} : memref<32xf32, #tpu.memory_space<vmem>>, vector<16xf32>,
    %get3A_158 = vector.shape_cast %get3A_157 : vector<16xf32> to vector<16xf32>
    %sub3A_159 = arith.subf %get3A_155, %get3A_149 : vector<16xf32>
    %add3A_160 = arith.constant 1.000000e+00 : f32
    %add3A_161 = vector.broadcast %add3A_160 : f32 to vector<16xf32>
    %add3A_162 = arith.addf %sub3A_159, %add3A_161 : vector<16xf32>
    %sub3A_163 = arith.subf %get3A_158, %get3A_152 : vector<16xf32>
    %add3A_164 = arith.constant 1.000000e+00 : f32
    %add3A_165 = vector.broadcast %add3A_164 : f32 to vector<16xf32>
    %add3A_166 = arith.addf %sub3A_163, %add3A_165 : vector<16xf32>
    %mul3A_167 = arith.mulf %add3A_162, %add3A_166 : vector<16xf32>
    %ge3A_168 = arith.constant 12543.9873 : f32
    %ge3A_169 = vector.broadcast %ge3A_168 : f32 to vector<16xf32>
    %ge3A_170 = arith.cmpf oge, %mul3A_167, %ge3A_169 : vector<16xf32>
    %select_n3A_171 = arith.select %ge3A_170, %broadcast_in_dim3A_30, %broadcast_in_dim3A_32 : vector<16xi1>, vector<16xi32>
    %ge3A_172 = arith.constant 50175.9766 : f32
    %ge3A_173 = vector.broadcast %ge3A_172 : f32 to vector<16xf32>
    %ge3A_174 = arith.cmpf oge, %mul3A_167, %ge3A_173 : vector<16xf32>
    %select_n3A_175 = arith.select %ge3A_174, %broadcast_in_dim3A_30, %broadcast_in_dim3A_32 : vector<16xi1>, vector<16xi32>
    %add3A_176 = arith.addi %select_n3A_171, %select_n3A_175 : vector<16xi32>
    %ge3A_177 = arith.constant 200703.953 : f32
    %ge3A_178 = vector.broadcast %ge3A_177 : f32 to vector<16xf32>
    %ge3A_179 = arith.cmpf oge, %mul3A_167, %ge3A_178 : vector<16xf32>
    %select_n3A_180 = arith.select %ge3A_179, %broadcast_in_dim3A_30, %broadcast_in_dim3A_32 : vector<16xi1>, vector<16xi32>
    %add3A_181 = arith.addi %add3A_176, %select_n3A_180 : vector<16xi32>
    %broadcast_in_dim3A_182 = arith.constant 128 : i32
    %broadcast_in_dim3A_183 = vector.broadcast %broadcast_in_dim3A_182 : i32 to vector<16xi32>
    %shift_right_logical3A_184 = arith.shrui %broadcast_in_dim3A_183, %add3A_181 : vector<16xi32>
    %broadcast_in_dim3A_185 = arith.constant 16384 : i32
    %broadcast_in_dim3A_186 = vector.broadcast %broadcast_in_dim3A_185 : i32 to vector<16xi32>
    %mul3A_187 = arith.constant 2 : i32
    %mul3A_188 = vector.broadcast %mul3A_187 : i32 to vector<16xi32>
    %mul3A_189 = arith.muli %mul3A_188, %add3A_181 : vector<16xi32>
    %shift_right_logical3A_190 = arith.shrui %broadcast_in_dim3A_186, %mul3A_189 : vector<16xi32>
    %eq3A_191 = arith.constant 0 : i32
    %eq3A_192 = vector.broadcast %eq3A_191 : i32 to vector<16xi32>
    %eq3A_193 = arith.cmpi eq, %add3A_181, %eq3A_192 : vector<16xi32>
    %broadcast_in_dim3A_194 = arith.constant 0 : i32
    %broadcast_in_dim3A_195 = vector.broadcast %broadcast_in_dim3A_194 : i32 to vector<16xi32>
    %eq3A_196 = arith.constant 1 : i32
    %eq3A_197 = vector.broadcast %eq3A_196 : i32 to vector<16xi32>
    %eq3A_198 = arith.cmpi eq, %add3A_181, %eq3A_197 : vector<16xi32>
    %broadcast_in_dim3A_199 = arith.constant 32768 : i32
    %broadcast_in_dim3A_200 = vector.broadcast %broadcast_in_dim3A_199 : i32 to vector<16xi32>
    %eq3A_201 = arith.constant 2 : i32
    %eq3A_202 = vector.broadcast %eq3A_201 : i32 to vector<16xi32>
    %eq3A_203 = arith.cmpi eq, %add3A_181, %eq3A_202 : vector<16xi32>
    %broadcast_in_dim3A_204 = arith.constant 40960 : i32
    %broadcast_in_dim3A_205 = vector.broadcast %broadcast_in_dim3A_204 : i32 to vector<16xi32>
    %broadcast_in_dim3A_206 = arith.constant 43008 : i32
    %broadcast_in_dim3A_207 = vector.broadcast %broadcast_in_dim3A_206 : i32 to vector<16xi32>
    %select_n3A_208 = arith.select %eq3A_203, %broadcast_in_dim3A_205, %broadcast_in_dim3A_207 : vector<16xi1>, vector<16xi32>
    %select_n3A_209 = arith.select %eq3A_198, %broadcast_in_dim3A_200, %select_n3A_208 : vector<16xi1>, vector<16xi32>
    %select_n3A_210 = arith.select %eq3A_193, %broadcast_in_dim3A_195, %select_n3A_209 : vector<16xi1>, vector<16xi32>
    %eq3A_211 = arith.constant 0 : i32
    %eq3A_212 = vector.broadcast %eq3A_211 : i32 to vector<16xi32>
    %eq3A_213 = arith.cmpi eq, %add3A_181, %eq3A_212 : vector<16xi32>
    %broadcast_in_dim3A_214 = arith.constant 2.500000e-01 : f32
    %broadcast_in_dim3A_215 = vector.broadcast %broadcast_in_dim3A_214 : f32 to vector<16xf32>
    %eq3A_216 = arith.constant 1 : i32
    %eq3A_217 = vector.broadcast %eq3A_216 : i32 to vector<16xi32>
    %eq3A_218 = arith.cmpi eq, %add3A_181, %eq3A_217 : vector<16xi32>
    %broadcast_in_dim3A_219 = arith.constant 1.250000e-01 : f32
    %broadcast_in_dim3A_220 = vector.broadcast %broadcast_in_dim3A_219 : f32 to vector<16xf32>
    %eq3A_221 = arith.constant 2 : i32
    %eq3A_222 = vector.broadcast %eq3A_221 : i32 to vector<16xi32>
    %eq3A_223 = arith.cmpi eq, %add3A_181, %eq3A_222 : vector<16xi32>
    %broadcast_in_dim3A_224 = arith.constant 6.250000e-02 : f32
    %broadcast_in_dim3A_225 = vector.broadcast %broadcast_in_dim3A_224 : f32 to vector<16xf32>
    %broadcast_in_dim3A_226 = arith.constant 3.125000e-02 : f32
    %broadcast_in_dim3A_227 = vector.broadcast %broadcast_in_dim3A_226 : f32 to vector<16xf32>
    %select_n3A_228 = arith.select %eq3A_223, %broadcast_in_dim3A_225, %broadcast_in_dim3A_227 : vector<16xi1>, vector<16xf32>
    %select_n3A_229 = arith.select %eq3A_218, %broadcast_in_dim3A_220, %select_n3A_228 : vector<16xi1>, vector<16xf32>
    %select_n3A_230 = arith.select %eq3A_213, %broadcast_in_dim3A_215, %select_n3A_229 : vector<16xi1>, vector<16xf32>
    %mul3A_231 = arith.mulf %get3A_149, %select_n3A_230 : vector<16xf32>
    %mul3A_232 = arith.mulf %get3A_152, %select_n3A_230 : vector<16xf32>
    %mul3A_233 = arith.mulf %get3A_155, %select_n3A_230 : vector<16xf32>
    %sub3A_234 = arith.subf %mul3A_233, %mul3A_231 : vector<16xf32>
    %max3A_235 = arith.constant 1.000000e+00 : f32
    %max3A_236 = vector.broadcast %max3A_235 : f32 to vector<16xf32>
    %max3A_237 = arith.maximumf %sub3A_234, %max3A_236 : vector<16xf32>
    %div3A_238 = arith.constant 7.000000e+00 : f32
    %div3A_239 = vector.broadcast %div3A_238 : f32 to vector<16xf32>
    %div3A_240 = arith.divf %max3A_237, %div3A_239 : vector<16xf32>
    %mul3A_241 = arith.mulf %get3A_158, %select_n3A_230 : vector<16xf32>
    %sub3A_242 = arith.subf %mul3A_241, %mul3A_232 : vector<16xf32>
    %max3A_243 = arith.constant 1.000000e+00 : f32
    %max3A_244 = vector.broadcast %max3A_243 : f32 to vector<16xf32>
    %max3A_245 = arith.maximumf %sub3A_242, %max3A_244 : vector<16xf32>
    %div3A_246 = arith.constant 7.000000e+00 : f32
    %div3A_247 = vector.broadcast %div3A_246 : f32 to vector<16xf32>
    %div3A_248 = arith.divf %max3A_245, %div3A_247 : vector<16xf32>
    %mul3A_249 = arith.muli %convert_element_type3A_146, %shift_right_logical3A_190 : vector<16xi32>
    %add3A_250 = arith.addi %select_n3A_210, %mul3A_249 : vector<16xi32>
    %sub3A_251 = arith.constant 1 : i32
    %sub3A_252 = vector.broadcast %sub3A_251 : i32 to vector<16xi32>
    %sub3A_253 = arith.subi %shift_right_logical3A_184, %sub3A_252 : vector<16xi32>
    %convert_element_type3A_254 = arith.sitofp %shift_right_logical3A_184 : vector<16xi32> to vector<16xf32>
    %scan3A_255 = arith.constant 0 : i32
    %scan3A_256 = arith.constant 0 : i32
    %scan3A_257 = arith.constant 16 : i32
    %scan3A_258 = arith.addi %scan3A_256, %scan3A_257 : i32
    %scan3A_259 = arith.constant 1 : i32
    scf.for %scan3A_300 = %scan3A_256 to %scan3A_258 step %scan3A_259  : i32 {
      %broadcast_in_dim3A_301 = vector.broadcast %scan3A_300 : i32 to vector<16xi32>
      %broadcast_in_dim3A_302 = vector.shape_cast %broadcast_in_dim3A_301 : vector<16xi32> to vector<16x1xi32>
      %gather3A = vector.shape_cast %broadcast_in_dim3A_302 : vector<16x1xi32> to vector<16xi32>
      %gather3A_303 = tpu.dynamic_gather %add3A_250[%gather3A] in [0] : vector<16xi32>, vector<16xi32> -> vector<16xi32>
      %broadcast_in_dim3A_304 = vector.shape_cast %broadcast_in_dim3A_301 : vector<16xi32> to vector<16x1xi32>
      %gather3A_305 = vector.shape_cast %broadcast_in_dim3A_304 : vector<16x1xi32> to vector<16xi32>
      %gather3A_306 = tpu.dynamic_gather %shift_right_logical3A_184[%gather3A_305] in [0] : vector<16xi32>, vector<16xi32> -> vector<16xi32>
      %broadcast_in_dim3A_307 = vector.shape_cast %broadcast_in_dim3A_301 : vector<16xi32> to vector<16x1xi32>
      %gather3A_308 = vector.shape_cast %broadcast_in_dim3A_307 : vector<16x1xi32> to vector<16xi32>
      %gather3A_309 = tpu.dynamic_gather %sub3A_253[%gather3A_308] in [0] : vector<16xi32>, vector<16xi32> -> vector<16xi32>
      %broadcast_in_dim3A_310 = vector.shape_cast %broadcast_in_dim3A_301 : vector<16xi32> to vector<16x1xi32>
      %gather3A_311 = vector.shape_cast %broadcast_in_dim3A_310 : vector<16x1xi32> to vector<16xi32>
      %gather3A_312 = tpu.dynamic_gather %convert_element_type3A_254[%gather3A_311] in [0] : vector<16xf32>, vector<16xi32> -> vector<16xf32>
      %broadcast_in_dim3A_313 = vector.shape_cast %broadcast_in_dim3A_301 : vector<16xi32> to vector<16x1xi32>
      %gather3A_314 = vector.shape_cast %broadcast_in_dim3A_313 : vector<16x1xi32> to vector<16xi32>
      %gather3A_315 = tpu.dynamic_gather %mul3A_231[%gather3A_314] in [0] : vector<16xf32>, vector<16xi32> -> vector<16xf32>
      %broadcast_in_dim3A_316 = vector.shape_cast %broadcast_in_dim3A_301 : vector<16xi32> to vector<16x1xi32>
      %gather3A_317 = vector.shape_cast %broadcast_in_dim3A_316 : vector<16x1xi32> to vector<16xi32>
      %gather3A_318 = tpu.dynamic_gather %mul3A_232[%gather3A_317] in [0] : vector<16xf32>, vector<16xi32> -> vector<16xf32>
      %broadcast_in_dim3A_319 = vector.shape_cast %broadcast_in_dim3A_301 : vector<16xi32> to vector<16x1xi32>
      %gather3A_320 = vector.shape_cast %broadcast_in_dim3A_319 : vector<16x1xi32> to vector<16xi32>
      %gather3A_321 = tpu.dynamic_gather %div3A_240[%gather3A_320] in [0] : vector<16xf32>, vector<16xi32> -> vector<16xf32>
      %broadcast_in_dim3A_322 = vector.shape_cast %broadcast_in_dim3A_301 : vector<16xi32> to vector<16x1xi32>
      %gather3A_323 = vector.shape_cast %broadcast_in_dim3A_322 : vector<16x1xi32> to vector<16xi32>
      %gather3A_324 = tpu.dynamic_gather %div3A_248[%gather3A_323] in [0] : vector<16xf32>, vector<16xi32> -> vector<16xf32>
      %add3A_325 = arith.constant 16 : i32
      %add3A_326 = arith.addi %add3A_325, %scan3A_300 : i32
      %mul3A_327 = arith.constant 784 : i32
      %mul3A_328 = arith.muli %add3A_326, %mul3A_327 : i32
      %mul3A_329 = arith.mulf %mul3A_29, %gather3A_321 : vector<16xf32>
      %add3A_330 = arith.addf %gather3A_315, %mul3A_329 : vector<16xf32>
      %ge3A_331 = arith.constant -1.000000e+00 : f32
      %ge3A_332 = vector.broadcast %ge3A_331 : f32 to vector<16xf32>
      %ge3A_333 = arith.cmpf oge, %add3A_330, %ge3A_332 : vector<16xf32>
      %le3A = arith.cmpf ole, %add3A_330, %gather3A_312 : vector<16xf32>
      %and3A_334 = arith.andi %ge3A_333, %le3A : vector<16xi1>
      %jit3A = arith.constant 1.000000e+00 : f32
      %jit3A_335 = arith.constant 0.000000e+00 : f32
      %broadcast_in_dim3A_336 = vector.broadcast %jit3A : f32 to vector<16xf32>
      %broadcast_in_dim3A_337 = vector.broadcast %jit3A_335 : f32 to vector<16xf32>
      %select_n3A_338 = arith.select %and3A_334, %broadcast_in_dim3A_336, %broadcast_in_dim3A_337 : vector<16xi1>, vector<16xf32>
      %max3A_339 = arith.constant 0.000000e+00 : f32
      %max3A_340 = vector.broadcast %max3A_339 : f32 to vector<16xf32>
      %max3A_341 = arith.maximumf %add3A_330, %max3A_340 : vector<16xf32>
      %sub3A_342 = arith.constant 1.000000e+00 : f32
      %sub3A_343 = vector.broadcast %sub3A_342 : f32 to vector<16xf32>
      %sub3A_344 = arith.subf %gather3A_312, %sub3A_343 : vector<16xf32>
      %min3A_345 = arith.minimumf %max3A_341, %sub3A_344 : vector<16xf32>
      %convert_element_type3A_346 = arith.fptosi %min3A_345 : vector<16xf32> to vector<16xi32>
      %convert_element_type3A_347 = arith.sitofp %convert_element_type3A_346 : vector<16xi32> to vector<16xf32>
      %sub3A_348 = arith.subf %min3A_345, %convert_element_type3A_347 : vector<16xf32>
      %mul3A_349 = arith.mulf %sub3A_348, %select_n3A_338 : vector<16xf32>
      %sub3A_350 = arith.subf %select_n3A_338, %mul3A_349 : vector<16xf32>
      %mul3A_351 = arith.mulf %mul3A_29, %gather3A_324 : vector<16xf32>
      %add3A_352 = arith.addf %gather3A_318, %mul3A_351 : vector<16xf32>
      %ge3A_353 = arith.constant -1.000000e+00 : f32
      %ge3A_354 = vector.broadcast %ge3A_353 : f32 to vector<16xf32>
      %ge3A_355 = arith.cmpf oge, %add3A_352, %ge3A_354 : vector<16xf32>
      %le3A_356 = arith.cmpf ole, %add3A_352, %gather3A_312 : vector<16xf32>
      %and3A_357 = arith.andi %ge3A_355, %le3A_356 : vector<16xi1>
      %jit3A_358 = arith.constant 1.000000e+00 : f32
      %jit3A_359 = arith.constant 0.000000e+00 : f32
      %broadcast_in_dim3A_360 = vector.broadcast %jit3A_358 : f32 to vector<16xf32>
      %broadcast_in_dim3A_361 = vector.broadcast %jit3A_359 : f32 to vector<16xf32>
      %select_n3A_362 = arith.select %and3A_357, %broadcast_in_dim3A_360, %broadcast_in_dim3A_361 : vector<16xi1>, vector<16xf32>
      %max3A_363 = arith.constant 0.000000e+00 : f32
      %max3A_364 = vector.broadcast %max3A_363 : f32 to vector<16xf32>
      %max3A_365 = arith.maximumf %add3A_352, %max3A_364 : vector<16xf32>
      %sub3A_366 = arith.constant 1.000000e+00 : f32
      %sub3A_367 = vector.broadcast %sub3A_366 : f32 to vector<16xf32>
      %sub3A_368 = arith.subf %gather3A_312, %sub3A_367 : vector<16xf32>
      %min3A_369 = arith.minimumf %max3A_365, %sub3A_368 : vector<16xf32>
      %convert_element_type3A_370 = arith.fptosi %min3A_369 : vector<16xf32> to vector<16xi32>
      %convert_element_type3A_371 = arith.sitofp %convert_element_type3A_370 : vector<16xi32> to vector<16xf32>
      %sub3A_372 = arith.subf %min3A_369, %convert_element_type3A_371 : vector<16xf32>
      %mul3A_373 = arith.mulf %sub3A_372, %select_n3A_362 : vector<16xf32>
      %sub3A_374 = arith.subf %select_n3A_362, %mul3A_373 : vector<16xf32>
      %scan3A_375 = arith.constant 0 : i32
      %scan3A_376 = arith.constant 0 : i32
      %scan3A_377 = arith.constant 49 : i32
      %scan3A_378 = arith.addi %scan3A_376, %scan3A_377 : i32
      %scan3A_379 = arith.constant 1 : i32
      scf.for %scan3A_381 = %scan3A_376 to %scan3A_378 step %scan3A_379  : i32 {
        %jit3A_382 = arith.constant 7 : i32
        %div3A_383 = arith.divsi %scan3A_381, %jit3A_382 : i32
        %sign3A = arith.constant 0 : i32
        %sign3A_384 = arith.cmpi sgt, %scan3A_381, %sign3A : i32
        %sign3A_385 = arith.extui %sign3A_384 : i1 to i32
        %sign3A_386 = arith.constant 0 : i32
        %sign3A_387 = arith.cmpi slt, %scan3A_381, %sign3A_386 : i32
        %sign3A_388 = arith.extui %sign3A_387 : i1 to i32
        %sign3A_389 = arith.subi %sign3A_385, %sign3A_388 : i32
        %sign3A_390 = arith.constant 0 : i32
        %sign3A_391 = arith.cmpi sgt, %jit3A_382, %sign3A_390 : i32
        %sign3A_392 = arith.extui %sign3A_391 : i1 to i32
        %sign3A_393 = arith.constant 0 : i32
        %sign3A_394 = arith.cmpi slt, %jit3A_382, %sign3A_393 : i32
        %sign3A_395 = arith.extui %sign3A_394 : i1 to i32
        %sign3A_396 = arith.subi %sign3A_392, %sign3A_395 : i32
        %ne3A = arith.cmpi ne, %sign3A_389, %sign3A_396 : i32
        %rem3A = arith.remsi %scan3A_381, %jit3A_382 : i32
        %ne3A_397 = arith.constant 0 : i32
        %ne3A_398 = arith.cmpi ne, %rem3A, %ne3A_397 : i32
        %and3A_399 = arith.andi %ne3A, %ne3A_398 : i1
        %sub3A_400 = arith.constant 1 : i32
        %sub3A_401 = arith.subi %div3A_383, %sub3A_400 : i32
        %select_n3A_402 = arith.select %and3A_399, %sub3A_401, %div3A_383 : i32
        %mul3A_403 = arith.constant 7 : i32
        %mul3A_404 = arith.muli %mul3A_403, %select_n3A_402 : i32
        %sub3A_405 = arith.subi %scan3A_381, %mul3A_404 : i32
        %mul3A_406 = arith.constant 2 : i32
        %mul3A_407 = arith.muli %mul3A_406, %select_n3A_402 : i32
        %broadcast_in_dim3A_408 = vector.broadcast %mul3A_407 : i32 to vector<16xi32>
        %add3A_409 = arith.addi %broadcast_in_dim3A_408, %and3A_6 : vector<16xi32>
        %mul3A_410 = arith.constant 2 : i32
        %mul3A_411 = arith.muli %mul3A_410, %sub3A_405 : i32
        %broadcast_in_dim3A_412 = vector.broadcast %mul3A_411 : i32 to vector<16xi32>
        %add3A_413 = arith.addi %broadcast_in_dim3A_412, %and3A_12 : vector<16xi32>
        %broadcast_in_dim3A_414 = vector.shape_cast %add3A_409 : vector<16xi32> to vector<16x1xi32>
        %gather3A_415 = vector.shape_cast %broadcast_in_dim3A_414 : vector<16x1xi32> to vector<16xi32>
        %gather3A_416 = tpu.dynamic_gather %convert_element_type3A_370[%gather3A_415] in [0] : vector<16xi32>, vector<16xi32> -> vector<16xi32>
        %broadcast_in_dim3A_417 = vector.shape_cast %add3A_409 : vector<16xi32> to vector<16x1xi32>
        %gather3A_418 = vector.shape_cast %broadcast_in_dim3A_417 : vector<16x1xi32> to vector<16xi32>
        %gather3A_419 = tpu.dynamic_gather %sub3A_374[%gather3A_418] in [0] : vector<16xf32>, vector<16xi32> -> vector<16xf32>
        %broadcast_in_dim3A_420 = vector.shape_cast %add3A_409 : vector<16xi32> to vector<16x1xi32>
        %gather3A_421 = vector.shape_cast %broadcast_in_dim3A_420 : vector<16x1xi32> to vector<16xi32>
        %gather3A_422 = tpu.dynamic_gather %mul3A_373[%gather3A_421] in [0] : vector<16xf32>, vector<16xi32> -> vector<16xf32>
        %broadcast_in_dim3A_423 = vector.shape_cast %add3A_413 : vector<16xi32> to vector<16x1xi32>
        %gather3A_424 = vector.shape_cast %broadcast_in_dim3A_423 : vector<16x1xi32> to vector<16xi32>
        %gather3A_425 = tpu.dynamic_gather %convert_element_type3A_346[%gather3A_424] in [0] : vector<16xi32>, vector<16xi32> -> vector<16xi32>
        %broadcast_in_dim3A_426 = vector.shape_cast %add3A_413 : vector<16xi32> to vector<16x1xi32>
        %gather3A_427 = vector.shape_cast %broadcast_in_dim3A_426 : vector<16x1xi32> to vector<16xi32>
        %gather3A_428 = tpu.dynamic_gather %sub3A_350[%gather3A_427] in [0] : vector<16xf32>, vector<16xi32> -> vector<16xf32>
        %broadcast_in_dim3A_429 = vector.shape_cast %add3A_413 : vector<16xi32> to vector<16x1xi32>
        %gather3A_430 = vector.shape_cast %broadcast_in_dim3A_429 : vector<16x1xi32> to vector<16xi32>
        %gather3A_431 = tpu.dynamic_gather %mul3A_349[%gather3A_430] in [0] : vector<16xf32>, vector<16xi32> -> vector<16xf32>
        %sub3A_432 = arith.subf %gather3A_422, %gather3A_419 : vector<16xf32>
        %mul3A_433 = arith.mulf %convert_element_type3A_22, %sub3A_432 : vector<16xf32>
        %add3A_434 = arith.addf %gather3A_419, %mul3A_433 : vector<16xf32>
        %sub3A_435 = arith.subf %gather3A_431, %gather3A_428 : vector<16xf32>
        %mul3A_436 = arith.mulf %convert_element_type3A_23, %sub3A_435 : vector<16xf32>
        %add3A_437 = arith.addf %gather3A_428, %mul3A_436 : vector<16xf32>
        %add3A_438 = arith.addi %gather3A_416, %and3A_18 : vector<16xi32>
        %min3A_439 = arith.minsi %add3A_438, %gather3A_309 : vector<16xi32>
        %add3A_440 = arith.addi %gather3A_425, %and3A_21 : vector<16xi32>
        %min3A_441 = arith.minsi %add3A_440, %gather3A_309 : vector<16xi32>
        %mul3A_442 = arith.muli %min3A_439, %gather3A_306 : vector<16xi32>
        %add3A_443 = arith.addi %gather3A_303, %mul3A_442 : vector<16xi32>
        %add3A_444 = arith.addi %add3A_443, %min3A_441 : vector<16xi32>
        %mul3A_445 = arith.constant 16 : i32
        %mul3A_446 = arith.muli %scan3A_381, %mul3A_445 : i32
        %add3A_447 = arith.addi %mul3A_328, %mul3A_446 : i32
        %swap3A = arith.index_cast %add3A_447 : i32 to index
        %swap3A_448 = tpu.vector_load %arg14[%swap3A] {strides = array<i32>} : memref<25088xi32, #tpu.memory_space<vmem>>, vector<16xi32>,
        %swap3A_449 = vector.shape_cast %swap3A_448 : vector<16xi32> to vector<16xi32>
        %swap3A_450 = vector.shape_cast %add3A_444 : vector<16xi32> to vector<16xi32>
        tpu.vector_store %arg14[%swap3A], %swap3A_450 {strides = array<i32>} : memref<25088xi32, #tpu.memory_space<vmem>>, vector<16xi32>,
        %mul3A_451 = arith.mulf %add3A_434, %add3A_437 : vector<16xf32>
        %mul3A_452 = arith.constant 2.500000e-01 : f32
        %mul3A_453 = vector.broadcast %mul3A_452 : f32 to vector<16xf32>
        %mul3A_454 = arith.mulf %mul3A_451, %mul3A_453 : vector<16xf32>
        %mul3A_455 = arith.constant 16 : i32
        %mul3A_456 = arith.muli %scan3A_381, %mul3A_455 : i32
        %add3A_457 = arith.addi %mul3A_328, %mul3A_456 : i32
        %swap3A_458 = arith.index_cast %add3A_457 : i32 to index
        %swap3A_459 = tpu.vector_load %arg15[%swap3A_458] {strides = array<i32>} : memref<25088xf32, #tpu.memory_space<vmem>>, vector<16xf32>,
        %swap3A_460 = vector.shape_cast %swap3A_459 : vector<16xf32> to vector<16xf32>
        %swap3A_461 = vector.shape_cast %mul3A_454 : vector<16xf32> to vector<16xf32>
        tpu.vector_store %arg15[%swap3A_458], %swap3A_461 {strides = array<i32>} : memref<25088xf32, #tpu.memory_space<vmem>>, vector<16xf32>,
      }
      %scan3A_380 = arith.constant 49 : i32
    }
    %scan3A_260 = arith.constant 16 : i32
    %dma_start3A = arith.constant 0 : i32
    %dma_start3A_261 = arith.constant 0 : i32
    %dma_start3A_262 = tpu.memref_slice %arg16[%dma_start3A, %dma_start3A_261] : memref<336x128xi32, #tpu.memory_space<vmem>> -> memref<112x128xi32, #tpu.memory_space<vmem>>
    %dma_start3A_263 = arith.constant 0 : i32
    %dma_start3A_264 = tpu.memref_slice %arg14[%dma_start3A_263] : memref<25088xi32, #tpu.memory_space<vmem>> -> memref<112xi32, #tpu.memory_space<vmem>>
    %dma_start3A_265 = arith.constant 0 : i32
    %dma_start3A_266 = arith.constant 0 : i32
    %dma_start3A_267 = tpu.memref_slice %arg7[%dma_start3A_265, %dma_start3A_266] : memref<43520x128xi32, #tpu.memory_space<hbm>> -> memref<43520x128xi32, #tpu.memory_space<hbm>>
    tpu.enqueue_indirect_dma source(%dma_start3A_267 : memref<43520x128xi32, #tpu.memory_space<hbm>>) target(%dma_start3A_262 : memref<112x128xi32, #tpu.memory_space<vmem>>) offsets(%dma_start3A_264 : memref<112xi32, #tpu.memory_space<vmem>>) semaphore(%arg18 : memref<!tpu.dma_semaphore, #tpu.memory_space<semaphore_mem>>)
    %dma_start3A_268 = arith.constant 112 : i32
    %dma_start3A_269 = arith.constant 0 : i32
    %dma_start3A_270 = tpu.memref_slice %arg16[%dma_start3A_268, %dma_start3A_269] : memref<336x128xi32, #tpu.memory_space<vmem>> -> memref<112x128xi32, #tpu.memory_space<vmem>>
    %dma_start3A_271 = arith.constant 112 : i32
    %dma_start3A_272 = tpu.memref_slice %arg14[%dma_start3A_271] : memref<25088xi32, #tpu.memory_space<vmem>> -> memref<112xi32, #tpu.memory_space<vmem>>
    %dma_start3A_273 = arith.constant 0 : i32
    %dma_start3A_274 = arith.constant 0 : i32
    %dma_start3A_275 = tpu.memref_slice %arg7[%dma_start3A_273, %dma_start3A_274] : memref<43520x128xi32, #tpu.memory_space<hbm>> -> memref<43520x128xi32, #tpu.memory_space<hbm>>
    tpu.enqueue_indirect_dma source(%dma_start3A_275 : memref<43520x128xi32, #tpu.memory_space<hbm>>) target(%dma_start3A_270 : memref<112x128xi32, #tpu.memory_space<vmem>>) offsets(%dma_start3A_272 : memref<112xi32, #tpu.memory_space<vmem>>) semaphore(%arg18 : memref<!tpu.dma_semaphore, #tpu.memory_space<semaphore_mem>>)
    %scan3A_276 = arith.constant 0 : i32
    %scan3A_277 = arith.constant 0 : i32
    %scan3A_278 = arith.constant 224 : i32
    %scan3A_279 = arith.addi %scan3A_277, %scan3A_278 : i32
    %scan3A_280 = arith.constant 1 : i32
    scf.for %scan3A_300 = %scan3A_277 to %scan3A_279 step %scan3A_280  : i32 {
      %add3A_301 = arith.constant 2 : i32
      %add3A_302 = arith.addi %scan3A_300, %add3A_301 : i32
      %lt3A = arith.constant 224 : i32
      %lt3A_303 = arith.cmpi slt, %add3A_302, %lt3A : i32
      %convert_element_type3A_304 = arith.extui %lt3A_303 : i1 to i32
      %cond3A = arith.constant 0 : i32
      %cond3A_305 = arith.cmpi ne, %convert_element_type3A_304, %cond3A : i32
      scf.if %cond3A_305 {
        %add3A_373 = arith.constant 2 : i32
        %add3A_374 = arith.addi %scan3A_300, %add3A_373 : i32
        %add3A_375 = arith.constant 2 : i32
        %add3A_376 = arith.addi %scan3A_300, %add3A_375 : i32
        %rem3A_377 = arith.constant 3 : i32
        %rem3A_378 = arith.remsi %add3A_376, %rem3A_377 : i32
        %mul3A_379 = arith.constant 112 : i32
        %mul3A_380 = arith.muli %add3A_374, %mul3A_379 : i32
        %mul3A_381 = arith.constant 112 : i32
        %mul3A_382 = arith.muli %rem3A_378, %mul3A_381 : i32
        %dma_start3A_383 = arith.constant 0 : i32
        %dma_start3A_384 = tpu.memref_slice %arg16[%mul3A_382, %dma_start3A_383] : memref<336x128xi32, #tpu.memory_space<vmem>> -> memref<112x128xi32, #tpu.memory_space<vmem>>
        %dma_start3A_385 = tpu.memref_slice %arg14[%mul3A_380] : memref<25088xi32, #tpu.memory_space<vmem>> -> memref<112xi32, #tpu.memory_space<vmem>>
        %dma_start3A_386 = arith.constant 0 : i32
        %dma_start3A_387 = arith.constant 0 : i32
        %dma_start3A_388 = tpu.memref_slice %arg7[%dma_start3A_386, %dma_start3A_387] : memref<43520x128xi32, #tpu.memory_space<hbm>> -> memref<43520x128xi32, #tpu.memory_space<hbm>>
        tpu.enqueue_indirect_dma source(%dma_start3A_388 : memref<43520x128xi32, #tpu.memory_space<hbm>>) target(%dma_start3A_384 : memref<112x128xi32, #tpu.memory_space<vmem>>) offsets(%dma_start3A_385 : memref<112xi32, #tpu.memory_space<vmem>>) semaphore(%arg18 : memref<!tpu.dma_semaphore, #tpu.memory_space<semaphore_mem>>)
      } else {
      }
      %dma_wait3A = arith.constant 0 : i32
      %dma_wait3A_306 = arith.constant 0 : i32
      %dma_wait3A_307 = tpu.memref_slice %arg16[%dma_wait3A, %dma_wait3A_306] : memref<336x128xi32, #tpu.memory_space<vmem>> -> memref<112x128xi32, #tpu.memory_space<vmem>>
      %dma_wait3A_308 = arith.constant 0 : i32
      %dma_wait3A_309 = tpu.memref_slice %arg14[%dma_wait3A_308] : memref<25088xi32, #tpu.memory_space<vmem>> -> memref<112xi32, #tpu.memory_space<vmem>>
      %dma_wait3A_310 = arith.constant 0 : i32
      %dma_wait3A_311 = arith.constant 0 : i32
      %dma_wait3A_312 = tpu.memref_slice %arg7[%dma_wait3A_310, %dma_wait3A_311] : memref<43520x128xi32, #tpu.memory_space<hbm>> -> memref<43520x128xi32, #tpu.memory_space<hbm>>
      tpu.wait_indirect_dma semaphore(%arg18 : memref<!tpu.dma_semaphore, #tpu.memory_space<semaphore_mem>>) src(%dma_wait3A_312 : memref<43520x128xi32, #tpu.memory_space<hbm>>) dst(%dma_wait3A_307 : memref<112x128xi32, #tpu.memory_space<vmem>>)
      %rem3A = arith.constant 3 : i32
      %rem3A_313 = arith.remsi %scan3A_300, %rem3A : i32
      %mul3A_314 = arith.constant 112 : i32
      %mul3A_315 = arith.muli %rem3A_313, %mul3A_314 : i32
      %jit3A = arith.constant 7 : i32
      %div3A_316 = arith.divsi %scan3A_300, %jit3A : i32
      %sign3A = arith.constant 0 : i32
      %sign3A_317 = arith.cmpi sgt, %scan3A_300, %sign3A : i32
      %sign3A_318 = arith.extui %sign3A_317 : i1 to i32
      %sign3A_319 = arith.constant 0 : i32
      %sign3A_320 = arith.cmpi slt, %scan3A_300, %sign3A_319 : i32
      %sign3A_321 = arith.extui %sign3A_320 : i1 to i32
      %sign3A_322 = arith.subi %sign3A_318, %sign3A_321 : i32
      %sign3A_323 = arith.constant 0 : i32
      %sign3A_324 = arith.cmpi sgt, %jit3A, %sign3A_323 : i32
      %sign3A_325 = arith.extui %sign3A_324 : i1 to i32
      %sign3A_326 = arith.constant 0 : i32
      %sign3A_327 = arith.cmpi slt, %jit3A, %sign3A_326 : i32
      %sign3A_328 = arith.extui %sign3A_327 : i1 to i32
      %sign3A_329 = arith.subi %sign3A_325, %sign3A_328 : i32
      %ne3A = arith.cmpi ne, %sign3A_322, %sign3A_329 : i32
      %rem3A_330 = arith.remsi %scan3A_300, %jit3A : i32
      %ne3A_331 = arith.constant 0 : i32
      %ne3A_332 = arith.cmpi ne, %rem3A_330, %ne3A_331 : i32
      %and3A_333 = arith.andi %ne3A, %ne3A_332 : i1
      %sub3A_334 = arith.constant 1 : i32
      %sub3A_335 = arith.subi %div3A_316, %sub3A_334 : i32
      %select_n3A_336 = arith.select %and3A_333, %sub3A_335, %div3A_316 : i32
      %mul3A_337 = arith.constant 7 : i32
      %mul3A_338 = arith.muli %mul3A_337, %select_n3A_336 : i32
      %sub3A_339 = arith.subi %scan3A_300, %mul3A_338 : i32
      %and3A_340 = arith.constant 1 : i32
      %and3A_341 = arith.andi %select_n3A_336, %and3A_340 : i32
      %mul3A_342 = arith.constant 12544 : i32
      %mul3A_343 = arith.muli %and3A_341, %mul3A_342 : i32
      %eq3A_344 = arith.constant 0 : i32
      %eq3A_345 = arith.cmpi eq, %sub3A_339, %eq3A_344 : i32
      %ge3A_346 = arith.constant 2 : i32
      %ge3A_347 = arith.cmpi sge, %select_n3A_336, %ge3A_346 : i32
      %and3A_348 = arith.andi %eq3A_345, %ge3A_347 : i1
      %add3A_349 = arith.addi %mul3A_2, %select_n3A_336 : i32
      %sub3A_350 = arith.constant 2 : i32
      %sub3A_351 = arith.subi %add3A_349, %sub3A_350 : i32
      %lt3A_352 = arith.constant 1000 : i32
      %lt3A_353 = arith.cmpi slt, %sub3A_351, %lt3A_352 : i32
      %and3A_354 = arith.andi %and3A_348, %lt3A_353 : i1
      %convert_element_type3A_355 = arith.extui %and3A_354 : i1 to i32
      %cond3A_356 = arith.constant 0 : i32
      %cond3A_357 = arith.cmpi ne, %convert_element_type3A_355, %cond3A_356 : i32
      scf.if %cond3A_357 {
        %dma_wait3A_373 = arith.constant 0 : i32
        %dma_wait3A_374 = tpu.memref_slice %arg17[%dma_wait3A_373] : memref<25088xf32, #tpu.memory_space<vmem>> -> memref<12544xf32, #tpu.memory_space<vmem>>
        %dma_wait3A_375 = arith.constant 0 : i32
        %dma_wait3A_376 = tpu.memref_slice %arg8[%mul3A_2, %dma_wait3A_375] : memref<1000x12544xf32, #tpu.memory_space<hbm>> -> memref<1x12544xf32, #tpu.memory_space<hbm>>
        %dma_wait3A_377 = tpu.memref_squeeze %dma_wait3A_376 : memref<1x12544xf32, #tpu.memory_space<hbm>> -> memref<12544xf32, #tpu.memory_space<hbm>>
        %dma_wait3A_378 = arith.constant 0 : i32
        %dma_wait3A_379 = tpu.memref_slice %arg8[%mul3A_2, %dma_wait3A_378] : memref<1000x12544xf32, #tpu.memory_space<hbm>> -> memref<1x12544xf32, #tpu.memory_space<hbm>>
        %dma_wait3A_380 = tpu.memref_squeeze %dma_wait3A_379 : memref<1x12544xf32, #tpu.memory_space<hbm>> -> memref<12544xf32, #tpu.memory_space<hbm>>
        %dma_wait3A_381 = arith.constant 0 : i32
        %dma_wait3A_382 = tpu.memref_slice %arg17[%dma_wait3A_381] : memref<25088xf32, #tpu.memory_space<vmem>> -> memref<12544xf32, #tpu.memory_space<vmem>>
        tpu.wait_dma2 semaphore(%arg19 : memref<!tpu.dma_semaphore, #tpu.memory_space<semaphore_mem>>) src(%dma_wait3A_382 : memref<12544xf32, #tpu.memory_space<vmem>>) dst(%dma_wait3A_380 : memref<12544xf32, #tpu.memory_space<hbm>>)
      } else {
      }
      %scan3A_358 = arith.constant 0 : i32
      %scan3A_359 = arith.constant 0 : i32
      %scan3A_360 = arith.constant 7 : i32
      %scan3A_361 = arith.addi %scan3A_359, %scan3A_360 : i32
      %scan3A_362 = arith.constant 1 : i32
      scf.for %scan3A_373 = %scan3A_359 to %scan3A_361 step %scan3A_362  : i32 {
        %mul3A_374 = arith.constant 7 : i32
        %mul3A_375 = arith.muli %sub3A_339, %mul3A_374 : i32
        %add3A_376 = arith.addi %mul3A_375, %scan3A_373 : i32
        %mul3A_377 = arith.constant 49 : i32
        %mul3A_378 = arith.muli %select_n3A_336, %mul3A_377 : i32
        %add3A_379 = arith.addi %mul3A_378, %add3A_376 : i32
        %mul3A_380 = arith.constant 16 : i32
        %mul3A_381 = arith.muli %add3A_379, %mul3A_380 : i32
        %get3A_382 = arith.index_cast %mul3A_381 : i32 to index
        %get3A_383 = tpu.vector_load %arg15[%get3A_382] {strides = array<i32>} : memref<25088xf32, #tpu.memory_space<vmem>>, vector<16xf32>,
        %get3A_384 = vector.shape_cast %get3A_383 : vector<16xf32> to vector<16xf32>
        %broadcast_in_dim3A_385 = arith.constant 0.000000e+00 : f32
        %broadcast_in_dim3A_386 = vector.broadcast %broadcast_in_dim3A_385 : f32 to vector<16xf32>
        %broadcast_in_dim3A_387 = arith.constant 0.000000e+00 : f32
        %broadcast_in_dim3A_388 = vector.broadcast %broadcast_in_dim3A_387 : f32 to vector<16xf32>
        %broadcast_in_dim3A_389 = arith.constant 0.000000e+00 : f32
        %broadcast_in_dim3A_390 = vector.broadcast %broadcast_in_dim3A_389 : f32 to vector<16xf32>
        %broadcast_in_dim3A_391 = arith.constant 0.000000e+00 : f32
        %broadcast_in_dim3A_392 = vector.broadcast %broadcast_in_dim3A_391 : f32 to vector<16xf32>
        %broadcast_in_dim3A_393 = arith.constant 0.000000e+00 : f32
        %broadcast_in_dim3A_394 = vector.broadcast %broadcast_in_dim3A_393 : f32 to vector<16xf32>
        %broadcast_in_dim3A_395 = arith.constant 0.000000e+00 : f32
        %broadcast_in_dim3A_396 = vector.broadcast %broadcast_in_dim3A_395 : f32 to vector<16xf32>
        %broadcast_in_dim3A_397 = arith.constant 0.000000e+00 : f32
        %broadcast_in_dim3A_398 = vector.broadcast %broadcast_in_dim3A_397 : f32 to vector<16xf32>
        %broadcast_in_dim3A_399 = arith.constant 0.000000e+00 : f32
        %broadcast_in_dim3A_400 = vector.broadcast %broadcast_in_dim3A_399 : f32 to vector<16xf32>
        %broadcast_in_dim3A_401 = arith.constant 0.000000e+00 : f32
        %broadcast_in_dim3A_402 = vector.broadcast %broadcast_in_dim3A_401 : f32 to vector<16xf32>
        %broadcast_in_dim3A_403 = arith.constant 0.000000e+00 : f32
        %broadcast_in_dim3A_404 = vector.broadcast %broadcast_in_dim3A_403 : f32 to vector<16xf32>
        %broadcast_in_dim3A_405 = arith.constant 0.000000e+00 : f32
        %broadcast_in_dim3A_406 = vector.broadcast %broadcast_in_dim3A_405 : f32 to vector<16xf32>
        %broadcast_in_dim3A_407 = arith.constant 0.000000e+00 : f32
        %broadcast_in_dim3A_408 = vector.broadcast %broadcast_in_dim3A_407 : f32 to vector<16xf32>
        %broadcast_in_dim3A_409 = arith.constant 0.000000e+00 : f32
        %broadcast_in_dim3A_410 = vector.broadcast %broadcast_in_dim3A_409 : f32 to vector<16xf32>
        %broadcast_in_dim3A_411 = arith.constant 0.000000e+00 : f32
        %broadcast_in_dim3A_412 = vector.broadcast %broadcast_in_dim3A_411 : f32 to vector<16xf32>
        %broadcast_in_dim3A_413 = arith.constant 0.000000e+00 : f32
        %broadcast_in_dim3A_414 = vector.broadcast %broadcast_in_dim3A_413 : f32 to vector<16xf32>
        %broadcast_in_dim3A_415 = arith.constant 0.000000e+00 : f32
        %broadcast_in_dim3A_416 = vector.broadcast %broadcast_in_dim3A_415 : f32 to vector<16xf32>
        %broadcast_in_dim3A_417 = arith.constant 0 : i32
        %broadcast_in_dim3A_418 = vector.broadcast %broadcast_in_dim3A_417 : i32 to vector<16xi32>
        %broadcast_in_dim3A_419 = vector.shape_cast %broadcast_in_dim3A_418 : vector<16xi32> to vector<16x1xi32>
        %gather3A = vector.shape_cast %broadcast_in_dim3A_419 : vector<16x1xi32> to vector<16xi32>
        %gather3A_420 = tpu.dynamic_gather %get3A_384[%gather3A] in [0] : vector<16xf32>, vector<16xi32> -> vector<16xf32>
        %mul3A_421 = arith.constant 16 : i32
        %mul3A_422 = arith.muli %scan3A_373, %mul3A_421 : i32
        %add3A_423 = arith.addi %mul3A_315, %mul3A_422 : i32
        %add3A_424 = arith.constant 0 : i32
        %add3A_425 = arith.addi %add3A_423, %add3A_424 : i32
        %get3A_426 = arith.index_cast %add3A_425 : i32 to index
        %get3A_427 = arith.constant 0 : index
        %get3A_428 = tpu.vector_load %arg16[%get3A_426, %get3A_427] {strides = array<i32>} : memref<336x128xi32, #tpu.memory_space<vmem>>, vector<1x16xi32>,
        %get3A_429 = vector.shape_cast %get3A_428 : vector<1x16xi32> to vector<16xi32>
        %shift_left3A = arith.constant 16 : i32
        %shift_left3A_430 = vector.broadcast %shift_left3A : i32 to vector<16xi32>
        %shift_left3A_431 = arith.shli %get3A_429, %shift_left3A_430 : vector<16xi32>
        %bitcast_convert_type3A = tpu.bitcast %shift_left3A_431 : vector<16xi32> -> vector<16xf32>
        %bitcast_convert_type3A_432 = tpu.bitcast %get3A_429 : vector<16xi32> -> vector<16xf32>
        %mul3A_433 = arith.mulf %gather3A_420, %bitcast_convert_type3A : vector<16xf32>
        %add3A_434 = arith.addf %broadcast_in_dim3A_386, %mul3A_433 : vector<16xf32>
        %mul3A_435 = arith.mulf %gather3A_420, %bitcast_convert_type3A_432 : vector<16xf32>
        %add3A_436 = arith.addf %broadcast_in_dim3A_388, %mul3A_435 : vector<16xf32>
        %get3A_437 = arith.index_cast %add3A_425 : i32 to index
        %get3A_438 = arith.constant 16 : index
        %get3A_439 = tpu.vector_load %arg16[%get3A_437, %get3A_438] {strides = array<i32>} : memref<336x128xi32, #tpu.memory_space<vmem>>, vector<1x16xi32>,
        %get3A_440 = vector.shape_cast %get3A_439 : vector<1x16xi32> to vector<16xi32>
        %shift_left3A_441 = arith.constant 16 : i32
        %shift_left3A_442 = vector.broadcast %shift_left3A_441 : i32 to vector<16xi32>
        %shift_left3A_443 = arith.shli %get3A_440, %shift_left3A_442 : vector<16xi32>
        %bitcast_convert_type3A_444 = tpu.bitcast %shift_left3A_443 : vector<16xi32> -> vector<16xf32>
        %bitcast_convert_type3A_445 = tpu.bitcast %get3A_440 : vector<16xi32> -> vector<16xf32>
        %mul3A_446 = arith.mulf %gather3A_420, %bitcast_convert_type3A_444 : vector<16xf32>
        %add3A_447 = arith.addf %broadcast_in_dim3A_390, %mul3A_446 : vector<16xf32>
        %mul3A_448 = arith.mulf %gather3A_420, %bitcast_convert_type3A_445 : vector<16xf32>
        %add3A_449 = arith.addf %broadcast_in_dim3A_392, %mul3A_448 : vector<16xf32>
        %get3A_450 = arith.index_cast %add3A_425 : i32 to index
        %get3A_451 = arith.constant 32 : index
        %get3A_452 = tpu.vector_load %arg16[%get3A_450, %get3A_451] {strides = array<i32>} : memref<336x128xi32, #tpu.memory_space<vmem>>, vector<1x16xi32>,
        %get3A_453 = vector.shape_cast %get3A_452 : vector<1x16xi32> to vector<16xi32>
        %shift_left3A_454 = arith.constant 16 : i32
        %shift_left3A_455 = vector.broadcast %shift_left3A_454 : i32 to vector<16xi32>
        %shift_left3A_456 = arith.shli %get3A_453, %shift_left3A_455 : vector<16xi32>
        %bitcast_convert_type3A_457 = tpu.bitcast %shift_left3A_456 : vector<16xi32> -> vector<16xf32>
        %bitcast_convert_type3A_458 = tpu.bitcast %get3A_453 : vector<16xi32> -> vector<16xf32>
        %mul3A_459 = arith.mulf %gather3A_420, %bitcast_convert_type3A_457 : vector<16xf32>
        %add3A_460 = arith.addf %broadcast_in_dim3A_394, %mul3A_459 : vector<16xf32>
        %mul3A_461 = arith.mulf %gather3A_420, %bitcast_convert_type3A_458 : vector<16xf32>
        %add3A_462 = arith.addf %broadcast_in_dim3A_396, %mul3A_461 : vector<16xf32>
        %get3A_463 = arith.index_cast %add3A_425 : i32 to index
        %get3A_464 = arith.constant 48 : index
        %get3A_465 = tpu.vector_load %arg16[%get3A_463, %get3A_464] {strides = array<i32>} : memref<336x128xi32, #tpu.memory_space<vmem>>, vector<1x16xi32>,
        %get3A_466 = vector.shape_cast %get3A_465 : vector<1x16xi32> to vector<16xi32>
        %shift_left3A_467 = arith.constant 16 : i32
        %shift_left3A_468 = vector.broadcast %shift_left3A_467 : i32 to vector<16xi32>
        %shift_left3A_469 = arith.shli %get3A_466, %shift_left3A_468 : vector<16xi32>
        %bitcast_convert_type3A_470 = tpu.bitcast %shift_left3A_469 : vector<16xi32> -> vector<16xf32>
        %bitcast_convert_type3A_471 = tpu.bitcast %get3A_466 : vector<16xi32> -> vector<16xf32>
        %mul3A_472 = arith.mulf %gather3A_420, %bitcast_convert_type3A_470 : vector<16xf32>
        %add3A_473 = arith.addf %broadcast_in_dim3A_398, %mul3A_472 : vector<16xf32>
        %mul3A_474 = arith.mulf %gather3A_420, %bitcast_convert_type3A_471 : vector<16xf32>
        %add3A_475 = arith.addf %broadcast_in_dim3A_400, %mul3A_474 : vector<16xf32>
        %get3A_476 = arith.index_cast %add3A_425 : i32 to index
        %get3A_477 = arith.constant 64 : index
        %get3A_478 = tpu.vector_load %arg16[%get3A_476, %get3A_477] {strides = array<i32>} : memref<336x128xi32, #tpu.memory_space<vmem>>, vector<1x16xi32>,
        %get3A_479 = vector.shape_cast %get3A_478 : vector<1x16xi32> to vector<16xi32>
        %shift_left3A_480 = arith.constant 16 : i32
        %shift_left3A_481 = vector.broadcast %shift_left3A_480 : i32 to vector<16xi32>
        %shift_left3A_482 = arith.shli %get3A_479, %shift_left3A_481 : vector<16xi32>
        %bitcast_convert_type3A_483 = tpu.bitcast %shift_left3A_482 : vector<16xi32> -> vector<16xf32>
        %bitcast_convert_type3A_484 = tpu.bitcast %get3A_479 : vector<16xi32> -> vector<16xf32>
        %mul3A_485 = arith.mulf %gather3A_420, %bitcast_convert_type3A_483 : vector<16xf32>
        %add3A_486 = arith.addf %broadcast_in_dim3A_402, %mul3A_485 : vector<16xf32>
        %mul3A_487 = arith.mulf %gather3A_420, %bitcast_convert_type3A_484 : vector<16xf32>
        %add3A_488 = arith.addf %broadcast_in_dim3A_404, %mul3A_487 : vector<16xf32>
        %get3A_489 = arith.index_cast %add3A_425 : i32 to index
        %get3A_490 = arith.constant 80 : index
        %get3A_491 = tpu.vector_load %arg16[%get3A_489, %get3A_490] {strides = array<i32>} : memref<336x128xi32, #tpu.memory_space<vmem>>, vector<1x16xi32>,
        %get3A_492 = vector.shape_cast %get3A_491 : vector<1x16xi32> to vector<16xi32>
        %shift_left3A_493 = arith.constant 16 : i32
        %shift_left3A_494 = vector.broadcast %shift_left3A_493 : i32 to vector<16xi32>
        %shift_left3A_495 = arith.shli %get3A_492, %shift_left3A_494 : vector<16xi32>
        %bitcast_convert_type3A_496 = tpu.bitcast %shift_left3A_495 : vector<16xi32> -> vector<16xf32>
        %bitcast_convert_type3A_497 = tpu.bitcast %get3A_492 : vector<16xi32> -> vector<16xf32>
        %mul3A_498 = arith.mulf %gather3A_420, %bitcast_convert_type3A_496 : vector<16xf32>
        %add3A_499 = arith.addf %broadcast_in_dim3A_406, %mul3A_498 : vector<16xf32>
        %mul3A_500 = arith.mulf %gather3A_420, %bitcast_convert_type3A_497 : vector<16xf32>
        %add3A_501 = arith.addf %broadcast_in_dim3A_408, %mul3A_500 : vector<16xf32>
        %get3A_502 = arith.index_cast %add3A_425 : i32 to index
        %get3A_503 = arith.constant 96 : index
        %get3A_504 = tpu.vector_load %arg16[%get3A_502, %get3A_503] {strides = array<i32>} : memref<336x128xi32, #tpu.memory_space<vmem>>, vector<1x16xi32>,
        %get3A_505 = vector.shape_cast %get3A_504 : vector<1x16xi32> to vector<16xi32>
        %shift_left3A_506 = arith.constant 16 : i32
        %shift_left3A_507 = vector.broadcast %shift_left3A_506 : i32 to vector<16xi32>
        %shift_left3A_508 = arith.shli %get3A_505, %shift_left3A_507 : vector<16xi32>
        %bitcast_convert_type3A_509 = tpu.bitcast %shift_left3A_508 : vector<16xi32> -> vector<16xf32>
        %bitcast_convert_type3A_510 = tpu.bitcast %get3A_505 : vector<16xi32> -> vector<16xf32>
        %mul3A_511 = arith.mulf %gather3A_420, %bitcast_convert_type3A_509 : vector<16xf32>
        %add3A_512 = arith.addf %broadcast_in_dim3A_410, %mul3A_511 : vector<16xf32>
        %mul3A_513 = arith.mulf %gather3A_420, %bitcast_convert_type3A_510 : vector<16xf32>
        %add3A_514 = arith.addf %broadcast_in_dim3A_412, %mul3A_513 : vector<16xf32>
        %get3A_515 = arith.index_cast %add3A_425 : i32 to index
        %get3A_516 = arith.constant 112 : index
        %get3A_517 = tpu.vector_load %arg16[%get3A_515, %get3A_516] {strides = array<i32>} : memref<336x128xi32, #tpu.memory_space<vmem>>, vector<1x16xi32>,
        %get3A_518 = vector.shape_cast %get3A_517 : vector<1x16xi32> to vector<16xi32>
        %shift_left3A_519 = arith.constant 16 : i32
        %shift_left3A_520 = vector.broadcast %shift_left3A_519 : i32 to vector<16xi32>
        %shift_left3A_521 = arith.shli %get3A_518, %shift_left3A_520 : vector<16xi32>
        %bitcast_convert_type3A_522 = tpu.bitcast %shift_left3A_521 : vector<16xi32> -> vector<16xf32>
        %bitcast_convert_type3A_523 = tpu.bitcast %get3A_518 : vector<16xi32> -> vector<16xf32>
        %mul3A_524 = arith.mulf %gather3A_420, %bitcast_convert_type3A_522 : vector<16xf32>
        %add3A_525 = arith.addf %broadcast_in_dim3A_414, %mul3A_524 : vector<16xf32>
        %mul3A_526 = arith.mulf %gather3A_420, %bitcast_convert_type3A_523 : vector<16xf32>
        %add3A_527 = arith.addf %broadcast_in_dim3A_416, %mul3A_526 : vector<16xf32>
        %broadcast_in_dim3A_528 = arith.constant 1 : i32
        %broadcast_in_dim3A_529 = vector.broadcast %broadcast_in_dim3A_528 : i32 to vector<16xi32>
        %broadcast_in_dim3A_530 = vector.shape_cast %broadcast_in_dim3A_529 : vector<16xi32> to vector<16x1xi32>
        %gather3A_531 = vector.shape_cast %broadcast_in_dim3A_530 : vector<16x1xi32> to vector<16xi32>
        %gather3A_532 = tpu.dynamic_gather %get3A_384[%gather3A_531] in [0] : vector<16xf32>, vector<16xi32> -> vector<16xf32>
        %mul3A_533 = arith.constant 16 : i32
        %mul3A_534 = arith.muli %scan3A_373, %mul3A_533 : i32
        %add3A_535 = arith.addi %mul3A_315, %mul3A_534 : i32
        %add3A_536 = arith.constant 1 : i32
        %add3A_537 = arith.addi %add3A_535, %add3A_536 : i32
        %get3A_538 = arith.index_cast %add3A_537 : i32 to index
        %get3A_539 = arith.constant 0 : index
        %get3A_540 = tpu.vector_load %arg16[%get3A_538, %get3A_539] {strides = array<i32>} : memref<336x128xi32, #tpu.memory_space<vmem>>, vector<1x16xi32>,
        %get3A_541 = vector.shape_cast %get3A_540 : vector<1x16xi32> to vector<16xi32>
        %shift_left3A_542 = arith.constant 16 : i32
        %shift_left3A_543 = vector.broadcast %shift_left3A_542 : i32 to vector<16xi32>
        %shift_left3A_544 = arith.shli %get3A_541, %shift_left3A_543 : vector<16xi32>
        %bitcast_convert_type3A_545 = tpu.bitcast %shift_left3A_544 : vector<16xi32> -> vector<16xf32>
        %bitcast_convert_type3A_546 = tpu.bitcast %get3A_541 : vector<16xi32> -> vector<16xf32>
        %mul3A_547 = arith.mulf %gather3A_532, %bitcast_convert_type3A_545 : vector<16xf32>
        %add3A_548 = arith.addf %add3A_434, %mul3A_547 : vector<16xf32>
        %mul3A_549 = arith.mulf %gather3A_532, %bitcast_convert_type3A_546 : vector<16xf32>
        %add3A_550 = arith.addf %add3A_436, %mul3A_549 : vector<16xf32>
        %get3A_551 = arith.index_cast %add3A_537 : i32 to index
        %get3A_552 = arith.constant 16 : index
        %get3A_553 = tpu.vector_load %arg16[%get3A_551, %get3A_552] {strides = array<i32>} : memref<336x128xi32, #tpu.memory_space<vmem>>, vector<1x16xi32>,
        %get3A_554 = vector.shape_cast %get3A_553 : vector<1x16xi32> to vector<16xi32>
        %shift_left3A_555 = arith.constant 16 : i32
        %shift_left3A_556 = vector.broadcast %shift_left3A_555 : i32 to vector<16xi32>
        %shift_left3A_557 = arith.shli %get3A_554, %shift_left3A_556 : vector<16xi32>
        %bitcast_convert_type3A_558 = tpu.bitcast %shift_left3A_557 : vector<16xi32> -> vector<16xf32>
        %bitcast_convert_type3A_559 = tpu.bitcast %get3A_554 : vector<16xi32> -> vector<16xf32>
        %mul3A_560 = arith.mulf %gather3A_532, %bitcast_convert_type3A_558 : vector<16xf32>
        %add3A_561 = arith.addf %add3A_447, %mul3A_560 : vector<16xf32>
        %mul3A_562 = arith.mulf %gather3A_532, %bitcast_convert_type3A_559 : vector<16xf32>
        %add3A_563 = arith.addf %add3A_449, %mul3A_562 : vector<16xf32>
        %get3A_564 = arith.index_cast %add3A_537 : i32 to index
        %get3A_565 = arith.constant 32 : index
        %get3A_566 = tpu.vector_load %arg16[%get3A_564, %get3A_565] {strides = array<i32>} : memref<336x128xi32, #tpu.memory_space<vmem>>, vector<1x16xi32>,
        %get3A_567 = vector.shape_cast %get3A_566 : vector<1x16xi32> to vector<16xi32>
        %shift_left3A_568 = arith.constant 16 : i32
        %shift_left3A_569 = vector.broadcast %shift_left3A_568 : i32 to vector<16xi32>
        %shift_left3A_570 = arith.shli %get3A_567, %shift_left3A_569 : vector<16xi32>
        %bitcast_convert_type3A_571 = tpu.bitcast %shift_left3A_570 : vector<16xi32> -> vector<16xf32>
        %bitcast_convert_type3A_572 = tpu.bitcast %get3A_567 : vector<16xi32> -> vector<16xf32>
        %mul3A_573 = arith.mulf %gather3A_532, %bitcast_convert_type3A_571 : vector<16xf32>
        %add3A_574 = arith.addf %add3A_460, %mul3A_573 : vector<16xf32>
        %mul3A_575 = arith.mulf %gather3A_532, %bitcast_convert_type3A_572 : vector<16xf32>
        %add3A_576 = arith.addf %add3A_462, %mul3A_575 : vector<16xf32>
        %get3A_577 = arith.index_cast %add3A_537 : i32 to index
        %get3A_578 = arith.constant 48 : index
        %get3A_579 = tpu.vector_load %arg16[%get3A_577, %get3A_578] {strides = array<i32>} : memref<336x128xi32, #tpu.memory_space<vmem>>, vector<1x16xi32>,
        %get3A_580 = vector.shape_cast %get3A_579 : vector<1x16xi32> to vector<16xi32>
        %shift_left3A_581 = arith.constant 16 : i32
        %shift_left3A_582 = vector.broadcast %shift_left3A_581 : i32 to vector<16xi32>
        %shift_left3A_583 = arith.shli %get3A_580, %shift_left3A_582 : vector<16xi32>
        %bitcast_convert_type3A_584 = tpu.bitcast %shift_left3A_583 : vector<16xi32> -> vector<16xf32>
        %bitcast_convert_type3A_585 = tpu.bitcast %get3A_580 : vector<16xi32> -> vector<16xf32>
        %mul3A_586 = arith.mulf %gather3A_532, %bitcast_convert_type3A_584 : vector<16xf32>
        %add3A_587 = arith.addf %add3A_473, %mul3A_586 : vector<16xf32>
        %mul3A_588 = arith.mulf %gather3A_532, %bitcast_convert_type3A_585 : vector<16xf32>
        %add3A_589 = arith.addf %add3A_475, %mul3A_588 : vector<16xf32>
        %get3A_590 = arith.index_cast %add3A_537 : i32 to index
        %get3A_591 = arith.constant 64 : index
        %get3A_592 = tpu.vector_load %arg16[%get3A_590, %get3A_591] {strides = array<i32>} : memref<336x128xi32, #tpu.memory_space<vmem>>, vector<1x16xi32>,
        %get3A_593 = vector.shape_cast %get3A_592 : vector<1x16xi32> to vector<16xi32>
        %shift_left3A_594 = arith.constant 16 : i32
        %shift_left3A_595 = vector.broadcast %shift_left3A_594 : i32 to vector<16xi32>
        %shift_left3A_596 = arith.shli %get3A_593, %shift_left3A_595 : vector<16xi32>
        %bitcast_convert_type3A_597 = tpu.bitcast %shift_left3A_596 : vector<16xi32> -> vector<16xf32>
        %bitcast_convert_type3A_598 = tpu.bitcast %get3A_593 : vector<16xi32> -> vector<16xf32>
        %mul3A_599 = arith.mulf %gather3A_532, %bitcast_convert_type3A_597 : vector<16xf32>
        %add3A_600 = arith.addf %add3A_486, %mul3A_599 : vector<16xf32>
        %mul3A_601 = arith.mulf %gather3A_532, %bitcast_convert_type3A_598 : vector<16xf32>
        %add3A_602 = arith.addf %add3A_488, %mul3A_601 : vector<16xf32>
        %get3A_603 = arith.index_cast %add3A_537 : i32 to index
        %get3A_604 = arith.constant 80 : index
        %get3A_605 = tpu.vector_load %arg16[%get3A_603, %get3A_604] {strides = array<i32>} : memref<336x128xi32, #tpu.memory_space<vmem>>, vector<1x16xi32>,
        %get3A_606 = vector.shape_cast %get3A_605 : vector<1x16xi32> to vector<16xi32>
        %shift_left3A_607 = arith.constant 16 : i32
        %shift_left3A_608 = vector.broadcast %shift_left3A_607 : i32 to vector<16xi32>
        %shift_left3A_609 = arith.shli %get3A_606, %shift_left3A_608 : vector<16xi32>
        %bitcast_convert_type3A_610 = tpu.bitcast %shift_left3A_609 : vector<16xi32> -> vector<16xf32>
        %bitcast_convert_type3A_611 = tpu.bitcast %get3A_606 : vector<16xi32> -> vector<16xf32>
        %mul3A_612 = arith.mulf %gather3A_532, %bitcast_convert_type3A_610 : vector<16xf32>
        %add3A_613 = arith.addf %add3A_499, %mul3A_612 : vector<16xf32>
        %mul3A_614 = arith.mulf %gather3A_532, %bitcast_convert_type3A_611 : vector<16xf32>
        %add3A_615 = arith.addf %add3A_501, %mul3A_614 : vector<16xf32>
        %get3A_616 = arith.index_cast %add3A_537 : i32 to index
        %get3A_617 = arith.constant 96 : index
        %get3A_618 = tpu.vector_load %arg16[%get3A_616, %get3A_617] {strides = array<i32>} : memref<336x128xi32, #tpu.memory_space<vmem>>, vector<1x16xi32>,
        %get3A_619 = vector.shape_cast %get3A_618 : vector<1x16xi32> to vector<16xi32>
        %shift_left3A_620 = arith.constant 16 : i32
        %shift_left3A_621 = vector.broadcast %shift_left3A_620 : i32 to vector<16xi32>
        %shift_left3A_622 = arith.shli %get3A_619, %shift_left3A_621 : vector<16xi32>
        %bitcast_convert_type3A_623 = tpu.bitcast %shift_left3A_622 : vector<16xi32> -> vector<16xf32>
        %bitcast_convert_type3A_624 = tpu.bitcast %get3A_619 : vector<16xi32> -> vector<16xf32>
        %mul3A_625 = arith.mulf %gather3A_532, %bitcast_convert_type3A_623 : vector<16xf32>
        %add3A_626 = arith.addf %add3A_512, %mul3A_625 : vector<16xf32>
        %mul3A_627 = arith.mulf %gather3A_532, %bitcast_convert_type3A_624 : vector<16xf32>
        %add3A_628 = arith.addf %add3A_514, %mul3A_627 : vector<16xf32>
        %get3A_629 = arith.index_cast %add3A_537 : i32 to index
        %get3A_630 = arith.constant 112 : index
        %get3A_631 = tpu.vector_load %arg16[%get3A_629, %get3A_630] {strides = array<i32>} : memref<336x128xi32, #tpu.memory_space<vmem>>, vector<1x16xi32>,
        %get3A_632 = vector.shape_cast %get3A_631 : vector<1x16xi32> to vector<16xi32>
        %shift_left3A_633 = arith.constant 16 : i32
        %shift_left3A_634 = vector.broadcast %shift_left3A_633 : i32 to vector<16xi32>
        %shift_left3A_635 = arith.shli %get3A_632, %shift_left3A_634 : vector<16xi32>
        %bitcast_convert_type3A_636 = tpu.bitcast %shift_left3A_635 : vector<16xi32> -> vector<16xf32>
        %bitcast_convert_type3A_637 = tpu.bitcast %get3A_632 : vector<16xi32> -> vector<16xf32>
        %mul3A_638 = arith.mulf %gather3A_532, %bitcast_convert_type3A_636 : vector<16xf32>
        %add3A_639 = arith.addf %add3A_525, %mul3A_638 : vector<16xf32>
        %mul3A_640 = arith.mulf %gather3A_532, %bitcast_convert_type3A_637 : vector<16xf32>
        %add3A_641 = arith.addf %add3A_527, %mul3A_640 : vector<16xf32>
        %broadcast_in_dim3A_642 = arith.constant 2 : i32
        %broadcast_in_dim3A_643 = vector.broadcast %broadcast_in_dim3A_642 : i32 to vector<16xi32>
        %broadcast_in_dim3A_644 = vector.shape_cast %broadcast_in_dim3A_643 : vector<16xi32> to vector<16x1xi32>
        %gather3A_645 = vector.shape_cast %broadcast_in_dim3A_644 : vector<16x1xi32> to vector<16xi32>
        %gather3A_646 = tpu.dynamic_gather %get3A_384[%gather3A_645] in [0] : vector<16xf32>, vector<16xi32> -> vector<16xf32>
        %mul3A_647 = arith.constant 16 : i32
        %mul3A_648 = arith.muli %scan3A_373, %mul3A_647 : i32
        %add3A_649 = arith.addi %mul3A_315, %mul3A_648 : i32
        %add3A_650 = arith.constant 2 : i32
        %add3A_651 = arith.addi %add3A_649, %add3A_650 : i32
        %get3A_652 = arith.index_cast %add3A_651 : i32 to index
        %get3A_653 = arith.constant 0 : index
        %get3A_654 = tpu.vector_load %arg16[%get3A_652, %get3A_653] {strides = array<i32>} : memref<336x128xi32, #tpu.memory_space<vmem>>, vector<1x16xi32>,
        %get3A_655 = vector.shape_cast %get3A_654 : vector<1x16xi32> to vector<16xi32>
        %shift_left3A_656 = arith.constant 16 : i32
        %shift_left3A_657 = vector.broadcast %shift_left3A_656 : i32 to vector<16xi32>
        %shift_left3A_658 = arith.shli %get3A_655, %shift_left3A_657 : vector<16xi32>
        %bitcast_convert_type3A_659 = tpu.bitcast %shift_left3A_658 : vector<16xi32> -> vector<16xf32>
        %bitcast_convert_type3A_660 = tpu.bitcast %get3A_655 : vector<16xi32> -> vector<16xf32>
        %mul3A_661 = arith.mulf %gather3A_646, %bitcast_convert_type3A_659 : vector<16xf32>
        %add3A_662 = arith.addf %add3A_548, %mul3A_661 : vector<16xf32>
        %mul3A_663 = arith.mulf %gather3A_646, %bitcast_convert_type3A_660 : vector<16xf32>
        %add3A_664 = arith.addf %add3A_550, %mul3A_663 : vector<16xf32>
        %get3A_665 = arith.index_cast %add3A_651 : i32 to index
        %get3A_666 = arith.constant 16 : index
        %get3A_667 = tpu.vector_load %arg16[%get3A_665, %get3A_666] {strides = array<i32>} : memref<336x128xi32, #tpu.memory_space<vmem>>, vector<1x16xi32>,
        %get3A_668 = vector.shape_cast %get3A_667 : vector<1x16xi32> to vector<16xi32>
        %shift_left3A_669 = arith.constant 16 : i32
        %shift_left3A_670 = vector.broadcast %shift_left3A_669 : i32 to vector<16xi32>
        %shift_left3A_671 = arith.shli %get3A_668, %shift_left3A_670 : vector<16xi32>
        %bitcast_convert_type3A_672 = tpu.bitcast %shift_left3A_671 : vector<16xi32> -> vector<16xf32>
        %bitcast_convert_type3A_673 = tpu.bitcast %get3A_668 : vector<16xi32> -> vector<16xf32>
        %mul3A_674 = arith.mulf %gather3A_646, %bitcast_convert_type3A_672 : vector<16xf32>
        %add3A_675 = arith.addf %add3A_561, %mul3A_674 : vector<16xf32>
        %mul3A_676 = arith.mulf %gather3A_646, %bitcast_convert_type3A_673 : vector<16xf32>
        %add3A_677 = arith.addf %add3A_563, %mul3A_676 : vector<16xf32>
        %get3A_678 = arith.index_cast %add3A_651 : i32 to index
        %get3A_679 = arith.constant 32 : index
        %get3A_680 = tpu.vector_load %arg16[%get3A_678, %get3A_679] {strides = array<i32>} : memref<336x128xi32, #tpu.memory_space<vmem>>, vector<1x16xi32>,
        %get3A_681 = vector.shape_cast %get3A_680 : vector<1x16xi32> to vector<16xi32>
        %shift_left3A_682 = arith.constant 16 : i32
        %shift_left3A_683 = vector.broadcast %shift_left3A_682 : i32 to vector<16xi32>
        %shift_left3A_684 = arith.shli %get3A_681, %shift_left3A_683 : vector<16xi32>
        %bitcast_convert_type3A_685 = tpu.bitcast %shift_left3A_684 : vector<16xi32> -> vector<16xf32>
        %bitcast_convert_type3A_686 = tpu.bitcast %get3A_681 : vector<16xi32> -> vector<16xf32>
        %mul3A_687 = arith.mulf %gather3A_646, %bitcast_convert_type3A_685 : vector<16xf32>
        %add3A_688 = arith.addf %add3A_574, %mul3A_687 : vector<16xf32>
        %mul3A_689 = arith.mulf %gather3A_646, %bitcast_convert_type3A_686 : vector<16xf32>
        %add3A_690 = arith.addf %add3A_576, %mul3A_689 : vector<16xf32>
        %get3A_691 = arith.index_cast %add3A_651 : i32 to index
        %get3A_692 = arith.constant 48 : index
        %get3A_693 = tpu.vector_load %arg16[%get3A_691, %get3A_692] {strides = array<i32>} : memref<336x128xi32, #tpu.memory_space<vmem>>, vector<1x16xi32>,
        %get3A_694 = vector.shape_cast %get3A_693 : vector<1x16xi32> to vector<16xi32>
        %shift_left3A_695 = arith.constant 16 : i32
        %shift_left3A_696 = vector.broadcast %shift_left3A_695 : i32 to vector<16xi32>
        %shift_left3A_697 = arith.shli %get3A_694, %shift_left3A_696 : vector<16xi32>
        %bitcast_convert_type3A_698 = tpu.bitcast %shift_left3A_697 : vector<16xi32> -> vector<16xf32>
        %bitcast_convert_type3A_699 = tpu.bitcast %get3A_694 : vector<16xi32> -> vector<16xf32>
        %mul3A_700 = arith.mulf %gather3A_646, %bitcast_convert_type3A_698 : vector<16xf32>
        %add3A_701 = arith.addf %add3A_587, %mul3A_700 : vector<16xf32>
        %mul3A_702 = arith.mulf %gather3A_646, %bitcast_convert_type3A_699 : vector<16xf32>
        %add3A_703 = arith.addf %add3A_589, %mul3A_702 : vector<16xf32>
        %get3A_704 = arith.index_cast %add3A_651 : i32 to index
        %get3A_705 = arith.constant 64 : index
        %get3A_706 = tpu.vector_load %arg16[%get3A_704, %get3A_705] {strides = array<i32>} : memref<336x128xi32, #tpu.memory_space<vmem>>, vector<1x16xi32>,
        %get3A_707 = vector.shape_cast %get3A_706 : vector<1x16xi32> to vector<16xi32>
        %shift_left3A_708 = arith.constant 16 : i32
        %shift_left3A_709 = vector.broadcast %shift_left3A_708 : i32 to vector<16xi32>
        %shift_left3A_710 = arith.shli %get3A_707, %shift_left3A_709 : vector<16xi32>
        %bitcast_convert_type3A_711 = tpu.bitcast %shift_left3A_710 : vector<16xi32> -> vector<16xf32>
        %bitcast_convert_type3A_712 = tpu.bitcast %get3A_707 : vector<16xi32> -> vector<16xf32>
        %mul3A_713 = arith.mulf %gather3A_646, %bitcast_convert_type3A_711 : vector<16xf32>
        %add3A_714 = arith.addf %add3A_600, %mul3A_713 : vector<16xf32>
        %mul3A_715 = arith.mulf %gather3A_646, %bitcast_convert_type3A_712 : vector<16xf32>
        %add3A_716 = arith.addf %add3A_602, %mul3A_715 : vector<16xf32>
        %get3A_717 = arith.index_cast %add3A_651 : i32 to index
        %get3A_718 = arith.constant 80 : index
        %get3A_719 = tpu.vector_load %arg16[%get3A_717, %get3A_718] {strides = array<i32>} : memref<336x128xi32, #tpu.memory_space<vmem>>, vector<1x16xi32>,
        %get3A_720 = vector.shape_cast %get3A_719 : vector<1x16xi32> to vector<16xi32>
        %shift_left3A_721 = arith.constant 16 : i32
        %shift_left3A_722 = vector.broadcast %shift_left3A_721 : i32 to vector<16xi32>
        %shift_left3A_723 = arith.shli %get3A_720, %shift_left3A_722 : vector<16xi32>
        %bitcast_convert_type3A_724 = tpu.bitcast %shift_left3A_723 : vector<16xi32> -> vector<16xf32>
        %bitcast_convert_type3A_725 = tpu.bitcast %get3A_720 : vector<16xi32> -> vector<16xf32>
        %mul3A_726 = arith.mulf %gather3A_646, %bitcast_convert_type3A_724 : vector<16xf32>
        %add3A_727 = arith.addf %add3A_613, %mul3A_726 : vector<16xf32>
        %mul3A_728 = arith.mulf %gather3A_646, %bitcast_convert_type3A_725 : vector<16xf32>
        %add3A_729 = arith.addf %add3A_615, %mul3A_728 : vector<16xf32>
        %get3A_730 = arith.index_cast %add3A_651 : i32 to index
        %get3A_731 = arith.constant 96 : index
        %get3A_732 = tpu.vector_load %arg16[%get3A_730, %get3A_731] {strides = array<i32>} : memref<336x128xi32, #tpu.memory_space<vmem>>, vector<1x16xi32>,
        %get3A_733 = vector.shape_cast %get3A_732 : vector<1x16xi32> to vector<16xi32>
        %shift_left3A_734 = arith.constant 16 : i32
        %shift_left3A_735 = vector.broadcast %shift_left3A_734 : i32 to vector<16xi32>
        %shift_left3A_736 = arith.shli %get3A_733, %shift_left3A_735 : vector<16xi32>
        %bitcast_convert_type3A_737 = tpu.bitcast %shift_left3A_736 : vector<16xi32> -> vector<16xf32>
        %bitcast_convert_type3A_738 = tpu.bitcast %get3A_733 : vector<16xi32> -> vector<16xf32>
        %mul3A_739 = arith.mulf %gather3A_646, %bitcast_convert_type3A_737 : vector<16xf32>
        %add3A_740 = arith.addf %add3A_626, %mul3A_739 : vector<16xf32>
        %mul3A_741 = arith.mulf %gather3A_646, %bitcast_convert_type3A_738 : vector<16xf32>
        %add3A_742 = arith.addf %add3A_628, %mul3A_741 : vector<16xf32>
        %get3A_743 = arith.index_cast %add3A_651 : i32 to index
        %get3A_744 = arith.constant 112 : index
        %get3A_745 = tpu.vector_load %arg16[%get3A_743, %get3A_744] {strides = array<i32>} : memref<336x128xi32, #tpu.memory_space<vmem>>, vector<1x16xi32>,
        %get3A_746 = vector.shape_cast %get3A_745 : vector<1x16xi32> to vector<16xi32>
        %shift_left3A_747 = arith.constant 16 : i32
        %shift_left3A_748 = vector.broadcast %shift_left3A_747 : i32 to vector<16xi32>
        %shift_left3A_749 = arith.shli %get3A_746, %shift_left3A_748 : vector<16xi32>
        %bitcast_convert_type3A_750 = tpu.bitcast %shift_left3A_749 : vector<16xi32> -> vector<16xf32>
        %bitcast_convert_type3A_751 = tpu.bitcast %get3A_746 : vector<16xi32> -> vector<16xf32>
        %mul3A_752 = arith.mulf %gather3A_646, %bitcast_convert_type3A_750 : vector<16xf32>
        %add3A_753 = arith.addf %add3A_639, %mul3A_752 : vector<16xf32>
        %mul3A_754 = arith.mulf %gather3A_646, %bitcast_convert_type3A_751 : vector<16xf32>
        %add3A_755 = arith.addf %add3A_641, %mul3A_754 : vector<16xf32>
        %broadcast_in_dim3A_756 = arith.constant 3 : i32
        %broadcast_in_dim3A_757 = vector.broadcast %broadcast_in_dim3A_756 : i32 to vector<16xi32>
        %broadcast_in_dim3A_758 = vector.shape_cast %broadcast_in_dim3A_757 : vector<16xi32> to vector<16x1xi32>
        %gather3A_759 = vector.shape_cast %broadcast_in_dim3A_758 : vector<16x1xi32> to vector<16xi32>
        %gather3A_760 = tpu.dynamic_gather %get3A_384[%gather3A_759] in [0] : vector<16xf32>, vector<16xi32> -> vector<16xf32>
        %mul3A_761 = arith.constant 16 : i32
        %mul3A_762 = arith.muli %scan3A_373, %mul3A_761 : i32
        %add3A_763 = arith.addi %mul3A_315, %mul3A_762 : i32
        %add3A_764 = arith.constant 3 : i32
        %add3A_765 = arith.addi %add3A_763, %add3A_764 : i32
        %get3A_766 = arith.index_cast %add3A_765 : i32 to index
        %get3A_767 = arith.constant 0 : index
        %get3A_768 = tpu.vector_load %arg16[%get3A_766, %get3A_767] {strides = array<i32>} : memref<336x128xi32, #tpu.memory_space<vmem>>, vector<1x16xi32>,
        %get3A_769 = vector.shape_cast %get3A_768 : vector<1x16xi32> to vector<16xi32>
        %shift_left3A_770 = arith.constant 16 : i32
        %shift_left3A_771 = vector.broadcast %shift_left3A_770 : i32 to vector<16xi32>
        %shift_left3A_772 = arith.shli %get3A_769, %shift_left3A_771 : vector<16xi32>
        %bitcast_convert_type3A_773 = tpu.bitcast %shift_left3A_772 : vector<16xi32> -> vector<16xf32>
        %bitcast_convert_type3A_774 = tpu.bitcast %get3A_769 : vector<16xi32> -> vector<16xf32>
        %mul3A_775 = arith.mulf %gather3A_760, %bitcast_convert_type3A_773 : vector<16xf32>
        %add3A_776 = arith.addf %add3A_662, %mul3A_775 : vector<16xf32>
        %mul3A_777 = arith.mulf %gather3A_760, %bitcast_convert_type3A_774 : vector<16xf32>
        %add3A_778 = arith.addf %add3A_664, %mul3A_777 : vector<16xf32>
        %get3A_779 = arith.index_cast %add3A_765 : i32 to index
        %get3A_780 = arith.constant 16 : index
        %get3A_781 = tpu.vector_load %arg16[%get3A_779, %get3A_780] {strides = array<i32>} : memref<336x128xi32, #tpu.memory_space<vmem>>, vector<1x16xi32>,
        %get3A_782 = vector.shape_cast %get3A_781 : vector<1x16xi32> to vector<16xi32>
        %shift_left3A_783 = arith.constant 16 : i32
        %shift_left3A_784 = vector.broadcast %shift_left3A_783 : i32 to vector<16xi32>
        %shift_left3A_785 = arith.shli %get3A_782, %shift_left3A_784 : vector<16xi32>
        %bitcast_convert_type3A_786 = tpu.bitcast %shift_left3A_785 : vector<16xi32> -> vector<16xf32>
        %bitcast_convert_type3A_787 = tpu.bitcast %get3A_782 : vector<16xi32> -> vector<16xf32>
        %mul3A_788 = arith.mulf %gather3A_760, %bitcast_convert_type3A_786 : vector<16xf32>
        %add3A_789 = arith.addf %add3A_675, %mul3A_788 : vector<16xf32>
        %mul3A_790 = arith.mulf %gather3A_760, %bitcast_convert_type3A_787 : vector<16xf32>
        %add3A_791 = arith.addf %add3A_677, %mul3A_790 : vector<16xf32>
        %get3A_792 = arith.index_cast %add3A_765 : i32 to index
        %get3A_793 = arith.constant 32 : index
        %get3A_794 = tpu.vector_load %arg16[%get3A_792, %get3A_793] {strides = array<i32>} : memref<336x128xi32, #tpu.memory_space<vmem>>, vector<1x16xi32>,
        %get3A_795 = vector.shape_cast %get3A_794 : vector<1x16xi32> to vector<16xi32>
        %shift_left3A_796 = arith.constant 16 : i32
        %shift_left3A_797 = vector.broadcast %shift_left3A_796 : i32 to vector<16xi32>
        %shift_left3A_798 = arith.shli %get3A_795, %shift_left3A_797 : vector<16xi32>
        %bitcast_convert_type3A_799 = tpu.bitcast %shift_left3A_798 : vector<16xi32> -> vector<16xf32>
        %bitcast_convert_type3A_800 = tpu.bitcast %get3A_795 : vector<16xi32> -> vector<16xf32>
        %mul3A_801 = arith.mulf %gather3A_760, %bitcast_convert_type3A_799 : vector<16xf32>
        %add3A_802 = arith.addf %add3A_688, %mul3A_801 : vector<16xf32>
        %mul3A_803 = arith.mulf %gather3A_760, %bitcast_convert_type3A_800 : vector<16xf32>
        %add3A_804 = arith.addf %add3A_690, %mul3A_803 : vector<16xf32>
        %get3A_805 = arith.index_cast %add3A_765 : i32 to index
        %get3A_806 = arith.constant 48 : index
        %get3A_807 = tpu.vector_load %arg16[%get3A_805, %get3A_806] {strides = array<i32>} : memref<336x128xi32, #tpu.memory_space<vmem>>, vector<1x16xi32>,
        %get3A_808 = vector.shape_cast %get3A_807 : vector<1x16xi32> to vector<16xi32>
        %shift_left3A_809 = arith.constant 16 : i32
        %shift_left3A_810 = vector.broadcast %shift_left3A_809 : i32 to vector<16xi32>
        %shift_left3A_811 = arith.shli %get3A_808, %shift_left3A_810 : vector<16xi32>
        %bitcast_convert_type3A_812 = tpu.bitcast %shift_left3A_811 : vector<16xi32> -> vector<16xf32>
        %bitcast_convert_type3A_813 = tpu.bitcast %get3A_808 : vector<16xi32> -> vector<16xf32>
        %mul3A_814 = arith.mulf %gather3A_760, %bitcast_convert_type3A_812 : vector<16xf32>
        %add3A_815 = arith.addf %add3A_701, %mul3A_814 : vector<16xf32>
        %mul3A_816 = arith.mulf %gather3A_760, %bitcast_convert_type3A_813 : vector<16xf32>
        %add3A_817 = arith.addf %add3A_703, %mul3A_816 : vector<16xf32>
        %get3A_818 = arith.index_cast %add3A_765 : i32 to index
        %get3A_819 = arith.constant 64 : index
        %get3A_820 = tpu.vector_load %arg16[%get3A_818, %get3A_819] {strides = array<i32>} : memref<336x128xi32, #tpu.memory_space<vmem>>, vector<1x16xi32>,
        %get3A_821 = vector.shape_cast %get3A_820 : vector<1x16xi32> to vector<16xi32>
        %shift_left3A_822 = arith.constant 16 : i32
        %shift_left3A_823 = vector.broadcast %shift_left3A_822 : i32 to vector<16xi32>
        %shift_left3A_824 = arith.shli %get3A_821, %shift_left3A_823 : vector<16xi32>
        %bitcast_convert_type3A_825 = tpu.bitcast %shift_left3A_824 : vector<16xi32> -> vector<16xf32>
        %bitcast_convert_type3A_826 = tpu.bitcast %get3A_821 : vector<16xi32> -> vector<16xf32>
        %mul3A_827 = arith.mulf %gather3A_760, %bitcast_convert_type3A_825 : vector<16xf32>
        %add3A_828 = arith.addf %add3A_714, %mul3A_827 : vector<16xf32>
        %mul3A_829 = arith.mulf %gather3A_760, %bitcast_convert_type3A_826 : vector<16xf32>
        %add3A_830 = arith.addf %add3A_716, %mul3A_829 : vector<16xf32>
        %get3A_831 = arith.index_cast %add3A_765 : i32 to index
        %get3A_832 = arith.constant 80 : index
        %get3A_833 = tpu.vector_load %arg16[%get3A_831, %get3A_832] {strides = array<i32>} : memref<336x128xi32, #tpu.memory_space<vmem>>, vector<1x16xi32>,
        %get3A_834 = vector.shape_cast %get3A_833 : vector<1x16xi32> to vector<16xi32>
        %shift_left3A_835 = arith.constant 16 : i32
        %shift_left3A_836 = vector.broadcast %shift_left3A_835 : i32 to vector<16xi32>
        %shift_left3A_837 = arith.shli %get3A_834, %shift_left3A_836 : vector<16xi32>
        %bitcast_convert_type3A_838 = tpu.bitcast %shift_left3A_837 : vector<16xi32> -> vector<16xf32>
        %bitcast_convert_type3A_839 = tpu.bitcast %get3A_834 : vector<16xi32> -> vector<16xf32>
        %mul3A_840 = arith.mulf %gather3A_760, %bitcast_convert_type3A_838 : vector<16xf32>
        %add3A_841 = arith.addf %add3A_727, %mul3A_840 : vector<16xf32>
        %mul3A_842 = arith.mulf %gather3A_760, %bitcast_convert_type3A_839 : vector<16xf32>
        %add3A_843 = arith.addf %add3A_729, %mul3A_842 : vector<16xf32>
        %get3A_844 = arith.index_cast %add3A_765 : i32 to index
        %get3A_845 = arith.constant 96 : index
        %get3A_846 = tpu.vector_load %arg16[%get3A_844, %get3A_845] {strides = array<i32>} : memref<336x128xi32, #tpu.memory_space<vmem>>, vector<1x16xi32>,
        %get3A_847 = vector.shape_cast %get3A_846 : vector<1x16xi32> to vector<16xi32>
        %shift_left3A_848 = arith.constant 16 : i32
        %shift_left3A_849 = vector.broadcast %shift_left3A_848 : i32 to vector<16xi32>
        %shift_left3A_850 = arith.shli %get3A_847, %shift_left3A_849 : vector<16xi32>
        %bitcast_convert_type3A_851 = tpu.bitcast %shift_left3A_850 : vector<16xi32> -> vector<16xf32>
        %bitcast_convert_type3A_852 = tpu.bitcast %get3A_847 : vector<16xi32> -> vector<16xf32>
        %mul3A_853 = arith.mulf %gather3A_760, %bitcast_convert_type3A_851 : vector<16xf32>
        %add3A_854 = arith.addf %add3A_740, %mul3A_853 : vector<16xf32>
        %mul3A_855 = arith.mulf %gather3A_760, %bitcast_convert_type3A_852 : vector<16xf32>
        %add3A_856 = arith.addf %add3A_742, %mul3A_855 : vector<16xf32>
        %get3A_857 = arith.index_cast %add3A_765 : i32 to index
        %get3A_858 = arith.constant 112 : index
        %get3A_859 = tpu.vector_load %arg16[%get3A_857, %get3A_858] {strides = array<i32>} : memref<336x128xi32, #tpu.memory_space<vmem>>, vector<1x16xi32>,
        %get3A_860 = vector.shape_cast %get3A_859 : vector<1x16xi32> to vector<16xi32>
        %shift_left3A_861 = arith.constant 16 : i32
        %shift_left3A_862 = vector.broadcast %shift_left3A_861 : i32 to vector<16xi32>
        %shift_left3A_863 = arith.shli %get3A_860, %shift_left3A_862 : vector<16xi32>
        %bitcast_convert_type3A_864 = tpu.bitcast %shift_left3A_863 : vector<16xi32> -> vector<16xf32>
        %bitcast_convert_type3A_865 = tpu.bitcast %get3A_860 : vector<16xi32> -> vector<16xf32>
        %mul3A_866 = arith.mulf %gather3A_760, %bitcast_convert_type3A_864 : vector<16xf32>
        %add3A_867 = arith.addf %add3A_753, %mul3A_866 : vector<16xf32>
        %mul3A_868 = arith.mulf %gather3A_760, %bitcast_convert_type3A_865 : vector<16xf32>
        %add3A_869 = arith.addf %add3A_755, %mul3A_868 : vector<16xf32>
        %broadcast_in_dim3A_870 = arith.constant 4 : i32
        %broadcast_in_dim3A_871 = vector.broadcast %broadcast_in_dim3A_870 : i32 to vector<16xi32>
        %broadcast_in_dim3A_872 = vector.shape_cast %broadcast_in_dim3A_871 : vector<16xi32> to vector<16x1xi32>
        %gather3A_873 = vector.shape_cast %broadcast_in_dim3A_872 : vector<16x1xi32> to vector<16xi32>
        %gather3A_874 = tpu.dynamic_gather %get3A_384[%gather3A_873] in [0] : vector<16xf32>, vector<16xi32> -> vector<16xf32>
        %mul3A_875 = arith.constant 16 : i32
        %mul3A_876 = arith.muli %scan3A_373, %mul3A_875 : i32
        %add3A_877 = arith.addi %mul3A_315, %mul3A_876 : i32
        %add3A_878 = arith.constant 4 : i32
        %add3A_879 = arith.addi %add3A_877, %add3A_878 : i32
        %get3A_880 = arith.index_cast %add3A_879 : i32 to index
        %get3A_881 = arith.constant 0 : index
        %get3A_882 = tpu.vector_load %arg16[%get3A_880, %get3A_881] {strides = array<i32>} : memref<336x128xi32, #tpu.memory_space<vmem>>, vector<1x16xi32>,
        %get3A_883 = vector.shape_cast %get3A_882 : vector<1x16xi32> to vector<16xi32>
        %shift_left3A_884 = arith.constant 16 : i32
        %shift_left3A_885 = vector.broadcast %shift_left3A_884 : i32 to vector<16xi32>
        %shift_left3A_886 = arith.shli %get3A_883, %shift_left3A_885 : vector<16xi32>
        %bitcast_convert_type3A_887 = tpu.bitcast %shift_left3A_886 : vector<16xi32> -> vector<16xf32>
        %bitcast_convert_type3A_888 = tpu.bitcast %get3A_883 : vector<16xi32> -> vector<16xf32>
        %mul3A_889 = arith.mulf %gather3A_874, %bitcast_convert_type3A_887 : vector<16xf32>
        %add3A_890 = arith.addf %add3A_776, %mul3A_889 : vector<16xf32>
        %mul3A_891 = arith.mulf %gather3A_874, %bitcast_convert_type3A_888 : vector<16xf32>
        %add3A_892 = arith.addf %add3A_778, %mul3A_891 : vector<16xf32>
        %get3A_893 = arith.index_cast %add3A_879 : i32 to index
        %get3A_894 = arith.constant 16 : index
        %get3A_895 = tpu.vector_load %arg16[%get3A_893, %get3A_894] {strides = array<i32>} : memref<336x128xi32, #tpu.memory_space<vmem>>, vector<1x16xi32>,
        %get3A_896 = vector.shape_cast %get3A_895 : vector<1x16xi32> to vector<16xi32>
        %shift_left3A_897 = arith.constant 16 : i32
        %shift_left3A_898 = vector.broadcast %shift_left3A_897 : i32 to vector<16xi32>
        %shift_left3A_899 = arith.shli %get3A_896, %shift_left3A_898 : vector<16xi32>
        %bitcast_convert_type3A_900 = tpu.bitcast %shift_left3A_899 : vector<16xi32> -> vector<16xf32>
        %bitcast_convert_type3A_901 = tpu.bitcast %get3A_896 : vector<16xi32> -> vector<16xf32>
        %mul3A_902 = arith.mulf %gather3A_874, %bitcast_convert_type3A_900 : vector<16xf32>
        %add3A_903 = arith.addf %add3A_789, %mul3A_902 : vector<16xf32>
        %mul3A_904 = arith.mulf %gather3A_874, %bitcast_convert_type3A_901 : vector<16xf32>
        %add3A_905 = arith.addf %add3A_791, %mul3A_904 : vector<16xf32>
        %get3A_906 = arith.index_cast %add3A_879 : i32 to index
        %get3A_907 = arith.constant 32 : index
        %get3A_908 = tpu.vector_load %arg16[%get3A_906, %get3A_907] {strides = array<i32>} : memref<336x128xi32, #tpu.memory_space<vmem>>, vector<1x16xi32>,
        %get3A_909 = vector.shape_cast %get3A_908 : vector<1x16xi32> to vector<16xi32>
        %shift_left3A_910 = arith.constant 16 : i32
        %shift_left3A_911 = vector.broadcast %shift_left3A_910 : i32 to vector<16xi32>
        %shift_left3A_912 = arith.shli %get3A_909, %shift_left3A_911 : vector<16xi32>
        %bitcast_convert_type3A_913 = tpu.bitcast %shift_left3A_912 : vector<16xi32> -> vector<16xf32>
        %bitcast_convert_type3A_914 = tpu.bitcast %get3A_909 : vector<16xi32> -> vector<16xf32>
        %mul3A_915 = arith.mulf %gather3A_874, %bitcast_convert_type3A_913 : vector<16xf32>
        %add3A_916 = arith.addf %add3A_802, %mul3A_915 : vector<16xf32>
        %mul3A_917 = arith.mulf %gather3A_874, %bitcast_convert_type3A_914 : vector<16xf32>
        %add3A_918 = arith.addf %add3A_804, %mul3A_917 : vector<16xf32>
        %get3A_919 = arith.index_cast %add3A_879 : i32 to index
        %get3A_920 = arith.constant 48 : index
        %get3A_921 = tpu.vector_load %arg16[%get3A_919, %get3A_920] {strides = array<i32>} : memref<336x128xi32, #tpu.memory_space<vmem>>, vector<1x16xi32>,
        %get3A_922 = vector.shape_cast %get3A_921 : vector<1x16xi32> to vector<16xi32>
        %shift_left3A_923 = arith.constant 16 : i32
        %shift_left3A_924 = vector.broadcast %shift_left3A_923 : i32 to vector<16xi32>
        %shift_left3A_925 = arith.shli %get3A_922, %shift_left3A_924 : vector<16xi32>
        %bitcast_convert_type3A_926 = tpu.bitcast %shift_left3A_925 : vector<16xi32> -> vector<16xf32>
        %bitcast_convert_type3A_927 = tpu.bitcast %get3A_922 : vector<16xi32> -> vector<16xf32>
        %mul3A_928 = arith.mulf %gather3A_874, %bitcast_convert_type3A_926 : vector<16xf32>
        %add3A_929 = arith.addf %add3A_815, %mul3A_928 : vector<16xf32>
        %mul3A_930 = arith.mulf %gather3A_874, %bitcast_convert_type3A_927 : vector<16xf32>
        %add3A_931 = arith.addf %add3A_817, %mul3A_930 : vector<16xf32>
        %get3A_932 = arith.index_cast %add3A_879 : i32 to index
        %get3A_933 = arith.constant 64 : index
        %get3A_934 = tpu.vector_load %arg16[%get3A_932, %get3A_933] {strides = array<i32>} : memref<336x128xi32, #tpu.memory_space<vmem>>, vector<1x16xi32>,
        %get3A_935 = vector.shape_cast %get3A_934 : vector<1x16xi32> to vector<16xi32>
        %shift_left3A_936 = arith.constant 16 : i32
        %shift_left3A_937 = vector.broadcast %shift_left3A_936 : i32 to vector<16xi32>
        %shift_left3A_938 = arith.shli %get3A_935, %shift_left3A_937 : vector<16xi32>
        %bitcast_convert_type3A_939 = tpu.bitcast %shift_left3A_938 : vector<16xi32> -> vector<16xf32>
        %bitcast_convert_type3A_940 = tpu.bitcast %get3A_935 : vector<16xi32> -> vector<16xf32>
        %mul3A_941 = arith.mulf %gather3A_874, %bitcast_convert_type3A_939 : vector<16xf32>
        %add3A_942 = arith.addf %add3A_828, %mul3A_941 : vector<16xf32>
        %mul3A_943 = arith.mulf %gather3A_874, %bitcast_convert_type3A_940 : vector<16xf32>
        %add3A_944 = arith.addf %add3A_830, %mul3A_943 : vector<16xf32>
        %get3A_945 = arith.index_cast %add3A_879 : i32 to index
        %get3A_946 = arith.constant 80 : index
        %get3A_947 = tpu.vector_load %arg16[%get3A_945, %get3A_946] {strides = array<i32>} : memref<336x128xi32, #tpu.memory_space<vmem>>, vector<1x16xi32>,
        %get3A_948 = vector.shape_cast %get3A_947 : vector<1x16xi32> to vector<16xi32>
        %shift_left3A_949 = arith.constant 16 : i32
        %shift_left3A_950 = vector.broadcast %shift_left3A_949 : i32 to vector<16xi32>
        %shift_left3A_951 = arith.shli %get3A_948, %shift_left3A_950 : vector<16xi32>
        %bitcast_convert_type3A_952 = tpu.bitcast %shift_left3A_951 : vector<16xi32> -> vector<16xf32>
        %bitcast_convert_type3A_953 = tpu.bitcast %get3A_948 : vector<16xi32> -> vector<16xf32>
        %mul3A_954 = arith.mulf %gather3A_874, %bitcast_convert_type3A_952 : vector<16xf32>
        %add3A_955 = arith.addf %add3A_841, %mul3A_954 : vector<16xf32>
        %mul3A_956 = arith.mulf %gather3A_874, %bitcast_convert_type3A_953 : vector<16xf32>
        %add3A_957 = arith.addf %add3A_843, %mul3A_956 : vector<16xf32>
        %get3A_958 = arith.index_cast %add3A_879 : i32 to index
        %get3A_959 = arith.constant 96 : index
        %get3A_960 = tpu.vector_load %arg16[%get3A_958, %get3A_959] {strides = array<i32>} : memref<336x128xi32, #tpu.memory_space<vmem>>, vector<1x16xi32>,
        %get3A_961 = vector.shape_cast %get3A_960 : vector<1x16xi32> to vector<16xi32>
        %shift_left3A_962 = arith.constant 16 : i32
        %shift_left3A_963 = vector.broadcast %shift_left3A_962 : i32 to vector<16xi32>
        %shift_left3A_964 = arith.shli %get3A_961, %shift_left3A_963 : vector<16xi32>
        %bitcast_convert_type3A_965 = tpu.bitcast %shift_left3A_964 : vector<16xi32> -> vector<16xf32>
        %bitcast_convert_type3A_966 = tpu.bitcast %get3A_961 : vector<16xi32> -> vector<16xf32>
        %mul3A_967 = arith.mulf %gather3A_874, %bitcast_convert_type3A_965 : vector<16xf32>
        %add3A_968 = arith.addf %add3A_854, %mul3A_967 : vector<16xf32>
        %mul3A_969 = arith.mulf %gather3A_874, %bitcast_convert_type3A_966 : vector<16xf32>
        %add3A_970 = arith.addf %add3A_856, %mul3A_969 : vector<16xf32>
        %get3A_971 = arith.index_cast %add3A_879 : i32 to index
        %get3A_972 = arith.constant 112 : index
        %get3A_973 = tpu.vector_load %arg16[%get3A_971, %get3A_972] {strides = array<i32>} : memref<336x128xi32, #tpu.memory_space<vmem>>, vector<1x16xi32>,
        %get3A_974 = vector.shape_cast %get3A_973 : vector<1x16xi32> to vector<16xi32>
        %shift_left3A_975 = arith.constant 16 : i32
        %shift_left3A_976 = vector.broadcast %shift_left3A_975 : i32 to vector<16xi32>
        %shift_left3A_977 = arith.shli %get3A_974, %shift_left3A_976 : vector<16xi32>
        %bitcast_convert_type3A_978 = tpu.bitcast %shift_left3A_977 : vector<16xi32> -> vector<16xf32>
        %bitcast_convert_type3A_979 = tpu.bitcast %get3A_974 : vector<16xi32> -> vector<16xf32>
        %mul3A_980 = arith.mulf %gather3A_874, %bitcast_convert_type3A_978 : vector<16xf32>
        %add3A_981 = arith.addf %add3A_867, %mul3A_980 : vector<16xf32>
        %mul3A_982 = arith.mulf %gather3A_874, %bitcast_convert_type3A_979 : vector<16xf32>
        %add3A_983 = arith.addf %add3A_869, %mul3A_982 : vector<16xf32>
        %broadcast_in_dim3A_984 = arith.constant 5 : i32
        %broadcast_in_dim3A_985 = vector.broadcast %broadcast_in_dim3A_984 : i32 to vector<16xi32>
        %broadcast_in_dim3A_986 = vector.shape_cast %broadcast_in_dim3A_985 : vector<16xi32> to vector<16x1xi32>
        %gather3A_987 = vector.shape_cast %broadcast_in_dim3A_986 : vector<16x1xi32> to vector<16xi32>
        %gather3A_988 = tpu.dynamic_gather %get3A_384[%gather3A_987] in [0] : vector<16xf32>, vector<16xi32> -> vector<16xf32>
        %mul3A_989 = arith.constant 16 : i32
        %mul3A_990 = arith.muli %scan3A_373, %mul3A_989 : i32
        %add3A_991 = arith.addi %mul3A_315, %mul3A_990 : i32
        %add3A_992 = arith.constant 5 : i32
        %add3A_993 = arith.addi %add3A_991, %add3A_992 : i32
        %get3A_994 = arith.index_cast %add3A_993 : i32 to index
        %get3A_995 = arith.constant 0 : index
        %get3A_996 = tpu.vector_load %arg16[%get3A_994, %get3A_995] {strides = array<i32>} : memref<336x128xi32, #tpu.memory_space<vmem>>, vector<1x16xi32>,
        %get3A_997 = vector.shape_cast %get3A_996 : vector<1x16xi32> to vector<16xi32>
        %shift_left3A_998 = arith.constant 16 : i32
        %shift_left3A_999 = vector.broadcast %shift_left3A_998 : i32 to vector<16xi32>
        %shift_left3A_1000 = arith.shli %get3A_997, %shift_left3A_999 : vector<16xi32>
        %bitcast_convert_type3A_1001 = tpu.bitcast %shift_left3A_1000 : vector<16xi32> -> vector<16xf32>
        %bitcast_convert_type3A_1002 = tpu.bitcast %get3A_997 : vector<16xi32> -> vector<16xf32>
        %mul3A_1003 = arith.mulf %gather3A_988, %bitcast_convert_type3A_1001 : vector<16xf32>
        %add3A_1004 = arith.addf %add3A_890, %mul3A_1003 : vector<16xf32>
        %mul3A_1005 = arith.mulf %gather3A_988, %bitcast_convert_type3A_1002 : vector<16xf32>
        %add3A_1006 = arith.addf %add3A_892, %mul3A_1005 : vector<16xf32>
        %get3A_1007 = arith.index_cast %add3A_993 : i32 to index
        %get3A_1008 = arith.constant 16 : index
        %get3A_1009 = tpu.vector_load %arg16[%get3A_1007, %get3A_1008] {strides = array<i32>} : memref<336x128xi32, #tpu.memory_space<vmem>>, vector<1x16xi32>,
        %get3A_1010 = vector.shape_cast %get3A_1009 : vector<1x16xi32> to vector<16xi32>
        %shift_left3A_1011 = arith.constant 16 : i32
        %shift_left3A_1012 = vector.broadcast %shift_left3A_1011 : i32 to vector<16xi32>
        %shift_left3A_1013 = arith.shli %get3A_1010, %shift_left3A_1012 : vector<16xi32>
        %bitcast_convert_type3A_1014 = tpu.bitcast %shift_left3A_1013 : vector<16xi32> -> vector<16xf32>
        %bitcast_convert_type3A_1015 = tpu.bitcast %get3A_1010 : vector<16xi32> -> vector<16xf32>
        %mul3A_1016 = arith.mulf %gather3A_988, %bitcast_convert_type3A_1014 : vector<16xf32>
        %add3A_1017 = arith.addf %add3A_903, %mul3A_1016 : vector<16xf32>
        %mul3A_1018 = arith.mulf %gather3A_988, %bitcast_convert_type3A_1015 : vector<16xf32>
        %add3A_1019 = arith.addf %add3A_905, %mul3A_1018 : vector<16xf32>
        %get3A_1020 = arith.index_cast %add3A_993 : i32 to index
        %get3A_1021 = arith.constant 32 : index
        %get3A_1022 = tpu.vector_load %arg16[%get3A_1020, %get3A_1021] {strides = array<i32>} : memref<336x128xi32, #tpu.memory_space<vmem>>, vector<1x16xi32>,
        %get3A_1023 = vector.shape_cast %get3A_1022 : vector<1x16xi32> to vector<16xi32>
        %shift_left3A_1024 = arith.constant 16 : i32
        %shift_left3A_1025 = vector.broadcast %shift_left3A_1024 : i32 to vector<16xi32>
        %shift_left3A_1026 = arith.shli %get3A_1023, %shift_left3A_1025 : vector<16xi32>
        %bitcast_convert_type3A_1027 = tpu.bitcast %shift_left3A_1026 : vector<16xi32> -> vector<16xf32>
        %bitcast_convert_type3A_1028 = tpu.bitcast %get3A_1023 : vector<16xi32> -> vector<16xf32>
        %mul3A_1029 = arith.mulf %gather3A_988, %bitcast_convert_type3A_1027 : vector<16xf32>
        %add3A_1030 = arith.addf %add3A_916, %mul3A_1029 : vector<16xf32>
        %mul3A_1031 = arith.mulf %gather3A_988, %bitcast_convert_type3A_1028 : vector<16xf32>
        %add3A_1032 = arith.addf %add3A_918, %mul3A_1031 : vector<16xf32>
        %get3A_1033 = arith.index_cast %add3A_993 : i32 to index
        %get3A_1034 = arith.constant 48 : index
        %get3A_1035 = tpu.vector_load %arg16[%get3A_1033, %get3A_1034] {strides = array<i32>} : memref<336x128xi32, #tpu.memory_space<vmem>>, vector<1x16xi32>,
        %get3A_1036 = vector.shape_cast %get3A_1035 : vector<1x16xi32> to vector<16xi32>
        %shift_left3A_1037 = arith.constant 16 : i32
        %shift_left3A_1038 = vector.broadcast %shift_left3A_1037 : i32 to vector<16xi32>
        %shift_left3A_1039 = arith.shli %get3A_1036, %shift_left3A_1038 : vector<16xi32>
        %bitcast_convert_type3A_1040 = tpu.bitcast %shift_left3A_1039 : vector<16xi32> -> vector<16xf32>
        %bitcast_convert_type3A_1041 = tpu.bitcast %get3A_1036 : vector<16xi32> -> vector<16xf32>
        %mul3A_1042 = arith.mulf %gather3A_988, %bitcast_convert_type3A_1040 : vector<16xf32>
        %add3A_1043 = arith.addf %add3A_929, %mul3A_1042 : vector<16xf32>
        %mul3A_1044 = arith.mulf %gather3A_988, %bitcast_convert_type3A_1041 : vector<16xf32>
        %add3A_1045 = arith.addf %add3A_931, %mul3A_1044 : vector<16xf32>
        %get3A_1046 = arith.index_cast %add3A_993 : i32 to index
        %get3A_1047 = arith.constant 64 : index
        %get3A_1048 = tpu.vector_load %arg16[%get3A_1046, %get3A_1047] {strides = array<i32>} : memref<336x128xi32, #tpu.memory_space<vmem>>, vector<1x16xi32>,
        %get3A_1049 = vector.shape_cast %get3A_1048 : vector<1x16xi32> to vector<16xi32>
        %shift_left3A_1050 = arith.constant 16 : i32
        %shift_left3A_1051 = vector.broadcast %shift_left3A_1050 : i32 to vector<16xi32>
        %shift_left3A_1052 = arith.shli %get3A_1049, %shift_left3A_1051 : vector<16xi32>
        %bitcast_convert_type3A_1053 = tpu.bitcast %shift_left3A_1052 : vector<16xi32> -> vector<16xf32>
        %bitcast_convert_type3A_1054 = tpu.bitcast %get3A_1049 : vector<16xi32> -> vector<16xf32>
        %mul3A_1055 = arith.mulf %gather3A_988, %bitcast_convert_type3A_1053 : vector<16xf32>
        %add3A_1056 = arith.addf %add3A_942, %mul3A_1055 : vector<16xf32>
        %mul3A_1057 = arith.mulf %gather3A_988, %bitcast_convert_type3A_1054 : vector<16xf32>
        %add3A_1058 = arith.addf %add3A_944, %mul3A_1057 : vector<16xf32>
        %get3A_1059 = arith.index_cast %add3A_993 : i32 to index
        %get3A_1060 = arith.constant 80 : index
        %get3A_1061 = tpu.vector_load %arg16[%get3A_1059, %get3A_1060] {strides = array<i32>} : memref<336x128xi32, #tpu.memory_space<vmem>>, vector<1x16xi32>,
        %get3A_1062 = vector.shape_cast %get3A_1061 : vector<1x16xi32> to vector<16xi32>
        %shift_left3A_1063 = arith.constant 16 : i32
        %shift_left3A_1064 = vector.broadcast %shift_left3A_1063 : i32 to vector<16xi32>
        %shift_left3A_1065 = arith.shli %get3A_1062, %shift_left3A_1064 : vector<16xi32>
        %bitcast_convert_type3A_1066 = tpu.bitcast %shift_left3A_1065 : vector<16xi32> -> vector<16xf32>
        %bitcast_convert_type3A_1067 = tpu.bitcast %get3A_1062 : vector<16xi32> -> vector<16xf32>
        %mul3A_1068 = arith.mulf %gather3A_988, %bitcast_convert_type3A_1066 : vector<16xf32>
        %add3A_1069 = arith.addf %add3A_955, %mul3A_1068 : vector<16xf32>
        %mul3A_1070 = arith.mulf %gather3A_988, %bitcast_convert_type3A_1067 : vector<16xf32>
        %add3A_1071 = arith.addf %add3A_957, %mul3A_1070 : vector<16xf32>
        %get3A_1072 = arith.index_cast %add3A_993 : i32 to index
        %get3A_1073 = arith.constant 96 : index
        %get3A_1074 = tpu.vector_load %arg16[%get3A_1072, %get3A_1073] {strides = array<i32>} : memref<336x128xi32, #tpu.memory_space<vmem>>, vector<1x16xi32>,
        %get3A_1075 = vector.shape_cast %get3A_1074 : vector<1x16xi32> to vector<16xi32>
        %shift_left3A_1076 = arith.constant 16 : i32
        %shift_left3A_1077 = vector.broadcast %shift_left3A_1076 : i32 to vector<16xi32>
        %shift_left3A_1078 = arith.shli %get3A_1075, %shift_left3A_1077 : vector<16xi32>
        %bitcast_convert_type3A_1079 = tpu.bitcast %shift_left3A_1078 : vector<16xi32> -> vector<16xf32>
        %bitcast_convert_type3A_1080 = tpu.bitcast %get3A_1075 : vector<16xi32> -> vector<16xf32>
        %mul3A_1081 = arith.mulf %gather3A_988, %bitcast_convert_type3A_1079 : vector<16xf32>
        %add3A_1082 = arith.addf %add3A_968, %mul3A_1081 : vector<16xf32>
        %mul3A_1083 = arith.mulf %gather3A_988, %bitcast_convert_type3A_1080 : vector<16xf32>
        %add3A_1084 = arith.addf %add3A_970, %mul3A_1083 : vector<16xf32>
        %get3A_1085 = arith.index_cast %add3A_993 : i32 to index
        %get3A_1086 = arith.constant 112 : index
        %get3A_1087 = tpu.vector_load %arg16[%get3A_1085, %get3A_1086] {strides = array<i32>} : memref<336x128xi32, #tpu.memory_space<vmem>>, vector<1x16xi32>,
        %get3A_1088 = vector.shape_cast %get3A_1087 : vector<1x16xi32> to vector<16xi32>
        %shift_left3A_1089 = arith.constant 16 : i32
        %shift_left3A_1090 = vector.broadcast %shift_left3A_1089 : i32 to vector<16xi32>
        %shift_left3A_1091 = arith.shli %get3A_1088, %shift_left3A_1090 : vector<16xi32>
        %bitcast_convert_type3A_1092 = tpu.bitcast %shift_left3A_1091 : vector<16xi32> -> vector<16xf32>
        %bitcast_convert_type3A_1093 = tpu.bitcast %get3A_1088 : vector<16xi32> -> vector<16xf32>
        %mul3A_1094 = arith.mulf %gather3A_988, %bitcast_convert_type3A_1092 : vector<16xf32>
        %add3A_1095 = arith.addf %add3A_981, %mul3A_1094 : vector<16xf32>
        %mul3A_1096 = arith.mulf %gather3A_988, %bitcast_convert_type3A_1093 : vector<16xf32>
        %add3A_1097 = arith.addf %add3A_983, %mul3A_1096 : vector<16xf32>
        %broadcast_in_dim3A_1098 = arith.constant 6 : i32
        %broadcast_in_dim3A_1099 = vector.broadcast %broadcast_in_dim3A_1098 : i32 to vector<16xi32>
        %broadcast_in_dim3A_1100 = vector.shape_cast %broadcast_in_dim3A_1099 : vector<16xi32> to vector<16x1xi32>
        %gather3A_1101 = vector.shape_cast %broadcast_in_dim3A_1100 : vector<16x1xi32> to vector<16xi32>
        %gather3A_1102 = tpu.dynamic_gather %get3A_384[%gather3A_1101] in [0] : vector<16xf32>, vector<16xi32> -> vector<16xf32>
        %mul3A_1103 = arith.constant 16 : i32
        %mul3A_1104 = arith.muli %scan3A_373, %mul3A_1103 : i32
        %add3A_1105 = arith.addi %mul3A_315, %mul3A_1104 : i32
        %add3A_1106 = arith.constant 6 : i32
        %add3A_1107 = arith.addi %add3A_1105, %add3A_1106 : i32
        %get3A_1108 = arith.index_cast %add3A_1107 : i32 to index
        %get3A_1109 = arith.constant 0 : index
        %get3A_1110 = tpu.vector_load %arg16[%get3A_1108, %get3A_1109] {strides = array<i32>} : memref<336x128xi32, #tpu.memory_space<vmem>>, vector<1x16xi32>,
        %get3A_1111 = vector.shape_cast %get3A_1110 : vector<1x16xi32> to vector<16xi32>
        %shift_left3A_1112 = arith.constant 16 : i32
        %shift_left3A_1113 = vector.broadcast %shift_left3A_1112 : i32 to vector<16xi32>
        %shift_left3A_1114 = arith.shli %get3A_1111, %shift_left3A_1113 : vector<16xi32>
        %bitcast_convert_type3A_1115 = tpu.bitcast %shift_left3A_1114 : vector<16xi32> -> vector<16xf32>
        %bitcast_convert_type3A_1116 = tpu.bitcast %get3A_1111 : vector<16xi32> -> vector<16xf32>
        %mul3A_1117 = arith.mulf %gather3A_1102, %bitcast_convert_type3A_1115 : vector<16xf32>
        %add3A_1118 = arith.addf %add3A_1004, %mul3A_1117 : vector<16xf32>
        %mul3A_1119 = arith.mulf %gather3A_1102, %bitcast_convert_type3A_1116 : vector<16xf32>
        %add3A_1120 = arith.addf %add3A_1006, %mul3A_1119 : vector<16xf32>
        %get3A_1121 = arith.index_cast %add3A_1107 : i32 to index
        %get3A_1122 = arith.constant 16 : index
        %get3A_1123 = tpu.vector_load %arg16[%get3A_1121, %get3A_1122] {strides = array<i32>} : memref<336x128xi32, #tpu.memory_space<vmem>>, vector<1x16xi32>,
        %get3A_1124 = vector.shape_cast %get3A_1123 : vector<1x16xi32> to vector<16xi32>
        %shift_left3A_1125 = arith.constant 16 : i32
        %shift_left3A_1126 = vector.broadcast %shift_left3A_1125 : i32 to vector<16xi32>
        %shift_left3A_1127 = arith.shli %get3A_1124, %shift_left3A_1126 : vector<16xi32>
        %bitcast_convert_type3A_1128 = tpu.bitcast %shift_left3A_1127 : vector<16xi32> -> vector<16xf32>
        %bitcast_convert_type3A_1129 = tpu.bitcast %get3A_1124 : vector<16xi32> -> vector<16xf32>
        %mul3A_1130 = arith.mulf %gather3A_1102, %bitcast_convert_type3A_1128 : vector<16xf32>
        %add3A_1131 = arith.addf %add3A_1017, %mul3A_1130 : vector<16xf32>
        %mul3A_1132 = arith.mulf %gather3A_1102, %bitcast_convert_type3A_1129 : vector<16xf32>
        %add3A_1133 = arith.addf %add3A_1019, %mul3A_1132 : vector<16xf32>
        %get3A_1134 = arith.index_cast %add3A_1107 : i32 to index
        %get3A_1135 = arith.constant 32 : index
        %get3A_1136 = tpu.vector_load %arg16[%get3A_1134, %get3A_1135] {strides = array<i32>} : memref<336x128xi32, #tpu.memory_space<vmem>>, vector<1x16xi32>,
        %get3A_1137 = vector.shape_cast %get3A_1136 : vector<1x16xi32> to vector<16xi32>
        %shift_left3A_1138 = arith.constant 16 : i32
        %shift_left3A_1139 = vector.broadcast %shift_left3A_1138 : i32 to vector<16xi32>
        %shift_left3A_1140 = arith.shli %get3A_1137, %shift_left3A_1139 : vector<16xi32>
        %bitcast_convert_type3A_1141 = tpu.bitcast %shift_left3A_1140 : vector<16xi32> -> vector<16xf32>
        %bitcast_convert_type3A_1142 = tpu.bitcast %get3A_1137 : vector<16xi32> -> vector<16xf32>
        %mul3A_1143 = arith.mulf %gather3A_1102, %bitcast_convert_type3A_1141 : vector<16xf32>
        %add3A_1144 = arith.addf %add3A_1030, %mul3A_1143 : vector<16xf32>
        %mul3A_1145 = arith.mulf %gather3A_1102, %bitcast_convert_type3A_1142 : vector<16xf32>
        %add3A_1146 = arith.addf %add3A_1032, %mul3A_1145 : vector<16xf32>
        %get3A_1147 = arith.index_cast %add3A_1107 : i32 to index
        %get3A_1148 = arith.constant 48 : index
        %get3A_1149 = tpu.vector_load %arg16[%get3A_1147, %get3A_1148] {strides = array<i32>} : memref<336x128xi32, #tpu.memory_space<vmem>>, vector<1x16xi32>,
        %get3A_1150 = vector.shape_cast %get3A_1149 : vector<1x16xi32> to vector<16xi32>
        %shift_left3A_1151 = arith.constant 16 : i32
        %shift_left3A_1152 = vector.broadcast %shift_left3A_1151 : i32 to vector<16xi32>
        %shift_left3A_1153 = arith.shli %get3A_1150, %shift_left3A_1152 : vector<16xi32>
        %bitcast_convert_type3A_1154 = tpu.bitcast %shift_left3A_1153 : vector<16xi32> -> vector<16xf32>
        %bitcast_convert_type3A_1155 = tpu.bitcast %get3A_1150 : vector<16xi32> -> vector<16xf32>
        %mul3A_1156 = arith.mulf %gather3A_1102, %bitcast_convert_type3A_1154 : vector<16xf32>
        %add3A_1157 = arith.addf %add3A_1043, %mul3A_1156 : vector<16xf32>
        %mul3A_1158 = arith.mulf %gather3A_1102, %bitcast_convert_type3A_1155 : vector<16xf32>
        %add3A_1159 = arith.addf %add3A_1045, %mul3A_1158 : vector<16xf32>
        %get3A_1160 = arith.index_cast %add3A_1107 : i32 to index
        %get3A_1161 = arith.constant 64 : index
        %get3A_1162 = tpu.vector_load %arg16[%get3A_1160, %get3A_1161] {strides = array<i32>} : memref<336x128xi32, #tpu.memory_space<vmem>>, vector<1x16xi32>,
        %get3A_1163 = vector.shape_cast %get3A_1162 : vector<1x16xi32> to vector<16xi32>
        %shift_left3A_1164 = arith.constant 16 : i32
        %shift_left3A_1165 = vector.broadcast %shift_left3A_1164 : i32 to vector<16xi32>
        %shift_left3A_1166 = arith.shli %get3A_1163, %shift_left3A_1165 : vector<16xi32>
        %bitcast_convert_type3A_1167 = tpu.bitcast %shift_left3A_1166 : vector<16xi32> -> vector<16xf32>
        %bitcast_convert_type3A_1168 = tpu.bitcast %get3A_1163 : vector<16xi32> -> vector<16xf32>
        %mul3A_1169 = arith.mulf %gather3A_1102, %bitcast_convert_type3A_1167 : vector<16xf32>
        %add3A_1170 = arith.addf %add3A_1056, %mul3A_1169 : vector<16xf32>
        %mul3A_1171 = arith.mulf %gather3A_1102, %bitcast_convert_type3A_1168 : vector<16xf32>
        %add3A_1172 = arith.addf %add3A_1058, %mul3A_1171 : vector<16xf32>
        %get3A_1173 = arith.index_cast %add3A_1107 : i32 to index
        %get3A_1174 = arith.constant 80 : index
        %get3A_1175 = tpu.vector_load %arg16[%get3A_1173, %get3A_1174] {strides = array<i32>} : memref<336x128xi32, #tpu.memory_space<vmem>>, vector<1x16xi32>,
        %get3A_1176 = vector.shape_cast %get3A_1175 : vector<1x16xi32> to vector<16xi32>
        %shift_left3A_1177 = arith.constant 16 : i32
        %shift_left3A_1178 = vector.broadcast %shift_left3A_1177 : i32 to vector<16xi32>
        %shift_left3A_1179 = arith.shli %get3A_1176, %shift_left3A_1178 : vector<16xi32>
        %bitcast_convert_type3A_1180 = tpu.bitcast %shift_left3A_1179 : vector<16xi32> -> vector<16xf32>
        %bitcast_convert_type3A_1181 = tpu.bitcast %get3A_1176 : vector<16xi32> -> vector<16xf32>
        %mul3A_1182 = arith.mulf %gather3A_1102, %bitcast_convert_type3A_1180 : vector<16xf32>
        %add3A_1183 = arith.addf %add3A_1069, %mul3A_1182 : vector<16xf32>
        %mul3A_1184 = arith.mulf %gather3A_1102, %bitcast_convert_type3A_1181 : vector<16xf32>
        %add3A_1185 = arith.addf %add3A_1071, %mul3A_1184 : vector<16xf32>
        %get3A_1186 = arith.index_cast %add3A_1107 : i32 to index
        %get3A_1187 = arith.constant 96 : index
        %get3A_1188 = tpu.vector_load %arg16[%get3A_1186, %get3A_1187] {strides = array<i32>} : memref<336x128xi32, #tpu.memory_space<vmem>>, vector<1x16xi32>,
        %get3A_1189 = vector.shape_cast %get3A_1188 : vector<1x16xi32> to vector<16xi32>
        %shift_left3A_1190 = arith.constant 16 : i32
        %shift_left3A_1191 = vector.broadcast %shift_left3A_1190 : i32 to vector<16xi32>
        %shift_left3A_1192 = arith.shli %get3A_1189, %shift_left3A_1191 : vector<16xi32>
        %bitcast_convert_type3A_1193 = tpu.bitcast %shift_left3A_1192 : vector<16xi32> -> vector<16xf32>
        %bitcast_convert_type3A_1194 = tpu.bitcast %get3A_1189 : vector<16xi32> -> vector<16xf32>
        %mul3A_1195 = arith.mulf %gather3A_1102, %bitcast_convert_type3A_1193 : vector<16xf32>
        %add3A_1196 = arith.addf %add3A_1082, %mul3A_1195 : vector<16xf32>
        %mul3A_1197 = arith.mulf %gather3A_1102, %bitcast_convert_type3A_1194 : vector<16xf32>
        %add3A_1198 = arith.addf %add3A_1084, %mul3A_1197 : vector<16xf32>
        %get3A_1199 = arith.index_cast %add3A_1107 : i32 to index
        %get3A_1200 = arith.constant 112 : index
        %get3A_1201 = tpu.vector_load %arg16[%get3A_1199, %get3A_1200] {strides = array<i32>} : memref<336x128xi32, #tpu.memory_space<vmem>>, vector<1x16xi32>,
        %get3A_1202 = vector.shape_cast %get3A_1201 : vector<1x16xi32> to vector<16xi32>
        %shift_left3A_1203 = arith.constant 16 : i32
        %shift_left3A_1204 = vector.broadcast %shift_left3A_1203 : i32 to vector<16xi32>
        %shift_left3A_1205 = arith.shli %get3A_1202, %shift_left3A_1204 : vector<16xi32>
        %bitcast_convert_type3A_1206 = tpu.bitcast %shift_left3A_1205 : vector<16xi32> -> vector<16xf32>
        %bitcast_convert_type3A_1207 = tpu.bitcast %get3A_1202 : vector<16xi32> -> vector<16xf32>
        %mul3A_1208 = arith.mulf %gather3A_1102, %bitcast_convert_type3A_1206 : vector<16xf32>
        %add3A_1209 = arith.addf %add3A_1095, %mul3A_1208 : vector<16xf32>
        %mul3A_1210 = arith.mulf %gather3A_1102, %bitcast_convert_type3A_1207 : vector<16xf32>
        %add3A_1211 = arith.addf %add3A_1097, %mul3A_1210 : vector<16xf32>
        %broadcast_in_dim3A_1212 = arith.constant 7 : i32
        %broadcast_in_dim3A_1213 = vector.broadcast %broadcast_in_dim3A_1212 : i32 to vector<16xi32>
        %broadcast_in_dim3A_1214 = vector.shape_cast %broadcast_in_dim3A_1213 : vector<16xi32> to vector<16x1xi32>
        %gather3A_1215 = vector.shape_cast %broadcast_in_dim3A_1214 : vector<16x1xi32> to vector<16xi32>
        %gather3A_1216 = tpu.dynamic_gather %get3A_384[%gather3A_1215] in [0] : vector<16xf32>, vector<16xi32> -> vector<16xf32>
        %mul3A_1217 = arith.constant 16 : i32
        %mul3A_1218 = arith.muli %scan3A_373, %mul3A_1217 : i32
        %add3A_1219 = arith.addi %mul3A_315, %mul3A_1218 : i32
        %add3A_1220 = arith.constant 7 : i32
        %add3A_1221 = arith.addi %add3A_1219, %add3A_1220 : i32
        %get3A_1222 = arith.index_cast %add3A_1221 : i32 to index
        %get3A_1223 = arith.constant 0 : index
        %get3A_1224 = tpu.vector_load %arg16[%get3A_1222, %get3A_1223] {strides = array<i32>} : memref<336x128xi32, #tpu.memory_space<vmem>>, vector<1x16xi32>,
        %get3A_1225 = vector.shape_cast %get3A_1224 : vector<1x16xi32> to vector<16xi32>
        %shift_left3A_1226 = arith.constant 16 : i32
        %shift_left3A_1227 = vector.broadcast %shift_left3A_1226 : i32 to vector<16xi32>
        %shift_left3A_1228 = arith.shli %get3A_1225, %shift_left3A_1227 : vector<16xi32>
        %bitcast_convert_type3A_1229 = tpu.bitcast %shift_left3A_1228 : vector<16xi32> -> vector<16xf32>
        %bitcast_convert_type3A_1230 = tpu.bitcast %get3A_1225 : vector<16xi32> -> vector<16xf32>
        %mul3A_1231 = arith.mulf %gather3A_1216, %bitcast_convert_type3A_1229 : vector<16xf32>
        %add3A_1232 = arith.addf %add3A_1118, %mul3A_1231 : vector<16xf32>
        %mul3A_1233 = arith.mulf %gather3A_1216, %bitcast_convert_type3A_1230 : vector<16xf32>
        %add3A_1234 = arith.addf %add3A_1120, %mul3A_1233 : vector<16xf32>
        %get3A_1235 = arith.index_cast %add3A_1221 : i32 to index
        %get3A_1236 = arith.constant 16 : index
        %get3A_1237 = tpu.vector_load %arg16[%get3A_1235, %get3A_1236] {strides = array<i32>} : memref<336x128xi32, #tpu.memory_space<vmem>>, vector<1x16xi32>,
        %get3A_1238 = vector.shape_cast %get3A_1237 : vector<1x16xi32> to vector<16xi32>
        %shift_left3A_1239 = arith.constant 16 : i32
        %shift_left3A_1240 = vector.broadcast %shift_left3A_1239 : i32 to vector<16xi32>
        %shift_left3A_1241 = arith.shli %get3A_1238, %shift_left3A_1240 : vector<16xi32>
        %bitcast_convert_type3A_1242 = tpu.bitcast %shift_left3A_1241 : vector<16xi32> -> vector<16xf32>
        %bitcast_convert_type3A_1243 = tpu.bitcast %get3A_1238 : vector<16xi32> -> vector<16xf32>
        %mul3A_1244 = arith.mulf %gather3A_1216, %bitcast_convert_type3A_1242 : vector<16xf32>
        %add3A_1245 = arith.addf %add3A_1131, %mul3A_1244 : vector<16xf32>
        %mul3A_1246 = arith.mulf %gather3A_1216, %bitcast_convert_type3A_1243 : vector<16xf32>
        %add3A_1247 = arith.addf %add3A_1133, %mul3A_1246 : vector<16xf32>
        %get3A_1248 = arith.index_cast %add3A_1221 : i32 to index
        %get3A_1249 = arith.constant 32 : index
        %get3A_1250 = tpu.vector_load %arg16[%get3A_1248, %get3A_1249] {strides = array<i32>} : memref<336x128xi32, #tpu.memory_space<vmem>>, vector<1x16xi32>,
        %get3A_1251 = vector.shape_cast %get3A_1250 : vector<1x16xi32> to vector<16xi32>
        %shift_left3A_1252 = arith.constant 16 : i32
        %shift_left3A_1253 = vector.broadcast %shift_left3A_1252 : i32 to vector<16xi32>
        %shift_left3A_1254 = arith.shli %get3A_1251, %shift_left3A_1253 : vector<16xi32>
        %bitcast_convert_type3A_1255 = tpu.bitcast %shift_left3A_1254 : vector<16xi32> -> vector<16xf32>
        %bitcast_convert_type3A_1256 = tpu.bitcast %get3A_1251 : vector<16xi32> -> vector<16xf32>
        %mul3A_1257 = arith.mulf %gather3A_1216, %bitcast_convert_type3A_1255 : vector<16xf32>
        %add3A_1258 = arith.addf %add3A_1144, %mul3A_1257 : vector<16xf32>
        %mul3A_1259 = arith.mulf %gather3A_1216, %bitcast_convert_type3A_1256 : vector<16xf32>
        %add3A_1260 = arith.addf %add3A_1146, %mul3A_1259 : vector<16xf32>
        %get3A_1261 = arith.index_cast %add3A_1221 : i32 to index
        %get3A_1262 = arith.constant 48 : index
        %get3A_1263 = tpu.vector_load %arg16[%get3A_1261, %get3A_1262] {strides = array<i32>} : memref<336x128xi32, #tpu.memory_space<vmem>>, vector<1x16xi32>,
        %get3A_1264 = vector.shape_cast %get3A_1263 : vector<1x16xi32> to vector<16xi32>
        %shift_left3A_1265 = arith.constant 16 : i32
        %shift_left3A_1266 = vector.broadcast %shift_left3A_1265 : i32 to vector<16xi32>
        %shift_left3A_1267 = arith.shli %get3A_1264, %shift_left3A_1266 : vector<16xi32>
        %bitcast_convert_type3A_1268 = tpu.bitcast %shift_left3A_1267 : vector<16xi32> -> vector<16xf32>
        %bitcast_convert_type3A_1269 = tpu.bitcast %get3A_1264 : vector<16xi32> -> vector<16xf32>
        %mul3A_1270 = arith.mulf %gather3A_1216, %bitcast_convert_type3A_1268 : vector<16xf32>
        %add3A_1271 = arith.addf %add3A_1157, %mul3A_1270 : vector<16xf32>
        %mul3A_1272 = arith.mulf %gather3A_1216, %bitcast_convert_type3A_1269 : vector<16xf32>
        %add3A_1273 = arith.addf %add3A_1159, %mul3A_1272 : vector<16xf32>
        %get3A_1274 = arith.index_cast %add3A_1221 : i32 to index
        %get3A_1275 = arith.constant 64 : index
        %get3A_1276 = tpu.vector_load %arg16[%get3A_1274, %get3A_1275] {strides = array<i32>} : memref<336x128xi32, #tpu.memory_space<vmem>>, vector<1x16xi32>,
        %get3A_1277 = vector.shape_cast %get3A_1276 : vector<1x16xi32> to vector<16xi32>
        %shift_left3A_1278 = arith.constant 16 : i32
        %shift_left3A_1279 = vector.broadcast %shift_left3A_1278 : i32 to vector<16xi32>
        %shift_left3A_1280 = arith.shli %get3A_1277, %shift_left3A_1279 : vector<16xi32>
        %bitcast_convert_type3A_1281 = tpu.bitcast %shift_left3A_1280 : vector<16xi32> -> vector<16xf32>
        %bitcast_convert_type3A_1282 = tpu.bitcast %get3A_1277 : vector<16xi32> -> vector<16xf32>
        %mul3A_1283 = arith.mulf %gather3A_1216, %bitcast_convert_type3A_1281 : vector<16xf32>
        %add3A_1284 = arith.addf %add3A_1170, %mul3A_1283 : vector<16xf32>
        %mul3A_1285 = arith.mulf %gather3A_1216, %bitcast_convert_type3A_1282 : vector<16xf32>
        %add3A_1286 = arith.addf %add3A_1172, %mul3A_1285 : vector<16xf32>
        %get3A_1287 = arith.index_cast %add3A_1221 : i32 to index
        %get3A_1288 = arith.constant 80 : index
        %get3A_1289 = tpu.vector_load %arg16[%get3A_1287, %get3A_1288] {strides = array<i32>} : memref<336x128xi32, #tpu.memory_space<vmem>>, vector<1x16xi32>,
        %get3A_1290 = vector.shape_cast %get3A_1289 : vector<1x16xi32> to vector<16xi32>
        %shift_left3A_1291 = arith.constant 16 : i32
        %shift_left3A_1292 = vector.broadcast %shift_left3A_1291 : i32 to vector<16xi32>
        %shift_left3A_1293 = arith.shli %get3A_1290, %shift_left3A_1292 : vector<16xi32>
        %bitcast_convert_type3A_1294 = tpu.bitcast %shift_left3A_1293 : vector<16xi32> -> vector<16xf32>
        %bitcast_convert_type3A_1295 = tpu.bitcast %get3A_1290 : vector<16xi32> -> vector<16xf32>
        %mul3A_1296 = arith.mulf %gather3A_1216, %bitcast_convert_type3A_1294 : vector<16xf32>
        %add3A_1297 = arith.addf %add3A_1183, %mul3A_1296 : vector<16xf32>
        %mul3A_1298 = arith.mulf %gather3A_1216, %bitcast_convert_type3A_1295 : vector<16xf32>
        %add3A_1299 = arith.addf %add3A_1185, %mul3A_1298 : vector<16xf32>
        %get3A_1300 = arith.index_cast %add3A_1221 : i32 to index
        %get3A_1301 = arith.constant 96 : index
        %get3A_1302 = tpu.vector_load %arg16[%get3A_1300, %get3A_1301] {strides = array<i32>} : memref<336x128xi32, #tpu.memory_space<vmem>>, vector<1x16xi32>,
        %get3A_1303 = vector.shape_cast %get3A_1302 : vector<1x16xi32> to vector<16xi32>
        %shift_left3A_1304 = arith.constant 16 : i32
        %shift_left3A_1305 = vector.broadcast %shift_left3A_1304 : i32 to vector<16xi32>
        %shift_left3A_1306 = arith.shli %get3A_1303, %shift_left3A_1305 : vector<16xi32>
        %bitcast_convert_type3A_1307 = tpu.bitcast %shift_left3A_1306 : vector<16xi32> -> vector<16xf32>
        %bitcast_convert_type3A_1308 = tpu.bitcast %get3A_1303 : vector<16xi32> -> vector<16xf32>
        %mul3A_1309 = arith.mulf %gather3A_1216, %bitcast_convert_type3A_1307 : vector<16xf32>
        %add3A_1310 = arith.addf %add3A_1196, %mul3A_1309 : vector<16xf32>
        %mul3A_1311 = arith.mulf %gather3A_1216, %bitcast_convert_type3A_1308 : vector<16xf32>
        %add3A_1312 = arith.addf %add3A_1198, %mul3A_1311 : vector<16xf32>
        %get3A_1313 = arith.index_cast %add3A_1221 : i32 to index
        %get3A_1314 = arith.constant 112 : index
        %get3A_1315 = tpu.vector_load %arg16[%get3A_1313, %get3A_1314] {strides = array<i32>} : memref<336x128xi32, #tpu.memory_space<vmem>>, vector<1x16xi32>,
        %get3A_1316 = vector.shape_cast %get3A_1315 : vector<1x16xi32> to vector<16xi32>
        %shift_left3A_1317 = arith.constant 16 : i32
        %shift_left3A_1318 = vector.broadcast %shift_left3A_1317 : i32 to vector<16xi32>
        %shift_left3A_1319 = arith.shli %get3A_1316, %shift_left3A_1318 : vector<16xi32>
        %bitcast_convert_type3A_1320 = tpu.bitcast %shift_left3A_1319 : vector<16xi32> -> vector<16xf32>
        %bitcast_convert_type3A_1321 = tpu.bitcast %get3A_1316 : vector<16xi32> -> vector<16xf32>
        %mul3A_1322 = arith.mulf %gather3A_1216, %bitcast_convert_type3A_1320 : vector<16xf32>
        %add3A_1323 = arith.addf %add3A_1209, %mul3A_1322 : vector<16xf32>
        %mul3A_1324 = arith.mulf %gather3A_1216, %bitcast_convert_type3A_1321 : vector<16xf32>
        %add3A_1325 = arith.addf %add3A_1211, %mul3A_1324 : vector<16xf32>
        %broadcast_in_dim3A_1326 = arith.constant 8 : i32
        %broadcast_in_dim3A_1327 = vector.broadcast %broadcast_in_dim3A_1326 : i32 to vector<16xi32>
        %broadcast_in_dim3A_1328 = vector.shape_cast %broadcast_in_dim3A_1327 : vector<16xi32> to vector<16x1xi32>
        %gather3A_1329 = vector.shape_cast %broadcast_in_dim3A_1328 : vector<16x1xi32> to vector<16xi32>
        %gather3A_1330 = tpu.dynamic_gather %get3A_384[%gather3A_1329] in [0] : vector<16xf32>, vector<16xi32> -> vector<16xf32>
        %mul3A_1331 = arith.constant 16 : i32
        %mul3A_1332 = arith.muli %scan3A_373, %mul3A_1331 : i32
        %add3A_1333 = arith.addi %mul3A_315, %mul3A_1332 : i32
        %add3A_1334 = arith.constant 8 : i32
        %add3A_1335 = arith.addi %add3A_1333, %add3A_1334 : i32
        %get3A_1336 = arith.index_cast %add3A_1335 : i32 to index
        %get3A_1337 = arith.constant 0 : index
        %get3A_1338 = tpu.vector_load %arg16[%get3A_1336, %get3A_1337] {strides = array<i32>} : memref<336x128xi32, #tpu.memory_space<vmem>>, vector<1x16xi32>,
        %get3A_1339 = vector.shape_cast %get3A_1338 : vector<1x16xi32> to vector<16xi32>
        %shift_left3A_1340 = arith.constant 16 : i32
        %shift_left3A_1341 = vector.broadcast %shift_left3A_1340 : i32 to vector<16xi32>
        %shift_left3A_1342 = arith.shli %get3A_1339, %shift_left3A_1341 : vector<16xi32>
        %bitcast_convert_type3A_1343 = tpu.bitcast %shift_left3A_1342 : vector<16xi32> -> vector<16xf32>
        %bitcast_convert_type3A_1344 = tpu.bitcast %get3A_1339 : vector<16xi32> -> vector<16xf32>
        %mul3A_1345 = arith.mulf %gather3A_1330, %bitcast_convert_type3A_1343 : vector<16xf32>
        %add3A_1346 = arith.addf %add3A_1232, %mul3A_1345 : vector<16xf32>
        %mul3A_1347 = arith.mulf %gather3A_1330, %bitcast_convert_type3A_1344 : vector<16xf32>
        %add3A_1348 = arith.addf %add3A_1234, %mul3A_1347 : vector<16xf32>
        %get3A_1349 = arith.index_cast %add3A_1335 : i32 to index
        %get3A_1350 = arith.constant 16 : index
        %get3A_1351 = tpu.vector_load %arg16[%get3A_1349, %get3A_1350] {strides = array<i32>} : memref<336x128xi32, #tpu.memory_space<vmem>>, vector<1x16xi32>,
        %get3A_1352 = vector.shape_cast %get3A_1351 : vector<1x16xi32> to vector<16xi32>
        %shift_left3A_1353 = arith.constant 16 : i32
        %shift_left3A_1354 = vector.broadcast %shift_left3A_1353 : i32 to vector<16xi32>
        %shift_left3A_1355 = arith.shli %get3A_1352, %shift_left3A_1354 : vector<16xi32>
        %bitcast_convert_type3A_1356 = tpu.bitcast %shift_left3A_1355 : vector<16xi32> -> vector<16xf32>
        %bitcast_convert_type3A_1357 = tpu.bitcast %get3A_1352 : vector<16xi32> -> vector<16xf32>
        %mul3A_1358 = arith.mulf %gather3A_1330, %bitcast_convert_type3A_1356 : vector<16xf32>
        %add3A_1359 = arith.addf %add3A_1245, %mul3A_1358 : vector<16xf32>
        %mul3A_1360 = arith.mulf %gather3A_1330, %bitcast_convert_type3A_1357 : vector<16xf32>
        %add3A_1361 = arith.addf %add3A_1247, %mul3A_1360 : vector<16xf32>
        %get3A_1362 = arith.index_cast %add3A_1335 : i32 to index
        %get3A_1363 = arith.constant 32 : index
        %get3A_1364 = tpu.vector_load %arg16[%get3A_1362, %get3A_1363] {strides = array<i32>} : memref<336x128xi32, #tpu.memory_space<vmem>>, vector<1x16xi32>,
        %get3A_1365 = vector.shape_cast %get3A_1364 : vector<1x16xi32> to vector<16xi32>
        %shift_left3A_1366 = arith.constant 16 : i32
        %shift_left3A_1367 = vector.broadcast %shift_left3A_1366 : i32 to vector<16xi32>
        %shift_left3A_1368 = arith.shli %get3A_1365, %shift_left3A_1367 : vector<16xi32>
        %bitcast_convert_type3A_1369 = tpu.bitcast %shift_left3A_1368 : vector<16xi32> -> vector<16xf32>
        %bitcast_convert_type3A_1370 = tpu.bitcast %get3A_1365 : vector<16xi32> -> vector<16xf32>
        %mul3A_1371 = arith.mulf %gather3A_1330, %bitcast_convert_type3A_1369 : vector<16xf32>
        %add3A_1372 = arith.addf %add3A_1258, %mul3A_1371 : vector<16xf32>
        %mul3A_1373 = arith.mulf %gather3A_1330, %bitcast_convert_type3A_1370 : vector<16xf32>
        %add3A_1374 = arith.addf %add3A_1260, %mul3A_1373 : vector<16xf32>
        %get3A_1375 = arith.index_cast %add3A_1335 : i32 to index
        %get3A_1376 = arith.constant 48 : index
        %get3A_1377 = tpu.vector_load %arg16[%get3A_1375, %get3A_1376] {strides = array<i32>} : memref<336x128xi32, #tpu.memory_space<vmem>>, vector<1x16xi32>,
        %get3A_1378 = vector.shape_cast %get3A_1377 : vector<1x16xi32> to vector<16xi32>
        %shift_left3A_1379 = arith.constant 16 : i32
        %shift_left3A_1380 = vector.broadcast %shift_left3A_1379 : i32 to vector<16xi32>
        %shift_left3A_1381 = arith.shli %get3A_1378, %shift_left3A_1380 : vector<16xi32>
        %bitcast_convert_type3A_1382 = tpu.bitcast %shift_left3A_1381 : vector<16xi32> -> vector<16xf32>
        %bitcast_convert_type3A_1383 = tpu.bitcast %get3A_1378 : vector<16xi32> -> vector<16xf32>
        %mul3A_1384 = arith.mulf %gather3A_1330, %bitcast_convert_type3A_1382 : vector<16xf32>
        %add3A_1385 = arith.addf %add3A_1271, %mul3A_1384 : vector<16xf32>
        %mul3A_1386 = arith.mulf %gather3A_1330, %bitcast_convert_type3A_1383 : vector<16xf32>
        %add3A_1387 = arith.addf %add3A_1273, %mul3A_1386 : vector<16xf32>
        %get3A_1388 = arith.index_cast %add3A_1335 : i32 to index
        %get3A_1389 = arith.constant 64 : index
        %get3A_1390 = tpu.vector_load %arg16[%get3A_1388, %get3A_1389] {strides = array<i32>} : memref<336x128xi32, #tpu.memory_space<vmem>>, vector<1x16xi32>,
        %get3A_1391 = vector.shape_cast %get3A_1390 : vector<1x16xi32> to vector<16xi32>
        %shift_left3A_1392 = arith.constant 16 : i32
        %shift_left3A_1393 = vector.broadcast %shift_left3A_1392 : i32 to vector<16xi32>
        %shift_left3A_1394 = arith.shli %get3A_1391, %shift_left3A_1393 : vector<16xi32>
        %bitcast_convert_type3A_1395 = tpu.bitcast %shift_left3A_1394 : vector<16xi32> -> vector<16xf32>
        %bitcast_convert_type3A_1396 = tpu.bitcast %get3A_1391 : vector<16xi32> -> vector<16xf32>
        %mul3A_1397 = arith.mulf %gather3A_1330, %bitcast_convert_type3A_1395 : vector<16xf32>
        %add3A_1398 = arith.addf %add3A_1284, %mul3A_1397 : vector<16xf32>
        %mul3A_1399 = arith.mulf %gather3A_1330, %bitcast_convert_type3A_1396 : vector<16xf32>
        %add3A_1400 = arith.addf %add3A_1286, %mul3A_1399 : vector<16xf32>
        %get3A_1401 = arith.index_cast %add3A_1335 : i32 to index
        %get3A_1402 = arith.constant 80 : index
        %get3A_1403 = tpu.vector_load %arg16[%get3A_1401, %get3A_1402] {strides = array<i32>} : memref<336x128xi32, #tpu.memory_space<vmem>>, vector<1x16xi32>,
        %get3A_1404 = vector.shape_cast %get3A_1403 : vector<1x16xi32> to vector<16xi32>
        %shift_left3A_1405 = arith.constant 16 : i32
        %shift_left3A_1406 = vector.broadcast %shift_left3A_1405 : i32 to vector<16xi32>
        %shift_left3A_1407 = arith.shli %get3A_1404, %shift_left3A_1406 : vector<16xi32>
        %bitcast_convert_type3A_1408 = tpu.bitcast %shift_left3A_1407 : vector<16xi32> -> vector<16xf32>
        %bitcast_convert_type3A_1409 = tpu.bitcast %get3A_1404 : vector<16xi32> -> vector<16xf32>
        %mul3A_1410 = arith.mulf %gather3A_1330, %bitcast_convert_type3A_1408 : vector<16xf32>
        %add3A_1411 = arith.addf %add3A_1297, %mul3A_1410 : vector<16xf32>
        %mul3A_1412 = arith.mulf %gather3A_1330, %bitcast_convert_type3A_1409 : vector<16xf32>
        %add3A_1413 = arith.addf %add3A_1299, %mul3A_1412 : vector<16xf32>
        %get3A_1414 = arith.index_cast %add3A_1335 : i32 to index
        %get3A_1415 = arith.constant 96 : index
        %get3A_1416 = tpu.vector_load %arg16[%get3A_1414, %get3A_1415] {strides = array<i32>} : memref<336x128xi32, #tpu.memory_space<vmem>>, vector<1x16xi32>,
        %get3A_1417 = vector.shape_cast %get3A_1416 : vector<1x16xi32> to vector<16xi32>
        %shift_left3A_1418 = arith.constant 16 : i32
        %shift_left3A_1419 = vector.broadcast %shift_left3A_1418 : i32 to vector<16xi32>
        %shift_left3A_1420 = arith.shli %get3A_1417, %shift_left3A_1419 : vector<16xi32>
        %bitcast_convert_type3A_1421 = tpu.bitcast %shift_left3A_1420 : vector<16xi32> -> vector<16xf32>
        %bitcast_convert_type3A_1422 = tpu.bitcast %get3A_1417 : vector<16xi32> -> vector<16xf32>
        %mul3A_1423 = arith.mulf %gather3A_1330, %bitcast_convert_type3A_1421 : vector<16xf32>
        %add3A_1424 = arith.addf %add3A_1310, %mul3A_1423 : vector<16xf32>
        %mul3A_1425 = arith.mulf %gather3A_1330, %bitcast_convert_type3A_1422 : vector<16xf32>
        %add3A_1426 = arith.addf %add3A_1312, %mul3A_1425 : vector<16xf32>
        %get3A_1427 = arith.index_cast %add3A_1335 : i32 to index
        %get3A_1428 = arith.constant 112 : index
        %get3A_1429 = tpu.vector_load %arg16[%get3A_1427, %get3A_1428] {strides = array<i32>} : memref<336x128xi32, #tpu.memory_space<vmem>>, vector<1x16xi32>,
        %get3A_1430 = vector.shape_cast %get3A_1429 : vector<1x16xi32> to vector<16xi32>
        %shift_left3A_1431 = arith.constant 16 : i32
        %shift_left3A_1432 = vector.broadcast %shift_left3A_1431 : i32 to vector<16xi32>
        %shift_left3A_1433 = arith.shli %get3A_1430, %shift_left3A_1432 : vector<16xi32>
        %bitcast_convert_type3A_1434 = tpu.bitcast %shift_left3A_1433 : vector<16xi32> -> vector<16xf32>
        %bitcast_convert_type3A_1435 = tpu.bitcast %get3A_1430 : vector<16xi32> -> vector<16xf32>
        %mul3A_1436 = arith.mulf %gather3A_1330, %bitcast_convert_type3A_1434 : vector<16xf32>
        %add3A_1437 = arith.addf %add3A_1323, %mul3A_1436 : vector<16xf32>
        %mul3A_1438 = arith.mulf %gather3A_1330, %bitcast_convert_type3A_1435 : vector<16xf32>
        %add3A_1439 = arith.addf %add3A_1325, %mul3A_1438 : vector<16xf32>
        %broadcast_in_dim3A_1440 = arith.constant 9 : i32
        %broadcast_in_dim3A_1441 = vector.broadcast %broadcast_in_dim3A_1440 : i32 to vector<16xi32>
        %broadcast_in_dim3A_1442 = vector.shape_cast %broadcast_in_dim3A_1441 : vector<16xi32> to vector<16x1xi32>
        %gather3A_1443 = vector.shape_cast %broadcast_in_dim3A_1442 : vector<16x1xi32> to vector<16xi32>
        %gather3A_1444 = tpu.dynamic_gather %get3A_384[%gather3A_1443] in [0] : vector<16xf32>, vector<16xi32> -> vector<16xf32>
        %mul3A_1445 = arith.constant 16 : i32
        %mul3A_1446 = arith.muli %scan3A_373, %mul3A_1445 : i32
        %add3A_1447 = arith.addi %mul3A_315, %mul3A_1446 : i32
        %add3A_1448 = arith.constant 9 : i32
        %add3A_1449 = arith.addi %add3A_1447, %add3A_1448 : i32
        %get3A_1450 = arith.index_cast %add3A_1449 : i32 to index
        %get3A_1451 = arith.constant 0 : index
        %get3A_1452 = tpu.vector_load %arg16[%get3A_1450, %get3A_1451] {strides = array<i32>} : memref<336x128xi32, #tpu.memory_space<vmem>>, vector<1x16xi32>,
        %get3A_1453 = vector.shape_cast %get3A_1452 : vector<1x16xi32> to vector<16xi32>
        %shift_left3A_1454 = arith.constant 16 : i32
        %shift_left3A_1455 = vector.broadcast %shift_left3A_1454 : i32 to vector<16xi32>
        %shift_left3A_1456 = arith.shli %get3A_1453, %shift_left3A_1455 : vector<16xi32>
        %bitcast_convert_type3A_1457 = tpu.bitcast %shift_left3A_1456 : vector<16xi32> -> vector<16xf32>
        %bitcast_convert_type3A_1458 = tpu.bitcast %get3A_1453 : vector<16xi32> -> vector<16xf32>
        %mul3A_1459 = arith.mulf %gather3A_1444, %bitcast_convert_type3A_1457 : vector<16xf32>
        %add3A_1460 = arith.addf %add3A_1346, %mul3A_1459 : vector<16xf32>
        %mul3A_1461 = arith.mulf %gather3A_1444, %bitcast_convert_type3A_1458 : vector<16xf32>
        %add3A_1462 = arith.addf %add3A_1348, %mul3A_1461 : vector<16xf32>
        %get3A_1463 = arith.index_cast %add3A_1449 : i32 to index
        %get3A_1464 = arith.constant 16 : index
        %get3A_1465 = tpu.vector_load %arg16[%get3A_1463, %get3A_1464] {strides = array<i32>} : memref<336x128xi32, #tpu.memory_space<vmem>>, vector<1x16xi32>,
        %get3A_1466 = vector.shape_cast %get3A_1465 : vector<1x16xi32> to vector<16xi32>
        %shift_left3A_1467 = arith.constant 16 : i32
        %shift_left3A_1468 = vector.broadcast %shift_left3A_1467 : i32 to vector<16xi32>
        %shift_left3A_1469 = arith.shli %get3A_1466, %shift_left3A_1468 : vector<16xi32>
        %bitcast_convert_type3A_1470 = tpu.bitcast %shift_left3A_1469 : vector<16xi32> -> vector<16xf32>
        %bitcast_convert_type3A_1471 = tpu.bitcast %get3A_1466 : vector<16xi32> -> vector<16xf32>
        %mul3A_1472 = arith.mulf %gather3A_1444, %bitcast_convert_type3A_1470 : vector<16xf32>
        %add3A_1473 = arith.addf %add3A_1359, %mul3A_1472 : vector<16xf32>
        %mul3A_1474 = arith.mulf %gather3A_1444, %bitcast_convert_type3A_1471 : vector<16xf32>
        %add3A_1475 = arith.addf %add3A_1361, %mul3A_1474 : vector<16xf32>
        %get3A_1476 = arith.index_cast %add3A_1449 : i32 to index
        %get3A_1477 = arith.constant 32 : index
        %get3A_1478 = tpu.vector_load %arg16[%get3A_1476, %get3A_1477] {strides = array<i32>} : memref<336x128xi32, #tpu.memory_space<vmem>>, vector<1x16xi32>,
        %get3A_1479 = vector.shape_cast %get3A_1478 : vector<1x16xi32> to vector<16xi32>
        %shift_left3A_1480 = arith.constant 16 : i32
        %shift_left3A_1481 = vector.broadcast %shift_left3A_1480 : i32 to vector<16xi32>
        %shift_left3A_1482 = arith.shli %get3A_1479, %shift_left3A_1481 : vector<16xi32>
        %bitcast_convert_type3A_1483 = tpu.bitcast %shift_left3A_1482 : vector<16xi32> -> vector<16xf32>
        %bitcast_convert_type3A_1484 = tpu.bitcast %get3A_1479 : vector<16xi32> -> vector<16xf32>
        %mul3A_1485 = arith.mulf %gather3A_1444, %bitcast_convert_type3A_1483 : vector<16xf32>
        %add3A_1486 = arith.addf %add3A_1372, %mul3A_1485 : vector<16xf32>
        %mul3A_1487 = arith.mulf %gather3A_1444, %bitcast_convert_type3A_1484 : vector<16xf32>
        %add3A_1488 = arith.addf %add3A_1374, %mul3A_1487 : vector<16xf32>
        %get3A_1489 = arith.index_cast %add3A_1449 : i32 to index
        %get3A_1490 = arith.constant 48 : index
        %get3A_1491 = tpu.vector_load %arg16[%get3A_1489, %get3A_1490] {strides = array<i32>} : memref<336x128xi32, #tpu.memory_space<vmem>>, vector<1x16xi32>,
        %get3A_1492 = vector.shape_cast %get3A_1491 : vector<1x16xi32> to vector<16xi32>
        %shift_left3A_1493 = arith.constant 16 : i32
        %shift_left3A_1494 = vector.broadcast %shift_left3A_1493 : i32 to vector<16xi32>
        %shift_left3A_1495 = arith.shli %get3A_1492, %shift_left3A_1494 : vector<16xi32>
        %bitcast_convert_type3A_1496 = tpu.bitcast %shift_left3A_1495 : vector<16xi32> -> vector<16xf32>
        %bitcast_convert_type3A_1497 = tpu.bitcast %get3A_1492 : vector<16xi32> -> vector<16xf32>
        %mul3A_1498 = arith.mulf %gather3A_1444, %bitcast_convert_type3A_1496 : vector<16xf32>
        %add3A_1499 = arith.addf %add3A_1385, %mul3A_1498 : vector<16xf32>
        %mul3A_1500 = arith.mulf %gather3A_1444, %bitcast_convert_type3A_1497 : vector<16xf32>
        %add3A_1501 = arith.addf %add3A_1387, %mul3A_1500 : vector<16xf32>
        %get3A_1502 = arith.index_cast %add3A_1449 : i32 to index
        %get3A_1503 = arith.constant 64 : index
        %get3A_1504 = tpu.vector_load %arg16[%get3A_1502, %get3A_1503] {strides = array<i32>} : memref<336x128xi32, #tpu.memory_space<vmem>>, vector<1x16xi32>,
        %get3A_1505 = vector.shape_cast %get3A_1504 : vector<1x16xi32> to vector<16xi32>
        %shift_left3A_1506 = arith.constant 16 : i32
        %shift_left3A_1507 = vector.broadcast %shift_left3A_1506 : i32 to vector<16xi32>
        %shift_left3A_1508 = arith.shli %get3A_1505, %shift_left3A_1507 : vector<16xi32>
        %bitcast_convert_type3A_1509 = tpu.bitcast %shift_left3A_1508 : vector<16xi32> -> vector<16xf32>
        %bitcast_convert_type3A_1510 = tpu.bitcast %get3A_1505 : vector<16xi32> -> vector<16xf32>
        %mul3A_1511 = arith.mulf %gather3A_1444, %bitcast_convert_type3A_1509 : vector<16xf32>
        %add3A_1512 = arith.addf %add3A_1398, %mul3A_1511 : vector<16xf32>
        %mul3A_1513 = arith.mulf %gather3A_1444, %bitcast_convert_type3A_1510 : vector<16xf32>
        %add3A_1514 = arith.addf %add3A_1400, %mul3A_1513 : vector<16xf32>
        %get3A_1515 = arith.index_cast %add3A_1449 : i32 to index
        %get3A_1516 = arith.constant 80 : index
        %get3A_1517 = tpu.vector_load %arg16[%get3A_1515, %get3A_1516] {strides = array<i32>} : memref<336x128xi32, #tpu.memory_space<vmem>>, vector<1x16xi32>,
        %get3A_1518 = vector.shape_cast %get3A_1517 : vector<1x16xi32> to vector<16xi32>
        %shift_left3A_1519 = arith.constant 16 : i32
        %shift_left3A_1520 = vector.broadcast %shift_left3A_1519 : i32 to vector<16xi32>
        %shift_left3A_1521 = arith.shli %get3A_1518, %shift_left3A_1520 : vector<16xi32>
        %bitcast_convert_type3A_1522 = tpu.bitcast %shift_left3A_1521 : vector<16xi32> -> vector<16xf32>
        %bitcast_convert_type3A_1523 = tpu.bitcast %get3A_1518 : vector<16xi32> -> vector<16xf32>
        %mul3A_1524 = arith.mulf %gather3A_1444, %bitcast_convert_type3A_1522 : vector<16xf32>
        %add3A_1525 = arith.addf %add3A_1411, %mul3A_1524 : vector<16xf32>
        %mul3A_1526 = arith.mulf %gather3A_1444, %bitcast_convert_type3A_1523 : vector<16xf32>
        %add3A_1527 = arith.addf %add3A_1413, %mul3A_1526 : vector<16xf32>
        %get3A_1528 = arith.index_cast %add3A_1449 : i32 to index
        %get3A_1529 = arith.constant 96 : index
        %get3A_1530 = tpu.vector_load %arg16[%get3A_1528, %get3A_1529] {strides = array<i32>} : memref<336x128xi32, #tpu.memory_space<vmem>>, vector<1x16xi32>,
        %get3A_1531 = vector.shape_cast %get3A_1530 : vector<1x16xi32> to vector<16xi32>
        %shift_left3A_1532 = arith.constant 16 : i32
        %shift_left3A_1533 = vector.broadcast %shift_left3A_1532 : i32 to vector<16xi32>
        %shift_left3A_1534 = arith.shli %get3A_1531, %shift_left3A_1533 : vector<16xi32>
        %bitcast_convert_type3A_1535 = tpu.bitcast %shift_left3A_1534 : vector<16xi32> -> vector<16xf32>
        %bitcast_convert_type3A_1536 = tpu.bitcast %get3A_1531 : vector<16xi32> -> vector<16xf32>
        %mul3A_1537 = arith.mulf %gather3A_1444, %bitcast_convert_type3A_1535 : vector<16xf32>
        %add3A_1538 = arith.addf %add3A_1424, %mul3A_1537 : vector<16xf32>
        %mul3A_1539 = arith.mulf %gather3A_1444, %bitcast_convert_type3A_1536 : vector<16xf32>
        %add3A_1540 = arith.addf %add3A_1426, %mul3A_1539 : vector<16xf32>
        %get3A_1541 = arith.index_cast %add3A_1449 : i32 to index
        %get3A_1542 = arith.constant 112 : index
        %get3A_1543 = tpu.vector_load %arg16[%get3A_1541, %get3A_1542] {strides = array<i32>} : memref<336x128xi32, #tpu.memory_space<vmem>>, vector<1x16xi32>,
        %get3A_1544 = vector.shape_cast %get3A_1543 : vector<1x16xi32> to vector<16xi32>
        %shift_left3A_1545 = arith.constant 16 : i32
        %shift_left3A_1546 = vector.broadcast %shift_left3A_1545 : i32 to vector<16xi32>
        %shift_left3A_1547 = arith.shli %get3A_1544, %shift_left3A_1546 : vector<16xi32>
        %bitcast_convert_type3A_1548 = tpu.bitcast %shift_left3A_1547 : vector<16xi32> -> vector<16xf32>
        %bitcast_convert_type3A_1549 = tpu.bitcast %get3A_1544 : vector<16xi32> -> vector<16xf32>
        %mul3A_1550 = arith.mulf %gather3A_1444, %bitcast_convert_type3A_1548 : vector<16xf32>
        %add3A_1551 = arith.addf %add3A_1437, %mul3A_1550 : vector<16xf32>
        %mul3A_1552 = arith.mulf %gather3A_1444, %bitcast_convert_type3A_1549 : vector<16xf32>
        %add3A_1553 = arith.addf %add3A_1439, %mul3A_1552 : vector<16xf32>
        %broadcast_in_dim3A_1554 = arith.constant 10 : i32
        %broadcast_in_dim3A_1555 = vector.broadcast %broadcast_in_dim3A_1554 : i32 to vector<16xi32>
        %broadcast_in_dim3A_1556 = vector.shape_cast %broadcast_in_dim3A_1555 : vector<16xi32> to vector<16x1xi32>
        %gather3A_1557 = vector.shape_cast %broadcast_in_dim3A_1556 : vector<16x1xi32> to vector<16xi32>
        %gather3A_1558 = tpu.dynamic_gather %get3A_384[%gather3A_1557] in [0] : vector<16xf32>, vector<16xi32> -> vector<16xf32>
        %mul3A_1559 = arith.constant 16 : i32
        %mul3A_1560 = arith.muli %scan3A_373, %mul3A_1559 : i32
        %add3A_1561 = arith.addi %mul3A_315, %mul3A_1560 : i32
        %add3A_1562 = arith.constant 10 : i32
        %add3A_1563 = arith.addi %add3A_1561, %add3A_1562 : i32
        %get3A_1564 = arith.index_cast %add3A_1563 : i32 to index
        %get3A_1565 = arith.constant 0 : index
        %get3A_1566 = tpu.vector_load %arg16[%get3A_1564, %get3A_1565] {strides = array<i32>} : memref<336x128xi32, #tpu.memory_space<vmem>>, vector<1x16xi32>,
        %get3A_1567 = vector.shape_cast %get3A_1566 : vector<1x16xi32> to vector<16xi32>
        %shift_left3A_1568 = arith.constant 16 : i32
        %shift_left3A_1569 = vector.broadcast %shift_left3A_1568 : i32 to vector<16xi32>
        %shift_left3A_1570 = arith.shli %get3A_1567, %shift_left3A_1569 : vector<16xi32>
        %bitcast_convert_type3A_1571 = tpu.bitcast %shift_left3A_1570 : vector<16xi32> -> vector<16xf32>
        %bitcast_convert_type3A_1572 = tpu.bitcast %get3A_1567 : vector<16xi32> -> vector<16xf32>
        %mul3A_1573 = arith.mulf %gather3A_1558, %bitcast_convert_type3A_1571 : vector<16xf32>
        %add3A_1574 = arith.addf %add3A_1460, %mul3A_1573 : vector<16xf32>
        %mul3A_1575 = arith.mulf %gather3A_1558, %bitcast_convert_type3A_1572 : vector<16xf32>
        %add3A_1576 = arith.addf %add3A_1462, %mul3A_1575 : vector<16xf32>
        %get3A_1577 = arith.index_cast %add3A_1563 : i32 to index
        %get3A_1578 = arith.constant 16 : index
        %get3A_1579 = tpu.vector_load %arg16[%get3A_1577, %get3A_1578] {strides = array<i32>} : memref<336x128xi32, #tpu.memory_space<vmem>>, vector<1x16xi32>,
        %get3A_1580 = vector.shape_cast %get3A_1579 : vector<1x16xi32> to vector<16xi32>
        %shift_left3A_1581 = arith.constant 16 : i32
        %shift_left3A_1582 = vector.broadcast %shift_left3A_1581 : i32 to vector<16xi32>
        %shift_left3A_1583 = arith.shli %get3A_1580, %shift_left3A_1582 : vector<16xi32>
        %bitcast_convert_type3A_1584 = tpu.bitcast %shift_left3A_1583 : vector<16xi32> -> vector<16xf32>
        %bitcast_convert_type3A_1585 = tpu.bitcast %get3A_1580 : vector<16xi32> -> vector<16xf32>
        %mul3A_1586 = arith.mulf %gather3A_1558, %bitcast_convert_type3A_1584 : vector<16xf32>
        %add3A_1587 = arith.addf %add3A_1473, %mul3A_1586 : vector<16xf32>
        %mul3A_1588 = arith.mulf %gather3A_1558, %bitcast_convert_type3A_1585 : vector<16xf32>
        %add3A_1589 = arith.addf %add3A_1475, %mul3A_1588 : vector<16xf32>
        %get3A_1590 = arith.index_cast %add3A_1563 : i32 to index
        %get3A_1591 = arith.constant 32 : index
        %get3A_1592 = tpu.vector_load %arg16[%get3A_1590, %get3A_1591] {strides = array<i32>} : memref<336x128xi32, #tpu.memory_space<vmem>>, vector<1x16xi32>,
        %get3A_1593 = vector.shape_cast %get3A_1592 : vector<1x16xi32> to vector<16xi32>
        %shift_left3A_1594 = arith.constant 16 : i32
        %shift_left3A_1595 = vector.broadcast %shift_left3A_1594 : i32 to vector<16xi32>
        %shift_left3A_1596 = arith.shli %get3A_1593, %shift_left3A_1595 : vector<16xi32>
        %bitcast_convert_type3A_1597 = tpu.bitcast %shift_left3A_1596 : vector<16xi32> -> vector<16xf32>
        %bitcast_convert_type3A_1598 = tpu.bitcast %get3A_1593 : vector<16xi32> -> vector<16xf32>
        %mul3A_1599 = arith.mulf %gather3A_1558, %bitcast_convert_type3A_1597 : vector<16xf32>
        %add3A_1600 = arith.addf %add3A_1486, %mul3A_1599 : vector<16xf32>
        %mul3A_1601 = arith.mulf %gather3A_1558, %bitcast_convert_type3A_1598 : vector<16xf32>
        %add3A_1602 = arith.addf %add3A_1488, %mul3A_1601 : vector<16xf32>
        %get3A_1603 = arith.index_cast %add3A_1563 : i32 to index
        %get3A_1604 = arith.constant 48 : index
        %get3A_1605 = tpu.vector_load %arg16[%get3A_1603, %get3A_1604] {strides = array<i32>} : memref<336x128xi32, #tpu.memory_space<vmem>>, vector<1x16xi32>,
        %get3A_1606 = vector.shape_cast %get3A_1605 : vector<1x16xi32> to vector<16xi32>
        %shift_left3A_1607 = arith.constant 16 : i32
        %shift_left3A_1608 = vector.broadcast %shift_left3A_1607 : i32 to vector<16xi32>
        %shift_left3A_1609 = arith.shli %get3A_1606, %shift_left3A_1608 : vector<16xi32>
        %bitcast_convert_type3A_1610 = tpu.bitcast %shift_left3A_1609 : vector<16xi32> -> vector<16xf32>
        %bitcast_convert_type3A_1611 = tpu.bitcast %get3A_1606 : vector<16xi32> -> vector<16xf32>
        %mul3A_1612 = arith.mulf %gather3A_1558, %bitcast_convert_type3A_1610 : vector<16xf32>
        %add3A_1613 = arith.addf %add3A_1499, %mul3A_1612 : vector<16xf32>
        %mul3A_1614 = arith.mulf %gather3A_1558, %bitcast_convert_type3A_1611 : vector<16xf32>
        %add3A_1615 = arith.addf %add3A_1501, %mul3A_1614 : vector<16xf32>
        %get3A_1616 = arith.index_cast %add3A_1563 : i32 to index
        %get3A_1617 = arith.constant 64 : index
        %get3A_1618 = tpu.vector_load %arg16[%get3A_1616, %get3A_1617] {strides = array<i32>} : memref<336x128xi32, #tpu.memory_space<vmem>>, vector<1x16xi32>,
        %get3A_1619 = vector.shape_cast %get3A_1618 : vector<1x16xi32> to vector<16xi32>
        %shift_left3A_1620 = arith.constant 16 : i32
        %shift_left3A_1621 = vector.broadcast %shift_left3A_1620 : i32 to vector<16xi32>
        %shift_left3A_1622 = arith.shli %get3A_1619, %shift_left3A_1621 : vector<16xi32>
        %bitcast_convert_type3A_1623 = tpu.bitcast %shift_left3A_1622 : vector<16xi32> -> vector<16xf32>
        %bitcast_convert_type3A_1624 = tpu.bitcast %get3A_1619 : vector<16xi32> -> vector<16xf32>
        %mul3A_1625 = arith.mulf %gather3A_1558, %bitcast_convert_type3A_1623 : vector<16xf32>
        %add3A_1626 = arith.addf %add3A_1512, %mul3A_1625 : vector<16xf32>
        %mul3A_1627 = arith.mulf %gather3A_1558, %bitcast_convert_type3A_1624 : vector<16xf32>
        %add3A_1628 = arith.addf %add3A_1514, %mul3A_1627 : vector<16xf32>
        %get3A_1629 = arith.index_cast %add3A_1563 : i32 to index
        %get3A_1630 = arith.constant 80 : index
        %get3A_1631 = tpu.vector_load %arg16[%get3A_1629, %get3A_1630] {strides = array<i32>} : memref<336x128xi32, #tpu.memory_space<vmem>>, vector<1x16xi32>,
        %get3A_1632 = vector.shape_cast %get3A_1631 : vector<1x16xi32> to vector<16xi32>
        %shift_left3A_1633 = arith.constant 16 : i32
        %shift_left3A_1634 = vector.broadcast %shift_left3A_1633 : i32 to vector<16xi32>
        %shift_left3A_1635 = arith.shli %get3A_1632, %shift_left3A_1634 : vector<16xi32>
        %bitcast_convert_type3A_1636 = tpu.bitcast %shift_left3A_1635 : vector<16xi32> -> vector<16xf32>
        %bitcast_convert_type3A_1637 = tpu.bitcast %get3A_1632 : vector<16xi32> -> vector<16xf32>
        %mul3A_1638 = arith.mulf %gather3A_1558, %bitcast_convert_type3A_1636 : vector<16xf32>
        %add3A_1639 = arith.addf %add3A_1525, %mul3A_1638 : vector<16xf32>
        %mul3A_1640 = arith.mulf %gather3A_1558, %bitcast_convert_type3A_1637 : vector<16xf32>
        %add3A_1641 = arith.addf %add3A_1527, %mul3A_1640 : vector<16xf32>
        %get3A_1642 = arith.index_cast %add3A_1563 : i32 to index
        %get3A_1643 = arith.constant 96 : index
        %get3A_1644 = tpu.vector_load %arg16[%get3A_1642, %get3A_1643] {strides = array<i32>} : memref<336x128xi32, #tpu.memory_space<vmem>>, vector<1x16xi32>,
        %get3A_1645 = vector.shape_cast %get3A_1644 : vector<1x16xi32> to vector<16xi32>
        %shift_left3A_1646 = arith.constant 16 : i32
        %shift_left3A_1647 = vector.broadcast %shift_left3A_1646 : i32 to vector<16xi32>
        %shift_left3A_1648 = arith.shli %get3A_1645, %shift_left3A_1647 : vector<16xi32>
        %bitcast_convert_type3A_1649 = tpu.bitcast %shift_left3A_1648 : vector<16xi32> -> vector<16xf32>
        %bitcast_convert_type3A_1650 = tpu.bitcast %get3A_1645 : vector<16xi32> -> vector<16xf32>
        %mul3A_1651 = arith.mulf %gather3A_1558, %bitcast_convert_type3A_1649 : vector<16xf32>
        %add3A_1652 = arith.addf %add3A_1538, %mul3A_1651 : vector<16xf32>
        %mul3A_1653 = arith.mulf %gather3A_1558, %bitcast_convert_type3A_1650 : vector<16xf32>
        %add3A_1654 = arith.addf %add3A_1540, %mul3A_1653 : vector<16xf32>
        %get3A_1655 = arith.index_cast %add3A_1563 : i32 to index
        %get3A_1656 = arith.constant 112 : index
        %get3A_1657 = tpu.vector_load %arg16[%get3A_1655, %get3A_1656] {strides = array<i32>} : memref<336x128xi32, #tpu.memory_space<vmem>>, vector<1x16xi32>,
        %get3A_1658 = vector.shape_cast %get3A_1657 : vector<1x16xi32> to vector<16xi32>
        %shift_left3A_1659 = arith.constant 16 : i32
        %shift_left3A_1660 = vector.broadcast %shift_left3A_1659 : i32 to vector<16xi32>
        %shift_left3A_1661 = arith.shli %get3A_1658, %shift_left3A_1660 : vector<16xi32>
        %bitcast_convert_type3A_1662 = tpu.bitcast %shift_left3A_1661 : vector<16xi32> -> vector<16xf32>
        %bitcast_convert_type3A_1663 = tpu.bitcast %get3A_1658 : vector<16xi32> -> vector<16xf32>
        %mul3A_1664 = arith.mulf %gather3A_1558, %bitcast_convert_type3A_1662 : vector<16xf32>
        %add3A_1665 = arith.addf %add3A_1551, %mul3A_1664 : vector<16xf32>
        %mul3A_1666 = arith.mulf %gather3A_1558, %bitcast_convert_type3A_1663 : vector<16xf32>
        %add3A_1667 = arith.addf %add3A_1553, %mul3A_1666 : vector<16xf32>
        %broadcast_in_dim3A_1668 = arith.constant 11 : i32
        %broadcast_in_dim3A_1669 = vector.broadcast %broadcast_in_dim3A_1668 : i32 to vector<16xi32>
        %broadcast_in_dim3A_1670 = vector.shape_cast %broadcast_in_dim3A_1669 : vector<16xi32> to vector<16x1xi32>
        %gather3A_1671 = vector.shape_cast %broadcast_in_dim3A_1670 : vector<16x1xi32> to vector<16xi32>
        %gather3A_1672 = tpu.dynamic_gather %get3A_384[%gather3A_1671] in [0] : vector<16xf32>, vector<16xi32> -> vector<16xf32>
        %mul3A_1673 = arith.constant 16 : i32
        %mul3A_1674 = arith.muli %scan3A_373, %mul3A_1673 : i32
        %add3A_1675 = arith.addi %mul3A_315, %mul3A_1674 : i32
        %add3A_1676 = arith.constant 11 : i32
        %add3A_1677 = arith.addi %add3A_1675, %add3A_1676 : i32
        %get3A_1678 = arith.index_cast %add3A_1677 : i32 to index
        %get3A_1679 = arith.constant 0 : index
        %get3A_1680 = tpu.vector_load %arg16[%get3A_1678, %get3A_1679] {strides = array<i32>} : memref<336x128xi32, #tpu.memory_space<vmem>>, vector<1x16xi32>,
        %get3A_1681 = vector.shape_cast %get3A_1680 : vector<1x16xi32> to vector<16xi32>
        %shift_left3A_1682 = arith.constant 16 : i32
        %shift_left3A_1683 = vector.broadcast %shift_left3A_1682 : i32 to vector<16xi32>
        %shift_left3A_1684 = arith.shli %get3A_1681, %shift_left3A_1683 : vector<16xi32>
        %bitcast_convert_type3A_1685 = tpu.bitcast %shift_left3A_1684 : vector<16xi32> -> vector<16xf32>
        %bitcast_convert_type3A_1686 = tpu.bitcast %get3A_1681 : vector<16xi32> -> vector<16xf32>
        %mul3A_1687 = arith.mulf %gather3A_1672, %bitcast_convert_type3A_1685 : vector<16xf32>
        %add3A_1688 = arith.addf %add3A_1574, %mul3A_1687 : vector<16xf32>
        %mul3A_1689 = arith.mulf %gather3A_1672, %bitcast_convert_type3A_1686 : vector<16xf32>
        %add3A_1690 = arith.addf %add3A_1576, %mul3A_1689 : vector<16xf32>
        %get3A_1691 = arith.index_cast %add3A_1677 : i32 to index
        %get3A_1692 = arith.constant 16 : index
        %get3A_1693 = tpu.vector_load %arg16[%get3A_1691, %get3A_1692] {strides = array<i32>} : memref<336x128xi32, #tpu.memory_space<vmem>>, vector<1x16xi32>,
        %get3A_1694 = vector.shape_cast %get3A_1693 : vector<1x16xi32> to vector<16xi32>
        %shift_left3A_1695 = arith.constant 16 : i32
        %shift_left3A_1696 = vector.broadcast %shift_left3A_1695 : i32 to vector<16xi32>
        %shift_left3A_1697 = arith.shli %get3A_1694, %shift_left3A_1696 : vector<16xi32>
        %bitcast_convert_type3A_1698 = tpu.bitcast %shift_left3A_1697 : vector<16xi32> -> vector<16xf32>
        %bitcast_convert_type3A_1699 = tpu.bitcast %get3A_1694 : vector<16xi32> -> vector<16xf32>
        %mul3A_1700 = arith.mulf %gather3A_1672, %bitcast_convert_type3A_1698 : vector<16xf32>
        %add3A_1701 = arith.addf %add3A_1587, %mul3A_1700 : vector<16xf32>
        %mul3A_1702 = arith.mulf %gather3A_1672, %bitcast_convert_type3A_1699 : vector<16xf32>
        %add3A_1703 = arith.addf %add3A_1589, %mul3A_1702 : vector<16xf32>
        %get3A_1704 = arith.index_cast %add3A_1677 : i32 to index
        %get3A_1705 = arith.constant 32 : index
        %get3A_1706 = tpu.vector_load %arg16[%get3A_1704, %get3A_1705] {strides = array<i32>} : memref<336x128xi32, #tpu.memory_space<vmem>>, vector<1x16xi32>,
        %get3A_1707 = vector.shape_cast %get3A_1706 : vector<1x16xi32> to vector<16xi32>
        %shift_left3A_1708 = arith.constant 16 : i32
        %shift_left3A_1709 = vector.broadcast %shift_left3A_1708 : i32 to vector<16xi32>
        %shift_left3A_1710 = arith.shli %get3A_1707, %shift_left3A_1709 : vector<16xi32>
        %bitcast_convert_type3A_1711 = tpu.bitcast %shift_left3A_1710 : vector<16xi32> -> vector<16xf32>
        %bitcast_convert_type3A_1712 = tpu.bitcast %get3A_1707 : vector<16xi32> -> vector<16xf32>
        %mul3A_1713 = arith.mulf %gather3A_1672, %bitcast_convert_type3A_1711 : vector<16xf32>
        %add3A_1714 = arith.addf %add3A_1600, %mul3A_1713 : vector<16xf32>
        %mul3A_1715 = arith.mulf %gather3A_1672, %bitcast_convert_type3A_1712 : vector<16xf32>
        %add3A_1716 = arith.addf %add3A_1602, %mul3A_1715 : vector<16xf32>
        %get3A_1717 = arith.index_cast %add3A_1677 : i32 to index
        %get3A_1718 = arith.constant 48 : index
        %get3A_1719 = tpu.vector_load %arg16[%get3A_1717, %get3A_1718] {strides = array<i32>} : memref<336x128xi32, #tpu.memory_space<vmem>>, vector<1x16xi32>,
        %get3A_1720 = vector.shape_cast %get3A_1719 : vector<1x16xi32> to vector<16xi32>
        %shift_left3A_1721 = arith.constant 16 : i32
        %shift_left3A_1722 = vector.broadcast %shift_left3A_1721 : i32 to vector<16xi32>
        %shift_left3A_1723 = arith.shli %get3A_1720, %shift_left3A_1722 : vector<16xi32>
        %bitcast_convert_type3A_1724 = tpu.bitcast %shift_left3A_1723 : vector<16xi32> -> vector<16xf32>
        %bitcast_convert_type3A_1725 = tpu.bitcast %get3A_1720 : vector<16xi32> -> vector<16xf32>
        %mul3A_1726 = arith.mulf %gather3A_1672, %bitcast_convert_type3A_1724 : vector<16xf32>
        %add3A_1727 = arith.addf %add3A_1613, %mul3A_1726 : vector<16xf32>
        %mul3A_1728 = arith.mulf %gather3A_1672, %bitcast_convert_type3A_1725 : vector<16xf32>
        %add3A_1729 = arith.addf %add3A_1615, %mul3A_1728 : vector<16xf32>
        %get3A_1730 = arith.index_cast %add3A_1677 : i32 to index
        %get3A_1731 = arith.constant 64 : index
        %get3A_1732 = tpu.vector_load %arg16[%get3A_1730, %get3A_1731] {strides = array<i32>} : memref<336x128xi32, #tpu.memory_space<vmem>>, vector<1x16xi32>,
        %get3A_1733 = vector.shape_cast %get3A_1732 : vector<1x16xi32> to vector<16xi32>
        %shift_left3A_1734 = arith.constant 16 : i32
        %shift_left3A_1735 = vector.broadcast %shift_left3A_1734 : i32 to vector<16xi32>
        %shift_left3A_1736 = arith.shli %get3A_1733, %shift_left3A_1735 : vector<16xi32>
        %bitcast_convert_type3A_1737 = tpu.bitcast %shift_left3A_1736 : vector<16xi32> -> vector<16xf32>
        %bitcast_convert_type3A_1738 = tpu.bitcast %get3A_1733 : vector<16xi32> -> vector<16xf32>
        %mul3A_1739 = arith.mulf %gather3A_1672, %bitcast_convert_type3A_1737 : vector<16xf32>
        %add3A_1740 = arith.addf %add3A_1626, %mul3A_1739 : vector<16xf32>
        %mul3A_1741 = arith.mulf %gather3A_1672, %bitcast_convert_type3A_1738 : vector<16xf32>
        %add3A_1742 = arith.addf %add3A_1628, %mul3A_1741 : vector<16xf32>
        %get3A_1743 = arith.index_cast %add3A_1677 : i32 to index
        %get3A_1744 = arith.constant 80 : index
        %get3A_1745 = tpu.vector_load %arg16[%get3A_1743, %get3A_1744] {strides = array<i32>} : memref<336x128xi32, #tpu.memory_space<vmem>>, vector<1x16xi32>,
        %get3A_1746 = vector.shape_cast %get3A_1745 : vector<1x16xi32> to vector<16xi32>
        %shift_left3A_1747 = arith.constant 16 : i32
        %shift_left3A_1748 = vector.broadcast %shift_left3A_1747 : i32 to vector<16xi32>
        %shift_left3A_1749 = arith.shli %get3A_1746, %shift_left3A_1748 : vector<16xi32>
        %bitcast_convert_type3A_1750 = tpu.bitcast %shift_left3A_1749 : vector<16xi32> -> vector<16xf32>
        %bitcast_convert_type3A_1751 = tpu.bitcast %get3A_1746 : vector<16xi32> -> vector<16xf32>
        %mul3A_1752 = arith.mulf %gather3A_1672, %bitcast_convert_type3A_1750 : vector<16xf32>
        %add3A_1753 = arith.addf %add3A_1639, %mul3A_1752 : vector<16xf32>
        %mul3A_1754 = arith.mulf %gather3A_1672, %bitcast_convert_type3A_1751 : vector<16xf32>
        %add3A_1755 = arith.addf %add3A_1641, %mul3A_1754 : vector<16xf32>
        %get3A_1756 = arith.index_cast %add3A_1677 : i32 to index
        %get3A_1757 = arith.constant 96 : index
        %get3A_1758 = tpu.vector_load %arg16[%get3A_1756, %get3A_1757] {strides = array<i32>} : memref<336x128xi32, #tpu.memory_space<vmem>>, vector<1x16xi32>,
        %get3A_1759 = vector.shape_cast %get3A_1758 : vector<1x16xi32> to vector<16xi32>
        %shift_left3A_1760 = arith.constant 16 : i32
        %shift_left3A_1761 = vector.broadcast %shift_left3A_1760 : i32 to vector<16xi32>
        %shift_left3A_1762 = arith.shli %get3A_1759, %shift_left3A_1761 : vector<16xi32>
        %bitcast_convert_type3A_1763 = tpu.bitcast %shift_left3A_1762 : vector<16xi32> -> vector<16xf32>
        %bitcast_convert_type3A_1764 = tpu.bitcast %get3A_1759 : vector<16xi32> -> vector<16xf32>
        %mul3A_1765 = arith.mulf %gather3A_1672, %bitcast_convert_type3A_1763 : vector<16xf32>
        %add3A_1766 = arith.addf %add3A_1652, %mul3A_1765 : vector<16xf32>
        %mul3A_1767 = arith.mulf %gather3A_1672, %bitcast_convert_type3A_1764 : vector<16xf32>
        %add3A_1768 = arith.addf %add3A_1654, %mul3A_1767 : vector<16xf32>
        %get3A_1769 = arith.index_cast %add3A_1677 : i32 to index
        %get3A_1770 = arith.constant 112 : index
        %get3A_1771 = tpu.vector_load %arg16[%get3A_1769, %get3A_1770] {strides = array<i32>} : memref<336x128xi32, #tpu.memory_space<vmem>>, vector<1x16xi32>,
        %get3A_1772 = vector.shape_cast %get3A_1771 : vector<1x16xi32> to vector<16xi32>
        %shift_left3A_1773 = arith.constant 16 : i32
        %shift_left3A_1774 = vector.broadcast %shift_left3A_1773 : i32 to vector<16xi32>
        %shift_left3A_1775 = arith.shli %get3A_1772, %shift_left3A_1774 : vector<16xi32>
        %bitcast_convert_type3A_1776 = tpu.bitcast %shift_left3A_1775 : vector<16xi32> -> vector<16xf32>
        %bitcast_convert_type3A_1777 = tpu.bitcast %get3A_1772 : vector<16xi32> -> vector<16xf32>
        %mul3A_1778 = arith.mulf %gather3A_1672, %bitcast_convert_type3A_1776 : vector<16xf32>
        %add3A_1779 = arith.addf %add3A_1665, %mul3A_1778 : vector<16xf32>
        %mul3A_1780 = arith.mulf %gather3A_1672, %bitcast_convert_type3A_1777 : vector<16xf32>
        %add3A_1781 = arith.addf %add3A_1667, %mul3A_1780 : vector<16xf32>
        %broadcast_in_dim3A_1782 = arith.constant 12 : i32
        %broadcast_in_dim3A_1783 = vector.broadcast %broadcast_in_dim3A_1782 : i32 to vector<16xi32>
        %broadcast_in_dim3A_1784 = vector.shape_cast %broadcast_in_dim3A_1783 : vector<16xi32> to vector<16x1xi32>
        %gather3A_1785 = vector.shape_cast %broadcast_in_dim3A_1784 : vector<16x1xi32> to vector<16xi32>
        %gather3A_1786 = tpu.dynamic_gather %get3A_384[%gather3A_1785] in [0] : vector<16xf32>, vector<16xi32> -> vector<16xf32>
        %mul3A_1787 = arith.constant 16 : i32
        %mul3A_1788 = arith.muli %scan3A_373, %mul3A_1787 : i32
        %add3A_1789 = arith.addi %mul3A_315, %mul3A_1788 : i32
        %add3A_1790 = arith.constant 12 : i32
        %add3A_1791 = arith.addi %add3A_1789, %add3A_1790 : i32
        %get3A_1792 = arith.index_cast %add3A_1791 : i32 to index
        %get3A_1793 = arith.constant 0 : index
        %get3A_1794 = tpu.vector_load %arg16[%get3A_1792, %get3A_1793] {strides = array<i32>} : memref<336x128xi32, #tpu.memory_space<vmem>>, vector<1x16xi32>,
        %get3A_1795 = vector.shape_cast %get3A_1794 : vector<1x16xi32> to vector<16xi32>
        %shift_left3A_1796 = arith.constant 16 : i32
        %shift_left3A_1797 = vector.broadcast %shift_left3A_1796 : i32 to vector<16xi32>
        %shift_left3A_1798 = arith.shli %get3A_1795, %shift_left3A_1797 : vector<16xi32>
        %bitcast_convert_type3A_1799 = tpu.bitcast %shift_left3A_1798 : vector<16xi32> -> vector<16xf32>
        %bitcast_convert_type3A_1800 = tpu.bitcast %get3A_1795 : vector<16xi32> -> vector<16xf32>
        %mul3A_1801 = arith.mulf %gather3A_1786, %bitcast_convert_type3A_1799 : vector<16xf32>
        %add3A_1802 = arith.addf %add3A_1688, %mul3A_1801 : vector<16xf32>
        %mul3A_1803 = arith.mulf %gather3A_1786, %bitcast_convert_type3A_1800 : vector<16xf32>
        %add3A_1804 = arith.addf %add3A_1690, %mul3A_1803 : vector<16xf32>
        %get3A_1805 = arith.index_cast %add3A_1791 : i32 to index
        %get3A_1806 = arith.constant 16 : index
        %get3A_1807 = tpu.vector_load %arg16[%get3A_1805, %get3A_1806] {strides = array<i32>} : memref<336x128xi32, #tpu.memory_space<vmem>>, vector<1x16xi32>,
        %get3A_1808 = vector.shape_cast %get3A_1807 : vector<1x16xi32> to vector<16xi32>
        %shift_left3A_1809 = arith.constant 16 : i32
        %shift_left3A_1810 = vector.broadcast %shift_left3A_1809 : i32 to vector<16xi32>
        %shift_left3A_1811 = arith.shli %get3A_1808, %shift_left3A_1810 : vector<16xi32>
        %bitcast_convert_type3A_1812 = tpu.bitcast %shift_left3A_1811 : vector<16xi32> -> vector<16xf32>
        %bitcast_convert_type3A_1813 = tpu.bitcast %get3A_1808 : vector<16xi32> -> vector<16xf32>
        %mul3A_1814 = arith.mulf %gather3A_1786, %bitcast_convert_type3A_1812 : vector<16xf32>
        %add3A_1815 = arith.addf %add3A_1701, %mul3A_1814 : vector<16xf32>
        %mul3A_1816 = arith.mulf %gather3A_1786, %bitcast_convert_type3A_1813 : vector<16xf32>
        %add3A_1817 = arith.addf %add3A_1703, %mul3A_1816 : vector<16xf32>
        %get3A_1818 = arith.index_cast %add3A_1791 : i32 to index
        %get3A_1819 = arith.constant 32 : index
        %get3A_1820 = tpu.vector_load %arg16[%get3A_1818, %get3A_1819] {strides = array<i32>} : memref<336x128xi32, #tpu.memory_space<vmem>>, vector<1x16xi32>,
        %get3A_1821 = vector.shape_cast %get3A_1820 : vector<1x16xi32> to vector<16xi32>
        %shift_left3A_1822 = arith.constant 16 : i32
        %shift_left3A_1823 = vector.broadcast %shift_left3A_1822 : i32 to vector<16xi32>
        %shift_left3A_1824 = arith.shli %get3A_1821, %shift_left3A_1823 : vector<16xi32>
        %bitcast_convert_type3A_1825 = tpu.bitcast %shift_left3A_1824 : vector<16xi32> -> vector<16xf32>
        %bitcast_convert_type3A_1826 = tpu.bitcast %get3A_1821 : vector<16xi32> -> vector<16xf32>
        %mul3A_1827 = arith.mulf %gather3A_1786, %bitcast_convert_type3A_1825 : vector<16xf32>
        %add3A_1828 = arith.addf %add3A_1714, %mul3A_1827 : vector<16xf32>
        %mul3A_1829 = arith.mulf %gather3A_1786, %bitcast_convert_type3A_1826 : vector<16xf32>
        %add3A_1830 = arith.addf %add3A_1716, %mul3A_1829 : vector<16xf32>
        %get3A_1831 = arith.index_cast %add3A_1791 : i32 to index
        %get3A_1832 = arith.constant 48 : index
        %get3A_1833 = tpu.vector_load %arg16[%get3A_1831, %get3A_1832] {strides = array<i32>} : memref<336x128xi32, #tpu.memory_space<vmem>>, vector<1x16xi32>,
        %get3A_1834 = vector.shape_cast %get3A_1833 : vector<1x16xi32> to vector<16xi32>
        %shift_left3A_1835 = arith.constant 16 : i32
        %shift_left3A_1836 = vector.broadcast %shift_left3A_1835 : i32 to vector<16xi32>
        %shift_left3A_1837 = arith.shli %get3A_1834, %shift_left3A_1836 : vector<16xi32>
        %bitcast_convert_type3A_1838 = tpu.bitcast %shift_left3A_1837 : vector<16xi32> -> vector<16xf32>
        %bitcast_convert_type3A_1839 = tpu.bitcast %get3A_1834 : vector<16xi32> -> vector<16xf32>
        %mul3A_1840 = arith.mulf %gather3A_1786, %bitcast_convert_type3A_1838 : vector<16xf32>
        %add3A_1841 = arith.addf %add3A_1727, %mul3A_1840 : vector<16xf32>
        %mul3A_1842 = arith.mulf %gather3A_1786, %bitcast_convert_type3A_1839 : vector<16xf32>
        %add3A_1843 = arith.addf %add3A_1729, %mul3A_1842 : vector<16xf32>
        %get3A_1844 = arith.index_cast %add3A_1791 : i32 to index
        %get3A_1845 = arith.constant 64 : index
        %get3A_1846 = tpu.vector_load %arg16[%get3A_1844, %get3A_1845] {strides = array<i32>} : memref<336x128xi32, #tpu.memory_space<vmem>>, vector<1x16xi32>,
        %get3A_1847 = vector.shape_cast %get3A_1846 : vector<1x16xi32> to vector<16xi32>
        %shift_left3A_1848 = arith.constant 16 : i32
        %shift_left3A_1849 = vector.broadcast %shift_left3A_1848 : i32 to vector<16xi32>
        %shift_left3A_1850 = arith.shli %get3A_1847, %shift_left3A_1849 : vector<16xi32>
        %bitcast_convert_type3A_1851 = tpu.bitcast %shift_left3A_1850 : vector<16xi32> -> vector<16xf32>
        %bitcast_convert_type3A_1852 = tpu.bitcast %get3A_1847 : vector<16xi32> -> vector<16xf32>
        %mul3A_1853 = arith.mulf %gather3A_1786, %bitcast_convert_type3A_1851 : vector<16xf32>
        %add3A_1854 = arith.addf %add3A_1740, %mul3A_1853 : vector<16xf32>
        %mul3A_1855 = arith.mulf %gather3A_1786, %bitcast_convert_type3A_1852 : vector<16xf32>
        %add3A_1856 = arith.addf %add3A_1742, %mul3A_1855 : vector<16xf32>
        %get3A_1857 = arith.index_cast %add3A_1791 : i32 to index
        %get3A_1858 = arith.constant 80 : index
        %get3A_1859 = tpu.vector_load %arg16[%get3A_1857, %get3A_1858] {strides = array<i32>} : memref<336x128xi32, #tpu.memory_space<vmem>>, vector<1x16xi32>,
        %get3A_1860 = vector.shape_cast %get3A_1859 : vector<1x16xi32> to vector<16xi32>
        %shift_left3A_1861 = arith.constant 16 : i32
        %shift_left3A_1862 = vector.broadcast %shift_left3A_1861 : i32 to vector<16xi32>
        %shift_left3A_1863 = arith.shli %get3A_1860, %shift_left3A_1862 : vector<16xi32>
        %bitcast_convert_type3A_1864 = tpu.bitcast %shift_left3A_1863 : vector<16xi32> -> vector<16xf32>
        %bitcast_convert_type3A_1865 = tpu.bitcast %get3A_1860 : vector<16xi32> -> vector<16xf32>
        %mul3A_1866 = arith.mulf %gather3A_1786, %bitcast_convert_type3A_1864 : vector<16xf32>
        %add3A_1867 = arith.addf %add3A_1753, %mul3A_1866 : vector<16xf32>
        %mul3A_1868 = arith.mulf %gather3A_1786, %bitcast_convert_type3A_1865 : vector<16xf32>
        %add3A_1869 = arith.addf %add3A_1755, %mul3A_1868 : vector<16xf32>
        %get3A_1870 = arith.index_cast %add3A_1791 : i32 to index
        %get3A_1871 = arith.constant 96 : index
        %get3A_1872 = tpu.vector_load %arg16[%get3A_1870, %get3A_1871] {strides = array<i32>} : memref<336x128xi32, #tpu.memory_space<vmem>>, vector<1x16xi32>,
        %get3A_1873 = vector.shape_cast %get3A_1872 : vector<1x16xi32> to vector<16xi32>
        %shift_left3A_1874 = arith.constant 16 : i32
        %shift_left3A_1875 = vector.broadcast %shift_left3A_1874 : i32 to vector<16xi32>
        %shift_left3A_1876 = arith.shli %get3A_1873, %shift_left3A_1875 : vector<16xi32>
        %bitcast_convert_type3A_1877 = tpu.bitcast %shift_left3A_1876 : vector<16xi32> -> vector<16xf32>
        %bitcast_convert_type3A_1878 = tpu.bitcast %get3A_1873 : vector<16xi32> -> vector<16xf32>
        %mul3A_1879 = arith.mulf %gather3A_1786, %bitcast_convert_type3A_1877 : vector<16xf32>
        %add3A_1880 = arith.addf %add3A_1766, %mul3A_1879 : vector<16xf32>
        %mul3A_1881 = arith.mulf %gather3A_1786, %bitcast_convert_type3A_1878 : vector<16xf32>
        %add3A_1882 = arith.addf %add3A_1768, %mul3A_1881 : vector<16xf32>
        %get3A_1883 = arith.index_cast %add3A_1791 : i32 to index
        %get3A_1884 = arith.constant 112 : index
        %get3A_1885 = tpu.vector_load %arg16[%get3A_1883, %get3A_1884] {strides = array<i32>} : memref<336x128xi32, #tpu.memory_space<vmem>>, vector<1x16xi32>,
        %get3A_1886 = vector.shape_cast %get3A_1885 : vector<1x16xi32> to vector<16xi32>
        %shift_left3A_1887 = arith.constant 16 : i32
        %shift_left3A_1888 = vector.broadcast %shift_left3A_1887 : i32 to vector<16xi32>
        %shift_left3A_1889 = arith.shli %get3A_1886, %shift_left3A_1888 : vector<16xi32>
        %bitcast_convert_type3A_1890 = tpu.bitcast %shift_left3A_1889 : vector<16xi32> -> vector<16xf32>
        %bitcast_convert_type3A_1891 = tpu.bitcast %get3A_1886 : vector<16xi32> -> vector<16xf32>
        %mul3A_1892 = arith.mulf %gather3A_1786, %bitcast_convert_type3A_1890 : vector<16xf32>
        %add3A_1893 = arith.addf %add3A_1779, %mul3A_1892 : vector<16xf32>
        %mul3A_1894 = arith.mulf %gather3A_1786, %bitcast_convert_type3A_1891 : vector<16xf32>
        %add3A_1895 = arith.addf %add3A_1781, %mul3A_1894 : vector<16xf32>
        %broadcast_in_dim3A_1896 = arith.constant 13 : i32
        %broadcast_in_dim3A_1897 = vector.broadcast %broadcast_in_dim3A_1896 : i32 to vector<16xi32>
        %broadcast_in_dim3A_1898 = vector.shape_cast %broadcast_in_dim3A_1897 : vector<16xi32> to vector<16x1xi32>
        %gather3A_1899 = vector.shape_cast %broadcast_in_dim3A_1898 : vector<16x1xi32> to vector<16xi32>
        %gather3A_1900 = tpu.dynamic_gather %get3A_384[%gather3A_1899] in [0] : vector<16xf32>, vector<16xi32> -> vector<16xf32>
        %mul3A_1901 = arith.constant 16 : i32
        %mul3A_1902 = arith.muli %scan3A_373, %mul3A_1901 : i32
        %add3A_1903 = arith.addi %mul3A_315, %mul3A_1902 : i32
        %add3A_1904 = arith.constant 13 : i32
        %add3A_1905 = arith.addi %add3A_1903, %add3A_1904 : i32
        %get3A_1906 = arith.index_cast %add3A_1905 : i32 to index
        %get3A_1907 = arith.constant 0 : index
        %get3A_1908 = tpu.vector_load %arg16[%get3A_1906, %get3A_1907] {strides = array<i32>} : memref<336x128xi32, #tpu.memory_space<vmem>>, vector<1x16xi32>,
        %get3A_1909 = vector.shape_cast %get3A_1908 : vector<1x16xi32> to vector<16xi32>
        %shift_left3A_1910 = arith.constant 16 : i32
        %shift_left3A_1911 = vector.broadcast %shift_left3A_1910 : i32 to vector<16xi32>
        %shift_left3A_1912 = arith.shli %get3A_1909, %shift_left3A_1911 : vector<16xi32>
        %bitcast_convert_type3A_1913 = tpu.bitcast %shift_left3A_1912 : vector<16xi32> -> vector<16xf32>
        %bitcast_convert_type3A_1914 = tpu.bitcast %get3A_1909 : vector<16xi32> -> vector<16xf32>
        %mul3A_1915 = arith.mulf %gather3A_1900, %bitcast_convert_type3A_1913 : vector<16xf32>
        %add3A_1916 = arith.addf %add3A_1802, %mul3A_1915 : vector<16xf32>
        %mul3A_1917 = arith.mulf %gather3A_1900, %bitcast_convert_type3A_1914 : vector<16xf32>
        %add3A_1918 = arith.addf %add3A_1804, %mul3A_1917 : vector<16xf32>
        %get3A_1919 = arith.index_cast %add3A_1905 : i32 to index
        %get3A_1920 = arith.constant 16 : index
        %get3A_1921 = tpu.vector_load %arg16[%get3A_1919, %get3A_1920] {strides = array<i32>} : memref<336x128xi32, #tpu.memory_space<vmem>>, vector<1x16xi32>,
        %get3A_1922 = vector.shape_cast %get3A_1921 : vector<1x16xi32> to vector<16xi32>
        %shift_left3A_1923 = arith.constant 16 : i32
        %shift_left3A_1924 = vector.broadcast %shift_left3A_1923 : i32 to vector<16xi32>
        %shift_left3A_1925 = arith.shli %get3A_1922, %shift_left3A_1924 : vector<16xi32>
        %bitcast_convert_type3A_1926 = tpu.bitcast %shift_left3A_1925 : vector<16xi32> -> vector<16xf32>
        %bitcast_convert_type3A_1927 = tpu.bitcast %get3A_1922 : vector<16xi32> -> vector<16xf32>
        %mul3A_1928 = arith.mulf %gather3A_1900, %bitcast_convert_type3A_1926 : vector<16xf32>
        %add3A_1929 = arith.addf %add3A_1815, %mul3A_1928 : vector<16xf32>
        %mul3A_1930 = arith.mulf %gather3A_1900, %bitcast_convert_type3A_1927 : vector<16xf32>
        %add3A_1931 = arith.addf %add3A_1817, %mul3A_1930 : vector<16xf32>
        %get3A_1932 = arith.index_cast %add3A_1905 : i32 to index
        %get3A_1933 = arith.constant 32 : index
        %get3A_1934 = tpu.vector_load %arg16[%get3A_1932, %get3A_1933] {strides = array<i32>} : memref<336x128xi32, #tpu.memory_space<vmem>>, vector<1x16xi32>,
        %get3A_1935 = vector.shape_cast %get3A_1934 : vector<1x16xi32> to vector<16xi32>
        %shift_left3A_1936 = arith.constant 16 : i32
        %shift_left3A_1937 = vector.broadcast %shift_left3A_1936 : i32 to vector<16xi32>
        %shift_left3A_1938 = arith.shli %get3A_1935, %shift_left3A_1937 : vector<16xi32>
        %bitcast_convert_type3A_1939 = tpu.bitcast %shift_left3A_1938 : vector<16xi32> -> vector<16xf32>
        %bitcast_convert_type3A_1940 = tpu.bitcast %get3A_1935 : vector<16xi32> -> vector<16xf32>
        %mul3A_1941 = arith.mulf %gather3A_1900, %bitcast_convert_type3A_1939 : vector<16xf32>
        %add3A_1942 = arith.addf %add3A_1828, %mul3A_1941 : vector<16xf32>
        %mul3A_1943 = arith.mulf %gather3A_1900, %bitcast_convert_type3A_1940 : vector<16xf32>
        %add3A_1944 = arith.addf %add3A_1830, %mul3A_1943 : vector<16xf32>
        %get3A_1945 = arith.index_cast %add3A_1905 : i32 to index
        %get3A_1946 = arith.constant 48 : index
        %get3A_1947 = tpu.vector_load %arg16[%get3A_1945, %get3A_1946] {strides = array<i32>} : memref<336x128xi32, #tpu.memory_space<vmem>>, vector<1x16xi32>,
        %get3A_1948 = vector.shape_cast %get3A_1947 : vector<1x16xi32> to vector<16xi32>
        %shift_left3A_1949 = arith.constant 16 : i32
        %shift_left3A_1950 = vector.broadcast %shift_left3A_1949 : i32 to vector<16xi32>
        %shift_left3A_1951 = arith.shli %get3A_1948, %shift_left3A_1950 : vector<16xi32>
        %bitcast_convert_type3A_1952 = tpu.bitcast %shift_left3A_1951 : vector<16xi32> -> vector<16xf32>
        %bitcast_convert_type3A_1953 = tpu.bitcast %get3A_1948 : vector<16xi32> -> vector<16xf32>
        %mul3A_1954 = arith.mulf %gather3A_1900, %bitcast_convert_type3A_1952 : vector<16xf32>
        %add3A_1955 = arith.addf %add3A_1841, %mul3A_1954 : vector<16xf32>
        %mul3A_1956 = arith.mulf %gather3A_1900, %bitcast_convert_type3A_1953 : vector<16xf32>
        %add3A_1957 = arith.addf %add3A_1843, %mul3A_1956 : vector<16xf32>
        %get3A_1958 = arith.index_cast %add3A_1905 : i32 to index
        %get3A_1959 = arith.constant 64 : index
        %get3A_1960 = tpu.vector_load %arg16[%get3A_1958, %get3A_1959] {strides = array<i32>} : memref<336x128xi32, #tpu.memory_space<vmem>>, vector<1x16xi32>,
        %get3A_1961 = vector.shape_cast %get3A_1960 : vector<1x16xi32> to vector<16xi32>
        %shift_left3A_1962 = arith.constant 16 : i32
        %shift_left3A_1963 = vector.broadcast %shift_left3A_1962 : i32 to vector<16xi32>
        %shift_left3A_1964 = arith.shli %get3A_1961, %shift_left3A_1963 : vector<16xi32>
        %bitcast_convert_type3A_1965 = tpu.bitcast %shift_left3A_1964 : vector<16xi32> -> vector<16xf32>
        %bitcast_convert_type3A_1966 = tpu.bitcast %get3A_1961 : vector<16xi32> -> vector<16xf32>
        %mul3A_1967 = arith.mulf %gather3A_1900, %bitcast_convert_type3A_1965 : vector<16xf32>
        %add3A_1968 = arith.addf %add3A_1854, %mul3A_1967 : vector<16xf32>
        %mul3A_1969 = arith.mulf %gather3A_1900, %bitcast_convert_type3A_1966 : vector<16xf32>
        %add3A_1970 = arith.addf %add3A_1856, %mul3A_1969 : vector<16xf32>
        %get3A_1971 = arith.index_cast %add3A_1905 : i32 to index
        %get3A_1972 = arith.constant 80 : index
        %get3A_1973 = tpu.vector_load %arg16[%get3A_1971, %get3A_1972] {strides = array<i32>} : memref<336x128xi32, #tpu.memory_space<vmem>>, vector<1x16xi32>,
        %get3A_1974 = vector.shape_cast %get3A_1973 : vector<1x16xi32> to vector<16xi32>
        %shift_left3A_1975 = arith.constant 16 : i32
        %shift_left3A_1976 = vector.broadcast %shift_left3A_1975 : i32 to vector<16xi32>
        %shift_left3A_1977 = arith.shli %get3A_1974, %shift_left3A_1976 : vector<16xi32>
        %bitcast_convert_type3A_1978 = tpu.bitcast %shift_left3A_1977 : vector<16xi32> -> vector<16xf32>
        %bitcast_convert_type3A_1979 = tpu.bitcast %get3A_1974 : vector<16xi32> -> vector<16xf32>
        %mul3A_1980 = arith.mulf %gather3A_1900, %bitcast_convert_type3A_1978 : vector<16xf32>
        %add3A_1981 = arith.addf %add3A_1867, %mul3A_1980 : vector<16xf32>
        %mul3A_1982 = arith.mulf %gather3A_1900, %bitcast_convert_type3A_1979 : vector<16xf32>
        %add3A_1983 = arith.addf %add3A_1869, %mul3A_1982 : vector<16xf32>
        %get3A_1984 = arith.index_cast %add3A_1905 : i32 to index
        %get3A_1985 = arith.constant 96 : index
        %get3A_1986 = tpu.vector_load %arg16[%get3A_1984, %get3A_1985] {strides = array<i32>} : memref<336x128xi32, #tpu.memory_space<vmem>>, vector<1x16xi32>,
        %get3A_1987 = vector.shape_cast %get3A_1986 : vector<1x16xi32> to vector<16xi32>
        %shift_left3A_1988 = arith.constant 16 : i32
        %shift_left3A_1989 = vector.broadcast %shift_left3A_1988 : i32 to vector<16xi32>
        %shift_left3A_1990 = arith.shli %get3A_1987, %shift_left3A_1989 : vector<16xi32>
        %bitcast_convert_type3A_1991 = tpu.bitcast %shift_left3A_1990 : vector<16xi32> -> vector<16xf32>
        %bitcast_convert_type3A_1992 = tpu.bitcast %get3A_1987 : vector<16xi32> -> vector<16xf32>
        %mul3A_1993 = arith.mulf %gather3A_1900, %bitcast_convert_type3A_1991 : vector<16xf32>
        %add3A_1994 = arith.addf %add3A_1880, %mul3A_1993 : vector<16xf32>
        %mul3A_1995 = arith.mulf %gather3A_1900, %bitcast_convert_type3A_1992 : vector<16xf32>
        %add3A_1996 = arith.addf %add3A_1882, %mul3A_1995 : vector<16xf32>
        %get3A_1997 = arith.index_cast %add3A_1905 : i32 to index
        %get3A_1998 = arith.constant 112 : index
        %get3A_1999 = tpu.vector_load %arg16[%get3A_1997, %get3A_1998] {strides = array<i32>} : memref<336x128xi32, #tpu.memory_space<vmem>>, vector<1x16xi32>,
        %get3A_2000 = vector.shape_cast %get3A_1999 : vector<1x16xi32> to vector<16xi32>
        %shift_left3A_2001 = arith.constant 16 : i32
        %shift_left3A_2002 = vector.broadcast %shift_left3A_2001 : i32 to vector<16xi32>
        %shift_left3A_2003 = arith.shli %get3A_2000, %shift_left3A_2002 : vector<16xi32>
        %bitcast_convert_type3A_2004 = tpu.bitcast %shift_left3A_2003 : vector<16xi32> -> vector<16xf32>
        %bitcast_convert_type3A_2005 = tpu.bitcast %get3A_2000 : vector<16xi32> -> vector<16xf32>
        %mul3A_2006 = arith.mulf %gather3A_1900, %bitcast_convert_type3A_2004 : vector<16xf32>
        %add3A_2007 = arith.addf %add3A_1893, %mul3A_2006 : vector<16xf32>
        %mul3A_2008 = arith.mulf %gather3A_1900, %bitcast_convert_type3A_2005 : vector<16xf32>
        %add3A_2009 = arith.addf %add3A_1895, %mul3A_2008 : vector<16xf32>
        %broadcast_in_dim3A_2010 = arith.constant 14 : i32
        %broadcast_in_dim3A_2011 = vector.broadcast %broadcast_in_dim3A_2010 : i32 to vector<16xi32>
        %broadcast_in_dim3A_2012 = vector.shape_cast %broadcast_in_dim3A_2011 : vector<16xi32> to vector<16x1xi32>
        %gather3A_2013 = vector.shape_cast %broadcast_in_dim3A_2012 : vector<16x1xi32> to vector<16xi32>
        %gather3A_2014 = tpu.dynamic_gather %get3A_384[%gather3A_2013] in [0] : vector<16xf32>, vector<16xi32> -> vector<16xf32>
        %mul3A_2015 = arith.constant 16 : i32
        %mul3A_2016 = arith.muli %scan3A_373, %mul3A_2015 : i32
        %add3A_2017 = arith.addi %mul3A_315, %mul3A_2016 : i32
        %add3A_2018 = arith.constant 14 : i32
        %add3A_2019 = arith.addi %add3A_2017, %add3A_2018 : i32
        %get3A_2020 = arith.index_cast %add3A_2019 : i32 to index
        %get3A_2021 = arith.constant 0 : index
        %get3A_2022 = tpu.vector_load %arg16[%get3A_2020, %get3A_2021] {strides = array<i32>} : memref<336x128xi32, #tpu.memory_space<vmem>>, vector<1x16xi32>,
        %get3A_2023 = vector.shape_cast %get3A_2022 : vector<1x16xi32> to vector<16xi32>
        %shift_left3A_2024 = arith.constant 16 : i32
        %shift_left3A_2025 = vector.broadcast %shift_left3A_2024 : i32 to vector<16xi32>
        %shift_left3A_2026 = arith.shli %get3A_2023, %shift_left3A_2025 : vector<16xi32>
        %bitcast_convert_type3A_2027 = tpu.bitcast %shift_left3A_2026 : vector<16xi32> -> vector<16xf32>
        %bitcast_convert_type3A_2028 = tpu.bitcast %get3A_2023 : vector<16xi32> -> vector<16xf32>
        %mul3A_2029 = arith.mulf %gather3A_2014, %bitcast_convert_type3A_2027 : vector<16xf32>
        %add3A_2030 = arith.addf %add3A_1916, %mul3A_2029 : vector<16xf32>
        %mul3A_2031 = arith.mulf %gather3A_2014, %bitcast_convert_type3A_2028 : vector<16xf32>
        %add3A_2032 = arith.addf %add3A_1918, %mul3A_2031 : vector<16xf32>
        %get3A_2033 = arith.index_cast %add3A_2019 : i32 to index
        %get3A_2034 = arith.constant 16 : index
        %get3A_2035 = tpu.vector_load %arg16[%get3A_2033, %get3A_2034] {strides = array<i32>} : memref<336x128xi32, #tpu.memory_space<vmem>>, vector<1x16xi32>,
        %get3A_2036 = vector.shape_cast %get3A_2035 : vector<1x16xi32> to vector<16xi32>
        %shift_left3A_2037 = arith.constant 16 : i32
        %shift_left3A_2038 = vector.broadcast %shift_left3A_2037 : i32 to vector<16xi32>
        %shift_left3A_2039 = arith.shli %get3A_2036, %shift_left3A_2038 : vector<16xi32>
        %bitcast_convert_type3A_2040 = tpu.bitcast %shift_left3A_2039 : vector<16xi32> -> vector<16xf32>
        %bitcast_convert_type3A_2041 = tpu.bitcast %get3A_2036 : vector<16xi32> -> vector<16xf32>
        %mul3A_2042 = arith.mulf %gather3A_2014, %bitcast_convert_type3A_2040 : vector<16xf32>
        %add3A_2043 = arith.addf %add3A_1929, %mul3A_2042 : vector<16xf32>
        %mul3A_2044 = arith.mulf %gather3A_2014, %bitcast_convert_type3A_2041 : vector<16xf32>
        %add3A_2045 = arith.addf %add3A_1931, %mul3A_2044 : vector<16xf32>
        %get3A_2046 = arith.index_cast %add3A_2019 : i32 to index
        %get3A_2047 = arith.constant 32 : index
        %get3A_2048 = tpu.vector_load %arg16[%get3A_2046, %get3A_2047] {strides = array<i32>} : memref<336x128xi32, #tpu.memory_space<vmem>>, vector<1x16xi32>,
        %get3A_2049 = vector.shape_cast %get3A_2048 : vector<1x16xi32> to vector<16xi32>
        %shift_left3A_2050 = arith.constant 16 : i32
        %shift_left3A_2051 = vector.broadcast %shift_left3A_2050 : i32 to vector<16xi32>
        %shift_left3A_2052 = arith.shli %get3A_2049, %shift_left3A_2051 : vector<16xi32>
        %bitcast_convert_type3A_2053 = tpu.bitcast %shift_left3A_2052 : vector<16xi32> -> vector<16xf32>
        %bitcast_convert_type3A_2054 = tpu.bitcast %get3A_2049 : vector<16xi32> -> vector<16xf32>
        %mul3A_2055 = arith.mulf %gather3A_2014, %bitcast_convert_type3A_2053 : vector<16xf32>
        %add3A_2056 = arith.addf %add3A_1942, %mul3A_2055 : vector<16xf32>
        %mul3A_2057 = arith.mulf %gather3A_2014, %bitcast_convert_type3A_2054 : vector<16xf32>
        %add3A_2058 = arith.addf %add3A_1944, %mul3A_2057 : vector<16xf32>
        %get3A_2059 = arith.index_cast %add3A_2019 : i32 to index
        %get3A_2060 = arith.constant 48 : index
        %get3A_2061 = tpu.vector_load %arg16[%get3A_2059, %get3A_2060] {strides = array<i32>} : memref<336x128xi32, #tpu.memory_space<vmem>>, vector<1x16xi32>,
        %get3A_2062 = vector.shape_cast %get3A_2061 : vector<1x16xi32> to vector<16xi32>
        %shift_left3A_2063 = arith.constant 16 : i32
        %shift_left3A_2064 = vector.broadcast %shift_left3A_2063 : i32 to vector<16xi32>
        %shift_left3A_2065 = arith.shli %get3A_2062, %shift_left3A_2064 : vector<16xi32>
        %bitcast_convert_type3A_2066 = tpu.bitcast %shift_left3A_2065 : vector<16xi32> -> vector<16xf32>
        %bitcast_convert_type3A_2067 = tpu.bitcast %get3A_2062 : vector<16xi32> -> vector<16xf32>
        %mul3A_2068 = arith.mulf %gather3A_2014, %bitcast_convert_type3A_2066 : vector<16xf32>
        %add3A_2069 = arith.addf %add3A_1955, %mul3A_2068 : vector<16xf32>
        %mul3A_2070 = arith.mulf %gather3A_2014, %bitcast_convert_type3A_2067 : vector<16xf32>
        %add3A_2071 = arith.addf %add3A_1957, %mul3A_2070 : vector<16xf32>
        %get3A_2072 = arith.index_cast %add3A_2019 : i32 to index
        %get3A_2073 = arith.constant 64 : index
        %get3A_2074 = tpu.vector_load %arg16[%get3A_2072, %get3A_2073] {strides = array<i32>} : memref<336x128xi32, #tpu.memory_space<vmem>>, vector<1x16xi32>,
        %get3A_2075 = vector.shape_cast %get3A_2074 : vector<1x16xi32> to vector<16xi32>
        %shift_left3A_2076 = arith.constant 16 : i32
        %shift_left3A_2077 = vector.broadcast %shift_left3A_2076 : i32 to vector<16xi32>
        %shift_left3A_2078 = arith.shli %get3A_2075, %shift_left3A_2077 : vector<16xi32>
        %bitcast_convert_type3A_2079 = tpu.bitcast %shift_left3A_2078 : vector<16xi32> -> vector<16xf32>
        %bitcast_convert_type3A_2080 = tpu.bitcast %get3A_2075 : vector<16xi32> -> vector<16xf32>
        %mul3A_2081 = arith.mulf %gather3A_2014, %bitcast_convert_type3A_2079 : vector<16xf32>
        %add3A_2082 = arith.addf %add3A_1968, %mul3A_2081 : vector<16xf32>
        %mul3A_2083 = arith.mulf %gather3A_2014, %bitcast_convert_type3A_2080 : vector<16xf32>
        %add3A_2084 = arith.addf %add3A_1970, %mul3A_2083 : vector<16xf32>
        %get3A_2085 = arith.index_cast %add3A_2019 : i32 to index
        %get3A_2086 = arith.constant 80 : index
        %get3A_2087 = tpu.vector_load %arg16[%get3A_2085, %get3A_2086] {strides = array<i32>} : memref<336x128xi32, #tpu.memory_space<vmem>>, vector<1x16xi32>,
        %get3A_2088 = vector.shape_cast %get3A_2087 : vector<1x16xi32> to vector<16xi32>
        %shift_left3A_2089 = arith.constant 16 : i32
        %shift_left3A_2090 = vector.broadcast %shift_left3A_2089 : i32 to vector<16xi32>
        %shift_left3A_2091 = arith.shli %get3A_2088, %shift_left3A_2090 : vector<16xi32>
        %bitcast_convert_type3A_2092 = tpu.bitcast %shift_left3A_2091 : vector<16xi32> -> vector<16xf32>
        %bitcast_convert_type3A_2093 = tpu.bitcast %get3A_2088 : vector<16xi32> -> vector<16xf32>
        %mul3A_2094 = arith.mulf %gather3A_2014, %bitcast_convert_type3A_2092 : vector<16xf32>
        %add3A_2095 = arith.addf %add3A_1981, %mul3A_2094 : vector<16xf32>
        %mul3A_2096 = arith.mulf %gather3A_2014, %bitcast_convert_type3A_2093 : vector<16xf32>
        %add3A_2097 = arith.addf %add3A_1983, %mul3A_2096 : vector<16xf32>
        %get3A_2098 = arith.index_cast %add3A_2019 : i32 to index
        %get3A_2099 = arith.constant 96 : index
        %get3A_2100 = tpu.vector_load %arg16[%get3A_2098, %get3A_2099] {strides = array<i32>} : memref<336x128xi32, #tpu.memory_space<vmem>>, vector<1x16xi32>,
        %get3A_2101 = vector.shape_cast %get3A_2100 : vector<1x16xi32> to vector<16xi32>
        %shift_left3A_2102 = arith.constant 16 : i32
        %shift_left3A_2103 = vector.broadcast %shift_left3A_2102 : i32 to vector<16xi32>
        %shift_left3A_2104 = arith.shli %get3A_2101, %shift_left3A_2103 : vector<16xi32>
        %bitcast_convert_type3A_2105 = tpu.bitcast %shift_left3A_2104 : vector<16xi32> -> vector<16xf32>
        %bitcast_convert_type3A_2106 = tpu.bitcast %get3A_2101 : vector<16xi32> -> vector<16xf32>
        %mul3A_2107 = arith.mulf %gather3A_2014, %bitcast_convert_type3A_2105 : vector<16xf32>
        %add3A_2108 = arith.addf %add3A_1994, %mul3A_2107 : vector<16xf32>
        %mul3A_2109 = arith.mulf %gather3A_2014, %bitcast_convert_type3A_2106 : vector<16xf32>
        %add3A_2110 = arith.addf %add3A_1996, %mul3A_2109 : vector<16xf32>
        %get3A_2111 = arith.index_cast %add3A_2019 : i32 to index
        %get3A_2112 = arith.constant 112 : index
        %get3A_2113 = tpu.vector_load %arg16[%get3A_2111, %get3A_2112] {strides = array<i32>} : memref<336x128xi32, #tpu.memory_space<vmem>>, vector<1x16xi32>,
        %get3A_2114 = vector.shape_cast %get3A_2113 : vector<1x16xi32> to vector<16xi32>
        %shift_left3A_2115 = arith.constant 16 : i32
        %shift_left3A_2116 = vector.broadcast %shift_left3A_2115 : i32 to vector<16xi32>
        %shift_left3A_2117 = arith.shli %get3A_2114, %shift_left3A_2116 : vector<16xi32>
        %bitcast_convert_type3A_2118 = tpu.bitcast %shift_left3A_2117 : vector<16xi32> -> vector<16xf32>
        %bitcast_convert_type3A_2119 = tpu.bitcast %get3A_2114 : vector<16xi32> -> vector<16xf32>
        %mul3A_2120 = arith.mulf %gather3A_2014, %bitcast_convert_type3A_2118 : vector<16xf32>
        %add3A_2121 = arith.addf %add3A_2007, %mul3A_2120 : vector<16xf32>
        %mul3A_2122 = arith.mulf %gather3A_2014, %bitcast_convert_type3A_2119 : vector<16xf32>
        %add3A_2123 = arith.addf %add3A_2009, %mul3A_2122 : vector<16xf32>
        %broadcast_in_dim3A_2124 = arith.constant 15 : i32
        %broadcast_in_dim3A_2125 = vector.broadcast %broadcast_in_dim3A_2124 : i32 to vector<16xi32>
        %broadcast_in_dim3A_2126 = vector.shape_cast %broadcast_in_dim3A_2125 : vector<16xi32> to vector<16x1xi32>
        %gather3A_2127 = vector.shape_cast %broadcast_in_dim3A_2126 : vector<16x1xi32> to vector<16xi32>
        %gather3A_2128 = tpu.dynamic_gather %get3A_384[%gather3A_2127] in [0] : vector<16xf32>, vector<16xi32> -> vector<16xf32>
        %mul3A_2129 = arith.constant 16 : i32
        %mul3A_2130 = arith.muli %scan3A_373, %mul3A_2129 : i32
        %add3A_2131 = arith.addi %mul3A_315, %mul3A_2130 : i32
        %add3A_2132 = arith.constant 15 : i32
        %add3A_2133 = arith.addi %add3A_2131, %add3A_2132 : i32
        %get3A_2134 = arith.index_cast %add3A_2133 : i32 to index
        %get3A_2135 = arith.constant 0 : index
        %get3A_2136 = tpu.vector_load %arg16[%get3A_2134, %get3A_2135] {strides = array<i32>} : memref<336x128xi32, #tpu.memory_space<vmem>>, vector<1x16xi32>,
        %get3A_2137 = vector.shape_cast %get3A_2136 : vector<1x16xi32> to vector<16xi32>
        %shift_left3A_2138 = arith.constant 16 : i32
        %shift_left3A_2139 = vector.broadcast %shift_left3A_2138 : i32 to vector<16xi32>
        %shift_left3A_2140 = arith.shli %get3A_2137, %shift_left3A_2139 : vector<16xi32>
        %bitcast_convert_type3A_2141 = tpu.bitcast %shift_left3A_2140 : vector<16xi32> -> vector<16xf32>
        %bitcast_convert_type3A_2142 = tpu.bitcast %get3A_2137 : vector<16xi32> -> vector<16xf32>
        %mul3A_2143 = arith.mulf %gather3A_2128, %bitcast_convert_type3A_2141 : vector<16xf32>
        %add3A_2144 = arith.addf %add3A_2030, %mul3A_2143 : vector<16xf32>
        %mul3A_2145 = arith.mulf %gather3A_2128, %bitcast_convert_type3A_2142 : vector<16xf32>
        %add3A_2146 = arith.addf %add3A_2032, %mul3A_2145 : vector<16xf32>
        %get3A_2147 = arith.index_cast %add3A_2133 : i32 to index
        %get3A_2148 = arith.constant 16 : index
        %get3A_2149 = tpu.vector_load %arg16[%get3A_2147, %get3A_2148] {strides = array<i32>} : memref<336x128xi32, #tpu.memory_space<vmem>>, vector<1x16xi32>,
        %get3A_2150 = vector.shape_cast %get3A_2149 : vector<1x16xi32> to vector<16xi32>
        %shift_left3A_2151 = arith.constant 16 : i32
        %shift_left3A_2152 = vector.broadcast %shift_left3A_2151 : i32 to vector<16xi32>
        %shift_left3A_2153 = arith.shli %get3A_2150, %shift_left3A_2152 : vector<16xi32>
        %bitcast_convert_type3A_2154 = tpu.bitcast %shift_left3A_2153 : vector<16xi32> -> vector<16xf32>
        %bitcast_convert_type3A_2155 = tpu.bitcast %get3A_2150 : vector<16xi32> -> vector<16xf32>
        %mul3A_2156 = arith.mulf %gather3A_2128, %bitcast_convert_type3A_2154 : vector<16xf32>
        %add3A_2157 = arith.addf %add3A_2043, %mul3A_2156 : vector<16xf32>
        %mul3A_2158 = arith.mulf %gather3A_2128, %bitcast_convert_type3A_2155 : vector<16xf32>
        %add3A_2159 = arith.addf %add3A_2045, %mul3A_2158 : vector<16xf32>
        %get3A_2160 = arith.index_cast %add3A_2133 : i32 to index
        %get3A_2161 = arith.constant 32 : index
        %get3A_2162 = tpu.vector_load %arg16[%get3A_2160, %get3A_2161] {strides = array<i32>} : memref<336x128xi32, #tpu.memory_space<vmem>>, vector<1x16xi32>,
        %get3A_2163 = vector.shape_cast %get3A_2162 : vector<1x16xi32> to vector<16xi32>
        %shift_left3A_2164 = arith.constant 16 : i32
        %shift_left3A_2165 = vector.broadcast %shift_left3A_2164 : i32 to vector<16xi32>
        %shift_left3A_2166 = arith.shli %get3A_2163, %shift_left3A_2165 : vector<16xi32>
        %bitcast_convert_type3A_2167 = tpu.bitcast %shift_left3A_2166 : vector<16xi32> -> vector<16xf32>
        %bitcast_convert_type3A_2168 = tpu.bitcast %get3A_2163 : vector<16xi32> -> vector<16xf32>
        %mul3A_2169 = arith.mulf %gather3A_2128, %bitcast_convert_type3A_2167 : vector<16xf32>
        %add3A_2170 = arith.addf %add3A_2056, %mul3A_2169 : vector<16xf32>
        %mul3A_2171 = arith.mulf %gather3A_2128, %bitcast_convert_type3A_2168 : vector<16xf32>
        %add3A_2172 = arith.addf %add3A_2058, %mul3A_2171 : vector<16xf32>
        %get3A_2173 = arith.index_cast %add3A_2133 : i32 to index
        %get3A_2174 = arith.constant 48 : index
        %get3A_2175 = tpu.vector_load %arg16[%get3A_2173, %get3A_2174] {strides = array<i32>} : memref<336x128xi32, #tpu.memory_space<vmem>>, vector<1x16xi32>,
        %get3A_2176 = vector.shape_cast %get3A_2175 : vector<1x16xi32> to vector<16xi32>
        %shift_left3A_2177 = arith.constant 16 : i32
        %shift_left3A_2178 = vector.broadcast %shift_left3A_2177 : i32 to vector<16xi32>
        %shift_left3A_2179 = arith.shli %get3A_2176, %shift_left3A_2178 : vector<16xi32>
        %bitcast_convert_type3A_2180 = tpu.bitcast %shift_left3A_2179 : vector<16xi32> -> vector<16xf32>
        %bitcast_convert_type3A_2181 = tpu.bitcast %get3A_2176 : vector<16xi32> -> vector<16xf32>
        %mul3A_2182 = arith.mulf %gather3A_2128, %bitcast_convert_type3A_2180 : vector<16xf32>
        %add3A_2183 = arith.addf %add3A_2069, %mul3A_2182 : vector<16xf32>
        %mul3A_2184 = arith.mulf %gather3A_2128, %bitcast_convert_type3A_2181 : vector<16xf32>
        %add3A_2185 = arith.addf %add3A_2071, %mul3A_2184 : vector<16xf32>
        %get3A_2186 = arith.index_cast %add3A_2133 : i32 to index
        %get3A_2187 = arith.constant 64 : index
        %get3A_2188 = tpu.vector_load %arg16[%get3A_2186, %get3A_2187] {strides = array<i32>} : memref<336x128xi32, #tpu.memory_space<vmem>>, vector<1x16xi32>,
        %get3A_2189 = vector.shape_cast %get3A_2188 : vector<1x16xi32> to vector<16xi32>
        %shift_left3A_2190 = arith.constant 16 : i32
        %shift_left3A_2191 = vector.broadcast %shift_left3A_2190 : i32 to vector<16xi32>
        %shift_left3A_2192 = arith.shli %get3A_2189, %shift_left3A_2191 : vector<16xi32>
        %bitcast_convert_type3A_2193 = tpu.bitcast %shift_left3A_2192 : vector<16xi32> -> vector<16xf32>
        %bitcast_convert_type3A_2194 = tpu.bitcast %get3A_2189 : vector<16xi32> -> vector<16xf32>
        %mul3A_2195 = arith.mulf %gather3A_2128, %bitcast_convert_type3A_2193 : vector<16xf32>
        %add3A_2196 = arith.addf %add3A_2082, %mul3A_2195 : vector<16xf32>
        %mul3A_2197 = arith.mulf %gather3A_2128, %bitcast_convert_type3A_2194 : vector<16xf32>
        %add3A_2198 = arith.addf %add3A_2084, %mul3A_2197 : vector<16xf32>
        %get3A_2199 = arith.index_cast %add3A_2133 : i32 to index
        %get3A_2200 = arith.constant 80 : index
        %get3A_2201 = tpu.vector_load %arg16[%get3A_2199, %get3A_2200] {strides = array<i32>} : memref<336x128xi32, #tpu.memory_space<vmem>>, vector<1x16xi32>,
        %get3A_2202 = vector.shape_cast %get3A_2201 : vector<1x16xi32> to vector<16xi32>
        %shift_left3A_2203 = arith.constant 16 : i32
        %shift_left3A_2204 = vector.broadcast %shift_left3A_2203 : i32 to vector<16xi32>
        %shift_left3A_2205 = arith.shli %get3A_2202, %shift_left3A_2204 : vector<16xi32>
        %bitcast_convert_type3A_2206 = tpu.bitcast %shift_left3A_2205 : vector<16xi32> -> vector<16xf32>
        %bitcast_convert_type3A_2207 = tpu.bitcast %get3A_2202 : vector<16xi32> -> vector<16xf32>
        %mul3A_2208 = arith.mulf %gather3A_2128, %bitcast_convert_type3A_2206 : vector<16xf32>
        %add3A_2209 = arith.addf %add3A_2095, %mul3A_2208 : vector<16xf32>
        %mul3A_2210 = arith.mulf %gather3A_2128, %bitcast_convert_type3A_2207 : vector<16xf32>
        %add3A_2211 = arith.addf %add3A_2097, %mul3A_2210 : vector<16xf32>
        %get3A_2212 = arith.index_cast %add3A_2133 : i32 to index
        %get3A_2213 = arith.constant 96 : index
        %get3A_2214 = tpu.vector_load %arg16[%get3A_2212, %get3A_2213] {strides = array<i32>} : memref<336x128xi32, #tpu.memory_space<vmem>>, vector<1x16xi32>,
        %get3A_2215 = vector.shape_cast %get3A_2214 : vector<1x16xi32> to vector<16xi32>
        %shift_left3A_2216 = arith.constant 16 : i32
        %shift_left3A_2217 = vector.broadcast %shift_left3A_2216 : i32 to vector<16xi32>
        %shift_left3A_2218 = arith.shli %get3A_2215, %shift_left3A_2217 : vector<16xi32>
        %bitcast_convert_type3A_2219 = tpu.bitcast %shift_left3A_2218 : vector<16xi32> -> vector<16xf32>
        %bitcast_convert_type3A_2220 = tpu.bitcast %get3A_2215 : vector<16xi32> -> vector<16xf32>
        %mul3A_2221 = arith.mulf %gather3A_2128, %bitcast_convert_type3A_2219 : vector<16xf32>
        %add3A_2222 = arith.addf %add3A_2108, %mul3A_2221 : vector<16xf32>
        %mul3A_2223 = arith.mulf %gather3A_2128, %bitcast_convert_type3A_2220 : vector<16xf32>
        %add3A_2224 = arith.addf %add3A_2110, %mul3A_2223 : vector<16xf32>
        %get3A_2225 = arith.index_cast %add3A_2133 : i32 to index
        %get3A_2226 = arith.constant 112 : index
        %get3A_2227 = tpu.vector_load %arg16[%get3A_2225, %get3A_2226] {strides = array<i32>} : memref<336x128xi32, #tpu.memory_space<vmem>>, vector<1x16xi32>,
        %get3A_2228 = vector.shape_cast %get3A_2227 : vector<1x16xi32> to vector<16xi32>
        %shift_left3A_2229 = arith.constant 16 : i32
        %shift_left3A_2230 = vector.broadcast %shift_left3A_2229 : i32 to vector<16xi32>
        %shift_left3A_2231 = arith.shli %get3A_2228, %shift_left3A_2230 : vector<16xi32>
        %bitcast_convert_type3A_2232 = tpu.bitcast %shift_left3A_2231 : vector<16xi32> -> vector<16xf32>
        %bitcast_convert_type3A_2233 = tpu.bitcast %get3A_2228 : vector<16xi32> -> vector<16xf32>
        %mul3A_2234 = arith.mulf %gather3A_2128, %bitcast_convert_type3A_2232 : vector<16xf32>
        %add3A_2235 = arith.addf %add3A_2121, %mul3A_2234 : vector<16xf32>
        %mul3A_2236 = arith.mulf %gather3A_2128, %bitcast_convert_type3A_2233 : vector<16xf32>
        %add3A_2237 = arith.addf %add3A_2123, %mul3A_2236 : vector<16xf32>
        %mul3A_2238 = arith.constant 256 : i32
        %mul3A_2239 = arith.muli %add3A_376, %mul3A_2238 : i32
        %add3A_2240 = arith.addi %mul3A_343, %mul3A_2239 : i32
        %add3A_2241 = arith.constant 0 : i32
        %add3A_2242 = arith.addi %add3A_2240, %add3A_2241 : i32
        %swap3A = arith.index_cast %add3A_2242 : i32 to index
        %swap3A_2243 = tpu.vector_load %arg17[%swap3A] {strides = array<i32>} : memref<25088xf32, #tpu.memory_space<vmem>>, vector<16xf32>,
        %swap3A_2244 = vector.shape_cast %swap3A_2243 : vector<16xf32> to vector<16xf32>
        %swap3A_2245 = vector.shape_cast %add3A_2144 : vector<16xf32> to vector<16xf32>
        tpu.vector_store %arg17[%swap3A], %swap3A_2245 {strides = array<i32>} : memref<25088xf32, #tpu.memory_space<vmem>>, vector<16xf32>,
        %mul3A_2246 = arith.constant 256 : i32
        %mul3A_2247 = arith.muli %add3A_376, %mul3A_2246 : i32
        %add3A_2248 = arith.addi %mul3A_343, %mul3A_2247 : i32
        %add3A_2249 = arith.constant 128 : i32
        %add3A_2250 = arith.addi %add3A_2248, %add3A_2249 : i32
        %add3A_2251 = arith.constant 0 : i32
        %add3A_2252 = arith.addi %add3A_2250, %add3A_2251 : i32
        %swap3A_2253 = arith.index_cast %add3A_2252 : i32 to index
        %swap3A_2254 = tpu.vector_load %arg17[%swap3A_2253] {strides = array<i32>} : memref<25088xf32, #tpu.memory_space<vmem>>, vector<16xf32>,
        %swap3A_2255 = vector.shape_cast %swap3A_2254 : vector<16xf32> to vector<16xf32>
        %swap3A_2256 = vector.shape_cast %add3A_2146 : vector<16xf32> to vector<16xf32>
        tpu.vector_store %arg17[%swap3A_2253], %swap3A_2256 {strides = array<i32>} : memref<25088xf32, #tpu.memory_space<vmem>>, vector<16xf32>,
        %mul3A_2257 = arith.constant 256 : i32
        %mul3A_2258 = arith.muli %add3A_376, %mul3A_2257 : i32
        %add3A_2259 = arith.addi %mul3A_343, %mul3A_2258 : i32
        %add3A_2260 = arith.constant 16 : i32
        %add3A_2261 = arith.addi %add3A_2259, %add3A_2260 : i32
        %swap3A_2262 = arith.index_cast %add3A_2261 : i32 to index
        %swap3A_2263 = tpu.vector_load %arg17[%swap3A_2262] {strides = array<i32>} : memref<25088xf32, #tpu.memory_space<vmem>>, vector<16xf32>,
        %swap3A_2264 = vector.shape_cast %swap3A_2263 : vector<16xf32> to vector<16xf32>
        %swap3A_2265 = vector.shape_cast %add3A_2157 : vector<16xf32> to vector<16xf32>
        tpu.vector_store %arg17[%swap3A_2262], %swap3A_2265 {strides = array<i32>} : memref<25088xf32, #tpu.memory_space<vmem>>, vector<16xf32>,
        %mul3A_2266 = arith.constant 256 : i32
        %mul3A_2267 = arith.muli %add3A_376, %mul3A_2266 : i32
        %add3A_2268 = arith.addi %mul3A_343, %mul3A_2267 : i32
        %add3A_2269 = arith.constant 128 : i32
        %add3A_2270 = arith.addi %add3A_2268, %add3A_2269 : i32
        %add3A_2271 = arith.constant 16 : i32
        %add3A_2272 = arith.addi %add3A_2270, %add3A_2271 : i32
        %swap3A_2273 = arith.index_cast %add3A_2272 : i32 to index
        %swap3A_2274 = tpu.vector_load %arg17[%swap3A_2273] {strides = array<i32>} : memref<25088xf32, #tpu.memory_space<vmem>>, vector<16xf32>,
        %swap3A_2275 = vector.shape_cast %swap3A_2274 : vector<16xf32> to vector<16xf32>
        %swap3A_2276 = vector.shape_cast %add3A_2159 : vector<16xf32> to vector<16xf32>
        tpu.vector_store %arg17[%swap3A_2273], %swap3A_2276 {strides = array<i32>} : memref<25088xf32, #tpu.memory_space<vmem>>, vector<16xf32>,
        %mul3A_2277 = arith.constant 256 : i32
        %mul3A_2278 = arith.muli %add3A_376, %mul3A_2277 : i32
        %add3A_2279 = arith.addi %mul3A_343, %mul3A_2278 : i32
        %add3A_2280 = arith.constant 32 : i32
        %add3A_2281 = arith.addi %add3A_2279, %add3A_2280 : i32
        %swap3A_2282 = arith.index_cast %add3A_2281 : i32 to index
        %swap3A_2283 = tpu.vector_load %arg17[%swap3A_2282] {strides = array<i32>} : memref<25088xf32, #tpu.memory_space<vmem>>, vector<16xf32>,
        %swap3A_2284 = vector.shape_cast %swap3A_2283 : vector<16xf32> to vector<16xf32>
        %swap3A_2285 = vector.shape_cast %add3A_2170 : vector<16xf32> to vector<16xf32>
        tpu.vector_store %arg17[%swap3A_2282], %swap3A_2285 {strides = array<i32>} : memref<25088xf32, #tpu.memory_space<vmem>>, vector<16xf32>,
        %mul3A_2286 = arith.constant 256 : i32
        %mul3A_2287 = arith.muli %add3A_376, %mul3A_2286 : i32
        %add3A_2288 = arith.addi %mul3A_343, %mul3A_2287 : i32
        %add3A_2289 = arith.constant 128 : i32
        %add3A_2290 = arith.addi %add3A_2288, %add3A_2289 : i32
        %add3A_2291 = arith.constant 32 : i32
        %add3A_2292 = arith.addi %add3A_2290, %add3A_2291 : i32
        %swap3A_2293 = arith.index_cast %add3A_2292 : i32 to index
        %swap3A_2294 = tpu.vector_load %arg17[%swap3A_2293] {strides = array<i32>} : memref<25088xf32, #tpu.memory_space<vmem>>, vector<16xf32>,
        %swap3A_2295 = vector.shape_cast %swap3A_2294 : vector<16xf32> to vector<16xf32>
        %swap3A_2296 = vector.shape_cast %add3A_2172 : vector<16xf32> to vector<16xf32>
        tpu.vector_store %arg17[%swap3A_2293], %swap3A_2296 {strides = array<i32>} : memref<25088xf32, #tpu.memory_space<vmem>>, vector<16xf32>,
        %mul3A_2297 = arith.constant 256 : i32
        %mul3A_2298 = arith.muli %add3A_376, %mul3A_2297 : i32
        %add3A_2299 = arith.addi %mul3A_343, %mul3A_2298 : i32
        %add3A_2300 = arith.constant 48 : i32
        %add3A_2301 = arith.addi %add3A_2299, %add3A_2300 : i32
        %swap3A_2302 = arith.index_cast %add3A_2301 : i32 to index
        %swap3A_2303 = tpu.vector_load %arg17[%swap3A_2302] {strides = array<i32>} : memref<25088xf32, #tpu.memory_space<vmem>>, vector<16xf32>,
        %swap3A_2304 = vector.shape_cast %swap3A_2303 : vector<16xf32> to vector<16xf32>
        %swap3A_2305 = vector.shape_cast %add3A_2183 : vector<16xf32> to vector<16xf32>
        tpu.vector_store %arg17[%swap3A_2302], %swap3A_2305 {strides = array<i32>} : memref<25088xf32, #tpu.memory_space<vmem>>, vector<16xf32>,
        %mul3A_2306 = arith.constant 256 : i32
        %mul3A_2307 = arith.muli %add3A_376, %mul3A_2306 : i32
        %add3A_2308 = arith.addi %mul3A_343, %mul3A_2307 : i32
        %add3A_2309 = arith.constant 128 : i32
        %add3A_2310 = arith.addi %add3A_2308, %add3A_2309 : i32
        %add3A_2311 = arith.constant 48 : i32
        %add3A_2312 = arith.addi %add3A_2310, %add3A_2311 : i32
        %swap3A_2313 = arith.index_cast %add3A_2312 : i32 to index
        %swap3A_2314 = tpu.vector_load %arg17[%swap3A_2313] {strides = array<i32>} : memref<25088xf32, #tpu.memory_space<vmem>>, vector<16xf32>,
        %swap3A_2315 = vector.shape_cast %swap3A_2314 : vector<16xf32> to vector<16xf32>
        %swap3A_2316 = vector.shape_cast %add3A_2185 : vector<16xf32> to vector<16xf32>
        tpu.vector_store %arg17[%swap3A_2313], %swap3A_2316 {strides = array<i32>} : memref<25088xf32, #tpu.memory_space<vmem>>, vector<16xf32>,
        %mul3A_2317 = arith.constant 256 : i32
        %mul3A_2318 = arith.muli %add3A_376, %mul3A_2317 : i32
        %add3A_2319 = arith.addi %mul3A_343, %mul3A_2318 : i32
        %add3A_2320 = arith.constant 64 : i32
        %add3A_2321 = arith.addi %add3A_2319, %add3A_2320 : i32
        %swap3A_2322 = arith.index_cast %add3A_2321 : i32 to index
        %swap3A_2323 = tpu.vector_load %arg17[%swap3A_2322] {strides = array<i32>} : memref<25088xf32, #tpu.memory_space<vmem>>, vector<16xf32>,
        %swap3A_2324 = vector.shape_cast %swap3A_2323 : vector<16xf32> to vector<16xf32>
        %swap3A_2325 = vector.shape_cast %add3A_2196 : vector<16xf32> to vector<16xf32>
        tpu.vector_store %arg17[%swap3A_2322], %swap3A_2325 {strides = array<i32>} : memref<25088xf32, #tpu.memory_space<vmem>>, vector<16xf32>,
        %mul3A_2326 = arith.constant 256 : i32
        %mul3A_2327 = arith.muli %add3A_376, %mul3A_2326 : i32
        %add3A_2328 = arith.addi %mul3A_343, %mul3A_2327 : i32
        %add3A_2329 = arith.constant 128 : i32
        %add3A_2330 = arith.addi %add3A_2328, %add3A_2329 : i32
        %add3A_2331 = arith.constant 64 : i32
        %add3A_2332 = arith.addi %add3A_2330, %add3A_2331 : i32
        %swap3A_2333 = arith.index_cast %add3A_2332 : i32 to index
        %swap3A_2334 = tpu.vector_load %arg17[%swap3A_2333] {strides = array<i32>} : memref<25088xf32, #tpu.memory_space<vmem>>, vector<16xf32>,
        %swap3A_2335 = vector.shape_cast %swap3A_2334 : vector<16xf32> to vector<16xf32>
        %swap3A_2336 = vector.shape_cast %add3A_2198 : vector<16xf32> to vector<16xf32>
        tpu.vector_store %arg17[%swap3A_2333], %swap3A_2336 {strides = array<i32>} : memref<25088xf32, #tpu.memory_space<vmem>>, vector<16xf32>,
        %mul3A_2337 = arith.constant 256 : i32
        %mul3A_2338 = arith.muli %add3A_376, %mul3A_2337 : i32
        %add3A_2339 = arith.addi %mul3A_343, %mul3A_2338 : i32
        %add3A_2340 = arith.constant 80 : i32
        %add3A_2341 = arith.addi %add3A_2339, %add3A_2340 : i32
        %swap3A_2342 = arith.index_cast %add3A_2341 : i32 to index
        %swap3A_2343 = tpu.vector_load %arg17[%swap3A_2342] {strides = array<i32>} : memref<25088xf32, #tpu.memory_space<vmem>>, vector<16xf32>,
        %swap3A_2344 = vector.shape_cast %swap3A_2343 : vector<16xf32> to vector<16xf32>
        %swap3A_2345 = vector.shape_cast %add3A_2209 : vector<16xf32> to vector<16xf32>
        tpu.vector_store %arg17[%swap3A_2342], %swap3A_2345 {strides = array<i32>} : memref<25088xf32, #tpu.memory_space<vmem>>, vector<16xf32>,
        %mul3A_2346 = arith.constant 256 : i32
        %mul3A_2347 = arith.muli %add3A_376, %mul3A_2346 : i32
        %add3A_2348 = arith.addi %mul3A_343, %mul3A_2347 : i32
        %add3A_2349 = arith.constant 128 : i32
        %add3A_2350 = arith.addi %add3A_2348, %add3A_2349 : i32
        %add3A_2351 = arith.constant 80 : i32
        %add3A_2352 = arith.addi %add3A_2350, %add3A_2351 : i32
        %swap3A_2353 = arith.index_cast %add3A_2352 : i32 to index
        %swap3A_2354 = tpu.vector_load %arg17[%swap3A_2353] {strides = array<i32>} : memref<25088xf32, #tpu.memory_space<vmem>>, vector<16xf32>,
        %swap3A_2355 = vector.shape_cast %swap3A_2354 : vector<16xf32> to vector<16xf32>
        %swap3A_2356 = vector.shape_cast %add3A_2211 : vector<16xf32> to vector<16xf32>
        tpu.vector_store %arg17[%swap3A_2353], %swap3A_2356 {strides = array<i32>} : memref<25088xf32, #tpu.memory_space<vmem>>, vector<16xf32>,
        %mul3A_2357 = arith.constant 256 : i32
        %mul3A_2358 = arith.muli %add3A_376, %mul3A_2357 : i32
        %add3A_2359 = arith.addi %mul3A_343, %mul3A_2358 : i32
        %add3A_2360 = arith.constant 96 : i32
        %add3A_2361 = arith.addi %add3A_2359, %add3A_2360 : i32
        %swap3A_2362 = arith.index_cast %add3A_2361 : i32 to index
        %swap3A_2363 = tpu.vector_load %arg17[%swap3A_2362] {strides = array<i32>} : memref<25088xf32, #tpu.memory_space<vmem>>, vector<16xf32>,
        %swap3A_2364 = vector.shape_cast %swap3A_2363 : vector<16xf32> to vector<16xf32>
        %swap3A_2365 = vector.shape_cast %add3A_2222 : vector<16xf32> to vector<16xf32>
        tpu.vector_store %arg17[%swap3A_2362], %swap3A_2365 {strides = array<i32>} : memref<25088xf32, #tpu.memory_space<vmem>>, vector<16xf32>,
        %mul3A_2366 = arith.constant 256 : i32
        %mul3A_2367 = arith.muli %add3A_376, %mul3A_2366 : i32
        %add3A_2368 = arith.addi %mul3A_343, %mul3A_2367 : i32
        %add3A_2369 = arith.constant 128 : i32
        %add3A_2370 = arith.addi %add3A_2368, %add3A_2369 : i32
        %add3A_2371 = arith.constant 96 : i32
        %add3A_2372 = arith.addi %add3A_2370, %add3A_2371 : i32
        %swap3A_2373 = arith.index_cast %add3A_2372 : i32 to index
        %swap3A_2374 = tpu.vector_load %arg17[%swap3A_2373] {strides = array<i32>} : memref<25088xf32, #tpu.memory_space<vmem>>, vector<16xf32>,
        %swap3A_2375 = vector.shape_cast %swap3A_2374 : vector<16xf32> to vector<16xf32>
        %swap3A_2376 = vector.shape_cast %add3A_2224 : vector<16xf32> to vector<16xf32>
        tpu.vector_store %arg17[%swap3A_2373], %swap3A_2376 {strides = array<i32>} : memref<25088xf32, #tpu.memory_space<vmem>>, vector<16xf32>,
        %mul3A_2377 = arith.constant 256 : i32
        %mul3A_2378 = arith.muli %add3A_376, %mul3A_2377 : i32
        %add3A_2379 = arith.addi %mul3A_343, %mul3A_2378 : i32
        %add3A_2380 = arith.constant 112 : i32
        %add3A_2381 = arith.addi %add3A_2379, %add3A_2380 : i32
        %swap3A_2382 = arith.index_cast %add3A_2381 : i32 to index
        %swap3A_2383 = tpu.vector_load %arg17[%swap3A_2382] {strides = array<i32>} : memref<25088xf32, #tpu.memory_space<vmem>>, vector<16xf32>,
        %swap3A_2384 = vector.shape_cast %swap3A_2383 : vector<16xf32> to vector<16xf32>
        %swap3A_2385 = vector.shape_cast %add3A_2235 : vector<16xf32> to vector<16xf32>
        tpu.vector_store %arg17[%swap3A_2382], %swap3A_2385 {strides = array<i32>} : memref<25088xf32, #tpu.memory_space<vmem>>, vector<16xf32>,
        %mul3A_2386 = arith.constant 256 : i32
        %mul3A_2387 = arith.muli %add3A_376, %mul3A_2386 : i32
        %add3A_2388 = arith.addi %mul3A_343, %mul3A_2387 : i32
        %add3A_2389 = arith.constant 128 : i32
        %add3A_2390 = arith.addi %add3A_2388, %add3A_2389 : i32
        %add3A_2391 = arith.constant 112 : i32
        %add3A_2392 = arith.addi %add3A_2390, %add3A_2391 : i32
        %swap3A_2393 = arith.index_cast %add3A_2392 : i32 to index
        %swap3A_2394 = tpu.vector_load %arg17[%swap3A_2393] {strides = array<i32>} : memref<25088xf32, #tpu.memory_space<vmem>>, vector<16xf32>,
        %swap3A_2395 = vector.shape_cast %swap3A_2394 : vector<16xf32> to vector<16xf32>
        %swap3A_2396 = vector.shape_cast %add3A_2237 : vector<16xf32> to vector<16xf32>
        tpu.vector_store %arg17[%swap3A_2393], %swap3A_2396 {strides = array<i32>} : memref<25088xf32, #tpu.memory_space<vmem>>, vector<16xf32>,
      }
      %scan3A_363 = arith.constant 7 : i32
      %add3A_364 = arith.addi %mul3A_2, %select_n3A_336 : i32
      %eq3A_365 = arith.constant 6 : i32
      %eq3A_366 = arith.cmpi eq, %sub3A_339, %eq3A_365 : i32
      %lt3A_367 = arith.constant 1000 : i32
      %lt3A_368 = arith.cmpi slt, %add3A_364, %lt3A_367 : i32
      %and3A_369 = arith.andi %eq3A_366, %lt3A_368 : i1
      %convert_element_type3A_370 = arith.extui %and3A_369 : i1 to i32
      %cond3A_371 = arith.constant 0 : i32
      %cond3A_372 = arith.cmpi ne, %convert_element_type3A_370, %cond3A_371 : i32
      scf.if %cond3A_372 {
        %dma_start3A_373 = tpu.memref_slice %arg17[%mul3A_343] : memref<25088xf32, #tpu.memory_space<vmem>> -> memref<12544xf32, #tpu.memory_space<vmem>>
        %dma_start3A_374 = arith.constant 0 : i32
        %dma_start3A_375 = tpu.memref_slice %arg8[%add3A_364, %dma_start3A_374] : memref<1000x12544xf32, #tpu.memory_space<hbm>> -> memref<1x12544xf32, #tpu.memory_space<hbm>>
        %dma_start3A_376 = tpu.memref_squeeze %dma_start3A_375 : memref<1x12544xf32, #tpu.memory_space<hbm>> -> memref<12544xf32, #tpu.memory_space<hbm>>
        %dma_start3A_377 = arith.constant 0 : i32
        %dma_start3A_378 = tpu.memref_slice %arg8[%add3A_364, %dma_start3A_377] : memref<1000x12544xf32, #tpu.memory_space<hbm>> -> memref<1x12544xf32, #tpu.memory_space<hbm>>
        %dma_start3A_379 = tpu.memref_squeeze %dma_start3A_378 : memref<1x12544xf32, #tpu.memory_space<hbm>> -> memref<12544xf32, #tpu.memory_space<hbm>>
        %dma_start3A_380 = tpu.memref_slice %arg17[%mul3A_343] : memref<25088xf32, #tpu.memory_space<vmem>> -> memref<12544xf32, #tpu.memory_space<vmem>>
        tpu.enqueue_dma source(%dma_start3A_380 : memref<12544xf32, #tpu.memory_space<vmem>>) target(%dma_start3A_379 : memref<12544xf32, #tpu.memory_space<hbm>>) target_semaphore(%arg19 : memref<!tpu.dma_semaphore, #tpu.memory_space<semaphore_mem>>)
      } else {
      }
    }
    %scan3A_281 = arith.constant 224 : i32
    %sub3A_282 = arith.constant 1000 : i32
    %sub3A_283 = arith.subi %sub3A_282, %mul3A_2 : i32
    %max3A_284 = arith.constant 0 : i32
    %max3A_285 = arith.maxsi %sub3A_283, %max3A_284 : i32
    %min3A = arith.constant 32 : i32
    %min3A_286 = arith.minsi %max3A_285, %min3A : i32
    %sub3A_287 = arith.constant 30 : i32
    %sub3A_288 = arith.subi %min3A_286, %sub3A_287 : i32
    %max3A_289 = arith.constant 0 : i32
    %max3A_290 = arith.maxsi %sub3A_288, %max3A_289 : i32
    %while3A = arith.constant 0 : i32
    %while3A_291 = arith.constant 0 : i32
    %while3A_292 = arith.subi %max3A_290, %while3A_291 : i32
    %while3A_293 = arith.addi %while3A_291, %while3A_292 : i32
    %while3A_294 = arith.constant 1 : i32
    %while3A_295 = arith.divsi %while3A_292, %while3A_294 : i32
    %while3A_296 = arith.muli %while3A_295, %while3A_294 : i32
    %while3A_297 = arith.addi %while3A_291, %while3A_296 : i32
    %while3A_298 = arith.constant 1 : i32
    scf.for %while3A_300 = %while3A_291 to %while3A_297 step %while3A_298  : i32 {
      %dma_wait3A = arith.constant 0 : i32
      %dma_wait3A_301 = tpu.memref_slice %arg17[%dma_wait3A] : memref<25088xf32, #tpu.memory_space<vmem>> -> memref<12544xf32, #tpu.memory_space<vmem>>
      %dma_wait3A_302 = arith.constant 0 : i32
      %dma_wait3A_303 = tpu.memref_slice %arg8[%mul3A_2, %dma_wait3A_302] : memref<1000x12544xf32, #tpu.memory_space<hbm>> -> memref<1x12544xf32, #tpu.memory_space<hbm>>
      %dma_wait3A_304 = tpu.memref_squeeze %dma_wait3A_303 : memref<1x12544xf32, #tpu.memory_space<hbm>> -> memref<12544xf32, #tpu.memory_space<hbm>>
      %dma_wait3A_305 = arith.constant 0 : i32
      %dma_wait3A_306 = tpu.memref_slice %arg8[%mul3A_2, %dma_wait3A_305] : memref<1000x12544xf32, #tpu.memory_space<hbm>> -> memref<1x12544xf32, #tpu.memory_space<hbm>>
      %dma_wait3A_307 = tpu.memref_squeeze %dma_wait3A_306 : memref<1x12544xf32, #tpu.memory_space<hbm>> -> memref<12544xf32, #tpu.memory_space<hbm>>
      %dma_wait3A_308 = arith.constant 0 : i32
      %dma_wait3A_309 = tpu.memref_slice %arg17[%dma_wait3A_308] : memref<25088xf32, #tpu.memory_space<vmem>> -> memref<12544xf32, #tpu.memory_space<vmem>>
      tpu.wait_dma2 semaphore(%arg19 : memref<!tpu.dma_semaphore, #tpu.memory_space<semaphore_mem>>) src(%dma_wait3A_309 : memref<12544xf32, #tpu.memory_space<vmem>>) dst(%dma_wait3A_307 : memref<12544xf32, #tpu.memory_space<hbm>>)
    }
    %while3A_299 = arith.constant 1 : i32
    scf.for %while3A_300 = %while3A_297 to %while3A_293 step %while3A_299  : i32 {
      %dma_wait3A = arith.constant 0 : i32
      %dma_wait3A_301 = tpu.memref_slice %arg17[%dma_wait3A] : memref<25088xf32, #tpu.memory_space<vmem>> -> memref<12544xf32, #tpu.memory_space<vmem>>
      %dma_wait3A_302 = arith.constant 0 : i32
      %dma_wait3A_303 = tpu.memref_slice %arg8[%mul3A_2, %dma_wait3A_302] : memref<1000x12544xf32, #tpu.memory_space<hbm>> -> memref<1x12544xf32, #tpu.memory_space<hbm>>
      %dma_wait3A_304 = tpu.memref_squeeze %dma_wait3A_303 : memref<1x12544xf32, #tpu.memory_space<hbm>> -> memref<12544xf32, #tpu.memory_space<hbm>>
      %dma_wait3A_305 = arith.constant 0 : i32
      %dma_wait3A_306 = tpu.memref_slice %arg8[%mul3A_2, %dma_wait3A_305] : memref<1000x12544xf32, #tpu.memory_space<hbm>> -> memref<1x12544xf32, #tpu.memory_space<hbm>>
      %dma_wait3A_307 = tpu.memref_squeeze %dma_wait3A_306 : memref<1x12544xf32, #tpu.memory_space<hbm>> -> memref<12544xf32, #tpu.memory_space<hbm>>
      %dma_wait3A_308 = arith.constant 0 : i32
      %dma_wait3A_309 = tpu.memref_slice %arg17[%dma_wait3A_308] : memref<25088xf32, #tpu.memory_space<vmem>> -> memref<12544xf32, #tpu.memory_space<vmem>>
      tpu.wait_dma2 semaphore(%arg19 : memref<!tpu.dma_semaphore, #tpu.memory_space<semaphore_mem>>) src(%dma_wait3A_309 : memref<12544xf32, #tpu.memory_space<vmem>>) dst(%dma_wait3A_307 : memref<12544xf32, #tpu.memory_space<hbm>>)
    }
    return
  }
}

</mosaic_0001>

<sc_bundles>
// kernel: _run.3.cloned.1.call-start
scs
__scs_entry_jumppad:
0x0: {  	(pc) =	sbr.rel $0x88, $3  }
0x1: {  	(tag) =	ssettag $0x0;
	lr =	simm.s32 $0x1  }
0x2: {  	[smem:$0x3F9B] =	sst lr;
	_ =	strace $0xD0000000  }
0x3: {  	_ = 	snop  }
0x4: {  	_ = 	snop  }
0x5: {  	_ = 	snop  }
0x6: {  	_ = 	snop  }
0x7: {  	_ = 	snop  }
__scs_overlays_trampoline_lowered:
0x8: {  	[smem:$0x3FAA] =	sst s0  }
0x9: {  	[smem:$0x3FAB] =	sst s1  }
0xa: {  	[smem:$0x3FAC] =	sst s2  }
0xb: {  	[smem:$0x3FAD] =	sst s3  }
0xc: {  	[smem:$0x3FAE] =	sst s4  }
0xd: {  	[smem:$0x3FAF] =	sst s5  }
0xe: {  	[smem:$0x3FB0] =	sst s6  }
0xf: {  	[smem:$0x3FB1] =	sst s7  }
0x10: {  	[smem:$0x3FB2] =	sst s8  }
0x11: {  	[smem:$0x3FB3] =	sst s9;
	s0 =	simm.s32 @!p0 $0x0  }
0x12: {  	s1 =	sld [smem:$0x3F99];
	s0 =	simm.s32 @p0 $0x1  }
0x13: {  	[smem:$0x3FB4] =	sst s0;
	s0 =	simm.s32 @!p1 $0x0  }
0x14: {  	s2 =	sld [smem:$0x3F98];
	s0 =	simm.s32 @p1 $0x1  }
0x15: {  	[smem:$0x3FB5] =	sst s0;
	s0 =	simm.s32 @!p2 $0x0  }
0x16: {  	s3 =	sld [smem:$0x3FDB];
	s0 =	simm.s32 @p2 $0x1  }
0x17: {  	s4 =	simm.s32 $0x1BF5;
	[smem:$0x3FB7] =	sst s0  }
0x18: {  	s0 =	sld [smem:$0x3F9A];
	_ =	swait.ge [sflag:s4], $0x0  }
0x19: {  	s7 =	sld [smem:$0x3F9B]  }
0x1a: {  	s8 =	sadd.s32 $0xFFFFE003, lr  }
0x1b: {  	s9 =	sadd.s32 $0xFFFFFEF7, lr;
	s5 =	simm.s32 $0xFFFFFFFF;
	p2 =	slt.u32 s8, $0xFFFFF086  }
0x1c: {  	p1 =	slt.u32 s9, $0xF7A;
	s5 =	simm.s32 @!p2 $0x0  }
0x1d: {  	s5 =	simm.s32 @p1 $0x1;
	p0 =	seq.s32 s7, s2  }
0x1e: {  	s7 =	smul.u32 @!p0 $0xF7A, s2;
	p2 =	seq.s32 @!p0 s5, $0x0  }
0x1f: {  	s9 =	smul.u32 $0xF7A, s1;
	s8 =	simm.s32 @!p0 $0x1BF5;
	p2 =	por !p2, p0  }
0x20: {  	[sflag:s8] =	ssyncset.s32 @!p0 $0xFFFFF086;
	s6 =	sadd.s32 @!p0 s3, s7;
	s7 =	simm.s32 @!p0 $0x108  }
0x21: {  	s3 =	sadd.s32 s3, s9;
	s6 =	sadd.s32 @!p0 $0x88, s6;
	s7 =	simm.s32 @p2 $0x1082  }
0x22: {  	[simem:s7], [sflag:s8] =	dma.local @!p0 [hbm:s6], $0xF7A  }
0x23: {  	s9 =	sor.u32 $0xD0000000, s2;
	s6 =	simm.s32 $0x108;
	_ =	swait.ge @!p0 [sflag:s8], $0x0  }
0x24: {  	s3 =	sadd.s32 $0x88, s3;
	s6 =	simm.s32 @!p1 $0x1082;
	[sflag:s4] =	ssyncset.s32 $0xFFFFF086  }
0x25: {  	[simem:s6], [sflag:s4] =	dma.local [hbm:s3], $0xF7A  }
0x26: {  	[smem:$0x3F9B] =	sst s1;
	(tag) =	ssettag s2;
	_ =	strace s9  }
0x27: {  	s1 =	sld [smem:$0x3FAB]  }
0x28: {  	s2 =	sld [smem:$0x3FAC]  }
0x29: {  	s4 =	sld [smem:$0x3FAE]  }
0x2a: {  	p0 =	seq.s32 s5, $0x0;
	s5 =	sld [smem:$0x3FAF]  }
0x2b: {  	s6 =	sld [smem:$0x3FB0]  }
0x2c: {  	s7 =	sld [smem:$0x3FB1]  }
0x2d: {  	s3 =	simm.s32 $0x108;
	s8 =	sld [smem:$0x3FB2]  }
0x2e: {  	s3 =	simm.s32 @!p0 $0x1082;
	s9 =	sld [smem:$0x3FB3]  }
0x2f: {  	lr =	sadd.s32 s0, s3;
	s0 =	sld [smem:$0x3FAA]  }
0x30: {  	s3 =	sld [smem:$0x3FAD]  }
0x31: {  	[smem:$0x3FB6] =	sst s10  }
0x32: {  	s10 =	sld [smem:$0x3FB4];
	_ =	sdelay $0x3  }
0x33: {  	p0 =	seq.s32 s10, $0x1;
	s10 =	sld [smem:$0x3FB6];
	_ =	sdelay $0x3  }
0x34: {  	[smem:$0x3FB6] =	sst s10  }
0x35: {  	s10 =	sld [smem:$0x3FB5];
	_ =	sdelay $0x3  }
0x36: {  	p1 =	seq.s32 s10, $0x1;
	s10 =	sld [smem:$0x3FB6];
	_ =	sdelay $0x3  }
0x37: {  	[smem:$0x3FB6] =	sst s10  }
0x38: {  	s10 =	sld [smem:$0x3FB7]  }
0x39: {  	_ = 	snop;
	(pc) =	sbr.ind lr, $3  }
0x3a: {  	_ = 	snop  }
0x3b: {  	_ = 	snop  }
0x3c: {  	p2 =	seq.s32 s10, $0x1;
	s10 =	sld [smem:$0x3FB6]  }
0x3d: {  	_ =	shalt  }
0x3e: {  	_ =	shalt  }
0x3f: {  	_ =	shalt  }
0x40: {  	_ =	shalt  }
0x41: {  	_ =	shalt  }
0x42: {  	_ =	shalt  }
0x43: {  	_ =	shalt  }
0x44: {  	_ =	shalt  }
0x45: {  	_ =	shalt  }
0x46: {  	_ =	shalt  }
0x47: {  	_ =	shalt  }
0x48: {  	_ =	shalt  }
0x49: {  	_ =	shalt  }
0x4a: {  	_ =	shalt  }
0x4b: {  	_ =	shalt  }
0x4c: {  	_ =	shalt  }
0x4d: {  	_ =	shalt  }
0x4e: {  	_ =	shalt  }
0x4f: {  	_ =	shalt  }
0x50: {  	_ =	shalt  }
0x51: {  	_ =	shalt  }
0x52: {  	_ =	shalt  }
0x53: {  	_ =	shalt  }
0x54: {  	_ =	shalt  }
0x55: {  	_ =	shalt  }
0x56: {  	_ =	shalt  }
0x57: {  	_ =	shalt  }
0x58: {  	_ =	shalt  }
0x59: {  	_ =	shalt  }
0x5a: {  	_ =	shalt  }
0x5b: {  	_ =	shalt  }
0x5c: {  	_ =	shalt  }
0x5d: {  	_ =	shalt  }
0x5e: {  	_ =	shalt  }
0x5f: {  	_ =	shalt  }
0x60: {  	_ =	shalt  }
0x61: {  	_ =	shalt  }
0x62: {  	_ =	shalt  }
0x63: {  	_ =	shalt  }
0x64: {  	_ =	shalt  }
0x65: {  	_ =	shalt  }
0x66: {  	_ =	shalt  }
0x67: {  	_ =	shalt  }
0x68: {  	_ =	shalt  }
0x69: {  	_ =	shalt  }
0x6a: {  	_ =	shalt  }
0x6b: {  	_ =	shalt  }
0x6c: {  	_ =	shalt  }
0x6d: {  	_ =	shalt  }
0x6e: {  	_ =	shalt  }
0x6f: {  	_ =	shalt  }
0x70: {  	_ =	shalt  }
0x71: {  	_ =	shalt  }
0x72: {  	_ =	shalt  }
0x73: {  	_ =	shalt  }
0x74: {  	_ =	shalt  }
0x75: {  	_ =	shalt  }
0x76: {  	_ =	shalt  }
0x77: {  	_ =	shalt  }
0x78: {  	_ =	shalt  }
0x79: {  	_ =	shalt  }
0x7a: {  	_ =	shalt  }
0x7b: {  	_ =	shalt  }
0x7c: {  	_ =	shalt  }
0x7d: {  	_ =	shalt  }
0x7e: {  	_ =	shalt  }
0x7f: {  	_ =	shalt  }
0x80: {  	_ =	shalt  }
0x81: {  	_ =	shalt  }
0x82: {  	_ =	shalt  }
0x83: {  	_ =	shalt  }
0x84: {  	_ =	shalt  }
0x85: {  	_ =	shalt  }
0x86: {  	_ =	shalt  }
0x87: {  	_ =	shalt  }
.Lfunc_end0:
.L_simem_size_0:
called_computation_lowered:
.L_overlay_start_0:
0x88: {  	s2 =	sld [smem:$0x3FD9]  }
0x89: {  	s3 =	sld [smem:$0x3FFE];
	_ =	sdelay $0x1  }
0x8a: {  	s1 =	srdreg.scid  }
0x8b: {  	s0 =	sand.u32 $0x1, s1  }
0x8c: {  	s18 =	sshll.u32 s0, $0xA;
	s2 =	sadd.s32 s3, s2  }
0x8d: {  	s2 =	sadd.s32 s2, s18  }
0x8e: {  	[smem:$0x3FC2] =	sst s2  }
0x8f: {  	_ = 	snop  }
0x90: {  	s2 =	sld [smem:$0x3FC9]  }
0x91: {  	s19 =	sld [smem:$0x3FC8]  }
0x92: {  	s4 =	sld [smem:$0x3FC7]  }
0x93: {  	s5 =	sld [smem:$0x3FC6]  }
0x94: {  	s6 =	sld [smem:$0x3FC5]  }
0x95: {  	s7 =	sld [smem:$0x3FC4]  }
0x96: {  	s8 =	sld [smem:$0x3FD0];
	(tm) =	ssettm $0x1  }
0x97: {  	s9 =	sld [smem:$0x3FFB];
	_ =	sdelay $0x3  }
0x98: {  	_ =	strace s9  }
0x99: {  	s9 =	sld [smem:$0x3FFC];
	_ =	sdelay $0x3  }
0x9a: {  	_ =	strace s9  }
0x9b: {  	s9 =	sld [smem:$0x3FFD];
	_ =	sdelay $0x3  }
0x9c: {  	_ =	strace s9  }
0x9d: {  	_ =	strace $0x8FFFFFFF  }
0x9e: {  	s20 =	sld [smem:$0x3FDB];
	_ =	sdelay $0x1  }
0x9f: {  	s10 =	simm.s32 $_scs_section_size  }
0xa0: {  	s11 =	simm.s32 $_size__tile_overlayer_lowered;
	s12 =	simm.s32 $_tile_overlayer_lowered  }
0xa1: {  	s23 =	simm.s32 $0x1BFF;
	s22 =	sshll.u32 s12, $0x1;
	s9 =	sadd.s32 s10, s20  }
0xa2: {  	s13 =	simm.s32 $0x0;
	s21 =	sshll.u32 s11, $0x1;
	s11 =	sadd.s32 s22, s9  }
0xa3: {  	[timem:s13], [sflag:s23] =	dma.local [hbm:s11], s21  }
0xa4: {  	_ =	swait.ge [sflag:s23], s21  }
0xa5: {  	s10 =	ssub.s32 $0x0, s21;
	[sflag:s23] =	ssyncset.done $0x0  }
0xa6: {  	[sflag:s23] =	ssyncadd.s32 s10;
	_ =	sdelay $0x1  }
0xa7: {  	s24 =	simm.s32 $0x1B8B  }
0xa8: {  	_ =	swait.ge [sflag:s24], $0x1  }
0xa9: {  	[sflag:s24] =	ssyncset.done $0x0  }
0xaa: {  	s25 =	simm.s32 $0x1B8E;
	[sflag:s24] =	ssyncadd.s32 $0xFFFFFFFF  }
0xab: {  	s26 =	simm.s32 $execute0_lowered;
	[smem:$0x3FD2] =	sst s25  }
0xac: {  	s10 =	sshll.u32 s26, $0x1;
	_ =	strace $0x80000046;
	[dreg:$0x1] =	wrdreg $0xFFFFFFFF  }
0xad: {  	s28 =	simm.s32 $_size_execute0_lowered;
	s9 =	sadd.s32 s9, s10;
	[dreg:$0x0] =	wrdreg $0x0  }
0xae: {  	s10 =	sshll.u32 s28, $0x1;
	[dreg:$0x2] =	wrdreg s9  }
0xaf: {  	[dreg:$0x3] =	wrdreg s10  }
0xb0: {  	[dreg:$0x4] =	wrdreg $0xC0  }
0xb1: {  	_ =	task [dreg:s13], $0x5FFFF  }
0xb2: {  	[dreg:$0x1] =	wrdreg $0xFFFFFFFF  }
0xb3: {  	[dreg:$0x0] =	wrdreg $0x60  }
0xb4: {  	[dreg:$0x2] =	wrdreg s2  }
0xb5: {  	[dreg:$0x3] =	wrdreg s19  }
0xb6: {  	[dreg:$0x4] =	wrdreg s4  }
0xb7: {  	[dreg:$0x5] =	wrdreg s5  }
0xb8: {  	[dreg:$0x6] =	wrdreg s6  }
0xb9: {  	[dreg:$0x7] =	wrdreg s7  }
0xba: {  	[dreg:$0x8] =	wrdreg s8  }
0xbb: {  	[dreg:$0x9] =	wrdreg $0x9  }
0xbc: {  	_ =	task.clear_ibuf [dreg:s13], $0xAFFFF;
	_ =	strace $0x90000046  }
0xbd: {  	s29 =	simm.s32 $0x9;
	_ =	strace $0x80000048  }
0xbe: {  	_ =	swait.ge [sflag:s29], $0x1  }
0xbf: {  	[sflag:s29] =	ssyncadd.s32 $0xFFFFFFFF  }
0xc0: {  	_ =	strace $0x90000048  }
0xc1: {  	_ =	sfence  }
0xc2: {  	s30 =	sld [smem:$0x0];
	_ =	sdelay $0x2  }
0xc3: {  	s31 =	sshll.u32 s1, $0xD;
	s1 =	sshrl.u32 s1, $0x2  }
0xc4: {  	s3 =	sand.u32 $0x4000, s31;
	s1 =	sadd.s32 s1, s30  }
0xc5: {  	s0 =	sor.u32 s3, s0;
	s1 =	sshll.u32 s1, $0x11  }
0xc6: {  	s0 =	sor.u32 s1, s0  }
0xc7: {  	s0 =	sadd.s32 $0x8F2B, s0  }
0xc8: {  	[sflag:s0] =	ssyncadd.remote.s32 $0x1  }
0xc9: {  	_ =	sfence.sel $0xFFFF  }
0xca: {  	[dreg:$0x0] =	wrdreg $0xFFFFFFFF;
	(pc) =	sbr.abs _section_cstart, $3  }
0xcb: {  	[dreg:$0x1] =	wrdreg $0xFFFFFFFF  }
0xcc: {  	_ =	task.clear_ibuf [dreg:s13], $0x2FFFF;
	_ =	strace $0x9FFFFFFF  }
0xcd: {  	(tm) =	ssettm $0x7FFFFFFF  }
tec
execute0_lowered:
.L_overlay_start_1:
0x0: {  	(tag) =	ssettag $0x1  }
0x1: {  	v0 =	vimm.f32 $7.750000000e+00;
	vm0 =	vcmask $0x300  }
0x2: {  	vm1 =	vcmask $0x704;
	vm12 =	vcmask $0xB08;
	vm2 =	vcmask $0xF0C  }
0x3: {  	vm13 =	vcmask $0x1310;
	vm3 =	vcmask $0x1714;
	vm14 =	vcmask $0x1B18  }
0x4: {  	vm4 =	vcmask $0x1F1C;
	vm15 =	vcmask $0x2320;
	vm5 =	vcmask $0x2724  }
0x5: {  	v1 =	vimm.f32 $7.000000000e+00;
	vm9 =	vcmask $0x2B28;
	vm6 =	vcmask $0x2F2C  }
0x6: {  	vm10 =	vcmask $0x3330;
	vm7 =	vcmask $0x3734;
	vm11 =	vcmask $0x3B38  }
0x7: {  	v8 =	vimm.f32 $1.000000000e+00;
	v5 =	vimm.f32 $0.0e+00;
	v11 =	vlaneseq.u32  }
0x8: {  	s0 =	rddreg [dreg:$0x0];
	v12 =	vimm.s32 $0x1;
	v13 =	vimm.s32 $0x2;
	v14 =	vimm.s32 $0x3  }
0x9: {  	s7 =	rddreg [dreg:$0x1];
	v15 =	vimm.s32 $0x4;
	v16 =	vimm.s32 $0x5;
	v17 =	vimm.s32 $0x6  }
0xa: {  	s8 =	rddreg [dreg:$0x2];
	v18 =	vimm.s32 $0x7;
	v19 =	vimm.s32 $0x8;
	v20 =	vimm.s32 $0x9  }
0xb: {  	s9 =	rddreg [dreg:$0x3];
	v21 =	vimm.s32 $0xA;
	v22 =	vimm.s32 $0xB;
	v23 =	vimm.s32 $0xC  }
0xc: {  	s4 =	rddreg [dreg:$0x4];
	v25 =	vimm.s32 $0xD;
	v26 =	vimm.s32 $0xE;
	v0 =	vsel vm0, $0x3E800000, v0  }
0xd: {  	s1 =	rddreg [dreg:$0x5];
	s3 =	simm.s32 $0x0;
	v27 =	vimm.s32 $0xF;
	v7 =	vsel vm0, $0x0, v8;
	v0 =	vsel vm1, $0x3F400000, v0  }
0xe: {  	[smem:$0x7FF] =	sst s3;
	v6 =	vshrl.u32 v11, $0x3;
	v9 =	vshrl.u32 v11, $0x2;
	v0 =	vsel vm12, $0x3FA00000, v0  }
0xf: {  	s2 =	rddreg [dreg:$0x6];
	_ =	strace $0x80000047;
	v10 =	vsel vm12, $0x0, v7;
	v7 =	vand.u32 $0x1, v9;
	v0 =	vsel vm2, $0x3FE00000, v0  }
0x10: {  	(erf) = vrcp.f32 v1;
	vm12 =	vcmask $0x700;
	v0 =	vsel vm13, $0x40100000, v0  }
0x11: {  	s5 =	srdreg.scid;
	s10 =	stileid.u32;
	v9 =	vsel vm13, $0x0, v10;
	v10 =	vshrl.u32 v11, $0x1;
	v0 =	vsel vm3, $0x40300000, v0  }
0x12: {  	s12 =	simm.s32 $0x1;
	s14 =	simm.s32 $0x3;
	s19 =	simm.s32 $0x70;
	v11 =	vand.u32 $0x1, v11;
	v8 =	vsel vm12, $0x0, v8;
	v0 =	vsel vm14, $0x40500000, v0  }
0x13: {  	s22 =	simm.s32 $0x2F0;
	s23 =	simm.s32 $0xFE80;
	s5 =	sand.u32 $0x1, s5;
	v9 =	vsel vm14, $0x0, v9;
	v10 =	vand.u32 $0x1, v10;
	v0 =	vsel vm4, $0x40700000, v0  }
0x14: {  	s10 =	sshll.u32 s10, $0x6;
	s6 =	ssub.s32 $0x2, s5;
	s5 =	sshll.u32 s5, $0x5;
	vm13 =	vcmask $0x1710;
	v9 =	vsel vm15, $0x0, v9;
	v0 =	vsel vm15, $0x40880000, v0  }
0x15: {  	s24 =	simm.s32 $0x2;
	s25 =	simm.s32 $0x0;
	s5 =	sor.u32 s5, s10;
	v8 =	vsel vm13, $0x0, v8;
	v9 =	vsel vm9, $0x0, v9;
	v0 =	vsel vm5, $0x40980000, v0  }
.Ltmp0:
0x16: {  	s11 =	sshrl.u32 s6, $0x1;
	s10 =	sshrl.u32 s5, $0x3;
	vm14 =	vcmask $0x2720;
	v9 =	vsel vm10, $0x0, v9;
	v1 =	vsel vm9, $0x40A80000, v0;
	(pc) =	sbr.rel .LBB2_1-.Ltmp0, $4  }
0x17: {  	s11 =	ssub.s32 s6, s11;
	p0 =	sne.s32 s5, $0x3E0;
	s6 =	sadd.s32 s0, s10;
	v8 =	vsel vm14, $0x0, v8;
	vm15 =	vcmask $0x3730;
	v2 =	vsel vm6, $0x40B80000, v1  }
0x18: {  	s7 =	sadd.s32 s7, s10;
	s8 =	sadd.s32 s8, s10;
	s0 =	simm.s32 $0x1;
	v9 =	vsel vm11, $0x0, v9;
	v8 =	vsel vm15, $0x0, v8;
	v3 =	vsel vm10, $0x40C80000, v2  }
0x19: {  	s9 =	sadd.s32 s9, s10;
	s10 =	sadd.s32 s4, s10;
	s0 =	simm.s32 @!p0 $0x0;
	v0 =	vimm.s32 $0x0;
	v1 =	vimm.s32 $0x80;
	v4 =	vsel vm7, $0x40D80000, v3  }
0x1a: {  	s11 =	smax.u32 s11, $0x1;
	p0 =	sgt.u32 s5, $0x3C9;
	s13 =	sadd.s32 $0x1, s0;
	v24 =	vpop (erf);
	v2 =	vimm.s32 $0xA800;
	v3 =	vimm.f32 $3.125000000e-02;
	v4 =	vsel vm11, $0x40E80000, v4  }
.LBB2_16:
0x1b: {  	[sflag:s24] =	ssyncadd.s32 $0xFFFFCF00  }
.LBB2_17:
0x1c: {  	s25 =	sadd.s32 $0x1, s25  }
0x1d: {  	p1 =	sne.s32 s25, s11  }
.Ltmp1:
0x1e: {  	_ = 	snop;
	(pc) =	sbr.rel @!p1 .LBB2_18-.Ltmp1, $1  }
0x1f: {  	_ =	sdelay $0x3  }
.LBB2_1:
0x20: {  	[tilespmem:s3], [sflag:$0x3] =	stream.linear.gather [hbm4b:s6+s3], $0x20, $0x38;
	[tilespmem:$0x1D080] =	vst v63  }
0x21: {  	_ =	swait.ge [sflag:s14], $0x20  }
0x22: {  	[sflag:s14] =	ssyncset.done $0x0  }
0x23: {  	s0 =	simm.s32 $0x80;
	[sflag:s14] =	ssyncadd.s32 $0xFFFFFFE0  }
0x24: {  	[tilespmem:s0], [sflag:$0x3] =	stream.linear.gather [hbm4b:s7+s3], $0x20, $0x38;
	[tilespmem:$0x1D080] =	vst v63  }
0x25: {  	_ =	swait.ge [sflag:s14], $0x20  }
0x26: {  	[sflag:s14] =	ssyncset.done $0x0  }
0x27: {  	s29 =	simm.s32 $0x100;
	[sflag:s14] =	ssyncadd.s32 $0xFFFFFFE0  }
0x28: {  	[tilespmem:s29], [sflag:$0x3] =	stream.linear.gather [hbm4b:s8+s3], $0x20, $0x38;
	[tilespmem:$0x1D080] =	vst v63  }
0x29: {  	_ =	swait.ge [sflag:s14], $0x20  }
0x2a: {  	[sflag:s14] =	ssyncset.done $0x0  }
0x2b: {  	s30 =	simm.s32 $0x180;
	[sflag:s14] =	ssyncadd.s32 $0xFFFFFFE0  }
0x2c: {  	[tilespmem:s30], [sflag:$0x3] =	stream.linear.gather [hbm4b:s9+s3], $0x20, $0x38;
	[tilespmem:$0x1D080] =	vst v63  }
0x2d: {  	_ =	swait.ge [sflag:s14], $0x20  }
0x2e: {  	[sflag:s14] =	ssyncset.done $0x0  }
0x2f: {  	s31 =	simm.s32 $0x200;
	[sflag:s14] =	ssyncadd.s32 $0xFFFFFFE0  }
0x30: {  	[tilespmem:s31], [sflag:$0x3] =	stream.linear.gather [hbm4b:s10+s3], $0x20, $0x38;
	[tilespmem:$0x1D080] =	vst v63  }
0x31: {  	_ =	swait.ge [sflag:s14], $0x20  }
0x32: {  	[sflag:s14] =	ssyncset.done $0x0  }
0x33: {  	[sflag:s14] =	ssyncadd.s32 $0xFFFFFFE0  }
0x34: {  	v28 =	vld [tilespmem:$0x80]  }
0x35: {  	v29 =	vld [tilespmem:$0x100]  }
0x36: {  	v30 =	vld [tilespmem:$0x180]  }
0x37: {  	v31 =	vld [tilespmem:$0x200];
	_ =	sdelay $0x4  }
0x38: {  	v32 =	vsub.f32 v30, v28;
	v33 =	vsub.f32 v31, v29;
	_ =	sdelay $0x1  }
0x39: {  	v32 =	vadd.f32 $1.000000000e+00, v32;
	v33 =	vadd.f32 $1.000000000e+00, v33;
	_ =	sdelay $0x1  }
0x3a: {  	v32 =	vmul.f32 v33, v32;
	_ =	sdelay $0x1  }
0x3b: {  	vm0 =	vge.f32 v32, $1.254398730e+04;
	vm1 =	vge.f32 v32, $5.017597660e+04  }
0x3c: {  	v57 =	vld [tilespmem:$0x0];
	vm13 =	vge.f32 v32, $2.007039530e+05;
	v56 =	vsel vm0, $0x1, v0;
	v34 =	vsel vm1, $0x1, v0  }
0x3d: {  	v58 =	vsel vm13, $0x1, v0;
	v33 =	vadd.s32 v34, v56  }
0x3e: {  	v33 =	vadd.s32 v58, v33  }
0x3f: {  	vm14 =	veq.s32 v33, $0x2  }
0x40: {  	vm15 =	veq.s32 v33, $0x1;
	v59 =	vsel vm14, $0x3D800000, v3  }
0x41: {  	v32 =	vtrunc.f32 v57;
	vm2 =	veq.s32 v33, $0x0;
	v34 =	vsel vm15, $0x3E000000, v59  }
0x42: {  	v60 =	vcvt.f32.s32 v32;
	v34 =	vsel vm2, $0x3E800000, v34  }
0x43: {  	v61 =	vsel vm14, $0xA000, v2;
	v28 =	vmul.f32 v34, v28;
	v30 =	vmul.f32 v34, v30  }
0x44: {  	v32 =	vsel vm15, $0x8000, v61;
	v29 =	vmul.f32 v34, v29;
	v31 =	vmul.f32 v34, v31  }
0x45: {  	v36 =	vsel vm2, $0x0, v32;
	v35 =	vsub.f32 v30, v28  }
0x46: {  	v31 =	vsub.f32 v31, v29;
	v30 =	vshrl.u32 v1, v33;
	v33 =	vshll.u32 v33, $0x1  }
0x47: {  	v33 =	vxor.u32 $0xE, v33;
	v34 =	vadd.s32 $0xFFFFFFFF, v30;
	v62 =	vmax.f32 v35, $1.000000000e+00  }
0x48: {  	v63 =	vmax.f32 v31, $1.000000000e+00;
	v33 =	vshll.u32 v60, v33;
	v35 =	vcvt.s32.f32 v30  }
0x49: {  	s4 =	simm.s32 $0x280;
	s15 =	simm.s32 $0x0;
	s0 =	simm.s32 $0x6480;
	v31 =	vmul.f32 v62, v24;
	v32 =	vmul.f32 v63, v24;
	v33 =	vadd.s32 v33, v36  }
.LBB2_2:
0x4a: {  	v36 =	vmov s15  }
0x4b: {  	v36 =	vand.u32 $0xF, v36  }
0x4c: {  	s16 =	simm.s32 $0x0;
	v39 =	vbroadcast v36, $0x0  }
0x4d: {  	s17 =	smulhi.u32 $0x24924925, s16  }
0x4e: {  	v36 =	vperm.xlane v31, v39;
	v37 =	vperm.xlane v32, v39  }
0x4f: {  	s18 =	ssub.s32 $0x0, s17;
	v40 =	vperm.xlane v28, v39;
	v41 =	vperm.xlane v29, v39  }
0x50: {  	s16 =	smul.u32 $0x25, s16;
	s18 =	sshrl.u32 s18, $0x1;
	v36 =	vmul.f32 v4, v36;
	v37 =	vmul.f32 v4, v37  }
0x51: {  	v38 =	vperm.xlane v35, v39;
	s17 =	sadd.s32 s17, s18  }
0x52: {  	s20 =	simm.s32 $0x1;
	s16 =	sshrl.u32 s16, $0x8;
	s17 =	sshrl.u32 s17, $0x1;
	v40 =	vadd.f32 v36, v40;
	v41 =	vadd.f32 v37, v41  }
0x53: {  	s26 =	smulhi.u32 $0x24924925, s20;
	s31 =	ssub.s32 $0x0, s16;
	v53 =	vadd.f32 $-1.000000000e+00, v38;
	s17 =	sand.u32 $0x7FFFFFFE, s17  }
0x54: {  	s20 =	smul.u32 $0x25, s20;
	s18 =	sand.u32 $0xFE, s31;
	s17 =	sadd.s32 $0x0, s17;
	v54 =	vmax.f32 v40, $0.0e+00;
	v55 =	vmax.f32 v41, $0.0e+00  }
0x55: {  	s21 =	ssub.s32 $0x1, s26;
	s18 =	sshrl.u32 s18, $0x1;
	v60 =	vor.u32 s17, v7;
	v42 =	vmin.f32 v54, v53;
	v44 =	vmin.f32 v55, v53  }
0x56: {  	s20 =	sshrl.u32 s20, $0x8;
	s16 =	sadd.s32 s16, s18;
	s18 =	sshrl.u32 s21, $0x1;
	vm0 =	vge.f32 v40, $-1.000000000e+00;
	v43 =	vtrunc.f32 v42;
	v37 =	vtrunc.f32 v44  }
0x57: {  	s31 =	ssub.s32 $0x1, s20;
	s16 =	sand.u32 $0xFC, s16;
	s30 =	sadd.s32 s26, s18;
	vm1 =	vle.f32 v40, v38;
	v36 =	vcvt.f32.s32 v43;
	v37 =	vcvt.f32.s32 v37  }
0x58: {  	s18 =	sand.u32 $0xFE, s31;
	s16 =	sshrl.u32 s16, $0x1;
	s17 =	sshrl.u32 s30, $0x1;
	vm11 =	vge.f32 v41, $-1.000000000e+00;
	vm2 =	vle.f32 v41, v38;
	v38 =	vperm.xlane v33, v39  }
0x59: {  	s21 =	simm.s32 $0x2;
	v61 =	vor.u32 s16, v6;
	s16 =	sand.u32 $0x7FFFFFFE, s17;
	s17 =	sshrl.u32 s18, $0x1;
	v56 =	vcvt.s32.f32 v36;
	v57 =	vcvt.s32.f32 v37  }
0x5a: {  	s26 =	smulhi.u32 $0x24924925, s21;
	vm0 =	vmand vm0, vm1;
	vm12 =	vmand vm11, vm2;
	v48 =	vand.u32 $0xF, v61;
	s16 =	sadd.s32 $0x2, s16;
	s17 =	sadd.s32 s20, s17  }
0x5b: {  	s18 =	smul.u32 $0x25, s21;
	s17 =	sand.u32 $0xFC, s17;
	v51 =	vor.u32 s16, v7;
	v40 =	vsub.f32 v42, v56;
	v58 =	vsub.f32 v44, v57  }
0x5c: {  	v45 =	vsel vm0, $0x3F800000, v5;
	v59 =	vsel vm12, $0x3F800000, v5;
	s17 =	sshrl.u32 s17, $0x1;
	v51 =	vand.u32 $0xF, v51  }
0x5d: {  	s30 =	ssub.s32 $0x2, s26;
	s18 =	sshrl.u32 s18, $0x8;
	v52 =	vor.u32 s17, v6;
	v42 =	vmul.f32 v40, v45;
	v41 =	vmul.f32 v58, v59  }
0x5e: {  	s31 =	ssub.s32 $0x2, s18;
	s17 =	sshrl.u32 s30, $0x1;
	v63 =	vand.u32 $0xF, v52;
	v40 =	vperm.xlane v30, v39;
	v39 =	vperm.xlane v34, v39  }
0x5f: {  	s16 =	sadd.s32 s26, s17;
	s17 =	sand.u32 $0xFE, s31;
	v44 =	vsub.f32 v45, v42;
	v43 =	vsub.f32 v59, v41;
	v50 =	vperm.xlane v41, v48  }
0x60: {  	s16 =	sshrl.u32 s16, $0x1;
	s17 =	sshrl.u32 s17, $0x1;
	v45 =	vand.u32 $0xF, v60;
	v54 =	vperm.xlane v42, v51;
	v52 =	vperm.xlane v41, v63  }
0x61: {  	s16 =	sand.u32 $0x7FFFFFFE, s16;
	s17 =	sadd.s32 s18, s17;
	v59 =	vperm.xlane v37, v63;
	v47 =	vperm.xlane v42, v45  }
0x62: {  	s16 =	sadd.s32 $0x4, s16;
	s17 =	sand.u32 $0xFC, s17;
	v46 =	vperm.xlane v44, v45;
	v49 =	vperm.xlane v43, v48  }
0x63: {  	v58 =	vor.u32 s16, v7;
	s17 =	sshrl.u32 s17, $0x1;
	v48 =	vperm.xlane v37, v48;
	v45 =	vperm.xlane v36, v45  }
0x64: {  	v61 =	vor.u32 s17, v6;
	v53 =	vperm.xlane v44, v51;
	v57 =	vperm.xlane v43, v63  }
0x65: {  	v63 =	vadd.s32 v10, v59;
	v50 =	vsub.f32 v50, v49;
	v47 =	vsub.f32 v47, v46  }
0x66: {  	v51 =	vperm.xlane v36, v51;
	vm15 =	vlt.s32 v63, v39;
	v48 =	vadd.s32 v10, v48  }
0x67: {  	v45 =	vadd.s32 v11, v45;
	v50 =	vmul.f32 v8, v50;
	v47 =	vmul.f32 v9, v47  }
0x68: {  	s20 =	simm.s32 $0x3;
	v52 =	vsub.f32 v52, v57;
	v60 =	vsub.f32 v54, v53;
	vm13 =	vlt.s32 v48, v39  }
0x69: {  	s21 =	smulhi.u32 $0x24924925, s20;
	v62 =	vsel vm13, v48, v39;
	v49 =	vadd.f32 v50, v49;
	v46 =	vadd.f32 v47, v46  }
0x6a: {  	s18 =	smul.u32 $0x25, s20;
	vm14 =	vlt.s32 v45, v39;
	v48 =	vmul.f32 v9, v60;
	v47 =	vmul.u32 v40, v62  }
0x6b: {  	v51 =	vadd.s32 v11, v51;
	v45 =	vsel vm14, v45, v39;
	v46 =	vmul.f32 v46, v49  }
0x6c: {  	s30 =	ssub.s32 $0x3, s21;
	s26 =	sshrl.u32 s18, $0x8;
	v62 =	vmul.f32 v8, v52;
	v50 =	vadd.f32 v48, v53;
	v47 =	vadd.s32 v38, v47  }
0x6d: {  	s20 =	simm.s32 $0x4;
	s17 =	sshrl.u32 s30, $0x1;
	s31 =	ssub.s32 $0x3, s26;
	v52 =	vsel vm15, v63, v39;
	v47 =	vadd.s32 v45, v47;
	v55 =	vmul.f32 $2.500000000e-01, v46  }
0x6e: {  	s18 =	simm.s32 $0x6;
	s16 =	sadd.s32 s21, s17;
	s29 =	sand.u32 $0xFE, s31;
	v48 =	vand.u32 $0xF, v61;
	v49 =	vadd.f32 v62, v57;
	v45 =	vand.u32 $0xF, v58;
	[tilespmem:s4+$0x0] =	vst v47  }
0x6f: {  	s17 =	smov.u32 s4;
	s28 =	sshrl.u32 s16, $0x1;
	s16 =	smov.u32 s0;
	v52 =	vmul.u32 v40, v52;
	v46 =	vperm.xlane v44, v45;
	v47 =	vperm.xlane v42, v45;
	[tilespmem:s0+$0x0] =	vst v55  }
.LBB2_3:
0x70: {  	p1 =	sne.s32 s20, $0x30;
	s28 =	sand.u32 $0x7FFFFFFE, s28;
	s29 =	sshrl.u32 s29, $0x1;
	v53 =	vperm.xlane v43, v48;
	vm0 =	vlt.s32 v51, v39;
	v49 =	vmul.f32 v50, v49  }
0x71: {  	v50 =	vperm.xlane v41, v48;
	s28 =	sadd.s32 s28, s18;
	s26 =	sadd.s32 s26, s29;
	v51 =	vsel vm0, v51, v39;
	v52 =	vadd.s32 v38, v52  }
0x72: {  	s17 =	sadd.s32 $0x10, s17;
	s29 =	smul.u32 $0x25, s20;
	s26 =	sand.u32 $0xFC, s26;
	v54 =	vor.u32 s28, v7;
	v51 =	vadd.s32 v51, v52;
	v49 =	vmul.f32 $2.500000000e-01, v49  }
0x73: {  	v48 =	vperm.xlane v37, v48;
	v47 =	vsub.f32 v47, v46;
	s16 =	sadd.s32 $0x10, s16;
	s28 =	smulhi.u32 $0x24924925, s20;
	v50 =	vsub.f32 v50, v53;
	s26 =	sshrl.u32 s26, $0x1;
	[tilespmem:s17+$0x0] =	vst v51  }
.Ltmp2:
0x74: {  	v52 =	vperm.xlane v36, v45;
	v45 =	vand.u32 $0xF, v54;
	v51 =	vor.u32 s26, v6;
	[tilespmem:s16+$0x0] =	vst v49;
	(pc) =	sbr.rel @p1 .LBB2_3-.Ltmp2, $4  }
0x75: {  	v48 =	vadd.s32 v10, v48;
	s26 =	ssub.s32 s20, s28;
	v49 =	vmul.f32 v8, v50;
	v50 =	vmul.f32 v9, v47  }
0x76: {  	vm0 =	vlt.s32 v48, v39;
	v54 =	vperm.xlane v44, v45;
	v47 =	vperm.xlane v42, v45;
	s30 =	sshrl.u32 s26, $0x1;
	s26 =	sshrl.u32 s29, $0x8  }
0x77: {  	s18 =	sadd.s32 $0x2, s18;
	s28 =	sadd.s32 s28, s30;
	s29 =	ssub.s32 s20, s26;
	v49 =	vadd.f32 v49, v53;
	v50 =	vadd.f32 v50, v46;
	v53 =	vsel vm0, v48, v39  }
0x78: {  	s20 =	sadd.s32 $0x1, s20;
	v48 =	vand.u32 $0xF, v51;
	v51 =	vadd.s32 v11, v52;
	v46 =	vmovc v54;
	s28 =	sshrl.u32 s28, $0x1;
	s29 =	sand.u32 $0xFE, s29;
	v52 =	vmul.u32 v40, v53  }
0x79: {  	v53 =	vperm.xlane v43, v48;
	vm0 =	vlt.s32 v51, v39  }
0x7a: {  	s20 =	sand.u32 $0x7FFFFFFE, s28;
	v49 =	vmul.f32 v50, v49;
	v61 =	vperm.xlane v41, v48;
	v47 =	vsub.f32 v47, v46  }
0x7b: {  	s29 =	sshrl.u32 s29, $0x1;
	v62 =	vperm.xlane v37, v48;
	s18 =	sadd.s32 s20, s18;
	v51 =	vsel vm0, v51, v39;
	v52 =	vadd.s32 v38, v52  }
0x7c: {  	v45 =	vperm.xlane v36, v45;
	s30 =	sadd.s32 s26, s29;
	v54 =	vor.u32 s18, v7;
	v51 =	vadd.s32 v51, v52  }
0x7d: {  	s20 =	sand.u32 $0xFC, s30;
	v49 =	vmul.f32 $2.500000000e-01, v49;
	v50 =	vsub.f32 v61, v53;
	v47 =	vmul.f32 v9, v47  }
0x7e: {  	v48 =	vadd.s32 v10, v62;
	v45 =	vadd.s32 v11, v45;
	s31 =	sshrl.u32 s20, $0x1;
	v54 =	vand.u32 $0xF, v54  }
0x7f: {  	vm12 =	vlt.s32 v48, v39;
	v63 =	vor.u32 s31, v6;
	v50 =	vmul.f32 v8, v50  }
0x80: {  	v44 =	vperm.xlane v44, v54;
	v42 =	vperm.xlane v42, v54;
	v52 =	vand.u32 $0xF, v63  }
0x81: {  	vm13 =	vlt.s32 v45, v39;
	v55 =	vperm.xlane v43, v52;
	v56 =	vperm.xlane v41, v52  }
0x82: {  	v57 =	vadd.f32 v47, v46;
	v58 =	vsel vm12, v48, v39;
	v45 =	vsel vm13, v45, v39  }
0x83: {  	v59 =	vperm.xlane v37, v52;
	v42 =	vsub.f32 v42, v44;
	v41 =	vsub.f32 v56, v55  }
0x84: {  	v60 =	vperm.xlane v36, v54;
	v47 =	vmul.u32 v40, v58;
	v50 =	vadd.f32 v50, v53  }
0x85: {  	v42 =	vmul.f32 v9, v42;
	v37 =	vadd.s32 v10, v59;
	v41 =	vmul.f32 v8, v41  }
0x86: {  	v36 =	vadd.s32 v11, v60;
	v46 =	vmul.f32 v57, v50;
	vm14 =	vlt.s32 v37, v39  }
0x87: {  	s17 =	sadd.s32 $0x10, s17;
	s15 =	sadd.s32 $0x1, s15;
	v42 =	vadd.f32 v42, v44;
	v37 =	vsel vm14, v37, v39;
	v41 =	vadd.f32 v41, v55  }
0x88: {  	s16 =	sadd.s32 $0x10, s16;
	p1 =	sne.s32 s15, $0x10;
	[tilespmem:s17+$0x0] =	vst v51;
	v47 =	vadd.s32 v38, v47;
	vm15 =	vlt.s32 v36, v39;
	v37 =	vmul.u32 v40, v37  }
.Ltmp3:
0x89: {  	s17 =	sadd.s32 $0x10, s17;
	[tilespmem:s16+$0x0] =	vst v49;
	v61 =	vadd.s32 v45, v47;
	v62 =	vmul.f32 $2.500000000e-01, v46;
	v41 =	vmul.f32 v42, v41;
	(pc) =	sbr.rel @p1 .LBB2_2-.Ltmp3, $4  }
0x8a: {  	s16 =	sadd.s32 $0x10, s16;
	v36 =	vsel vm15, v36, v39;
	[tilespmem:s17+$0x0] =	vst v61;
	v37 =	vadd.s32 v38, v37  }
0x8b: {  	s17 =	sadd.s32 $0x10, s17;
	[tilespmem:s16+$0x0] =	vst v62;
	v36 =	vadd.s32 v36, v37;
	v63 =	vmul.f32 $2.500000000e-01, v41  }
0x8c: {  	s16 =	sadd.s32 $0x10, s16;
	[tilespmem:s17+$0x0] =	vst v36  }
0x8d: {  	s4 =	sadd.s32 $0x310, s4;
	s0 =	sadd.s32 $0x310, s0;
	[tilespmem:s16+$0x0] =	vst v63  }
0x8e: {  	v28 =	vld [tilespmem:$0x90]  }
0x8f: {  	v29 =	vld [tilespmem:$0x110]  }
0x90: {  	v30 =	vld [tilespmem:$0x190]  }
0x91: {  	v31 =	vld [tilespmem:$0x210];
	_ =	sdelay $0x4  }
0x92: {  	v32 =	vsub.f32 v30, v28;
	v33 =	vsub.f32 v31, v29;
	_ =	sdelay $0x1  }
0x93: {  	v32 =	vadd.f32 $1.000000000e+00, v32;
	v33 =	vadd.f32 $1.000000000e+00, v33;
	_ =	sdelay $0x1  }
0x94: {  	v32 =	vmul.f32 v33, v32;
	_ =	sdelay $0x1  }
0x95: {  	vm0 =	vge.f32 v32, $1.254398730e+04;
	vm1 =	vge.f32 v32, $5.017597660e+04  }
0x96: {  	v57 =	vld [tilespmem:$0x10];
	vm13 =	vge.f32 v32, $2.007039530e+05;
	v56 =	vsel vm0, $0x1, v0;
	v34 =	vsel vm1, $0x1, v0  }
0x97: {  	v58 =	vsel vm13, $0x1, v0;
	v33 =	vadd.s32 v34, v56  }
0x98: {  	v33 =	vadd.s32 v58, v33  }
0x99: {  	vm14 =	veq.s32 v33, $0x2  }
0x9a: {  	vm15 =	veq.s32 v33, $0x1;
	v59 =	vsel vm14, $0x3D800000, v3  }
0x9b: {  	v32 =	vtrunc.f32 v57;
	vm2 =	veq.s32 v33, $0x0;
	v34 =	vsel vm15, $0x3E000000, v59  }
0x9c: {  	v60 =	vcvt.f32.s32 v32;
	v34 =	vsel vm2, $0x3E800000, v34  }
0x9d: {  	v61 =	vsel vm14, $0xA000, v2;
	v28 =	vmul.f32 v34, v28;
	v30 =	vmul.f32 v34, v30  }
0x9e: {  	v32 =	vsel vm15, $0x8000, v61;
	v29 =	vmul.f32 v34, v29;
	v31 =	vmul.f32 v34, v31  }
0x9f: {  	v36 =	vsel vm2, $0x0, v32;
	v35 =	vsub.f32 v30, v28  }
0xa0: {  	v31 =	vsub.f32 v31, v29;
	v30 =	vshrl.u32 v1, v33;
	v33 =	vshll.u32 v33, $0x1  }
0xa1: {  	v33 =	vxor.u32 $0xE, v33;
	v34 =	vadd.s32 $0xFFFFFFFF, v30;
	v62 =	vmax.f32 v35, $1.000000000e+00  }
0xa2: {  	s0 =	simm.s32 $0x0;
	v63 =	vmax.f32 v31, $1.000000000e+00;
	v33 =	vshll.u32 v60, v33;
	v35 =	vcvt.s32.f32 v30  }
0xa3: {  	s4 =	simm.s32 $0x3380;
	s15 =	simm.s32 $0x9580;
	s16 =	simm.s32 $0x0;
	v31 =	vmul.f32 v62, v24;
	v32 =	vmul.f32 v63, v24;
	v33 =	vadd.s32 v33, v36  }
.LBB2_6:
0xa4: {  	v36 =	vmov s16  }
0xa5: {  	v36 =	vand.u32 $0xF, v36  }
0xa6: {  	s17 =	smulhi.u32 $0x24924925, s0;
	v39 =	vbroadcast v36, $0x0  }
0xa7: {  	s18 =	smul.u32 $0x25, s0  }
0xa8: {  	v36 =	vperm.xlane v31, v39;
	v37 =	vperm.xlane v32, v39  }
0xa9: {  	s20 =	ssub.s32 $0x0, s17;
	s18 =	sshrl.u32 s18, $0x8;
	v40 =	vperm.xlane v28, v39;
	v41 =	vperm.xlane v29, v39  }
0xaa: {  	s20 =	sshrl.u32 s20, $0x1;
	s21 =	ssub.s32 $0x0, s18;
	v36 =	vmul.f32 v4, v36;
	v37 =	vmul.f32 v4, v37  }
0xab: {  	s26 =	simm.s32 $0x1;
	v38 =	vperm.xlane v35, v39;
	s17 =	sadd.s32 s17, s20;
	s20 =	sand.u32 $0xFE, s21  }
0xac: {  	s28 =	smulhi.u32 $0x24924925, s26;
	s17 =	sshrl.u32 s17, $0x1;
	s20 =	sshrl.u32 s20, $0x1;
	v40 =	vadd.f32 v36, v40;
	v41 =	vadd.f32 v37, v41  }
0xad: {  	s26 =	smul.u32 $0x25, s26;
	v53 =	vadd.f32 $-1.000000000e+00, v38;
	s17 =	sand.u32 $0x7FFFFFFE, s17;
	s18 =	sadd.s32 s18, s20  }
0xae: {  	s31 =	ssub.s32 $0x1, s28;
	s17 =	sadd.s32 $0x0, s17;
	s18 =	sand.u32 $0xFC, s18;
	v54 =	vmax.f32 v40, $0.0e+00;
	v55 =	vmax.f32 v41, $0.0e+00  }
0xaf: {  	s26 =	sshrl.u32 s26, $0x8;
	s20 =	sshrl.u32 s31, $0x1;
	v60 =	vor.u32 s17, v7;
	s18 =	sshrl.u32 s18, $0x1;
	v42 =	vmin.f32 v54, v53;
	v44 =	vmin.f32 v55, v53  }
0xb0: {  	s31 =	ssub.s32 $0x1, s26;
	s21 =	sadd.s32 s28, s20;
	v61 =	vor.u32 s18, v6;
	v43 =	vtrunc.f32 v42;
	v37 =	vtrunc.f32 v44  }
0xb1: {  	s18 =	sshrl.u32 s21, $0x1;
	s21 =	sand.u32 $0xFE, s31;
	vm0 =	vge.f32 v40, $-1.000000000e+00;
	v36 =	vcvt.f32.s32 v43;
	v37 =	vcvt.f32.s32 v37  }
0xb2: {  	vm1 =	vle.f32 v40, v38;
	vm2 =	vle.f32 v41, v38;
	v38 =	vperm.xlane v33, v39;
	s17 =	sand.u32 $0x7FFFFFFE, s18;
	s18 =	sshrl.u32 s21, $0x1  }
0xb3: {  	vm11 =	vge.f32 v41, $-1.000000000e+00;
	s18 =	sadd.s32 s26, s18;
	s26 =	simm.s32 $0x2;
	v56 =	vcvt.s32.f32 v36;
	v57 =	vcvt.s32.f32 v37  }
0xb4: {  	v48 =	vand.u32 $0xF, v61;
	vm0 =	vmand vm0, vm1;
	vm12 =	vmand vm11, vm2;
	s17 =	sadd.s32 $0x2, s17;
	s31 =	smulhi.u32 $0x24924925, s26  }
0xb5: {  	s18 =	sand.u32 $0xFC, s18;
	v51 =	vor.u32 s17, v7;
	s20 =	smul.u32 $0x25, s26;
	v40 =	vsub.f32 v42, v56;
	v58 =	vsub.f32 v44, v57  }
0xb6: {  	v45 =	vsel vm0, $0x3F800000, v5;
	v59 =	vsel vm12, $0x3F800000, v5;
	s18 =	sshrl.u32 s18, $0x1;
	v51 =	vand.u32 $0xF, v51  }
0xb7: {  	v52 =	vor.u32 s18, v6;
	s21 =	ssub.s32 $0x2, s31;
	s20 =	sshrl.u32 s20, $0x8;
	v42 =	vmul.f32 v40, v45;
	v41 =	vmul.f32 v58, v59  }
0xb8: {  	s18 =	sshrl.u32 s21, $0x1;
	s26 =	ssub.s32 $0x2, s20;
	v63 =	vand.u32 $0xF, v52;
	v40 =	vperm.xlane v30, v39;
	v39 =	vperm.xlane v34, v39  }
0xb9: {  	s17 =	sadd.s32 s31, s18;
	s18 =	sand.u32 $0xFE, s26;
	v44 =	vsub.f32 v45, v42;
	v43 =	vsub.f32 v59, v41;
	v50 =	vperm.xlane v41, v48  }
0xba: {  	s17 =	sshrl.u32 s17, $0x1;
	s18 =	sshrl.u32 s18, $0x1;
	v45 =	vand.u32 $0xF, v60;
	v54 =	vperm.xlane v42, v51;
	v52 =	vperm.xlane v41, v63  }
0xbb: {  	s17 =	sand.u32 $0x7FFFFFFE, s17;
	s18 =	sadd.s32 s20, s18;
	v59 =	vperm.xlane v37, v63;
	v47 =	vperm.xlane v42, v45  }
0xbc: {  	s17 =	sadd.s32 $0x4, s17;
	s18 =	sand.u32 $0xFC, s18;
	v46 =	vperm.xlane v44, v45;
	v49 =	vperm.xlane v43, v48  }
0xbd: {  	v58 =	vor.u32 s17, v7;
	s18 =	sshrl.u32 s18, $0x1;
	v48 =	vperm.xlane v37, v48;
	v45 =	vperm.xlane v36, v45  }
0xbe: {  	v61 =	vor.u32 s18, v6;
	v53 =	vperm.xlane v44, v51;
	v57 =	vperm.xlane v43, v63  }
0xbf: {  	v63 =	vadd.s32 v10, v59;
	v50 =	vsub.f32 v50, v49;
	v47 =	vsub.f32 v47, v46  }
0xc0: {  	v51 =	vperm.xlane v36, v51;
	vm15 =	vlt.s32 v63, v39;
	v48 =	vadd.s32 v10, v48  }
0xc1: {  	v45 =	vadd.s32 v11, v45;
	v50 =	vmul.f32 v8, v50;
	v47 =	vmul.f32 v9, v47  }
0xc2: {  	s31 =	simm.s32 $0x3;
	v52 =	vsub.f32 v52, v57;
	v60 =	vsub.f32 v54, v53;
	vm13 =	vlt.s32 v48, v39  }
0xc3: {  	s21 =	smulhi.u32 $0x24924925, s31;
	v62 =	vsel vm13, v48, v39;
	v49 =	vadd.f32 v50, v49;
	v46 =	vadd.f32 v47, v46  }
0xc4: {  	s20 =	smul.u32 $0x25, s31;
	vm14 =	vlt.s32 v45, v39;
	v48 =	vmul.f32 v9, v60;
	v47 =	vmul.u32 v40, v62  }
0xc5: {  	v51 =	vadd.s32 v11, v51;
	v45 =	vsel vm14, v45, v39;
	v46 =	vmul.f32 v46, v49  }
0xc6: {  	s26 =	ssub.s32 $0x3, s21;
	s28 =	sshrl.u32 s20, $0x8;
	v62 =	vmul.f32 v8, v52;
	v50 =	vadd.f32 v48, v53;
	v47 =	vadd.s32 v38, v47  }
0xc7: {  	s20 =	simm.s32 $0x6;
	s18 =	sshrl.u32 s26, $0x1;
	s31 =	ssub.s32 $0x3, s28;
	v52 =	vsel vm15, v63, v39;
	v47 =	vadd.s32 v45, v47;
	v55 =	vmul.f32 $2.500000000e-01, v46  }
0xc8: {  	s26 =	simm.s32 $0x4;
	s17 =	sadd.s32 s21, s18;
	s30 =	sand.u32 $0xFE, s31;
	v48 =	vand.u32 $0xF, v61;
	v49 =	vadd.f32 v62, v57;
	v45 =	vand.u32 $0xF, v58;
	[tilespmem:s4+$0x0] =	vst v47  }
0xc9: {  	s18 =	smov.u32 s4;
	s29 =	sshrl.u32 s17, $0x1;
	s17 =	smov.u32 s15;
	v52 =	vmul.u32 v40, v52;
	v46 =	vperm.xlane v44, v45;
	v47 =	vperm.xlane v42, v45;
	[tilespmem:s15+$0x0] =	vst v55  }
.LBB2_7:
0xca: {  	p1 =	sne.s32 s26, $0x30;
	s29 =	sand.u32 $0x7FFFFFFE, s29;
	s30 =	sshrl.u32 s30, $0x1;
	v53 =	vperm.xlane v43, v48;
	vm0 =	vlt.s32 v51, v39;
	v49 =	vmul.f32 v50, v49  }
0xcb: {  	v50 =	vperm.xlane v41, v48;
	s29 =	sadd.s32 s29, s20;
	s28 =	sadd.s32 s28, s30;
	v51 =	vsel vm0, v51, v39;
	v52 =	vadd.s32 v38, v52  }
0xcc: {  	s18 =	sadd.s32 $0x10, s18;
	s30 =	smul.u32 $0x25, s26;
	s28 =	sand.u32 $0xFC, s28;
	v54 =	vor.u32 s29, v7;
	v51 =	vadd.s32 v51, v52;
	v49 =	vmul.f32 $2.500000000e-01, v49  }
0xcd: {  	v48 =	vperm.xlane v37, v48;
	v47 =	vsub.f32 v47, v46;
	s17 =	sadd.s32 $0x10, s17;
	s29 =	smulhi.u32 $0x24924925, s26;
	v50 =	vsub.f32 v50, v53;
	s28 =	sshrl.u32 s28, $0x1;
	[tilespmem:s18+$0x0] =	vst v51  }
.Ltmp4:
0xce: {  	v52 =	vperm.xlane v36, v45;
	v45 =	vand.u32 $0xF, v54;
	v51 =	vor.u32 s28, v6;
	[tilespmem:s17+$0x0] =	vst v49;
	(pc) =	sbr.rel @p1 .LBB2_7-.Ltmp4, $4  }
0xcf: {  	v48 =	vadd.s32 v10, v48;
	s28 =	ssub.s32 s26, s29;
	v49 =	vmul.f32 v8, v50;
	v50 =	vmul.f32 v9, v47  }
0xd0: {  	vm0 =	vlt.s32 v48, v39;
	v54 =	vperm.xlane v44, v45;
	v47 =	vperm.xlane v42, v45;
	s31 =	sshrl.u32 s28, $0x1;
	s28 =	sshrl.u32 s30, $0x8  }
0xd1: {  	s20 =	sadd.s32 $0x2, s20;
	s29 =	sadd.s32 s29, s31;
	s30 =	ssub.s32 s26, s28;
	v49 =	vadd.f32 v49, v53;
	v50 =	vadd.f32 v50, v46;
	v53 =	vsel vm0, v48, v39  }
0xd2: {  	s26 =	sadd.s32 $0x1, s26;
	v48 =	vand.u32 $0xF, v51;
	v51 =	vadd.s32 v11, v52;
	v46 =	vmovc v54;
	s29 =	sshrl.u32 s29, $0x1;
	s30 =	sand.u32 $0xFE, s30;
	v52 =	vmul.u32 v40, v53  }
0xd3: {  	v53 =	vperm.xlane v43, v48;
	vm0 =	vlt.s32 v51, v39  }
0xd4: {  	s26 =	sand.u32 $0x7FFFFFFE, s29;
	v49 =	vmul.f32 v50, v49;
	v61 =	vperm.xlane v41, v48;
	v47 =	vsub.f32 v47, v46  }
0xd5: {  	s21 =	sshrl.u32 s30, $0x1;
	v62 =	vperm.xlane v37, v48;
	s20 =	sadd.s32 s26, s20;
	v51 =	vsel vm0, v51, v39;
	v52 =	vadd.s32 v38, v52  }
0xd6: {  	v45 =	vperm.xlane v36, v45;
	s30 =	sadd.s32 s28, s21;
	v54 =	vor.u32 s20, v7;
	v51 =	vadd.s32 v51, v52  }
0xd7: {  	s26 =	sand.u32 $0xFC, s30;
	v49 =	vmul.f32 $2.500000000e-01, v49;
	v50 =	vsub.f32 v61, v53;
	v47 =	vmul.f32 v9, v47  }
0xd8: {  	v48 =	vadd.s32 v10, v62;
	v45 =	vadd.s32 v11, v45;
	s31 =	sshrl.u32 s26, $0x1;
	v54 =	vand.u32 $0xF, v54  }
0xd9: {  	vm12 =	vlt.s32 v48, v39;
	v63 =	vor.u32 s31, v6;
	v50 =	vmul.f32 v8, v50  }
0xda: {  	v44 =	vperm.xlane v44, v54;
	v42 =	vperm.xlane v42, v54;
	v52 =	vand.u32 $0xF, v63  }
0xdb: {  	vm13 =	vlt.s32 v45, v39;
	v55 =	vperm.xlane v43, v52;
	v56 =	vperm.xlane v41, v52  }
0xdc: {  	v57 =	vadd.f32 v47, v46;
	v58 =	vsel vm12, v48, v39;
	v45 =	vsel vm13, v45, v39  }
0xdd: {  	v59 =	vperm.xlane v37, v52;
	v42 =	vsub.f32 v42, v44;
	v41 =	vsub.f32 v56, v55  }
0xde: {  	v60 =	vperm.xlane v36, v54;
	v47 =	vmul.u32 v40, v58;
	v50 =	vadd.f32 v50, v53  }
0xdf: {  	v42 =	vmul.f32 v9, v42;
	v37 =	vadd.s32 v10, v59;
	v41 =	vmul.f32 v8, v41  }
0xe0: {  	v36 =	vadd.s32 v11, v60;
	v46 =	vmul.f32 v57, v50;
	vm14 =	vlt.s32 v37, v39  }
0xe1: {  	s18 =	sadd.s32 $0x10, s18;
	s16 =	sadd.s32 $0x1, s16;
	v42 =	vadd.f32 v42, v44;
	v37 =	vsel vm14, v37, v39;
	v41 =	vadd.f32 v41, v55  }
0xe2: {  	s17 =	sadd.s32 $0x10, s17;
	p1 =	sne.s32 s16, $0x10;
	[tilespmem:s18+$0x0] =	vst v51;
	v47 =	vadd.s32 v38, v47;
	vm15 =	vlt.s32 v36, v39;
	v37 =	vmul.u32 v40, v37  }
.Ltmp5:
0xe3: {  	s18 =	sadd.s32 $0x10, s18;
	[tilespmem:s17+$0x0] =	vst v49;
	v61 =	vadd.s32 v45, v47;
	v62 =	vmul.f32 $2.500000000e-01, v46;
	v41 =	vmul.f32 v42, v41;
	(pc) =	sbr.rel @p1 .LBB2_6-.Ltmp5, $4  }
0xe4: {  	s17 =	sadd.s32 $0x10, s17;
	v36 =	vsel vm15, v36, v39;
	[tilespmem:s18+$0x0] =	vst v61;
	v37 =	vadd.s32 v38, v37  }
0xe5: {  	s18 =	sadd.s32 $0x10, s18;
	[tilespmem:s17+$0x0] =	vst v62;
	v36 =	vadd.s32 v36, v37;
	v63 =	vmul.f32 $2.500000000e-01, v41  }
0xe6: {  	s17 =	sadd.s32 $0x10, s17;
	[tilespmem:s18+$0x0] =	vst v36  }
0xe7: {  	s4 =	sadd.s32 $0x310, s4;
	s15 =	sadd.s32 $0x310, s15;
	[tilespmem:s17+$0x0] =	vst v63  }
0xe8: {  	s0 =	simm.s32 $0x280  }
0xe9: {  	s4 =	simm.s32 $0xC680;
	s26 =	simm.s32 $0x0;
	s18 =	simm.s32 $0x6480  }
0xea: {  	[tilespmem:s4], [sflag:$0x1] =	stream.indirect.gather [hbm4b:s1+s19], $0x80, s0, s19, $0xb8;
	[tilespmem:$0x1D080] =	vst v63  }
0xeb: {  	s29 =	simm.s32 $0x16E80;
	s30 =	simm.s32 $0x0;
	s31 =	simm.s32 $0x0  }
0xec: {  	[tilespmem:s23], [sflag:$0x1] =	stream.indirect.gather [hbm4b:s1+s19], $0x80, s22, s19, $0xb8;
	[tilespmem:$0x1D080] =	vst v63  }
.LBB2_10:
0xed: {  	p1 =	sgt.u32 s31, $0xDD  }
0xee: {  	s0 =	sadd.s32 @!p1 $0x2, s31  }
0xef: {  	s4 =	smul.u32 @!p1 $0xAB, s0;
	_ =	sdelay $0x1  }
0xf0: {  	s4 =	sshrl.u32 @!p1 s4, $0x9  }
0xf1: {  	s4 =	sand.u32 @!p1 $0x7F, s4  }
0xf2: {  	s4 =	smul.u32 @!p1 $0x3, s4;
	_ =	sdelay $0x1  }
0xf3: {  	s16 =	smul.u32 $0x25, s31;
	s4 =	ssub.s32 @!p1 s0, s4  }
0xf4: {  	s0 =	smul.u32 @!p1 $0x1C0, s0;
	s4 =	sand.u32 @!p1 $0xFF, s4  }
0xf5: {  	s4 =	smul.u32 @!p1 $0xE000, s4  }
0xf6: {  	s17 =	sand.u32 $0xFF, s26;
	s15 =	simm.s32 @!p1 $0x70  }
0xf7: {  	s16 =	sshrl.u32 s16, $0x8;
	s0 =	sshra.s32 @!p1 s0, $0x2;
	s4 =	sshrl.u32 @!p1 s4, $0x2  }
0xf8: {  	s20 =	ssub.s32 s31, s16;
	s0 =	sadd.s32 @!p1 $0x280, s0;
	s4 =	sadd.s32 @!p1 $0xC680, s4  }
0xf9: {  	[tilespmem:s4], [sflag:$0x1] =	stream.indirect.gather @!p1 [hbm4b:s1+s15], $0x80, s0, s15, $0xb8;
	[tilespmem:$0x1D080] =	vst v63  }
0xfa: {  	s4 =	smul.u32 $0xAB, s17;
	s15 =	sand.u32 $0xFE, s20  }
0xfb: {  	s21 =	smulhi.u32 $0x24924925, s31;
	s15 =	sshrl.u32 s15, $0x1  }
0xfc: {  	s4 =	sshrl.u32 s4, $0x9;
	s0 =	sadd.s32 s16, s15  }
0xfd: {  	s20 =	ssub.s32 s31, s21;
	s4 =	smul.u32 $0x50, s4;
	s0 =	sand.u32 $0xFC, s0  }
0xfe: {  	_ =	swait.ge [sflag:s12], $0x3800;
	s15 =	sshrl.u32 s20, $0x1;
	s0 =	sshrl.u32 s0, $0x2  }
0xff: {  	s16 =	sadd.s32 s21, s15;
	s17 =	ssub.s32 s30, s4;
	s4 =	sadd.s32 s0, s5  }
0x100: {  	s21 =	smul.u32 $0xFFFFFFF9, s0;
	s20 =	sand.u32 $0x1, s0;
	p1 =	sgt.u32 s4, $0x3E9  }
0x101: {  	p2 =	seq.s32 s20, $0x1;
	s20 =	simm.s32 $0x3100;
	p3 =	slt.u32 @!p1 s31, $0xE  }
0x102: {  	s15 =	sadd.s32 s31, s21;
	s20 =	simm.s32 @!p2 $0x0;
	p2 =	por p3, p1  }
0x103: {  	[sflag:s12] =	ssyncset.done $0x0;
	s16 =	sshrl.u32 s16, $0x2;
	p2 =	sne.s32 @!p2 s15, $0x0  }
0x104: {  	[sflag:s12] =	ssyncadd.s32 $0xFFFFC800;
	s16 =	smul.u32 $0xC400, s16;
	p2 =	por @!p1 p2, p3  }
0x105: {  	s17 =	sand.u32 $0xFF, s17;
	s28 =	sshll.u32 s20, $0x2;
	p1 =	por p2, p1  }
0x106: {  	s17 =	sshll.u32 s17, $0x7;
	s16 =	ssub.s32 s28, s16;
	s28 =	simm.s32 @!p1 $0x2  }
0x107: {  	s17 =	sadd.s32 $0xCA80, s17;
	s16 =	sshra.s32 s16, $0x2;
	_ =	swait.ge @!p1 [sflag:s28], $0x3100  }
0x108: {  	s21 =	sadd.s32 s16, s29;
	s16 =	sadd.s32 $0x16E80, s20;
	[sflag:s28] =	ssyncset.done @!p1 $0x0  }
0x109: {  	s20 =	simm.s32 $0x0;
	v28 =	vmov s21;
	[sflag:s28] =	ssyncadd.s32 @!p1 $0xFFFFCF00;
	s28 =	smov.u32 s18  }
.LBB2_11:
0x10a: {  	v29 =	vld [tilespmem:s28+$0x0]  }
0x10b: {  	v30 =	vld [tilespmem:s17+$0xFFFFFC00]  }
0x10c: {  	v31 =	vld [tilespmem:s17+$0xFFFFFC10]  }
0x10d: {  	v33 =	vld [tilespmem:s17+$0xFFFFFC20]  }
0x10e: {  	v35 =	vld [tilespmem:s17+$0xFFFFFC30]  }
0x10f: {  	v37 =	vld [tilespmem:s17+$0xFFFFFC40]  }
0x110: {  	v39 =	vld [tilespmem:s17+$0xFFFFFC50]  }
0x111: {  	v41 =	vld [tilespmem:s17+$0xFFFFFC60]  }
0x112: {  	v43 =	vld [tilespmem:s17+$0xFFFFFC70]  }
0x113: {  	v45 =	vld [tilespmem:s17+$0xFFFFFC80];
	v32 =	vperm.xlane v29, v0  }
0x114: {  	v47 =	vld [tilespmem:s17+$0xFFFFFC90];
	v34 =	vshll.u32 v30, $0x10;
	v36 =	vshll.u32 v31, $0x10;
	v38 =	vshll.u32 v33, $0x10  }
0x115: {  	v50 =	vld [tilespmem:s17+$0xFFFFFCA0];
	v40 =	vshll.u32 v35, $0x10;
	v42 =	vshll.u32 v37, $0x10;
	v44 =	vshll.u32 v39, $0x10  }
0x116: {  	v52 =	vld [tilespmem:s17+$0xFFFFFCB0];
	v46 =	vshll.u32 v41, $0x10;
	v49 =	vperm.xlane v29, v12;
	v34 =	vmul.f32 v34, v32  }
0x117: {  	v53 =	vld [tilespmem:s17+$0xFFFFFCD0];
	v48 =	vshll.u32 v43, $0x10;
	v30 =	vmul.f32 v30, v32;
	v36 =	vmul.f32 v36, v32  }
0x118: {  	v51 =	vshll.u32 v45, $0x10;
	v31 =	vmul.f32 v31, v32;
	v38 =	vmul.f32 v38, v32  }
0x119: {  	v56 =	vshll.u32 v47, $0x10;
	v33 =	vmul.f32 v33, v32;
	v40 =	vmul.f32 v40, v32  }
0x11a: {  	v57 =	vshll.u32 v50, $0x10;
	v35 =	vmul.f32 v35, v32;
	v42 =	vmul.f32 v42, v32  }
0x11b: {  	v54 =	vshll.u32 v52, $0x10;
	v37 =	vmul.f32 v37, v32;
	v44 =	vmul.f32 v44, v32  }
0x11c: {  	v62 =	vshll.u32 v53, $0x10;
	v39 =	vmul.f32 v39, v32;
	v46 =	vmul.f32 v46, v32  }
0x11d: {  	v41 =	vmul.f32 v41, v32;
	v34 =	vadd.f32 $0.0e+00, v34;
	v30 =	vadd.f32 $0.0e+00, v30  }
0x11e: {  	v48 =	vmul.f32 v48, v32;
	v36 =	vadd.f32 $0.0e+00, v36;
	v31 =	vadd.f32 $0.0e+00, v31  }
0x11f: {  	v32 =	vmul.f32 v43, v32;
	v38 =	vadd.f32 $0.0e+00, v38;
	v33 =	vadd.f32 $0.0e+00, v33  }
0x120: {  	v55 =	vmul.f32 v51, v49;
	v40 =	vadd.f32 $0.0e+00, v40;
	v35 =	vadd.f32 $0.0e+00, v35  }
0x121: {  	v45 =	vmul.f32 v45, v49;
	v42 =	vadd.f32 $0.0e+00, v42;
	v37 =	vadd.f32 $0.0e+00, v37  }
0x122: {  	v43 =	vmul.f32 v56, v49;
	v44 =	vadd.f32 $0.0e+00, v44;
	v39 =	vadd.f32 $0.0e+00, v39  }
0x123: {  	v63 =	vld [tilespmem:s17+$0xFFFFFCF0];
	v47 =	vmul.f32 v47, v49;
	v46 =	vadd.f32 $0.0e+00, v46;
	v41 =	vadd.f32 $0.0e+00, v41  }
0x124: {  	v51 =	vld [tilespmem:s17+$0xFFFFFCC0];
	v58 =	vmul.f32 v50, v49;
	v48 =	vadd.f32 $0.0e+00, v48;
	v32 =	vadd.f32 $0.0e+00, v32  }
0x125: {  	v59 =	vmul.f32 v54, v49;
	v34 =	vadd.f32 v55, v34;
	v30 =	vadd.f32 v45, v30;
	v55 =	vld [tilespmem:s17+$0xFFFFFCE0]  }
0x126: {  	v60 =	vmul.f32 v52, v49;
	v36 =	vadd.f32 v43, v36;
	v31 =	vadd.f32 v47, v31  }
0x127: {  	v45 =	vmul.f32 v57, v49;
	v33 =	vadd.f32 v58, v33;
	v40 =	vadd.f32 v59, v40  }
0x128: {  	v35 =	vadd.f32 v60, v35;
	v58 =	vmul.f32 v53, v49;
	v47 =	vmul.f32 v63, v49  }
0x129: {  	v52 =	vld [tilespmem:s17+$0xFFFFFD00];
	v61 =	vshll.u32 v51, $0x10;
	v56 =	vmul.f32 v51, v49;
	v38 =	vadd.f32 v45, v38  }
0x12a: {  	v59 =	vld [tilespmem:s17+$0xFFFFFD10];
	v43 =	vmul.f32 v61, v49;
	v45 =	vmul.f32 v62, v49;
	v57 =	vshll.u32 v55, $0x10  }
0x12b: {  	v39 =	vadd.f32 v58, v39;
	v61 =	vshll.u32 v63, $0x10;
	v62 =	vld [tilespmem:s17+$0xFFFFFD20];
	v51 =	vmul.f32 v57, v49  }
0x12c: {  	v58 =	vld [tilespmem:s17+$0xFFFFFD30];
	v32 =	vadd.f32 v47, v32;
	v37 =	vadd.f32 v56, v37;
	v50 =	vmul.f32 v61, v49  }
0x12d: {  	v42 =	vadd.f32 v43, v42;
	v43 =	vadd.f32 v51, v46;
	v51 =	vperm.xlane v29, v13  }
0x12e: {  	v56 =	vld [tilespmem:s17+$0xFFFFFD40];
	v44 =	vadd.f32 v45, v44;
	v60 =	vmul.f32 v55, v49;
	v57 =	vshll.u32 v52, $0x10  }
0x12f: {  	v48 =	vadd.f32 v50, v48;
	v55 =	vshll.u32 v59, $0x10;
	v63 =	vmul.f32 v57, v51  }
0x130: {  	v50 =	vld [tilespmem:s17+$0xFFFFFD50];
	v41 =	vadd.f32 v60, v41;
	v52 =	vmul.f32 v52, v51;
	v46 =	vmul.f32 v55, v51  }
0x131: {  	v61 =	vshll.u32 v58, $0x10;
	v45 =	vmul.f32 v59, v51;
	v60 =	vmul.f32 v62, v51  }
0x132: {  	v59 =	vshll.u32 v62, $0x10;
	v62 =	vmul.f32 v61, v51;
	v57 =	vmul.f32 v58, v51  }
0x133: {  	v53 =	vld [tilespmem:s17+$0xFFFFFDA0];
	v58 =	vshll.u32 v56, $0x10;
	v47 =	vmul.f32 v56, v51;
	v34 =	vadd.f32 v63, v34  }
0x134: {  	v56 =	vld [tilespmem:s17+$0xFFFFFDB0];
	v49 =	vmul.f32 v59, v51;
	v30 =	vadd.f32 v52, v30;
	v36 =	vadd.f32 v46, v36  }
0x135: {  	v59 =	vshll.u32 v50, $0x10;
	v31 =	vadd.f32 v45, v31;
	v33 =	vadd.f32 v60, v33;
	v63 =	vld [tilespmem:s17+$0xFFFFFD60]  }
0x136: {  	v50 =	vmul.f32 v50, v51;
	v40 =	vadd.f32 v62, v40;
	v52 =	vld [tilespmem:s17+$0xFFFFFD70];
	v35 =	vadd.f32 v57, v35  }
0x137: {  	v54 =	vld [tilespmem:s17+$0xFFFFFD80];
	v60 =	vmul.f32 v59, v51;
	v38 =	vadd.f32 v49, v38;
	v49 =	vmul.f32 v58, v51  }
0x138: {  	v37 =	vadd.f32 v47, v37;
	v39 =	vadd.f32 v50, v39;
	v50 =	vperm.xlane v29, v14  }
0x139: {  	v55 =	vshll.u32 v53, $0x10;
	v47 =	vld [tilespmem:s17+$0xFFFFFD90];
	v44 =	vadd.f32 v60, v44;
	v42 =	vadd.f32 v49, v42  }
0x13a: {  	v57 =	vshll.u32 v56, $0x10;
	v58 =	vmul.f32 v53, v50;
	v61 =	vshll.u32 v63, $0x10  }
0x13b: {  	v62 =	vshll.u32 v52, $0x10;
	v46 =	vmul.f32 v63, v51;
	v59 =	vmul.f32 v52, v51  }
0x13c: {  	v63 =	vshll.u32 v54, $0x10;
	v52 =	vmul.f32 v57, v50;
	v45 =	vmul.f32 v61, v51  }
0x13d: {  	v33 =	vadd.f32 v58, v33;
	v49 =	vmul.f32 v62, v51;
	v60 =	vmul.f32 v63, v50;
	v63 =	vld [tilespmem:s17+$0xFFFFFDC0]  }
0x13e: {  	v61 =	vmul.f32 v54, v50;
	v62 =	vshll.u32 v47, $0x10;
	v51 =	vld [tilespmem:s17+$0xFFFFFDD0];
	v41 =	vadd.f32 v46, v41  }
0x13f: {  	v47 =	vmul.f32 v47, v50;
	v54 =	vld [tilespmem:s17+$0xFFFFFDE0];
	v32 =	vadd.f32 v59, v32;
	v40 =	vadd.f32 v52, v40  }
0x140: {  	v59 =	vmul.f32 v56, v50;
	v43 =	vadd.f32 v45, v43;
	v46 =	vadd.f32 v49, v48  }
0x141: {  	v34 =	vadd.f32 v60, v34;
	v30 =	vadd.f32 v61, v30;
	v45 =	vmul.f32 v62, v50  }
0x142: {  	v53 =	vld [tilespmem:s17+$0xFFFFFE00];
	v48 =	vmul.f32 v55, v50;
	v31 =	vadd.f32 v47, v31;
	v35 =	vadd.f32 v59, v35  }
0x143: {  	v62 =	vld [tilespmem:s17+$0xFFFFFDF0];
	v36 =	vadd.f32 v45, v36;
	v60 =	vshll.u32 v63, $0x10;
	v49 =	vmul.f32 v63, v50  }
0x144: {  	v61 =	vshll.u32 v51, $0x10;
	v55 =	vmul.f32 v51, v50;
	v58 =	vmul.f32 v54, v50  }
0x145: {  	v57 =	vld [tilespmem:s17+$0xFFFFFE10];
	v63 =	vshll.u32 v54, $0x10;
	v51 =	vperm.xlane v29, v15;
	v45 =	vmul.f32 v60, v50  }
0x146: {  	v38 =	vadd.f32 v48, v38;
	v47 =	vmul.f32 v61, v50;
	v56 =	vmul.f32 v63, v50  }
0x147: {  	v61 =	vshll.u32 v53, $0x10;
	v37 =	vadd.f32 v49, v37;
	v39 =	vadd.f32 v55, v39  }
0x148: {  	v59 =	vshll.u32 v62, $0x10;
	v48 =	vmul.f32 v62, v50;
	v41 =	vadd.f32 v58, v41  }
0x149: {  	v60 =	vld [tilespmem:s17+$0xFFFFFE20];
	v63 =	vmul.f32 v61, v51;
	v53 =	vmul.f32 v53, v51;
	v42 =	vadd.f32 v45, v42  }
0x14a: {  	v62 =	vld [tilespmem:s17+$0xFFFFFE30];
	v55 =	vshll.u32 v57, $0x10;
	v44 =	vadd.f32 v47, v44;
	v43 =	vadd.f32 v56, v43  }
0x14b: {  	v49 =	vmul.f32 v59, v50;
	v56 =	vld [tilespmem:s17+$0xFFFFFE40];
	v47 =	vmul.f32 v55, v51;
	v32 =	vadd.f32 v48, v32  }
0x14c: {  	v45 =	vmul.f32 v57, v51;
	v50 =	vld [tilespmem:s17+$0xFFFFFE50];
	v34 =	vadd.f32 v63, v34;
	v30 =	vadd.f32 v53, v30  }
0x14d: {  	v46 =	vadd.f32 v49, v46;
	v36 =	vadd.f32 v47, v36  }
0x14e: {  	v54 =	vld [tilespmem:s17+$0xFFFFFE80];
	v31 =	vadd.f32 v45, v31;
	v57 =	vshll.u32 v60, $0x10;
	v52 =	vmul.f32 v60, v51  }
0x14f: {  	v47 =	vld [tilespmem:s17+$0xFFFFFE60];
	v49 =	vmul.f32 v57, v51;
	v58 =	vshll.u32 v62, $0x10;
	v60 =	vmul.f32 v62, v51  }
0x150: {  	v59 =	vmul.f32 v58, v51;
	v33 =	vadd.f32 v52, v33;
	v61 =	vshll.u32 v56, $0x10  }
0x151: {  	v53 =	vld [tilespmem:s17+$0xFFFFFEA0];
	v48 =	vmul.f32 v56, v51;
	v63 =	vshll.u32 v50, $0x10;
	v50 =	vmul.f32 v50, v51  }
0x152: {  	v62 =	vld [tilespmem:s17+$0xFFFFFE70];
	v38 =	vadd.f32 v49, v38;
	v49 =	vmul.f32 v61, v51;
	v35 =	vadd.f32 v60, v35  }
0x153: {  	v57 =	vmul.f32 v63, v51;
	v60 =	vshll.u32 v54, $0x10;
	v40 =	vadd.f32 v59, v40  }
0x154: {  	v37 =	vadd.f32 v48, v37;
	v39 =	vadd.f32 v50, v39;
	v58 =	vshll.u32 v47, $0x10  }
0x155: {  	v50 =	vperm.xlane v29, v16;
	v47 =	vmul.f32 v47, v51;
	v42 =	vadd.f32 v49, v42  }
0x156: {  	v61 =	vld [tilespmem:s17+$0xFFFFFEB0];
	v44 =	vadd.f32 v57, v44;
	v45 =	vmul.f32 v58, v51;
	v57 =	vshll.u32 v53, $0x10  }
0x157: {  	v48 =	vld [tilespmem:s17+$0xFFFFFE90];
	v59 =	vshll.u32 v62, $0x10;
	v62 =	vmul.f32 v62, v51;
	v63 =	vmul.f32 v60, v50  }
0x158: {  	v41 =	vadd.f32 v47, v41;
	v54 =	vmul.f32 v54, v50;
	v47 =	vmul.f32 v57, v50  }
0x159: {  	v49 =	vmul.f32 v59, v51;
	v43 =	vadd.f32 v45, v43;
	v32 =	vadd.f32 v62, v32  }
0x15a: {  	v51 =	vld [tilespmem:s17+$0xFFFFFED0];
	v59 =	vmul.f32 v53, v50;
	v34 =	vadd.f32 v63, v34;
	v30 =	vadd.f32 v54, v30  }
0x15b: {  	v58 =	vshll.u32 v61, $0x10;
	v54 =	vld [tilespmem:s17+$0xFFFFFEE0];
	v38 =	vadd.f32 v47, v38;
	v60 =	vmul.f32 v61, v50  }
0x15c: {  	v63 =	vld [tilespmem:s17+$0xFFFFFEF0];
	v46 =	vadd.f32 v49, v46;
	v55 =	vshll.u32 v48, $0x10;
	v48 =	vmul.f32 v48, v50  }
0x15d: {  	v49 =	vld [tilespmem:s17+$0xFFFFFEC0];
	v52 =	vmul.f32 v58, v50;
	v33 =	vadd.f32 v59, v33;
	v45 =	vmul.f32 v55, v50  }
0x15e: {  	v35 =	vadd.f32 v60, v35;
	v31 =	vadd.f32 v48, v31  }
0x15f: {  	v57 =	vld [tilespmem:s17+$0xFFFFFF00];
	v40 =	vadd.f32 v52, v40;
	v36 =	vadd.f32 v45, v36  }
0x160: {  	v62 =	vshll.u32 v51, $0x10;
	v58 =	vmul.f32 v51, v50;
	v51 =	vperm.xlane v29, v17  }
0x161: {  	v47 =	vmul.f32 v62, v50;
	v56 =	vshll.u32 v54, $0x10;
	v60 =	vmul.f32 v54, v50  }
0x162: {  	v48 =	vmul.f32 v63, v50;
	v61 =	vshll.u32 v49, $0x10;
	v49 =	vmul.f32 v49, v50  }
0x163: {  	v62 =	vld [tilespmem:s17+$0xFFFFFF20];
	v59 =	vmul.f32 v56, v50;
	v39 =	vadd.f32 v58, v39;
	v45 =	vmul.f32 v61, v50  }
0x164: {  	v54 =	vld [tilespmem:s17+$0xFFFFFF30];
	v44 =	vadd.f32 v47, v44;
	v61 =	vshll.u32 v63, $0x10;
	v63 =	vshll.u32 v57, $0x10  }
0x165: {  	v53 =	vld [tilespmem:s17+$0xFFFFFFA0];
	v41 =	vadd.f32 v60, v41;
	v57 =	vmul.f32 v57, v51;
	v32 =	vadd.f32 v48, v32  }
0x166: {  	v37 =	vadd.f32 v49, v37;
	v43 =	vadd.f32 v59, v43;
	v49 =	vmul.f32 v61, v50;
	v59 =	vld [tilespmem:s17+$0xFFFFFF40]  }
0x167: {  	v56 =	vmul.f32 v63, v51;
	v42 =	vadd.f32 v45, v42;
	v45 =	vld [tilespmem:s17+$0xFFFFFF10];
	v30 =	vadd.f32 v57, v30  }
0x168: {  	v63 =	vld [tilespmem:s17+$0xFFFFFF60];
	v46 =	vadd.f32 v49, v46;
	v60 =	vshll.u32 v62, $0x10;
	v52 =	vmul.f32 v62, v51  }
0x169: {  	v50 =	vld [tilespmem:s17+$0xFFFFFF50];
	v61 =	vshll.u32 v54, $0x10;
	v57 =	vmul.f32 v54, v51;
	v49 =	vmul.f32 v60, v51  }
0x16a: {  	v34 =	vadd.f32 v56, v34;
	v56 =	vld [tilespmem:s17+$0xFFFFFFB0];
	v62 =	vmul.f32 v61, v51;
	v33 =	vadd.f32 v52, v33  }
0x16b: {  	v55 =	vshll.u32 v53, $0x10;
	v35 =	vadd.f32 v57, v35;
	v38 =	vadd.f32 v49, v38  }
0x16c: {  	v52 =	vld [tilespmem:s17+$0xFFFFFF70];
	v40 =	vadd.f32 v62, v40;
	v48 =	vmul.f32 v59, v51;
	v58 =	vshll.u32 v45, $0x10  }
0x16d: {  	v54 =	vld [tilespmem:s17+$0xFFFFFF80];
	v61 =	vshll.u32 v63, $0x10;
	v45 =	vmul.f32 v45, v51;
	v47 =	vmul.f32 v58, v51  }
0x16e: {  	v58 =	vshll.u32 v59, $0x10;
	v59 =	vshll.u32 v50, $0x10;
	v50 =	vmul.f32 v50, v51  }
0x16f: {  	v37 =	vadd.f32 v48, v37;
	v57 =	vshll.u32 v56, $0x10;
	v49 =	vmul.f32 v58, v51  }
0x170: {  	v31 =	vadd.f32 v45, v31;
	v60 =	vmul.f32 v59, v51;
	v45 =	vmul.f32 v61, v51  }
0x171: {  	v36 =	vadd.f32 v47, v36;
	v39 =	vadd.f32 v50, v39;
	v62 =	vshll.u32 v52, $0x10  }
0x172: {  	v48 =	vld [tilespmem:s17+$0xFFFFFF90];
	v50 =	vperm.xlane v29, v18;
	v47 =	vmul.f32 v63, v51;
	v63 =	vshll.u32 v54, $0x10  }
0x173: {  	v59 =	vmul.f32 v52, v51;
	v42 =	vadd.f32 v49, v42;
	v44 =	vadd.f32 v60, v44  }
0x174: {  	v49 =	vmul.f32 v62, v51;
	v43 =	vadd.f32 v45, v43;
	v60 =	vmul.f32 v63, v50  }
0x175: {  	v41 =	vadd.f32 v47, v41;
	v61 =	vmul.f32 v54, v50;
	v47 =	vmul.f32 v55, v50  }
0x176: {  	v51 =	vld [tilespmem:s17+$0xFFFFFFD0];
	v32 =	vadd.f32 v59, v32;
	v58 =	vmul.f32 v53, v50;
	v52 =	vmul.f32 v57, v50  }
0x177: {  	v63 =	vld [tilespmem:s17+$0xFFFFFFC0];
	v59 =	vmul.f32 v56, v50;
	v46 =	vadd.f32 v49, v46;
	v62 =	vshll.u32 v48, $0x10  }
0x178: {  	v54 =	vld [tilespmem:s17+$0xFFFFFFE0];
	v48 =	vmul.f32 v48, v50;
	v34 =	vadd.f32 v60, v34;
	v30 =	vadd.f32 v61, v30  }
0x179: {  	v53 =	vld [tilespmem:s17+$0x0];
	v45 =	vmul.f32 v62, v50;
	v38 =	vadd.f32 v47, v38;
	v33 =	vadd.f32 v58, v33  }
0x17a: {  	v40 =	vadd.f32 v52, v40;
	v35 =	vadd.f32 v59, v35  }
0x17b: {  	v57 =	vld [tilespmem:s17+$0x10];
	v31 =	vadd.f32 v48, v31;
	v36 =	vadd.f32 v45, v36;
	v61 =	vshll.u32 v51, $0x10  }
0x17c: {  	v62 =	vld [tilespmem:s17+$0xFFFFFFF0];
	v55 =	vmul.f32 v51, v50;
	v51 =	vperm.xlane v29, v19;
	v60 =	vshll.u32 v63, $0x10  }
0x17d: {  	v49 =	vmul.f32 v63, v50;
	v47 =	vmul.f32 v61, v50;
	v63 =	vshll.u32 v54, $0x10  }
0x17e: {  	v58 =	vmul.f32 v54, v50;
	v61 =	vshll.u32 v53, $0x10;
	v45 =	vmul.f32 v60, v50  }
0x17f: {  	v56 =	vmul.f32 v63, v50;
	v39 =	vadd.f32 v55, v39;
	v63 =	vmul.f32 v61, v51  }
0x180: {  	v53 =	vmul.f32 v53, v51;
	v55 =	vshll.u32 v57, $0x10;
	v37 =	vadd.f32 v49, v37  }
0x181: {  	v60 =	vld [tilespmem:s17+$0x20];
	v44 =	vadd.f32 v47, v44;
	v59 =	vshll.u32 v62, $0x10;
	v48 =	vmul.f32 v62, v50  }
0x182: {  	v62 =	vld [tilespmem:s17+$0x30];
	v41 =	vadd.f32 v58, v41;
	v47 =	vmul.f32 v55, v51;
	v42 =	vadd.f32 v45, v42  }
0x183: {  	v43 =	vadd.f32 v56, v43;
	v49 =	vmul.f32 v59, v50;
	v34 =	vadd.f32 v63, v34;
	v56 =	vld [tilespmem:s17+$0x40]  }
0x184: {  	v30 =	vadd.f32 v53, v30;
	v45 =	vmul.f32 v57, v51;
	v50 =	vld [tilespmem:s17+$0x50];
	v32 =	vadd.f32 v48, v32  }
0x185: {  	v36 =	vadd.f32 v47, v36;
	v46 =	vadd.f32 v49, v46  }
0x186: {  	v47 =	vld [tilespmem:s17+$0x60];
	v31 =	vadd.f32 v45, v31;
	v57 =	vshll.u32 v60, $0x10;
	v52 =	vmul.f32 v60, v51  }
0x187: {  	v54 =	vld [tilespmem:s17+$0x80];
	v49 =	vmul.f32 v57, v51;
	v58 =	vshll.u32 v62, $0x10;
	v60 =	vmul.f32 v62, v51  }
0x188: {  	v59 =	vmul.f32 v58, v51;
	v33 =	vadd.f32 v52, v33;
	v61 =	vshll.u32 v56, $0x10  }
0x189: {  	v53 =	vld [tilespmem:s17+$0xA0];
	v48 =	vmul.f32 v56, v51;
	v63 =	vshll.u32 v50, $0x10;
	v50 =	vmul.f32 v50, v51  }
0x18a: {  	v62 =	vld [tilespmem:s17+$0x70];
	v38 =	vadd.f32 v49, v38;
	v49 =	vmul.f32 v61, v51;
	v35 =	vadd.f32 v60, v35  }
0x18b: {  	v57 =	vmul.f32 v63, v51;
	v58 =	vshll.u32 v47, $0x10;
	v47 =	vmul.f32 v47, v51  }
0x18c: {  	v60 =	vshll.u32 v54, $0x10;
	v40 =	vadd.f32 v59, v40;
	v37 =	vadd.f32 v48, v37  }
0x18d: {  	v39 =	vadd.f32 v50, v39;
	v45 =	vmul.f32 v58, v51;
	v42 =	vadd.f32 v49, v42  }
0x18e: {  	v61 =	vld [tilespmem:s17+$0xB0];
	v50 =	vperm.xlane v29, v20;
	v44 =	vadd.f32 v57, v44;
	v41 =	vadd.f32 v47, v41  }
0x18f: {  	v48 =	vld [tilespmem:s17+$0x90];
	v57 =	vshll.u32 v53, $0x10;
	v59 =	vshll.u32 v62, $0x10;
	v62 =	vmul.f32 v62, v51  }
0x190: {  	v43 =	vadd.f32 v45, v43;
	v63 =	vmul.f32 v60, v50;
	v54 =	vmul.f32 v54, v50  }
0x191: {  	v47 =	vmul.f32 v57, v50;
	v49 =	vmul.f32 v59, v51;
	v32 =	vadd.f32 v62, v32  }
0x192: {  	v51 =	vld [tilespmem:s17+$0xD0];
	v59 =	vmul.f32 v53, v50;
	v34 =	vadd.f32 v63, v34;
	v30 =	vadd.f32 v54, v30  }
0x193: {  	v58 =	vshll.u32 v61, $0x10;
	v54 =	vld [tilespmem:s17+$0xE0];
	v38 =	vadd.f32 v47, v38;
	v60 =	vmul.f32 v61, v50  }
0x194: {  	v63 =	vld [tilespmem:s17+$0xF0];
	v46 =	vadd.f32 v49, v46;
	v55 =	vshll.u32 v48, $0x10;
	v48 =	vmul.f32 v48, v50  }
0x195: {  	v49 =	vld [tilespmem:s17+$0xC0];
	v52 =	vmul.f32 v58, v50;
	v33 =	vadd.f32 v59, v33;
	v45 =	vmul.f32 v55, v50  }
0x196: {  	v35 =	vadd.f32 v60, v35;
	v31 =	vadd.f32 v48, v31  }
0x197: {  	v57 =	vld [tilespmem:s17+$0x100];
	v40 =	vadd.f32 v52, v40;
	v36 =	vadd.f32 v45, v36  }
0x198: {  	v62 =	vshll.u32 v51, $0x10;
	v58 =	vmul.f32 v51, v50;
	v51 =	vperm.xlane v29, v21  }
0x199: {  	v47 =	vmul.f32 v62, v50;
	v56 =	vshll.u32 v54, $0x10;
	v60 =	vmul.f32 v54, v50  }
0x19a: {  	v48 =	vmul.f32 v63, v50;
	v61 =	vshll.u32 v49, $0x10;
	v49 =	vmul.f32 v49, v50  }
0x19b: {  	v62 =	vld [tilespmem:s17+$0x120];
	v59 =	vmul.f32 v56, v50;
	v39 =	vadd.f32 v58, v39;
	v45 =	vmul.f32 v61, v50  }
0x19c: {  	v54 =	vld [tilespmem:s17+$0x130];
	v44 =	vadd.f32 v47, v44;
	v61 =	vshll.u32 v63, $0x10;
	v63 =	vshll.u32 v57, $0x10  }
0x19d: {  	v41 =	vadd.f32 v60, v41;
	v57 =	vmul.f32 v57, v51;
	v32 =	vadd.f32 v48, v32  }
0x19e: {  	v37 =	vadd.f32 v49, v37;
	v43 =	vadd.f32 v59, v43;
	v49 =	vmul.f32 v61, v50;
	v59 =	vld [tilespmem:s17+$0x140]  }
0x19f: {  	v56 =	vmul.f32 v63, v51;
	v42 =	vadd.f32 v45, v42;
	v45 =	vld [tilespmem:s17+$0x110];
	v30 =	vadd.f32 v57, v30  }
0x1a0: {  	v63 =	vld [tilespmem:s17+$0x160];
	v46 =	vadd.f32 v49, v46;
	v60 =	vshll.u32 v62, $0x10;
	v52 =	vmul.f32 v62, v51  }
0x1a1: {  	v50 =	vld [tilespmem:s17+$0x150];
	v61 =	vshll.u32 v54, $0x10;
	v57 =	vmul.f32 v54, v51;
	v49 =	vmul.f32 v60, v51  }
0x1a2: {  	v34 =	vadd.f32 v56, v34;
	v62 =	vmul.f32 v61, v51;
	v33 =	vadd.f32 v52, v33  }
0x1a3: {  	v53 =	vld [tilespmem:s17+$0x1A0];
	v35 =	vadd.f32 v57, v35;
	v38 =	vadd.f32 v49, v38  }
0x1a4: {  	v52 =	vld [tilespmem:s17+$0x170];
	v40 =	vadd.f32 v62, v40;
	v48 =	vmul.f32 v59, v51;
	v58 =	vshll.u32 v45, $0x10  }
0x1a5: {  	v54 =	vld [tilespmem:s17+$0x180];
	v61 =	vshll.u32 v63, $0x10;
	v45 =	vmul.f32 v45, v51;
	v47 =	vmul.f32 v58, v51  }
0x1a6: {  	v58 =	vshll.u32 v59, $0x10;
	v59 =	vshll.u32 v50, $0x10;
	v50 =	vmul.f32 v50, v51  }
0x1a7: {  	v56 =	vld [tilespmem:s17+$0x1B0];
	v37 =	vadd.f32 v48, v37;
	v31 =	vadd.f32 v45, v31;
	v49 =	vmul.f32 v58, v51  }
0x1a8: {  	v60 =	vmul.f32 v59, v51;
	v45 =	vmul.f32 v61, v51;
	v61 =	vshll.u32 v53, $0x10  }
0x1a9: {  	v36 =	vadd.f32 v47, v36;
	v39 =	vadd.f32 v50, v39;
	v62 =	vshll.u32 v52, $0x10  }
0x1aa: {  	v48 =	vld [tilespmem:s17+$0x190];
	v50 =	vperm.xlane v29, v22;
	v47 =	vmul.f32 v63, v51;
	v63 =	vshll.u32 v54, $0x10  }
0x1ab: {  	v57 =	vmul.f32 v52, v51;
	v42 =	vadd.f32 v49, v42;
	v44 =	vadd.f32 v60, v44  }
0x1ac: {  	v49 =	vmul.f32 v62, v51;
	v43 =	vadd.f32 v45, v43;
	v62 =	vshll.u32 v56, $0x10  }
0x1ad: {  	v51 =	vld [tilespmem:s17+$0x1D0];
	v58 =	vmul.f32 v63, v50;
	v41 =	vadd.f32 v47, v41;
	v59 =	vmul.f32 v54, v50  }
0x1ae: {  	v32 =	vadd.f32 v57, v32;
	v47 =	vmul.f32 v61, v50;
	v63 =	vld [tilespmem:s17+$0x1E0];
	v57 =	vmul.f32 v53, v50  }
0x1af: {  	v52 =	vmul.f32 v62, v50;
	v61 =	vld [tilespmem:s17+$0x1F0];
	v46 =	vadd.f32 v49, v46;
	v60 =	vshll.u32 v48, $0x10  }
0x1b0: {  	v53 =	vld [tilespmem:s17+$0x200];
	v48 =	vmul.f32 v48, v50;
	v34 =	vadd.f32 v58, v34;
	v30 =	vadd.f32 v59, v30  }
0x1b1: {  	v49 =	vld [tilespmem:s17+$0x1C0];
	v45 =	vmul.f32 v60, v50;
	v38 =	vadd.f32 v47, v38;
	v33 =	vadd.f32 v57, v33  }
0x1b2: {  	v58 =	vmul.f32 v56, v50;
	v40 =	vadd.f32 v52, v40;
	v31 =	vadd.f32 v48, v31  }
0x1b3: {  	v36 =	vadd.f32 v45, v36;
	v60 =	vshll.u32 v51, $0x10;
	v57 =	vmul.f32 v51, v50  }
0x1b4: {  	v35 =	vadd.f32 v58, v35;
	v51 =	vperm.xlane v29, v23;
	v47 =	vmul.f32 v60, v50  }
0x1b5: {  	v56 =	vshll.u32 v63, $0x10;
	v60 =	vmul.f32 v63, v50;
	v62 =	vshll.u32 v61, $0x10  }
0x1b6: {  	v48 =	vmul.f32 v61, v50;
	v61 =	vshll.u32 v53, $0x10;
	v59 =	vshll.u32 v49, $0x10  }
0x1b7: {  	v63 =	vld [tilespmem:s17+$0x220];
	v49 =	vmul.f32 v49, v50;
	v58 =	vmul.f32 v56, v50;
	v39 =	vadd.f32 v57, v39  }
0x1b8: {  	v55 =	vmul.f32 v61, v51;
	v45 =	vmul.f32 v59, v50;
	v44 =	vadd.f32 v47, v44;
	v59 =	vld [tilespmem:s17+$0x210]  }
0x1b9: {  	v56 =	vmul.f32 v53, v51;
	v41 =	vadd.f32 v60, v41;
	v32 =	vadd.f32 v48, v32;
	v60 =	vld [tilespmem:s17+$0x250]  }
0x1ba: {  	v37 =	vadd.f32 v49, v37;
	v43 =	vadd.f32 v58, v43;
	v49 =	vmul.f32 v62, v50;
	v62 =	vld [tilespmem:s17+$0x230]  }
0x1bb: {  	v34 =	vadd.f32 v55, v34;
	v30 =	vadd.f32 v56, v30;
	v58 =	vld [tilespmem:s17+$0x240]  }
0x1bc: {  	v42 =	vadd.f32 v45, v42;
	v46 =	vadd.f32 v49, v46;
	v52 =	vmul.f32 v63, v51  }
0x1bd: {  	v57 =	vshll.u32 v59, $0x10;
	v45 =	vmul.f32 v59, v51;
	v59 =	vshll.u32 v63, $0x10  }
0x1be: {  	v33 =	vadd.f32 v52, v33;
	v50 =	vmul.f32 v60, v51;
	v47 =	vmul.f32 v57, v51  }
0x1bf: {  	v54 =	vld [tilespmem:s17+$0x280];
	v49 =	vmul.f32 v59, v51;
	v63 =	vshll.u32 v62, $0x10;
	v61 =	vmul.f32 v62, v51  }
0x1c0: {  	v62 =	vshll.u32 v58, $0x10;
	v48 =	vmul.f32 v58, v51;
	v58 =	vshll.u32 v60, $0x10  }
0x1c1: {  	v57 =	vld [tilespmem:s17+$0x260];
	v31 =	vadd.f32 v45, v31;
	v56 =	vmul.f32 v63, v51;
	v59 =	vmul.f32 v58, v51  }
0x1c2: {  	v63 =	vld [tilespmem:s17+$0x270];
	v39 =	vadd.f32 v50, v39;
	v50 =	vperm.xlane v29, v25;
	v36 =	vadd.f32 v47, v36  }
0x1c3: {  	v53 =	vld [tilespmem:s17+$0x2A0];
	v38 =	vadd.f32 v49, v38;
	v49 =	vmul.f32 v62, v51;
	v35 =	vadd.f32 v61, v35  }
0x1c4: {  	v37 =	vadd.f32 v48, v37;
	v48 =	vld [tilespmem:s17+$0x290];
	v62 =	vshll.u32 v54, $0x10;
	v40 =	vadd.f32 v56, v40  }
0x1c5: {  	v44 =	vadd.f32 v59, v44;
	v58 =	vmul.f32 v54, v50;
	v42 =	vadd.f32 v49, v42  }
0x1c6: {  	v56 =	vld [tilespmem:s17+$0x2B0];
	v60 =	vshll.u32 v57, $0x10;
	v47 =	vmul.f32 v57, v51;
	v57 =	vmul.f32 v62, v50  }
0x1c7: {  	v54 =	vld [tilespmem:s17+$0x2E0];
	v30 =	vadd.f32 v58, v30;
	v45 =	vmul.f32 v60, v51;
	v61 =	vshll.u32 v63, $0x10  }
0x1c8: {  	v63 =	vmul.f32 v63, v51;
	v60 =	vshll.u32 v53, $0x10;
	v49 =	vmul.f32 v61, v51  }
0x1c9: {  	v41 =	vadd.f32 v47, v41;
	v34 =	vadd.f32 v57, v34;
	v59 =	vshll.u32 v48, $0x10  }
0x1ca: {  	v48 =	vmul.f32 v48, v50;
	v47 =	vmul.f32 v60, v50;
	v43 =	vadd.f32 v45, v43  }
0x1cb: {  	v61 =	vld [tilespmem:s17+$0x2D0];
	v32 =	vadd.f32 v63, v32;
	v45 =	vmul.f32 v59, v50;
	v62 =	vshll.u32 v56, $0x10  }
0x1cc: {  	v63 =	vmul.f32 v53, v50;
	v56 =	vmul.f32 v56, v50;
	v59 =	vld [tilespmem:s17+$0x2F0];
	v60 =	vshll.u32 v54, $0x10  }
0x1cd: {  	v46 =	vadd.f32 v49, v46;
	v49 =	vld [tilespmem:s17+$0x2C0];
	v52 =	vmul.f32 v62, v50;
	v31 =	vadd.f32 v48, v31  }
0x1ce: {  	v53 =	vld [tilespmem:s17+$0x300];
	v38 =	vadd.f32 v47, v38;
	v62 =	vmul.f32 v60, v50;
	v36 =	vadd.f32 v45, v36  }
0x1cf: {  	v33 =	vadd.f32 v63, v33;
	v35 =	vadd.f32 v56, v35;
	v63 =	vmul.f32 v54, v50  }
0x1d0: {  	v51 =	vperm.xlane v29, v26;
	v40 =	vadd.f32 v52, v40;
	v43 =	vadd.f32 v62, v43  }
0x1d1: {  	v54 =	vld [tilespmem:s17+$0x330];
	v58 =	vshll.u32 v61, $0x10;
	v61 =	vmul.f32 v61, v50;
	v41 =	vadd.f32 v63, v41  }
0x1d2: {  	v63 =	vld [tilespmem:s17+$0x340];
	v47 =	vmul.f32 v58, v50;
	v48 =	vmul.f32 v59, v50;
	v57 =	vshll.u32 v49, $0x10  }
0x1d3: {  	v49 =	vmul.f32 v49, v50;
	v39 =	vadd.f32 v61, v39;
	v61 =	vmul.f32 v53, v51  }
0x1d4: {  	v58 =	vld [tilespmem:s17+$0x320];
	v45 =	vmul.f32 v57, v50;
	v44 =	vadd.f32 v47, v44;
	v57 =	vshll.u32 v59, $0x10  }
0x1d5: {  	v59 =	vshll.u32 v53, $0x10;
	v32 =	vadd.f32 v48, v32;
	v37 =	vadd.f32 v49, v37  }
0x1d6: {  	v49 =	vmul.f32 v57, v50;
	v60 =	vmul.f32 v59, v51;
	v30 =	vadd.f32 v61, v30  }
0x1d7: {  	v57 =	vshll.u32 v54, $0x10;
	v59 =	vld [tilespmem:s17+$0x360];
	v42 =	vadd.f32 v45, v42;
	v61 =	vshll.u32 v63, $0x10  }
0x1d8: {  	v45 =	vld [tilespmem:s17+$0x310];
	v48 =	vmul.f32 v63, v51;
	v46 =	vadd.f32 v49, v46;
	v34 =	vadd.f32 v60, v34  }
0x1d9: {  	v63 =	vld [tilespmem:s17+$0x380];
	v56 =	vshll.u32 v58, $0x10;
	v52 =	vmul.f32 v58, v51;
	v58 =	vmul.f32 v57, v51  }
0x1da: {  	v50 =	vld [tilespmem:s17+$0x350];
	v60 =	vmul.f32 v54, v51;
	v49 =	vmul.f32 v56, v51;
	v37 =	vadd.f32 v48, v37  }
0x1db: {  	v33 =	vadd.f32 v52, v33;
	v40 =	vadd.f32 v58, v40  }
0x1dc: {  	v29 =	vperm.xlane v29, v27;
	v35 =	vadd.f32 v60, v35;
	v38 =	vadd.f32 v49, v38  }
0x1dd: {  	v52 =	vld [tilespmem:s17+$0x370];
	v49 =	vmul.f32 v61, v51;
	v57 =	vshll.u32 v59, $0x10;
	v62 =	vshll.u32 v45, $0x10  }
0x1de: {  	v45 =	vmul.f32 v45, v51;
	v58 =	vmul.f32 v57, v51;
	v61 =	vshll.u32 v63, $0x10  }
0x1df: {  	v63 =	vmul.f32 v63, v29;
	v47 =	vmul.f32 v62, v51;
	v62 =	vshll.u32 v50, $0x10  }
0x1e0: {  	v50 =	vmul.f32 v50, v51;
	v42 =	vadd.f32 v49, v42;
	v49 =	vld [tilespmem:s17+$0x390];
	v48 =	vmul.f32 v61, v29  }
0x1e1: {  	v31 =	vadd.f32 v45, v31;
	v56 =	vmul.f32 v62, v51;
	v36 =	vadd.f32 v47, v36  }
0x1e2: {  	v39 =	vadd.f32 v50, v39;
	v47 =	vmul.f32 v59, v51;
	v59 =	vshll.u32 v52, $0x10;
	v50 =	vld [tilespmem:s17+$0x3A0]  }
0x1e3: {  	v53 =	vld [tilespmem:s17+$0x3B0];
	v43 =	vadd.f32 v58, v43;
	v30 =	vadd.f32 v63, v30;
	v60 =	vmul.f32 v59, v51  }
0x1e4: {  	v58 =	vld [tilespmem:s17+$0x3D0];
	v62 =	vmul.f32 v52, v51;
	v34 =	vadd.f32 v48, v34;
	v44 =	vadd.f32 v56, v44  }
0x1e5: {  	v51 =	vld [tilespmem:s17+$0x3C0];
	v45 =	vadd.f32 v60, v46;
	v57 =	vshll.u32 v49, $0x10;
	v60 =	vmul.f32 v49, v29  }
0x1e6: {  	s21 =	sshra.s32 s20, $0x2;
	v48 =	vld [tilespmem:s17+$0x3E0];
	v41 =	vadd.f32 v47, v41;
	v32 =	vadd.f32 v62, v32;
	v59 =	vmul.f32 v57, v29  }
0x1e7: {  	v52 =	vld [tilespmem:s17+$0x3F0];
	[tilespmem:v28+s21+$0x80 ss:$0x1] =	vst.idx.msk $0xffff, v30;
	v61 =	vshll.u32 v50, $0x10;
	v31 =	vadd.f32 v60, v31;
	v63 =	vmul.f32 v50, v29  }
0x1e8: {  	[tilespmem:v28+s21+$0x0 ss:$0x1] =	vst.idx.msk $0xffff, v34;
	v36 =	vadd.f32 v59, v36;
	v62 =	vmul.f32 v61, v29  }
0x1e9: {  	v30 =	vshll.u32 v53, $0x10;
	v49 =	vmul.f32 v53, v29;
	v33 =	vadd.f32 v63, v33;
	[tilespmem:v28+s21+$0x90 ss:$0x1] =	vst.idx.msk $0xffff, v31  }
0x1ea: {  	v30 =	vmul.f32 v30, v29;
	v31 =	vshll.u32 v51, $0x10;
	v34 =	vadd.f32 v62, v38;
	[tilespmem:v28+s21+$0x10 ss:$0x1] =	vst.idx.msk $0xffff, v36  }
0x1eb: {  	v50 =	vadd.f32 v49, v35;
	v31 =	vmul.f32 v31, v29;
	[tilespmem:v28+s21+$0xA0 ss:$0x1] =	vst.idx.msk $0xffff, v33  }
0x1ec: {  	v30 =	vadd.f32 v30, v40;
	v55 =	vshll.u32 v58, $0x10;
	v53 =	vmul.f32 v51, v29;
	[tilespmem:v28+s21+$0x20 ss:$0x1] =	vst.idx.msk $0xffff, v34  }
0x1ed: {  	v56 =	vmul.f32 v55, v29;
	v31 =	vadd.f32 v31, v42;
	[tilespmem:v28+s21+$0xB0 ss:$0x1] =	vst.idx.msk $0xffff, v50  }
0x1ee: {  	v57 =	vmul.f32 v58, v29;
	v58 =	vshll.u32 v48, $0x10;
	[tilespmem:v28+s21+$0x30 ss:$0x1] =	vst.idx.msk $0xffff, v30;
	v30 =	vadd.f32 v53, v37  }
0x1ef: {  	v59 =	vmul.f32 v58, v29;
	v33 =	vadd.f32 v56, v44;
	[tilespmem:v28+s21+$0x40 ss:$0x1] =	vst.idx.msk $0xffff, v31  }
0x1f0: {  	v60 =	vmul.f32 v48, v29;
	v61 =	vshll.u32 v52, $0x10;
	v31 =	vadd.f32 v57, v39;
	[tilespmem:v28+s21+$0xC0 ss:$0x1] =	vst.idx.msk $0xffff, v30  }
0x1f1: {  	p1 =	sne.s32 s20, $0x1800;
	v62 =	vmul.f32 v61, v29;
	v30 =	vadd.f32 v59, v43;
	[tilespmem:v28+s21+$0x50 ss:$0x1] =	vst.idx.msk $0xffff, v33  }
.Ltmp6:
0x1f2: {  	v63 =	vadd.f32 v60, v41;
	v29 =	vmul.f32 v52, v29;
	[tilespmem:v28+s21+$0xD0 ss:$0x1] =	vst.idx.msk $0xffff, v31;
	(pc) =	sbr.rel @p1 .LBB2_11-.Ltmp6, $4  }
0x1f3: {  	v31 =	vadd.f32 v62, v45;
	[tilespmem:v28+s21+$0x60 ss:$0x1] =	vst.idx.msk $0xffff, v30  }
0x1f4: {  	v29 =	vadd.f32 v29, v32;
	[tilespmem:v28+s21+$0xE0 ss:$0x1] =	vst.idx.msk $0xffff, v63  }
0x1f5: {  	[tilespmem:v28+s21+$0x70 ss:$0x1] =	vst.idx.msk $0xffff, v31  }
0x1f6: {  	s28 =	sadd.s32 $0x10, s28;
	s20 =	sadd.s32 $0x400, s20;
	s17 =	sadd.s32 $0x800, s17;
	[tilespmem:v28+s21+$0xF0 ss:$0x1] =	vst.idx.msk $0xffff, v29  }
0x1f7: {  	p1 =	sgt.u32 s4, $0x3E7  }
0x1f8: {  	p2 =	sne.s32 @!p1 s15, $0x6  }
0x1f9: {  	p1 =	por p2, p1  }
0x1fa: {  	s4 =	sshrl.u32 @!p1 s4, $0x3  }
0x1fb: {  	s0 =	sshll.u32 @!p1 s0, $0x7;
	s4 =	smul.u32 @!p1 $0x18800, s4  }
0x1fc: {  	s0 =	sand.u32 @!p1 $0x380, s0  }
0x1fd: {  	s0 =	sor.u32 @!p1 s0, s4  }
0x1fe: {  	s31 =	sadd.s32 $0x1, s31;
	s0 =	sshrl.u32 @!p1 s0, $0x3  }
0x1ff: {  	s15 =	simm.s32 @!p1 $0x400;
	s4 =	simm.s32 @!p1 $0x80;
	s0 =	sadd.s32 @!p1 s2, s0  }
0x200: {  	[hbm4b:s0+s4] =	stream.strided.scatter @!p1 [tilespmem:s16], [sflag:$0x2], $0x3100, s15, s4, $0x38;
	[tilespmem:$0x1D080] =	vst v63  }
0x201: {  	p1 =	sne.s32 s31, $0xE0  }
.Ltmp7:
0x202: {  	_ = 	snop;
	(pc) =	sbr.rel @p1 .LBB2_10-.Ltmp7, $3  }
0x203: {  	_ =	sdelay $0x1  }
0x204: {  	s30 =	sadd.s32 $0x70, s30  }
0x205: {  	s26 =	sadd.s32 $0x1, s26;
	s18 =	sadd.s32 $0x70, s18;
	s29 =	sadd.s32 $0x700, s29  }
.Ltmp8:
0x206: {  	(pc) =	sbr.rel @p0 .LBB2_17-.Ltmp8, $1  }
0x207: {  	_ =	sdelay $0x3  }
0x208: {  	p1 =	sne.s32 s13, $0x1  }
.Ltmp9:
0x209: {  	_ = 	snop;
	(pc) =	sbr.rel @!p1 .LBB2_16-.Ltmp9, $3  }
0x20a: {  	_ =	sdelay $0x1  }
0x20b: {  	_ =	swait.ge [sflag:s24], $0x3100  }
0x20c: {  	s0 =	sadd.s32 $0xFFFFFFFF, s13;
	[sflag:s24] =	ssyncset.done $0x0  }
.LBB2_15:
0x20d: {  	p1 =	sne.s32 s0, $0x1;
	s0 =	sadd.s32 $0xFFFFFFFF, s0;
	[sflag:s24] =	ssyncadd.s32 $0xFFFFCF00  }
.Ltmp10:
0x20e: {  	(pc) =	sbr.rel @p1 .LBB2_15-.Ltmp10, $3  }
0x20f: {  	_ =	sdelay $0x1  }
0x210: {  	_ =	swait.ge [sflag:s24], $0x3100  }
0x211: {  	[sflag:s24] =	ssyncset.done $0x0  }
.Ltmp11:
0x212: {  	_ = 	snop;
	(pc) =	sbr.rel .LBB2_16-.Ltmp11, $1  }
0x213: {  	_ =	sdelay $0x3  }
.LBB2_18:
0x214: {  	_ =	sfence.sel $0x180000  }
0x215: {  	[bflag:$0x0] =	sbarrier.arrive $0xFFFF  }
0x216: {  	_ =	strace $0x90000047  }
0x217: {  	s0 =	stileid.u32;
	[bflag:$0x2] =	sbarrier.arrive $0xFFFF  }
0x218: {  	p0 =	sne.s32 s0, $0x0;
	s0 =	rddreg [dreg:$0x7]  }
0x219: {  	s0 =	sadd.s32 @!p0 $0x100000, s0  }
0x21a: {  	[sflag:s0] =	ssyncadd.tile.s32 @!p0 $0x1;
	_ =	shalt  }
.Lfunc_end2:
_tile_overlayer_lowered:
.L_overlay_start_2:
0x21b: {  	(tag) =	ssettag $0x2  }
0x21c: {  	s0 =	rddreg [dreg:$0x0];
	s2 =	stileid.u32  }
0x21d: {  	s1 =	rddreg [dreg:$0x1];
	p0 =	sne.s32 s2, $0x0  }
0x21e: {  	s3 =	rddreg [dreg:$0x2];
	[bflag:$0x3] =	sbarrier.arrive $0xFFFF;
	s2 =	simm.s32 @!p0 $0x1C03  }
0x21f: {  	[timem:s3], [sflag:s2] =	dma.local @!p0 [hbm:s0], s1  }
0x220: {  	s0 =	simm.s32 @!p0 $0x3  }
0x221: {  	_ =	swait.ge @!p0 [sflag:s0], s1  }
0x222: {  	s1 =	ssub.s32 @!p0 $0x0, s1;
	[sflag:s0] =	ssyncset.done @!p0 $0x0  }
0x223: {  	[sflag:s0] =	ssyncadd.s32 @!p0 s1  }
0x224: {  	[bflag:$0x3] =	sbarrier.arrive $0xFFFF  }
0x225: {  	_ =	shalt  }

</sc_bundles>
